<compile_context>
chip_gen: v7x
topology: tpu7x:2x2x1
jax: 0.10.2.dev20260603
libtpu: 0.0.44.dev20260713+nightly
codegen_flags: <defaults>
</compile_context>

<pallas_src>
import functools

import jax
import jax.numpy as jnp
from jax import lax
from jax.experimental import pallas as pl
from jax.experimental.pallas import tpu as pltpu
from jax.experimental.pallas import tpu_sc as plsc

N = 10000
E = 320000
D = 128
DH = D // 2

NC = 2
NS = 16
L = 16

CHUNK = 128
NCHUNK = 157
EPW = NCHUNK * CHUNK
E_PAD = EPW * NS
NCHUNK_ALL = E_PAD // CHUNK
ROWS_PS = 632
N_AGG = ROWS_PS * NS
DUMP = N_AGG - N

NBI = 5
NBX = 3
NBM = 2


def _bcast_lane(v, e):
    idx = jnp.full((L, 1), e, dtype=jnp.int32)
    dn = lax.GatherDimensionNumbers(
        offset_dims=(), collapsed_slice_dims=(0,), start_index_map=(0,))
    return lax.gather(v, idx, dn, (1,),
                      mode=lax.GatherScatterMode.PROMISE_IN_BOUNDS)


def _sc_edge_body(x2_hbm, idx2_hbm, bc2_hbm, out_hbm,
                  bc_v, ibuf, abuf, xbuf, mbuf, aggr_sh, sem_i, sem_g, sem_s):
    c = lax.axis_index("c")
    s = lax.axis_index("s")

    pltpu.sync_copy(bc2_hbm.at[pl.ds(c * (512 * DH), 512 * DH)], bc_v)

    zero = jnp.zeros((L,), jnp.float32)

    def _zrow(i, _):
        for j in range(DH // L):
            mbuf[0, i, pl.ds(j * L, L)] = zero
        return ()

    lax.fori_loop(0, CHUNK, _zrow, ())
    for k in range(4):
        pltpu.sync_copy(mbuf.at[0],
                        aggr_sh.at[pl.ds(s * ROWS_PS + k * CHUNK, CHUNK)])
    pltpu.sync_copy(mbuf.at[0, pl.ds(0, ROWS_PS - 4 * CHUNK)],
                    aggr_sh.at[pl.ds(s * ROWS_PS + 4 * CHUNK, ROWS_PS - 4 * CHUNK)])

    plsc.subcore_barrier()

    lane = lax.iota(jnp.int32, L)
    cbase = s * NCHUNK
    row_shift = lax.broadcast(c * N, (L,))

    def fire_idx(k):
        pltpu.async_copy(idx2_hbm.at[cbase + k], ibuf.at[lax.rem(k, NBI)], sem_i)

    def wait_idx(k):
        pltpu.make_async_copy(idx2_hbm.at[cbase + k],
                              ibuf.at[lax.rem(k, NBI)], sem_i).wait()

    def shift_src(k):
        kb = lax.rem(k, NBI)
        for j in range(CHUNK // L):
            v = ibuf[kb, 0, pl.ds(j * L, L)]
            abuf[kb, pl.ds(j * L, L)] = (v & 0x3FFFF) + row_shift

    def fire_gather(k):
        pltpu.async_copy(x2_hbm.at[abuf.at[lax.rem(k, NBI)]],
                         xbuf.at[lax.rem(k, NBX)], sem_g)

    def wait_gather(k):
        pltpu.make_async_copy(x2_hbm.at[abuf.at[lax.rem(k, NBI)]],
                              xbuf.at[lax.rem(k, NBX)], sem_g).wait()

    def fire_scatter(k):
        pltpu.async_copy(mbuf.at[lax.rem(k, NBM)],
                         aggr_sh.at[ibuf.at[lax.rem(k, NBI), 1]], sem_s,
                         add=True)

    def wait_scatter(k):
        pltpu.make_async_copy(mbuf.at[lax.rem(k, NBM)],
                              aggr_sh.at[ibuf.at[lax.rem(k, NBI), 1]],
                              sem_s).wait()

    fire_idx(0)
    wait_idx(0)
    shift_src(0)
    fire_gather(0)
    fire_idx(1)
    wait_idx(1)
    shift_src(1)
    fire_gather(1)
    fire_idx(2)

    def _chunk(g, _):
        bx = lax.rem(g, NBX)
        bm = lax.rem(g, NBM)
        bi = lax.rem(g, NBI)
        wait_gather(g)

        @pl.when(g >= 2)
        def _():
            wait_scatter(g - 2)

        @pl.when(g < NCHUNK - 2)
        def _():
            wait_idx(g + 2)
            shift_src(g + 2)
            fire_gather(g + 2)

        @pl.when(g < NCHUNK - 3)
        def _():
            fire_idx(g + 3)

        @plsc.parallel_loop(0, CHUNK // L)
        def _grp(g2):
            e0 = g2 * L
            off16 = (ibuf[bi, 0, pl.ds(e0, L)] >> 18) * DH
            for e in range(L):
                roff = _bcast_lane(off16, e)
                row = e0 + e
                for j in range(DH // L):
                    emb = plsc.load_gather(bc_v, [roff + (lane + j * L)])
                    xv = xbuf[bx, row, pl.ds(j * L, L)]
                    mbuf[bm, row, pl.ds(j * L, L)] = jnp.maximum(xv + emb, 0.0)
        fire_scatter(g)
        return ()

    lax.fori_loop(0, NCHUNK, _chunk, ())
    wait_scatter(NCHUNK - 2)
    wait_scatter(NCHUNK - 1)

    plsc.subcore_barrier()

    @pl.when(s < NS - 1)
    def _():
        pltpu.sync_copy(aggr_sh.at[pl.ds(s * ROWS_PS, ROWS_PS)],
                        out_hbm.at[pl.ds(c * N + s * ROWS_PS, ROWS_PS)])

    @pl.when(s == NS - 1)
    def _():
        last = N - (NS - 1) * ROWS_PS
        pltpu.sync_copy(aggr_sh.at[pl.ds((NS - 1) * ROWS_PS, last)],
                        out_hbm.at[pl.ds(c * N + (NS - 1) * ROWS_PS, last)])


_sc_edges = functools.partial(
    pl.kernel,
    mesh=plsc.VectorSubcoreMesh(core_axis_name="c", subcore_axis_name="s"),
    out_type=jax.ShapeDtypeStruct((NC * N, DH), jnp.float32),
    scratch_types=[
        pltpu.VMEM((512 * DH,), jnp.float32),
        pltpu.VMEM((NBI, 2, CHUNK), jnp.int32),
        pltpu.VMEM((NBI, CHUNK), jnp.int32),
        pltpu.VMEM((NBX, CHUNK, DH), jnp.float32),
        pltpu.VMEM((NBM, CHUNK, DH), jnp.float32),
        pltpu.VMEM_SHARED((N_AGG, DH), jnp.float32),
        pltpu.SemaphoreType.DMA,
        pltpu.SemaphoreType.DMA,
        pltpu.SemaphoreType.DMA,
    ],
    compiler_params=pltpu.CompilerParams(needs_layout_passes=False,
                                         use_tc_tiling_on_sc=False),
)(_sc_edge_body)


def _tc_body(x_ref, p_ref, cs_ref, w1_ref, b1_ref, g1_ref, be1_ref,
             w2_ref, b2_ref, g2_ref, be2_ref, eps_ref, out_ref):
    xv = x_ref[...]
    aggr = jnp.concatenate([p_ref[0], p_ref[1]], axis=-1)
    h0 = (1.0 + eps_ref[0, 0]) * xv + aggr + jnp.maximum(xv + cs_ref[...], 0.0)
    h1 = jnp.dot(h0, w1_ref[...], preferred_element_type=jnp.float32) + b1_ref[...]
    mu1 = jnp.mean(h1, axis=0, keepdims=True)
    d1 = h1 - mu1
    v1 = jnp.mean(d1 * d1, axis=0, keepdims=True)
    h1n = jnp.maximum(d1 * lax.rsqrt(v1 + 1e-5) * g1_ref[...] + be1_ref[...], 0.0)
    h2 = jnp.dot(h1n, w2_ref[...], preferred_element_type=jnp.float32) + b2_ref[...]
    mu2 = jnp.mean(h2, axis=0, keepdims=True)
    d2 = h2 - mu2
    v2 = jnp.mean(d2 * d2, axis=0, keepdims=True)
    out_ref[...] = d2 * lax.rsqrt(v2 + 1e-5) * g2_ref[...] + be2_ref[...]


def kernel(x, edge_index, edge_attr, B0, B1, B2, W1, b1, g1, be1,
           W2, b2, g2, be2, eps_p):
    src = edge_index[0].astype(jnp.int32)
    dst = edge_index[1].astype(jnp.int32)
    ac = (edge_attr[:, 0] * 64 + edge_attr[:, 1] * 8 + edge_attr[:, 2]).astype(jnp.int32)

    npad = E_PAD - E
    ar = jnp.arange(npad, dtype=jnp.int32)
    src_p = jnp.concatenate([src, (ar * 997) % N])
    dst_p = jnp.concatenate([dst, N + (ar % DUMP)])
    ac_p = jnp.concatenate([ac, jnp.zeros((npad,), jnp.int32)])

    idx2 = jnp.stack([(src_p | (ac_p << 18)).reshape(-1, CHUNK),
                      dst_p.reshape(-1, CHUNK)], axis=1)

    x2 = jnp.concatenate([x[:, :DH], x[:, DH:]], axis=0)
    bc = (B0[:, None, None, :] + B1[None, :, None, :]
          + B2[None, None, :, :]).reshape(512, D)
    bc2 = jnp.concatenate([bc[:, :DH].reshape(-1), bc[:, DH:].reshape(-1)])
    cself = (B0[5] + B1[7] + B2[0]).reshape(1, D)

    parts = _sc_edges(x2, idx2, bc2).reshape(NC, N, DH)

    out = pl.pallas_call(
        _tc_body,
        out_shape=jax.ShapeDtypeStruct((N, D), jnp.float32),
    )(x, parts, cself, W1,
      b1.reshape(1, -1), g1.reshape(1, -1), be1.reshape(1, -1),
      W2, b2.reshape(1, -1), g2.reshape(1, -1), be2.reshape(1, -1),
      eps_p.reshape(1, 1))
    return out

# --- scband reference (transcript-rebuilt; emitter-appended) ---
"""Pipeline reference for scband-gnnblock-61984968015928 (READ-ONLY COPY).

The authoritative reference and input builder live on the scoring server;
editing this copy changes nothing except your own understanding.
"""

import jax, jax.numpy as jnp
import numpy as np

N_NODES = 10000
N_EDGES = 320000
EMB = 128
BOND_VOCAB = 8

def setup_inputs(seed: int = 0) -> dict:
    key = jax.random.key(seed)
    ks = jax.random.split(key, 16)
    x = jax.random.normal(ks[0], (N_NODES, EMB), dtype=jnp.float32)
    edge_index = jax.random.randint(ks[1], (2, N_EDGES), 0, N_NODES, dtype=jnp.int64 if jax.config.jax_enable_x64 else jnp.int32).astype(jnp.int32)
    edge_attr = jax.random.randint(ks[2], (N_EDGES, 3), 0, 5).astype(jnp.int32)
    s = 0.05
    B0 = jax.random.normal(ks[3], (BOND_VOCAB, EMB), dtype=jnp.float32) * s
    B1 = jax.random.normal(ks[4], (BOND_VOCAB, EMB), dtype=jnp.float32) * s
    B2 = jax.random.normal(ks[5], (BOND_VOCAB, EMB), dtype=jnp.float32) * s
    W1 = jax.random.normal(ks[6], (EMB, 2 * EMB), dtype=jnp.float32) * (1.0 / np.sqrt(EMB))
    b1 = jnp.zeros((2 * EMB,), dtype=jnp.float32)
    g1 = jnp.ones((2 * EMB,), dtype=jnp.float32)
    be1 = jnp.zeros((2 * EMB,), dtype=jnp.float32)
    W2 = jax.random.normal(ks[7], (2 * EMB, EMB), dtype=jnp.float32) * (1.0 / np.sqrt(2 * EMB))
    b2 = jnp.zeros((EMB,), dtype=jnp.float32)
    g2 = jnp.ones((EMB,), dtype=jnp.float32)
    be2 = jnp.zeros((EMB,), dtype=jnp.float32)
    eps_p = jnp.zeros((1,), dtype=jnp.float32)
    return {"x": x, "edge_index": edge_index, "edge_attr": edge_attr,
            "B0": B0, "B1": B1, "B2": B2,
            "W1": W1, "b1": b1, "g1": g1, "be1": be1,
            "W2": W2, "b2": b2, "g2": g2, "be2": be2,
            "eps_p": eps_p}

def _batch_norm(h, g, b):
    mu = jnp.mean(h, axis=0)
    var = jnp.var(h, axis=0)
    return (h - mu) / jnp.sqrt(var + 1e-5) * g + b

def reference(x, edge_index, edge_attr, B0, B1, B2, W1, b1, g1, be1, W2, b2, g2, be2, eps_p):
    N = x.shape[0]
    loops = jnp.arange(N, dtype=edge_index.dtype)
    ei = jnp.concatenate([edge_index, jnp.stack([loops, loops], axis=0)], axis=1)
    sl = jnp.zeros((N, 3), dtype=edge_attr.dtype)
    sl = sl.at[:, 0].set(5).at[:, 1].set(7)
    ea = jnp.concatenate([edge_attr, sl], axis=0)
    # BondEncoder: sum of per-feature embeddings
    edge_emb = jnp.take(B0, ea[:, 0], axis=0) + jnp.take(B1, ea[:, 1], axis=0) + jnp.take(B2, ea[:, 2], axis=0)
    # message: relu(x_j + edge_emb), aggr='add' at destination nodes
    x_j = jnp.take(x, ei[0], axis=0)
    msg = jax.nn.relu(x_j + edge_emb)
    aggr = jax.ops.segment_sum(msg, ei[1], num_segments=N)
    # GIN update + MLP (Linear -> BN -> ReLU -> Linear)
    h = (1.0 + eps_p[0]) * x + aggr
    h = h @ W1 + b1
    h = _batch_norm(h, g1, be1)
    h = jax.nn.relu(h)
    h = h @ W2 + b2
    # outer BatchNorm1d; last_act=False, dropout p=0.0, residual=False
    out = _batch_norm(h, g2, be2)
    return out

if __name__ == "__main__":
    import jax
    _d = setup_inputs()
    print(jax.jit(kernel)(*tuple(_d.values())))

</pallas_src>

<mosaic_0001>
#map = affine_map<(d0, d1) -> (0, 0)>
#map1 = affine_map<(d0, d1) -> (0, 0, 0)>
#map2 = affine_map<(d0, d1) -> (0)>
module attributes {stable_mosaic.version = 14 : i64} {
  func.func @_sc_edge_body(%arg0: i32, %arg1: i32, %arg2: memref<20000x64xf32, #tpu.memory_space<hbm>>, %arg3: memref<2512x2x128xi32, #tpu.memory_space<hbm>>, %arg4: memref<65536xf32, #tpu.memory_space<hbm>>, %arg5: memref<20000x64xf32, #tpu.memory_space<hbm>>, %arg6: memref<32768xf32, #tpu.memory_space<vmem>>, %arg7: memref<5x2x128xi32, #tpu.memory_space<vmem>>, %arg8: memref<5x128xi32, #tpu.memory_space<vmem>>, %arg9: memref<3x128x64xf32, #tpu.memory_space<vmem>>, %arg10: memref<2x128x64xf32, #tpu.memory_space<vmem>>, %arg11: memref<10112x64xf32, #tpu.memory_space<vmem_shared>>, %arg12: memref<!tpu.dma_semaphore, #tpu.memory_space<semaphore_mem>>, %arg13: memref<!tpu.dma_semaphore, #tpu.memory_space<semaphore_mem>>, %arg14: memref<!tpu.dma_semaphore, #tpu.memory_space<semaphore_mem>>) attributes {dimension_semantics = [#tpu.dimension_semantics<core_parallel>, #tpu.dimension_semantics<subcore_parallel>], iteration_bounds = array<i64: 2, 16>, scalar_prefetch = 0 : i64, scratch_operands = 9 : i64, tpu.core_type = #tpu.core_type<sc_vector_subcore>, window_params = [{transform_indices = #map}, {transform_indices = #map1}, {transform_indices = #map2}, {transform_indices = #map}]} {
    %mul3A = arith.constant 32768 : i32
    %mul3A_0 = arith.muli %arg0, %mul3A : i32
    "tpu.region"() ({
      %run_scoped3A_409 = tpu.sem_alloc : memref<!tpu.dma_semaphore, #tpu.memory_space<semaphore_mem>>
      %dma_start3A_410 = tpu.memref_slice %arg4[%mul3A_0] : memref<65536xf32, #tpu.memory_space<hbm>> -> memref<32768xf32, #tpu.memory_space<hbm>>
      %dma_start3A_411 = tpu.memref_slice %arg4[%mul3A_0] : memref<65536xf32, #tpu.memory_space<hbm>> -> memref<32768xf32, #tpu.memory_space<hbm>>
      tpu.enqueue_dma source(%dma_start3A_411 : memref<32768xf32, #tpu.memory_space<hbm>>) target(%arg6 : memref<32768xf32, #tpu.memory_space<vmem>>) target_semaphore(%run_scoped3A_409 : memref<!tpu.dma_semaphore, #tpu.memory_space<semaphore_mem>>)
      %dma_wait3A_412 = tpu.memref_slice %arg4[%mul3A_0] : memref<65536xf32, #tpu.memory_space<hbm>> -> memref<32768xf32, #tpu.memory_space<hbm>>
      %dma_wait3A_413 = tpu.memref_slice %arg4[%mul3A_0] : memref<65536xf32, #tpu.memory_space<hbm>> -> memref<32768xf32, #tpu.memory_space<hbm>>
      tpu.wait_dma2 semaphore(%run_scoped3A_409 : memref<!tpu.dma_semaphore, #tpu.memory_space<semaphore_mem>>) src(%dma_wait3A_413 : memref<32768xf32, #tpu.memory_space<hbm>>) dst(%arg6 : memref<32768xf32, #tpu.memory_space<vmem>>)
      tpu.yield
    }) : () -> ()
    %broadcast_in_dim3A = arith.constant 0.000000e+00 : f32
    %broadcast_in_dim3A_1 = vector.broadcast %broadcast_in_dim3A : f32 to vector<16xf32>
    %scan3A = arith.constant 0 : i32
    %scan3A_2 = arith.constant 128 : i32
    %scan3A_3 = arith.addi %scan3A, %scan3A_2 : i32
    %scan3A_4 = arith.constant 1 : i32
    scf.for %scan3A_409 = %scan3A to %scan3A_3 step %scan3A_4  : i32 {
      %swap3A_410 = arith.constant 0 : i32
      %swap3A_411 = arith.index_cast %swap3A_410 : i32 to index
      %swap3A_412 = arith.index_cast %scan3A_409 : i32 to index
      %swap3A_413 = arith.constant 0 : index
      %swap3A_414 = tpu.vector_load %arg10[%swap3A_411, %swap3A_412, %swap3A_413] {strides = array<i32>} : memref<2x128x64xf32, #tpu.memory_space<vmem>>, vector<16xf32>,
      tpu.vector_store %arg10[%swap3A_411, %swap3A_412, %swap3A_413], %broadcast_in_dim3A_1 {strides = array<i32>} : memref<2x128x64xf32, #tpu.memory_space<vmem>>, vector<16xf32>,
      %swap3A_415 = arith.constant 0 : i32
      %swap3A_416 = arith.index_cast %swap3A_415 : i32 to index
      %swap3A_417 = arith.index_cast %scan3A_409 : i32 to index
      %swap3A_418 = arith.constant 16 : index
      %swap3A_419 = tpu.vector_load %arg10[%swap3A_416, %swap3A_417, %swap3A_418] {strides = array<i32>} : memref<2x128x64xf32, #tpu.memory_space<vmem>>, vector<16xf32>,
      tpu.vector_store %arg10[%swap3A_416, %swap3A_417, %swap3A_418], %broadcast_in_dim3A_1 {strides = array<i32>} : memref<2x128x64xf32, #tpu.memory_space<vmem>>, vector<16xf32>,
      %swap3A_420 = arith.constant 0 : i32
      %swap3A_421 = arith.index_cast %swap3A_420 : i32 to index
      %swap3A_422 = arith.index_cast %scan3A_409 : i32 to index
      %swap3A_423 = arith.constant 32 : index
      %swap3A_424 = tpu.vector_load %arg10[%swap3A_421, %swap3A_422, %swap3A_423] {strides = array<i32>} : memref<2x128x64xf32, #tpu.memory_space<vmem>>, vector<16xf32>,
      tpu.vector_store %arg10[%swap3A_421, %swap3A_422, %swap3A_423], %broadcast_in_dim3A_1 {strides = array<i32>} : memref<2x128x64xf32, #tpu.memory_space<vmem>>, vector<16xf32>,
      %swap3A_425 = arith.constant 0 : i32
      %swap3A_426 = arith.index_cast %swap3A_425 : i32 to index
      %swap3A_427 = arith.index_cast %scan3A_409 : i32 to index
      %swap3A_428 = arith.constant 48 : index
      %swap3A_429 = tpu.vector_load %arg10[%swap3A_426, %swap3A_427, %swap3A_428] {strides = array<i32>} : memref<2x128x64xf32, #tpu.memory_space<vmem>>, vector<16xf32>,
      tpu.vector_store %arg10[%swap3A_426, %swap3A_427, %swap3A_428], %broadcast_in_dim3A_1 {strides = array<i32>} : memref<2x128x64xf32, #tpu.memory_space<vmem>>, vector<16xf32>,
    }
    %scan3A_5 = arith.constant 128 : i32
    %mul3A_6 = arith.constant 632 : i32
    %mul3A_7 = arith.muli %arg1, %mul3A_6 : i32
    %add3A = arith.constant 0 : i32
    %add3A_8 = arith.addi %mul3A_7, %add3A : i32
    %run_scoped3A = arith.constant 0 : i32
    "tpu.region"() ({
      %run_scoped3A_409 = tpu.sem_alloc : memref<!tpu.dma_semaphore, #tpu.memory_space<semaphore_mem>>
      %dma_start3A_410 = arith.constant 0 : i32
      %dma_start3A_411 = arith.constant 0 : i32
      %dma_start3A_412 = tpu.memref_slice %arg10[%run_scoped3A, %dma_start3A_410, %dma_start3A_411] : memref<2x128x64xf32, #tpu.memory_space<vmem>> -> memref<1x128x64xf32, #tpu.memory_space<vmem>>
      %dma_start3A_413 = tpu.memref_squeeze %dma_start3A_412 : memref<1x128x64xf32, #tpu.memory_space<vmem>> -> memref<128x64xf32, #tpu.memory_space<vmem>>
      %dma_start3A_414 = arith.constant 0 : i32
      %dma_start3A_415 = tpu.memref_slice %arg11[%add3A_8, %dma_start3A_414] : memref<10112x64xf32, #tpu.memory_space<vmem_shared>> -> memref<128x64xf32, #tpu.memory_space<vmem_shared>>
      %dma_start3A_416 = arith.constant 0 : i32
      %dma_start3A_417 = tpu.memref_slice %arg11[%add3A_8, %dma_start3A_416] : memref<10112x64xf32, #tpu.memory_space<vmem_shared>> -> memref<128x64xf32, #tpu.memory_space<vmem_shared>>
      %dma_start3A_418 = arith.constant 0 : i32
      %dma_start3A_419 = arith.constant 0 : i32
      %dma_start3A_420 = tpu.memref_slice %arg10[%run_scoped3A, %dma_start3A_418, %dma_start3A_419] : memref<2x128x64xf32, #tpu.memory_space<vmem>> -> memref<1x128x64xf32, #tpu.memory_space<vmem>>
      %dma_start3A_421 = tpu.memref_squeeze %dma_start3A_420 : memref<1x128x64xf32, #tpu.memory_space<vmem>> -> memref<128x64xf32, #tpu.memory_space<vmem>>
      tpu.enqueue_dma source(%dma_start3A_421 : memref<128x64xf32, #tpu.memory_space<vmem>>) target(%dma_start3A_417 : memref<128x64xf32, #tpu.memory_space<vmem_shared>>) target_semaphore(%run_scoped3A_409 : memref<!tpu.dma_semaphore, #tpu.memory_space<semaphore_mem>>)
      %dma_wait3A_422 = arith.constant 0 : i32
      %dma_wait3A_423 = arith.constant 0 : i32
      %dma_wait3A_424 = tpu.memref_slice %arg10[%run_scoped3A, %dma_wait3A_422, %dma_wait3A_423] : memref<2x128x64xf32, #tpu.memory_space<vmem>> -> memref<1x128x64xf32, #tpu.memory_space<vmem>>
      %dma_wait3A_425 = tpu.memref_squeeze %dma_wait3A_424 : memref<1x128x64xf32, #tpu.memory_space<vmem>> -> memref<128x64xf32, #tpu.memory_space<vmem>>
      %dma_wait3A_426 = arith.constant 0 : i32
      %dma_wait3A_427 = tpu.memref_slice %arg11[%add3A_8, %dma_wait3A_426] : memref<10112x64xf32, #tpu.memory_space<vmem_shared>> -> memref<128x64xf32, #tpu.memory_space<vmem_shared>>
      %dma_wait3A_428 = arith.constant 0 : i32
      %dma_wait3A_429 = tpu.memref_slice %arg11[%add3A_8, %dma_wait3A_428] : memref<10112x64xf32, #tpu.memory_space<vmem_shared>> -> memref<128x64xf32, #tpu.memory_space<vmem_shared>>
      %dma_wait3A_430 = arith.constant 0 : i32
      %dma_wait3A_431 = arith.constant 0 : i32
      %dma_wait3A_432 = tpu.memref_slice %arg10[%run_scoped3A, %dma_wait3A_430, %dma_wait3A_431] : memref<2x128x64xf32, #tpu.memory_space<vmem>> -> memref<1x128x64xf32, #tpu.memory_space<vmem>>
      %dma_wait3A_433 = tpu.memref_squeeze %dma_wait3A_432 : memref<1x128x64xf32, #tpu.memory_space<vmem>> -> memref<128x64xf32, #tpu.memory_space<vmem>>
      tpu.wait_dma2 semaphore(%run_scoped3A_409 : memref<!tpu.dma_semaphore, #tpu.memory_space<semaphore_mem>>) src(%dma_wait3A_433 : memref<128x64xf32, #tpu.memory_space<vmem>>) dst(%dma_wait3A_429 : memref<128x64xf32, #tpu.memory_space<vmem_shared>>)
      tpu.yield
    }) : () -> ()
    %mul3A_9 = arith.constant 632 : i32
    %mul3A_10 = arith.muli %arg1, %mul3A_9 : i32
    %add3A_11 = arith.constant 128 : i32
    %add3A_12 = arith.addi %mul3A_10, %add3A_11 : i32
    %run_scoped3A_13 = arith.constant 0 : i32
    "tpu.region"() ({
      %run_scoped3A_409 = tpu.sem_alloc : memref<!tpu.dma_semaphore, #tpu.memory_space<semaphore_mem>>
      %dma_start3A_410 = arith.constant 0 : i32
      %dma_start3A_411 = arith.constant 0 : i32
      %dma_start3A_412 = tpu.memref_slice %arg10[%run_scoped3A_13, %dma_start3A_410, %dma_start3A_411] : memref<2x128x64xf32, #tpu.memory_space<vmem>> -> memref<1x128x64xf32, #tpu.memory_space<vmem>>
      %dma_start3A_413 = tpu.memref_squeeze %dma_start3A_412 : memref<1x128x64xf32, #tpu.memory_space<vmem>> -> memref<128x64xf32, #tpu.memory_space<vmem>>
      %dma_start3A_414 = arith.constant 0 : i32
      %dma_start3A_415 = tpu.memref_slice %arg11[%add3A_12, %dma_start3A_414] : memref<10112x64xf32, #tpu.memory_space<vmem_shared>> -> memref<128x64xf32, #tpu.memory_space<vmem_shared>>
      %dma_start3A_416 = arith.constant 0 : i32
      %dma_start3A_417 = tpu.memref_slice %arg11[%add3A_12, %dma_start3A_416] : memref<10112x64xf32, #tpu.memory_space<vmem_shared>> -> memref<128x64xf32, #tpu.memory_space<vmem_shared>>
      %dma_start3A_418 = arith.constant 0 : i32
      %dma_start3A_419 = arith.constant 0 : i32
      %dma_start3A_420 = tpu.memref_slice %arg10[%run_scoped3A_13, %dma_start3A_418, %dma_start3A_419] : memref<2x128x64xf32, #tpu.memory_space<vmem>> -> memref<1x128x64xf32, #tpu.memory_space<vmem>>
      %dma_start3A_421 = tpu.memref_squeeze %dma_start3A_420 : memref<1x128x64xf32, #tpu.memory_space<vmem>> -> memref<128x64xf32, #tpu.memory_space<vmem>>
      tpu.enqueue_dma source(%dma_start3A_421 : memref<128x64xf32, #tpu.memory_space<vmem>>) target(%dma_start3A_417 : memref<128x64xf32, #tpu.memory_space<vmem_shared>>) target_semaphore(%run_scoped3A_409 : memref<!tpu.dma_semaphore, #tpu.memory_space<semaphore_mem>>)
      %dma_wait3A_422 = arith.constant 0 : i32
      %dma_wait3A_423 = arith.constant 0 : i32
      %dma_wait3A_424 = tpu.memref_slice %arg10[%run_scoped3A_13, %dma_wait3A_422, %dma_wait3A_423] : memref<2x128x64xf32, #tpu.memory_space<vmem>> -> memref<1x128x64xf32, #tpu.memory_space<vmem>>
      %dma_wait3A_425 = tpu.memref_squeeze %dma_wait3A_424 : memref<1x128x64xf32, #tpu.memory_space<vmem>> -> memref<128x64xf32, #tpu.memory_space<vmem>>
      %dma_wait3A_426 = arith.constant 0 : i32
      %dma_wait3A_427 = tpu.memref_slice %arg11[%add3A_12, %dma_wait3A_426] : memref<10112x64xf32, #tpu.memory_space<vmem_shared>> -> memref<128x64xf32, #tpu.memory_space<vmem_shared>>
      %dma_wait3A_428 = arith.constant 0 : i32
      %dma_wait3A_429 = tpu.memref_slice %arg11[%add3A_12, %dma_wait3A_428] : memref<10112x64xf32, #tpu.memory_space<vmem_shared>> -> memref<128x64xf32, #tpu.memory_space<vmem_shared>>
      %dma_wait3A_430 = arith.constant 0 : i32
      %dma_wait3A_431 = arith.constant 0 : i32
      %dma_wait3A_432 = tpu.memref_slice %arg10[%run_scoped3A_13, %dma_wait3A_430, %dma_wait3A_431] : memref<2x128x64xf32, #tpu.memory_space<vmem>> -> memref<1x128x64xf32, #tpu.memory_space<vmem>>
      %dma_wait3A_433 = tpu.memref_squeeze %dma_wait3A_432 : memref<1x128x64xf32, #tpu.memory_space<vmem>> -> memref<128x64xf32, #tpu.memory_space<vmem>>
      tpu.wait_dma2 semaphore(%run_scoped3A_409 : memref<!tpu.dma_semaphore, #tpu.memory_space<semaphore_mem>>) src(%dma_wait3A_433 : memref<128x64xf32, #tpu.memory_space<vmem>>) dst(%dma_wait3A_429 : memref<128x64xf32, #tpu.memory_space<vmem_shared>>)
      tpu.yield
    }) : () -> ()
    %mul3A_14 = arith.constant 632 : i32
    %mul3A_15 = arith.muli %arg1, %mul3A_14 : i32
    %add3A_16 = arith.constant 256 : i32
    %add3A_17 = arith.addi %mul3A_15, %add3A_16 : i32
    %run_scoped3A_18 = arith.constant 0 : i32
    "tpu.region"() ({
      %run_scoped3A_409 = tpu.sem_alloc : memref<!tpu.dma_semaphore, #tpu.memory_space<semaphore_mem>>
      %dma_start3A_410 = arith.constant 0 : i32
      %dma_start3A_411 = arith.constant 0 : i32
      %dma_start3A_412 = tpu.memref_slice %arg10[%run_scoped3A_18, %dma_start3A_410, %dma_start3A_411] : memref<2x128x64xf32, #tpu.memory_space<vmem>> -> memref<1x128x64xf32, #tpu.memory_space<vmem>>
      %dma_start3A_413 = tpu.memref_squeeze %dma_start3A_412 : memref<1x128x64xf32, #tpu.memory_space<vmem>> -> memref<128x64xf32, #tpu.memory_space<vmem>>
      %dma_start3A_414 = arith.constant 0 : i32
      %dma_start3A_415 = tpu.memref_slice %arg11[%add3A_17, %dma_start3A_414] : memref<10112x64xf32, #tpu.memory_space<vmem_shared>> -> memref<128x64xf32, #tpu.memory_space<vmem_shared>>
      %dma_start3A_416 = arith.constant 0 : i32
      %dma_start3A_417 = tpu.memref_slice %arg11[%add3A_17, %dma_start3A_416] : memref<10112x64xf32, #tpu.memory_space<vmem_shared>> -> memref<128x64xf32, #tpu.memory_space<vmem_shared>>
      %dma_start3A_418 = arith.constant 0 : i32
      %dma_start3A_419 = arith.constant 0 : i32
      %dma_start3A_420 = tpu.memref_slice %arg10[%run_scoped3A_18, %dma_start3A_418, %dma_start3A_419] : memref<2x128x64xf32, #tpu.memory_space<vmem>> -> memref<1x128x64xf32, #tpu.memory_space<vmem>>
      %dma_start3A_421 = tpu.memref_squeeze %dma_start3A_420 : memref<1x128x64xf32, #tpu.memory_space<vmem>> -> memref<128x64xf32, #tpu.memory_space<vmem>>
      tpu.enqueue_dma source(%dma_start3A_421 : memref<128x64xf32, #tpu.memory_space<vmem>>) target(%dma_start3A_417 : memref<128x64xf32, #tpu.memory_space<vmem_shared>>) target_semaphore(%run_scoped3A_409 : memref<!tpu.dma_semaphore, #tpu.memory_space<semaphore_mem>>)
      %dma_wait3A_422 = arith.constant 0 : i32
      %dma_wait3A_423 = arith.constant 0 : i32
      %dma_wait3A_424 = tpu.memref_slice %arg10[%run_scoped3A_18, %dma_wait3A_422, %dma_wait3A_423] : memref<2x128x64xf32, #tpu.memory_space<vmem>> -> memref<1x128x64xf32, #tpu.memory_space<vmem>>
      %dma_wait3A_425 = tpu.memref_squeeze %dma_wait3A_424 : memref<1x128x64xf32, #tpu.memory_space<vmem>> -> memref<128x64xf32, #tpu.memory_space<vmem>>
      %dma_wait3A_426 = arith.constant 0 : i32
      %dma_wait3A_427 = tpu.memref_slice %arg11[%add3A_17, %dma_wait3A_426] : memref<10112x64xf32, #tpu.memory_space<vmem_shared>> -> memref<128x64xf32, #tpu.memory_space<vmem_shared>>
      %dma_wait3A_428 = arith.constant 0 : i32
      %dma_wait3A_429 = tpu.memref_slice %arg11[%add3A_17, %dma_wait3A_428] : memref<10112x64xf32, #tpu.memory_space<vmem_shared>> -> memref<128x64xf32, #tpu.memory_space<vmem_shared>>
      %dma_wait3A_430 = arith.constant 0 : i32
      %dma_wait3A_431 = arith.constant 0 : i32
      %dma_wait3A_432 = tpu.memref_slice %arg10[%run_scoped3A_18, %dma_wait3A_430, %dma_wait3A_431] : memref<2x128x64xf32, #tpu.memory_space<vmem>> -> memref<1x128x64xf32, #tpu.memory_space<vmem>>
      %dma_wait3A_433 = tpu.memref_squeeze %dma_wait3A_432 : memref<1x128x64xf32, #tpu.memory_space<vmem>> -> memref<128x64xf32, #tpu.memory_space<vmem>>
      tpu.wait_dma2 semaphore(%run_scoped3A_409 : memref<!tpu.dma_semaphore, #tpu.memory_space<semaphore_mem>>) src(%dma_wait3A_433 : memref<128x64xf32, #tpu.memory_space<vmem>>) dst(%dma_wait3A_429 : memref<128x64xf32, #tpu.memory_space<vmem_shared>>)
      tpu.yield
    }) : () -> ()
    %mul3A_19 = arith.constant 632 : i32
    %mul3A_20 = arith.muli %arg1, %mul3A_19 : i32
    %add3A_21 = arith.constant 384 : i32
    %add3A_22 = arith.addi %mul3A_20, %add3A_21 : i32
    %run_scoped3A_23 = arith.constant 0 : i32
    "tpu.region"() ({
      %run_scoped3A_409 = tpu.sem_alloc : memref<!tpu.dma_semaphore, #tpu.memory_space<semaphore_mem>>
      %dma_start3A_410 = arith.constant 0 : i32
      %dma_start3A_411 = arith.constant 0 : i32
      %dma_start3A_412 = tpu.memref_slice %arg10[%run_scoped3A_23, %dma_start3A_410, %dma_start3A_411] : memref<2x128x64xf32, #tpu.memory_space<vmem>> -> memref<1x128x64xf32, #tpu.memory_space<vmem>>
      %dma_start3A_413 = tpu.memref_squeeze %dma_start3A_412 : memref<1x128x64xf32, #tpu.memory_space<vmem>> -> memref<128x64xf32, #tpu.memory_space<vmem>>
      %dma_start3A_414 = arith.constant 0 : i32
      %dma_start3A_415 = tpu.memref_slice %arg11[%add3A_22, %dma_start3A_414] : memref<10112x64xf32, #tpu.memory_space<vmem_shared>> -> memref<128x64xf32, #tpu.memory_space<vmem_shared>>
      %dma_start3A_416 = arith.constant 0 : i32
      %dma_start3A_417 = tpu.memref_slice %arg11[%add3A_22, %dma_start3A_416] : memref<10112x64xf32, #tpu.memory_space<vmem_shared>> -> memref<128x64xf32, #tpu.memory_space<vmem_shared>>
      %dma_start3A_418 = arith.constant 0 : i32
      %dma_start3A_419 = arith.constant 0 : i32
      %dma_start3A_420 = tpu.memref_slice %arg10[%run_scoped3A_23, %dma_start3A_418, %dma_start3A_419] : memref<2x128x64xf32, #tpu.memory_space<vmem>> -> memref<1x128x64xf32, #tpu.memory_space<vmem>>
      %dma_start3A_421 = tpu.memref_squeeze %dma_start3A_420 : memref<1x128x64xf32, #tpu.memory_space<vmem>> -> memref<128x64xf32, #tpu.memory_space<vmem>>
      tpu.enqueue_dma source(%dma_start3A_421 : memref<128x64xf32, #tpu.memory_space<vmem>>) target(%dma_start3A_417 : memref<128x64xf32, #tpu.memory_space<vmem_shared>>) target_semaphore(%run_scoped3A_409 : memref<!tpu.dma_semaphore, #tpu.memory_space<semaphore_mem>>)
      %dma_wait3A_422 = arith.constant 0 : i32
      %dma_wait3A_423 = arith.constant 0 : i32
      %dma_wait3A_424 = tpu.memref_slice %arg10[%run_scoped3A_23, %dma_wait3A_422, %dma_wait3A_423] : memref<2x128x64xf32, #tpu.memory_space<vmem>> -> memref<1x128x64xf32, #tpu.memory_space<vmem>>
      %dma_wait3A_425 = tpu.memref_squeeze %dma_wait3A_424 : memref<1x128x64xf32, #tpu.memory_space<vmem>> -> memref<128x64xf32, #tpu.memory_space<vmem>>
      %dma_wait3A_426 = arith.constant 0 : i32
      %dma_wait3A_427 = tpu.memref_slice %arg11[%add3A_22, %dma_wait3A_426] : memref<10112x64xf32, #tpu.memory_space<vmem_shared>> -> memref<128x64xf32, #tpu.memory_space<vmem_shared>>
      %dma_wait3A_428 = arith.constant 0 : i32
      %dma_wait3A_429 = tpu.memref_slice %arg11[%add3A_22, %dma_wait3A_428] : memref<10112x64xf32, #tpu.memory_space<vmem_shared>> -> memref<128x64xf32, #tpu.memory_space<vmem_shared>>
      %dma_wait3A_430 = arith.constant 0 : i32
      %dma_wait3A_431 = arith.constant 0 : i32
      %dma_wait3A_432 = tpu.memref_slice %arg10[%run_scoped3A_23, %dma_wait3A_430, %dma_wait3A_431] : memref<2x128x64xf32, #tpu.memory_space<vmem>> -> memref<1x128x64xf32, #tpu.memory_space<vmem>>
      %dma_wait3A_433 = tpu.memref_squeeze %dma_wait3A_432 : memref<1x128x64xf32, #tpu.memory_space<vmem>> -> memref<128x64xf32, #tpu.memory_space<vmem>>
      tpu.wait_dma2 semaphore(%run_scoped3A_409 : memref<!tpu.dma_semaphore, #tpu.memory_space<semaphore_mem>>) src(%dma_wait3A_433 : memref<128x64xf32, #tpu.memory_space<vmem>>) dst(%dma_wait3A_429 : memref<128x64xf32, #tpu.memory_space<vmem_shared>>)
      tpu.yield
    }) : () -> ()
    %mul3A_24 = arith.constant 632 : i32
    %mul3A_25 = arith.muli %arg1, %mul3A_24 : i32
    %add3A_26 = arith.constant 512 : i32
    %add3A_27 = arith.addi %mul3A_25, %add3A_26 : i32
    %run_scoped3A_28 = arith.constant 0 : i32
    "tpu.region"() ({
      %run_scoped3A_409 = tpu.sem_alloc : memref<!tpu.dma_semaphore, #tpu.memory_space<semaphore_mem>>
      %dma_start3A_410 = arith.constant 0 : i32
      %dma_start3A_411 = arith.constant 0 : i32
      %dma_start3A_412 = tpu.memref_slice %arg10[%run_scoped3A_28, %dma_start3A_410, %dma_start3A_411] : memref<2x128x64xf32, #tpu.memory_space<vmem>> -> memref<1x120x64xf32, #tpu.memory_space<vmem>>
      %dma_start3A_413 = tpu.memref_squeeze %dma_start3A_412 : memref<1x120x64xf32, #tpu.memory_space<vmem>> -> memref<120x64xf32, #tpu.memory_space<vmem>>
      %dma_start3A_414 = arith.constant 0 : i32
      %dma_start3A_415 = tpu.memref_slice %arg11[%add3A_27, %dma_start3A_414] : memref<10112x64xf32, #tpu.memory_space<vmem_shared>> -> memref<120x64xf32, #tpu.memory_space<vmem_shared>>
      %dma_start3A_416 = arith.constant 0 : i32
      %dma_start3A_417 = tpu.memref_slice %arg11[%add3A_27, %dma_start3A_416] : memref<10112x64xf32, #tpu.memory_space<vmem_shared>> -> memref<120x64xf32, #tpu.memory_space<vmem_shared>>
      %dma_start3A_418 = arith.constant 0 : i32
      %dma_start3A_419 = arith.constant 0 : i32
      %dma_start3A_420 = tpu.memref_slice %arg10[%run_scoped3A_28, %dma_start3A_418, %dma_start3A_419] : memref<2x128x64xf32, #tpu.memory_space<vmem>> -> memref<1x120x64xf32, #tpu.memory_space<vmem>>
      %dma_start3A_421 = tpu.memref_squeeze %dma_start3A_420 : memref<1x120x64xf32, #tpu.memory_space<vmem>> -> memref<120x64xf32, #tpu.memory_space<vmem>>
      tpu.enqueue_dma source(%dma_start3A_421 : memref<120x64xf32, #tpu.memory_space<vmem>>) target(%dma_start3A_417 : memref<120x64xf32, #tpu.memory_space<vmem_shared>>) target_semaphore(%run_scoped3A_409 : memref<!tpu.dma_semaphore, #tpu.memory_space<semaphore_mem>>)
      %dma_wait3A_422 = arith.constant 0 : i32
      %dma_wait3A_423 = arith.constant 0 : i32
      %dma_wait3A_424 = tpu.memref_slice %arg10[%run_scoped3A_28, %dma_wait3A_422, %dma_wait3A_423] : memref<2x128x64xf32, #tpu.memory_space<vmem>> -> memref<1x120x64xf32, #tpu.memory_space<vmem>>
      %dma_wait3A_425 = tpu.memref_squeeze %dma_wait3A_424 : memref<1x120x64xf32, #tpu.memory_space<vmem>> -> memref<120x64xf32, #tpu.memory_space<vmem>>
      %dma_wait3A_426 = arith.constant 0 : i32
      %dma_wait3A_427 = tpu.memref_slice %arg11[%add3A_27, %dma_wait3A_426] : memref<10112x64xf32, #tpu.memory_space<vmem_shared>> -> memref<120x64xf32, #tpu.memory_space<vmem_shared>>
      %dma_wait3A_428 = arith.constant 0 : i32
      %dma_wait3A_429 = tpu.memref_slice %arg11[%add3A_27, %dma_wait3A_428] : memref<10112x64xf32, #tpu.memory_space<vmem_shared>> -> memref<120x64xf32, #tpu.memory_space<vmem_shared>>
      %dma_wait3A_430 = arith.constant 0 : i32
      %dma_wait3A_431 = arith.constant 0 : i32
      %dma_wait3A_432 = tpu.memref_slice %arg10[%run_scoped3A_28, %dma_wait3A_430, %dma_wait3A_431] : memref<2x128x64xf32, #tpu.memory_space<vmem>> -> memref<1x120x64xf32, #tpu.memory_space<vmem>>
      %dma_wait3A_433 = tpu.memref_squeeze %dma_wait3A_432 : memref<1x120x64xf32, #tpu.memory_space<vmem>> -> memref<120x64xf32, #tpu.memory_space<vmem>>
      tpu.wait_dma2 semaphore(%run_scoped3A_409 : memref<!tpu.dma_semaphore, #tpu.memory_space<semaphore_mem>>) src(%dma_wait3A_433 : memref<120x64xf32, #tpu.memory_space<vmem>>) dst(%dma_wait3A_429 : memref<120x64xf32, #tpu.memory_space<vmem_shared>>)
      tpu.yield
    }) : () -> ()
    %barrier3A = arith.constant 0 : index
    tpu.barrier barrier_id(%barrier3A)
    %iota3A = tpu.iota {dimensions = array<i32: 0>} : vector<16xi32>
    %mul3A_29 = arith.constant 157 : i32
    %mul3A_30 = arith.muli %arg1, %mul3A_29 : i32
    %mul3A_31 = arith.constant 10000 : i32
    %mul3A_32 = arith.muli %arg0, %mul3A_31 : i32
    %broadcast_in_dim3A_33 = vector.broadcast %mul3A_32 : i32 to vector<16xi32>
    %add3A_34 = arith.constant 0 : i32
    %add3A_35 = arith.addi %mul3A_30, %add3A_34 : i32
    %rem3A = arith.constant 0 : i32
    %rem3A_36 = arith.constant 5 : i32
    %rem3A_37 = arith.remsi %rem3A, %rem3A_36 : i32
    %dma_start3A = arith.constant 0 : i32
    %dma_start3A_38 = arith.constant 0 : i32
    %dma_start3A_39 = tpu.memref_slice %arg7[%rem3A_37, %dma_start3A, %dma_start3A_38] : memref<5x2x128xi32, #tpu.memory_space<vmem>> -> memref<1x2x128xi32, #tpu.memory_space<vmem>>
    %dma_start3A_40 = tpu.memref_squeeze %dma_start3A_39 : memref<1x2x128xi32, #tpu.memory_space<vmem>> -> memref<2x128xi32, #tpu.memory_space<vmem>>
    %dma_start3A_41 = arith.constant 0 : i32
    %dma_start3A_42 = arith.constant 0 : i32
    %dma_start3A_43 = tpu.memref_slice %arg3[%add3A_35, %dma_start3A_41, %dma_start3A_42] : memref<2512x2x128xi32, #tpu.memory_space<hbm>> -> memref<1x2x128xi32, #tpu.memory_space<hbm>>
    %dma_start3A_44 = tpu.memref_squeeze %dma_start3A_43 : memref<1x2x128xi32, #tpu.memory_space<hbm>> -> memref<2x128xi32, #tpu.memory_space<hbm>>
    %dma_start3A_45 = arith.constant 0 : i32
    %dma_start3A_46 = arith.constant 0 : i32
    %dma_start3A_47 = tpu.memref_slice %arg7[%rem3A_37, %dma_start3A_45, %dma_start3A_46] : memref<5x2x128xi32, #tpu.memory_space<vmem>> -> memref<1x2x128xi32, #tpu.memory_space<vmem>>
    %dma_start3A_48 = tpu.memref_squeeze %dma_start3A_47 : memref<1x2x128xi32, #tpu.memory_space<vmem>> -> memref<2x128xi32, #tpu.memory_space<vmem>>
    %dma_start3A_49 = arith.constant 0 : i32
    %dma_start3A_50 = arith.constant 0 : i32
    %dma_start3A_51 = tpu.memref_slice %arg3[%add3A_35, %dma_start3A_49, %dma_start3A_50] : memref<2512x2x128xi32, #tpu.memory_space<hbm>> -> memref<1x2x128xi32, #tpu.memory_space<hbm>>
    %dma_start3A_52 = tpu.memref_squeeze %dma_start3A_51 : memref<1x2x128xi32, #tpu.memory_space<hbm>> -> memref<2x128xi32, #tpu.memory_space<hbm>>
    tpu.enqueue_dma source(%dma_start3A_52 : memref<2x128xi32, #tpu.memory_space<hbm>>) target(%dma_start3A_48 : memref<2x128xi32, #tpu.memory_space<vmem>>) target_semaphore(%arg12 : memref<!tpu.dma_semaphore, #tpu.memory_space<semaphore_mem>>)
    %add3A_53 = arith.constant 0 : i32
    %add3A_54 = arith.addi %mul3A_30, %add3A_53 : i32
    %rem3A_55 = arith.constant 0 : i32
    %rem3A_56 = arith.constant 5 : i32
    %rem3A_57 = arith.remsi %rem3A_55, %rem3A_56 : i32
    %dma_wait3A = arith.constant 0 : i32
    %dma_wait3A_58 = arith.constant 0 : i32
    %dma_wait3A_59 = tpu.memref_slice %arg7[%rem3A_57, %dma_wait3A, %dma_wait3A_58] : memref<5x2x128xi32, #tpu.memory_space<vmem>> -> memref<1x2x128xi32, #tpu.memory_space<vmem>>
    %dma_wait3A_60 = tpu.memref_squeeze %dma_wait3A_59 : memref<1x2x128xi32, #tpu.memory_space<vmem>> -> memref<2x128xi32, #tpu.memory_space<vmem>>
    %dma_wait3A_61 = arith.constant 0 : i32
    %dma_wait3A_62 = arith.constant 0 : i32
    %dma_wait3A_63 = tpu.memref_slice %arg3[%add3A_54, %dma_wait3A_61, %dma_wait3A_62] : memref<2512x2x128xi32, #tpu.memory_space<hbm>> -> memref<1x2x128xi32, #tpu.memory_space<hbm>>
    %dma_wait3A_64 = tpu.memref_squeeze %dma_wait3A_63 : memref<1x2x128xi32, #tpu.memory_space<hbm>> -> memref<2x128xi32, #tpu.memory_space<hbm>>
    %dma_wait3A_65 = arith.constant 0 : i32
    %dma_wait3A_66 = arith.constant 0 : i32
    %dma_wait3A_67 = tpu.memref_slice %arg7[%rem3A_57, %dma_wait3A_65, %dma_wait3A_66] : memref<5x2x128xi32, #tpu.memory_space<vmem>> -> memref<1x2x128xi32, #tpu.memory_space<vmem>>
    %dma_wait3A_68 = tpu.memref_squeeze %dma_wait3A_67 : memref<1x2x128xi32, #tpu.memory_space<vmem>> -> memref<2x128xi32, #tpu.memory_space<vmem>>
    %dma_wait3A_69 = arith.constant 0 : i32
    %dma_wait3A_70 = arith.constant 0 : i32
    %dma_wait3A_71 = tpu.memref_slice %arg3[%add3A_54, %dma_wait3A_69, %dma_wait3A_70] : memref<2512x2x128xi32, #tpu.memory_space<hbm>> -> memref<1x2x128xi32, #tpu.memory_space<hbm>>
    %dma_wait3A_72 = tpu.memref_squeeze %dma_wait3A_71 : memref<1x2x128xi32, #tpu.memory_space<hbm>> -> memref<2x128xi32, #tpu.memory_space<hbm>>
    tpu.wait_dma2 semaphore(%arg12 : memref<!tpu.dma_semaphore, #tpu.memory_space<semaphore_mem>>) src(%dma_wait3A_72 : memref<2x128xi32, #tpu.memory_space<hbm>>) dst(%dma_wait3A_68 : memref<2x128xi32, #tpu.memory_space<vmem>>)
    %rem3A_73 = arith.constant 0 : i32
    %rem3A_74 = arith.constant 5 : i32
    %rem3A_75 = arith.remsi %rem3A_73, %rem3A_74 : i32
    %get3A = arith.constant 0 : i32
    %get3A_76 = arith.index_cast %rem3A_75 : i32 to index
    %get3A_77 = arith.index_cast %get3A : i32 to index
    %get3A_78 = arith.constant 0 : index
    %get3A_79 = tpu.vector_load %arg7[%get3A_76, %get3A_77, %get3A_78] {strides = array<i32>} : memref<5x2x128xi32, #tpu.memory_space<vmem>>, vector<16xi32>,
    %and3A = arith.constant 262143 : i32
    %and3A_80 = vector.broadcast %and3A : i32 to vector<16xi32>
    %and3A_81 = arith.andi %get3A_79, %and3A_80 : vector<16xi32>
    %add3A_82 = arith.addi %and3A_81, %broadcast_in_dim3A_33 : vector<16xi32>
    %swap3A = arith.index_cast %rem3A_75 : i32 to index
    %swap3A_83 = arith.constant 0 : index
    %swap3A_84 = tpu.vector_load %arg8[%swap3A, %swap3A_83] {strides = array<i32>} : memref<5x128xi32, #tpu.memory_space<vmem>>, vector<16xi32>,
    tpu.vector_store %arg8[%swap3A, %swap3A_83], %add3A_82 {strides = array<i32>} : memref<5x128xi32, #tpu.memory_space<vmem>>, vector<16xi32>,
    %get3A_85 = arith.constant 0 : i32
    %get3A_86 = arith.index_cast %rem3A_75 : i32 to index
    %get3A_87 = arith.index_cast %get3A_85 : i32 to index
    %get3A_88 = arith.constant 16 : index
    %get3A_89 = tpu.vector_load %arg7[%get3A_86, %get3A_87, %get3A_88] {strides = array<i32>} : memref<5x2x128xi32, #tpu.memory_space<vmem>>, vector<16xi32>,
    %and3A_90 = arith.constant 262143 : i32
    %and3A_91 = vector.broadcast %and3A_90 : i32 to vector<16xi32>
    %and3A_92 = arith.andi %get3A_89, %and3A_91 : vector<16xi32>
    %add3A_93 = arith.addi %and3A_92, %broadcast_in_dim3A_33 : vector<16xi32>
    %swap3A_94 = arith.index_cast %rem3A_75 : i32 to index
    %swap3A_95 = arith.constant 16 : index
    %swap3A_96 = tpu.vector_load %arg8[%swap3A_94, %swap3A_95] {strides = array<i32>} : memref<5x128xi32, #tpu.memory_space<vmem>>, vector<16xi32>,
    tpu.vector_store %arg8[%swap3A_94, %swap3A_95], %add3A_93 {strides = array<i32>} : memref<5x128xi32, #tpu.memory_space<vmem>>, vector<16xi32>,
    %get3A_97 = arith.constant 0 : i32
    %get3A_98 = arith.index_cast %rem3A_75 : i32 to index
    %get3A_99 = arith.index_cast %get3A_97 : i32 to index
    %get3A_100 = arith.constant 32 : index
    %get3A_101 = tpu.vector_load %arg7[%get3A_98, %get3A_99, %get3A_100] {strides = array<i32>} : memref<5x2x128xi32, #tpu.memory_space<vmem>>, vector<16xi32>,
    %and3A_102 = arith.constant 262143 : i32
    %and3A_103 = vector.broadcast %and3A_102 : i32 to vector<16xi32>
    %and3A_104 = arith.andi %get3A_101, %and3A_103 : vector<16xi32>
    %add3A_105 = arith.addi %and3A_104, %broadcast_in_dim3A_33 : vector<16xi32>
    %swap3A_106 = arith.index_cast %rem3A_75 : i32 to index
    %swap3A_107 = arith.constant 32 : index
    %swap3A_108 = tpu.vector_load %arg8[%swap3A_106, %swap3A_107] {strides = array<i32>} : memref<5x128xi32, #tpu.memory_space<vmem>>, vector<16xi32>,
    tpu.vector_store %arg8[%swap3A_106, %swap3A_107], %add3A_105 {strides = array<i32>} : memref<5x128xi32, #tpu.memory_space<vmem>>, vector<16xi32>,
    %get3A_109 = arith.constant 0 : i32
    %get3A_110 = arith.index_cast %rem3A_75 : i32 to index
    %get3A_111 = arith.index_cast %get3A_109 : i32 to index
    %get3A_112 = arith.constant 48 : index
    %get3A_113 = tpu.vector_load %arg7[%get3A_110, %get3A_111, %get3A_112] {strides = array<i32>} : memref<5x2x128xi32, #tpu.memory_space<vmem>>, vector<16xi32>,
    %and3A_114 = arith.constant 262143 : i32
    %and3A_115 = vector.broadcast %and3A_114 : i32 to vector<16xi32>
    %and3A_116 = arith.andi %get3A_113, %and3A_115 : vector<16xi32>
    %add3A_117 = arith.addi %and3A_116, %broadcast_in_dim3A_33 : vector<16xi32>
    %swap3A_118 = arith.index_cast %rem3A_75 : i32 to index
    %swap3A_119 = arith.constant 48 : index
    %swap3A_120 = tpu.vector_load %arg8[%swap3A_118, %swap3A_119] {strides = array<i32>} : memref<5x128xi32, #tpu.memory_space<vmem>>, vector<16xi32>,
    tpu.vector_store %arg8[%swap3A_118, %swap3A_119], %add3A_117 {strides = array<i32>} : memref<5x128xi32, #tpu.memory_space<vmem>>, vector<16xi32>,
    %get3A_121 = arith.constant 0 : i32
    %get3A_122 = arith.index_cast %rem3A_75 : i32 to index
    %get3A_123 = arith.index_cast %get3A_121 : i32 to index
    %get3A_124 = arith.constant 64 : index
    %get3A_125 = tpu.vector_load %arg7[%get3A_122, %get3A_123, %get3A_124] {strides = array<i32>} : memref<5x2x128xi32, #tpu.memory_space<vmem>>, vector<16xi32>,
    %and3A_126 = arith.constant 262143 : i32
    %and3A_127 = vector.broadcast %and3A_126 : i32 to vector<16xi32>
    %and3A_128 = arith.andi %get3A_125, %and3A_127 : vector<16xi32>
    %add3A_129 = arith.addi %and3A_128, %broadcast_in_dim3A_33 : vector<16xi32>
    %swap3A_130 = arith.index_cast %rem3A_75 : i32 to index
    %swap3A_131 = arith.constant 64 : index
    %swap3A_132 = tpu.vector_load %arg8[%swap3A_130, %swap3A_131] {strides = array<i32>} : memref<5x128xi32, #tpu.memory_space<vmem>>, vector<16xi32>,
    tpu.vector_store %arg8[%swap3A_130, %swap3A_131], %add3A_129 {strides = array<i32>} : memref<5x128xi32, #tpu.memory_space<vmem>>, vector<16xi32>,
    %get3A_133 = arith.constant 0 : i32
    %get3A_134 = arith.index_cast %rem3A_75 : i32 to index
    %get3A_135 = arith.index_cast %get3A_133 : i32 to index
    %get3A_136 = arith.constant 80 : index
    %get3A_137 = tpu.vector_load %arg7[%get3A_134, %get3A_135, %get3A_136] {strides = array<i32>} : memref<5x2x128xi32, #tpu.memory_space<vmem>>, vector<16xi32>,
    %and3A_138 = arith.constant 262143 : i32
    %and3A_139 = vector.broadcast %and3A_138 : i32 to vector<16xi32>
    %and3A_140 = arith.andi %get3A_137, %and3A_139 : vector<16xi32>
    %add3A_141 = arith.addi %and3A_140, %broadcast_in_dim3A_33 : vector<16xi32>
    %swap3A_142 = arith.index_cast %rem3A_75 : i32 to index
    %swap3A_143 = arith.constant 80 : index
    %swap3A_144 = tpu.vector_load %arg8[%swap3A_142, %swap3A_143] {strides = array<i32>} : memref<5x128xi32, #tpu.memory_space<vmem>>, vector<16xi32>,
    tpu.vector_store %arg8[%swap3A_142, %swap3A_143], %add3A_141 {strides = array<i32>} : memref<5x128xi32, #tpu.memory_space<vmem>>, vector<16xi32>,
    %get3A_145 = arith.constant 0 : i32
    %get3A_146 = arith.index_cast %rem3A_75 : i32 to index
    %get3A_147 = arith.index_cast %get3A_145 : i32 to index
    %get3A_148 = arith.constant 96 : index
    %get3A_149 = tpu.vector_load %arg7[%get3A_146, %get3A_147, %get3A_148] {strides = array<i32>} : memref<5x2x128xi32, #tpu.memory_space<vmem>>, vector<16xi32>,
    %and3A_150 = arith.constant 262143 : i32
    %and3A_151 = vector.broadcast %and3A_150 : i32 to vector<16xi32>
    %and3A_152 = arith.andi %get3A_149, %and3A_151 : vector<16xi32>
    %add3A_153 = arith.addi %and3A_152, %broadcast_in_dim3A_33 : vector<16xi32>
    %swap3A_154 = arith.index_cast %rem3A_75 : i32 to index
    %swap3A_155 = arith.constant 96 : index
    %swap3A_156 = tpu.vector_load %arg8[%swap3A_154, %swap3A_155] {strides = array<i32>} : memref<5x128xi32, #tpu.memory_space<vmem>>, vector<16xi32>,
    tpu.vector_store %arg8[%swap3A_154, %swap3A_155], %add3A_153 {strides = array<i32>} : memref<5x128xi32, #tpu.memory_space<vmem>>, vector<16xi32>,
    %get3A_157 = arith.constant 0 : i32
    %get3A_158 = arith.index_cast %rem3A_75 : i32 to index
    %get3A_159 = arith.index_cast %get3A_157 : i32 to index
    %get3A_160 = arith.constant 112 : index
    %get3A_161 = tpu.vector_load %arg7[%get3A_158, %get3A_159, %get3A_160] {strides = array<i32>} : memref<5x2x128xi32, #tpu.memory_space<vmem>>, vector<16xi32>,
    %and3A_162 = arith.constant 262143 : i32
    %and3A_163 = vector.broadcast %and3A_162 : i32 to vector<16xi32>
    %and3A_164 = arith.andi %get3A_161, %and3A_163 : vector<16xi32>
    %add3A_165 = arith.addi %and3A_164, %broadcast_in_dim3A_33 : vector<16xi32>
    %swap3A_166 = arith.index_cast %rem3A_75 : i32 to index
    %swap3A_167 = arith.constant 112 : index
    %swap3A_168 = tpu.vector_load %arg8[%swap3A_166, %swap3A_167] {strides = array<i32>} : memref<5x128xi32, #tpu.memory_space<vmem>>, vector<16xi32>,
    tpu.vector_store %arg8[%swap3A_166, %swap3A_167], %add3A_165 {strides = array<i32>} : memref<5x128xi32, #tpu.memory_space<vmem>>, vector<16xi32>,
    %rem3A_169 = arith.constant 0 : i32
    %rem3A_170 = arith.constant 5 : i32
    %rem3A_171 = arith.remsi %rem3A_169, %rem3A_170 : i32
    %rem3A_172 = arith.constant 0 : i32
    %rem3A_173 = arith.constant 3 : i32
    %rem3A_174 = arith.remsi %rem3A_172, %rem3A_173 : i32
    %dma_start3A_175 = arith.constant 0 : i32
    %dma_start3A_176 = arith.constant 0 : i32
    %dma_start3A_177 = tpu.memref_slice %arg9[%rem3A_174, %dma_start3A_175, %dma_start3A_176] : memref<3x128x64xf32, #tpu.memory_space<vmem>> -> memref<1x128x64xf32, #tpu.memory_space<vmem>>
    %dma_start3A_178 = tpu.memref_squeeze %dma_start3A_177 : memref<1x128x64xf32, #tpu.memory_space<vmem>> -> memref<128x64xf32, #tpu.memory_space<vmem>>
    %dma_start3A_179 = arith.constant 0 : i32
    %dma_start3A_180 = tpu.memref_slice %arg8[%rem3A_171, %dma_start3A_179] : memref<5x128xi32, #tpu.memory_space<vmem>> -> memref<1x128xi32, #tpu.memory_space<vmem>>
    %dma_start3A_181 = tpu.memref_squeeze %dma_start3A_180 : memref<1x128xi32, #tpu.memory_space<vmem>> -> memref<128xi32, #tpu.memory_space<vmem>>
    %dma_start3A_182 = arith.constant 0 : i32
    %dma_start3A_183 = arith.constant 0 : i32
    %dma_start3A_184 = tpu.memref_slice %arg2[%dma_start3A_182, %dma_start3A_183] : memref<20000x64xf32, #tpu.memory_space<hbm>> -> memref<20000x64xf32, #tpu.memory_space<hbm>>
    tpu.enqueue_indirect_dma source(%dma_start3A_184 : memref<20000x64xf32, #tpu.memory_space<hbm>>) target(%dma_start3A_178 : memref<128x64xf32, #tpu.memory_space<vmem>>) offsets(%dma_start3A_181 : memref<128xi32, #tpu.memory_space<vmem>>) semaphore(%arg13 : memref<!tpu.dma_semaphore, #tpu.memory_space<semaphore_mem>>)
    %add3A_185 = arith.constant 1 : i32
    %add3A_186 = arith.addi %mul3A_30, %add3A_185 : i32
    %rem3A_187 = arith.constant 1 : i32
    %rem3A_188 = arith.constant 5 : i32
    %rem3A_189 = arith.remsi %rem3A_187, %rem3A_188 : i32
    %dma_start3A_190 = arith.constant 0 : i32
    %dma_start3A_191 = arith.constant 0 : i32
    %dma_start3A_192 = tpu.memref_slice %arg7[%rem3A_189, %dma_start3A_190, %dma_start3A_191] : memref<5x2x128xi32, #tpu.memory_space<vmem>> -> memref<1x2x128xi32, #tpu.memory_space<vmem>>
    %dma_start3A_193 = tpu.memref_squeeze %dma_start3A_192 : memref<1x2x128xi32, #tpu.memory_space<vmem>> -> memref<2x128xi32, #tpu.memory_space<vmem>>
    %dma_start3A_194 = arith.constant 0 : i32
    %dma_start3A_195 = arith.constant 0 : i32
    %dma_start3A_196 = tpu.memref_slice %arg3[%add3A_186, %dma_start3A_194, %dma_start3A_195] : memref<2512x2x128xi32, #tpu.memory_space<hbm>> -> memref<1x2x128xi32, #tpu.memory_space<hbm>>
    %dma_start3A_197 = tpu.memref_squeeze %dma_start3A_196 : memref<1x2x128xi32, #tpu.memory_space<hbm>> -> memref<2x128xi32, #tpu.memory_space<hbm>>
    %dma_start3A_198 = arith.constant 0 : i32
    %dma_start3A_199 = arith.constant 0 : i32
    %dma_start3A_200 = tpu.memref_slice %arg7[%rem3A_189, %dma_start3A_198, %dma_start3A_199] : memref<5x2x128xi32, #tpu.memory_space<vmem>> -> memref<1x2x128xi32, #tpu.memory_space<vmem>>
    %dma_start3A_201 = tpu.memref_squeeze %dma_start3A_200 : memref<1x2x128xi32, #tpu.memory_space<vmem>> -> memref<2x128xi32, #tpu.memory_space<vmem>>
    %dma_start3A_202 = arith.constant 0 : i32
    %dma_start3A_203 = arith.constant 0 : i32
    %dma_start3A_204 = tpu.memref_slice %arg3[%add3A_186, %dma_start3A_202, %dma_start3A_203] : memref<2512x2x128xi32, #tpu.memory_space<hbm>> -> memref<1x2x128xi32, #tpu.memory_space<hbm>>
    %dma_start3A_205 = tpu.memref_squeeze %dma_start3A_204 : memref<1x2x128xi32, #tpu.memory_space<hbm>> -> memref<2x128xi32, #tpu.memory_space<hbm>>
    tpu.enqueue_dma source(%dma_start3A_205 : memref<2x128xi32, #tpu.memory_space<hbm>>) target(%dma_start3A_201 : memref<2x128xi32, #tpu.memory_space<vmem>>) target_semaphore(%arg12 : memref<!tpu.dma_semaphore, #tpu.memory_space<semaphore_mem>>)
    %add3A_206 = arith.constant 1 : i32
    %add3A_207 = arith.addi %mul3A_30, %add3A_206 : i32
    %rem3A_208 = arith.constant 1 : i32
    %rem3A_209 = arith.constant 5 : i32
    %rem3A_210 = arith.remsi %rem3A_208, %rem3A_209 : i32
    %dma_wait3A_211 = arith.constant 0 : i32
    %dma_wait3A_212 = arith.constant 0 : i32
    %dma_wait3A_213 = tpu.memref_slice %arg7[%rem3A_210, %dma_wait3A_211, %dma_wait3A_212] : memref<5x2x128xi32, #tpu.memory_space<vmem>> -> memref<1x2x128xi32, #tpu.memory_space<vmem>>
    %dma_wait3A_214 = tpu.memref_squeeze %dma_wait3A_213 : memref<1x2x128xi32, #tpu.memory_space<vmem>> -> memref<2x128xi32, #tpu.memory_space<vmem>>
    %dma_wait3A_215 = arith.constant 0 : i32
    %dma_wait3A_216 = arith.constant 0 : i32
    %dma_wait3A_217 = tpu.memref_slice %arg3[%add3A_207, %dma_wait3A_215, %dma_wait3A_216] : memref<2512x2x128xi32, #tpu.memory_space<hbm>> -> memref<1x2x128xi32, #tpu.memory_space<hbm>>
    %dma_wait3A_218 = tpu.memref_squeeze %dma_wait3A_217 : memref<1x2x128xi32, #tpu.memory_space<hbm>> -> memref<2x128xi32, #tpu.memory_space<hbm>>
    %dma_wait3A_219 = arith.constant 0 : i32
    %dma_wait3A_220 = arith.constant 0 : i32
    %dma_wait3A_221 = tpu.memref_slice %arg7[%rem3A_210, %dma_wait3A_219, %dma_wait3A_220] : memref<5x2x128xi32, #tpu.memory_space<vmem>> -> memref<1x2x128xi32, #tpu.memory_space<vmem>>
    %dma_wait3A_222 = tpu.memref_squeeze %dma_wait3A_221 : memref<1x2x128xi32, #tpu.memory_space<vmem>> -> memref<2x128xi32, #tpu.memory_space<vmem>>
    %dma_wait3A_223 = arith.constant 0 : i32
    %dma_wait3A_224 = arith.constant 0 : i32
    %dma_wait3A_225 = tpu.memref_slice %arg3[%add3A_207, %dma_wait3A_223, %dma_wait3A_224] : memref<2512x2x128xi32, #tpu.memory_space<hbm>> -> memref<1x2x128xi32, #tpu.memory_space<hbm>>
    %dma_wait3A_226 = tpu.memref_squeeze %dma_wait3A_225 : memref<1x2x128xi32, #tpu.memory_space<hbm>> -> memref<2x128xi32, #tpu.memory_space<hbm>>
    tpu.wait_dma2 semaphore(%arg12 : memref<!tpu.dma_semaphore, #tpu.memory_space<semaphore_mem>>) src(%dma_wait3A_226 : memref<2x128xi32, #tpu.memory_space<hbm>>) dst(%dma_wait3A_222 : memref<2x128xi32, #tpu.memory_space<vmem>>)
    %rem3A_227 = arith.constant 1 : i32
    %rem3A_228 = arith.constant 5 : i32
    %rem3A_229 = arith.remsi %rem3A_227, %rem3A_228 : i32
    %get3A_230 = arith.constant 0 : i32
    %get3A_231 = arith.index_cast %rem3A_229 : i32 to index
    %get3A_232 = arith.index_cast %get3A_230 : i32 to index
    %get3A_233 = arith.constant 0 : index
    %get3A_234 = tpu.vector_load %arg7[%get3A_231, %get3A_232, %get3A_233] {strides = array<i32>} : memref<5x2x128xi32, #tpu.memory_space<vmem>>, vector<16xi32>,
    %and3A_235 = arith.constant 262143 : i32
    %and3A_236 = vector.broadcast %and3A_235 : i32 to vector<16xi32>
    %and3A_237 = arith.andi %get3A_234, %and3A_236 : vector<16xi32>
    %add3A_238 = arith.addi %and3A_237, %broadcast_in_dim3A_33 : vector<16xi32>
    %swap3A_239 = arith.index_cast %rem3A_229 : i32 to index
    %swap3A_240 = arith.constant 0 : index
    %swap3A_241 = tpu.vector_load %arg8[%swap3A_239, %swap3A_240] {strides = array<i32>} : memref<5x128xi32, #tpu.memory_space<vmem>>, vector<16xi32>,
    tpu.vector_store %arg8[%swap3A_239, %swap3A_240], %add3A_238 {strides = array<i32>} : memref<5x128xi32, #tpu.memory_space<vmem>>, vector<16xi32>,
    %get3A_242 = arith.constant 0 : i32
    %get3A_243 = arith.index_cast %rem3A_229 : i32 to index
    %get3A_244 = arith.index_cast %get3A_242 : i32 to index
    %get3A_245 = arith.constant 16 : index
    %get3A_246 = tpu.vector_load %arg7[%get3A_243, %get3A_244, %get3A_245] {strides = array<i32>} : memref<5x2x128xi32, #tpu.memory_space<vmem>>, vector<16xi32>,
    %and3A_247 = arith.constant 262143 : i32
    %and3A_248 = vector.broadcast %and3A_247 : i32 to vector<16xi32>
    %and3A_249 = arith.andi %get3A_246, %and3A_248 : vector<16xi32>
    %add3A_250 = arith.addi %and3A_249, %broadcast_in_dim3A_33 : vector<16xi32>
    %swap3A_251 = arith.index_cast %rem3A_229 : i32 to index
    %swap3A_252 = arith.constant 16 : index
    %swap3A_253 = tpu.vector_load %arg8[%swap3A_251, %swap3A_252] {strides = array<i32>} : memref<5x128xi32, #tpu.memory_space<vmem>>, vector<16xi32>,
    tpu.vector_store %arg8[%swap3A_251, %swap3A_252], %add3A_250 {strides = array<i32>} : memref<5x128xi32, #tpu.memory_space<vmem>>, vector<16xi32>,
    %get3A_254 = arith.constant 0 : i32
    %get3A_255 = arith.index_cast %rem3A_229 : i32 to index
    %get3A_256 = arith.index_cast %get3A_254 : i32 to index
    %get3A_257 = arith.constant 32 : index
    %get3A_258 = tpu.vector_load %arg7[%get3A_255, %get3A_256, %get3A_257] {strides = array<i32>} : memref<5x2x128xi32, #tpu.memory_space<vmem>>, vector<16xi32>,
    %and3A_259 = arith.constant 262143 : i32
    %and3A_260 = vector.broadcast %and3A_259 : i32 to vector<16xi32>
    %and3A_261 = arith.andi %get3A_258, %and3A_260 : vector<16xi32>
    %add3A_262 = arith.addi %and3A_261, %broadcast_in_dim3A_33 : vector<16xi32>
    %swap3A_263 = arith.index_cast %rem3A_229 : i32 to index
    %swap3A_264 = arith.constant 32 : index
    %swap3A_265 = tpu.vector_load %arg8[%swap3A_263, %swap3A_264] {strides = array<i32>} : memref<5x128xi32, #tpu.memory_space<vmem>>, vector<16xi32>,
    tpu.vector_store %arg8[%swap3A_263, %swap3A_264], %add3A_262 {strides = array<i32>} : memref<5x128xi32, #tpu.memory_space<vmem>>, vector<16xi32>,
    %get3A_266 = arith.constant 0 : i32
    %get3A_267 = arith.index_cast %rem3A_229 : i32 to index
    %get3A_268 = arith.index_cast %get3A_266 : i32 to index
    %get3A_269 = arith.constant 48 : index
    %get3A_270 = tpu.vector_load %arg7[%get3A_267, %get3A_268, %get3A_269] {strides = array<i32>} : memref<5x2x128xi32, #tpu.memory_space<vmem>>, vector<16xi32>,
    %and3A_271 = arith.constant 262143 : i32
    %and3A_272 = vector.broadcast %and3A_271 : i32 to vector<16xi32>
    %and3A_273 = arith.andi %get3A_270, %and3A_272 : vector<16xi32>
    %add3A_274 = arith.addi %and3A_273, %broadcast_in_dim3A_33 : vector<16xi32>
    %swap3A_275 = arith.index_cast %rem3A_229 : i32 to index
    %swap3A_276 = arith.constant 48 : index
    %swap3A_277 = tpu.vector_load %arg8[%swap3A_275, %swap3A_276] {strides = array<i32>} : memref<5x128xi32, #tpu.memory_space<vmem>>, vector<16xi32>,
    tpu.vector_store %arg8[%swap3A_275, %swap3A_276], %add3A_274 {strides = array<i32>} : memref<5x128xi32, #tpu.memory_space<vmem>>, vector<16xi32>,
    %get3A_278 = arith.constant 0 : i32
    %get3A_279 = arith.index_cast %rem3A_229 : i32 to index
    %get3A_280 = arith.index_cast %get3A_278 : i32 to index
    %get3A_281 = arith.constant 64 : index
    %get3A_282 = tpu.vector_load %arg7[%get3A_279, %get3A_280, %get3A_281] {strides = array<i32>} : memref<5x2x128xi32, #tpu.memory_space<vmem>>, vector<16xi32>,
    %and3A_283 = arith.constant 262143 : i32
    %and3A_284 = vector.broadcast %and3A_283 : i32 to vector<16xi32>
    %and3A_285 = arith.andi %get3A_282, %and3A_284 : vector<16xi32>
    %add3A_286 = arith.addi %and3A_285, %broadcast_in_dim3A_33 : vector<16xi32>
    %swap3A_287 = arith.index_cast %rem3A_229 : i32 to index
    %swap3A_288 = arith.constant 64 : index
    %swap3A_289 = tpu.vector_load %arg8[%swap3A_287, %swap3A_288] {strides = array<i32>} : memref<5x128xi32, #tpu.memory_space<vmem>>, vector<16xi32>,
    tpu.vector_store %arg8[%swap3A_287, %swap3A_288], %add3A_286 {strides = array<i32>} : memref<5x128xi32, #tpu.memory_space<vmem>>, vector<16xi32>,
    %get3A_290 = arith.constant 0 : i32
    %get3A_291 = arith.index_cast %rem3A_229 : i32 to index
    %get3A_292 = arith.index_cast %get3A_290 : i32 to index
    %get3A_293 = arith.constant 80 : index
    %get3A_294 = tpu.vector_load %arg7[%get3A_291, %get3A_292, %get3A_293] {strides = array<i32>} : memref<5x2x128xi32, #tpu.memory_space<vmem>>, vector<16xi32>,
    %and3A_295 = arith.constant 262143 : i32
    %and3A_296 = vector.broadcast %and3A_295 : i32 to vector<16xi32>
    %and3A_297 = arith.andi %get3A_294, %and3A_296 : vector<16xi32>
    %add3A_298 = arith.addi %and3A_297, %broadcast_in_dim3A_33 : vector<16xi32>
    %swap3A_299 = arith.index_cast %rem3A_229 : i32 to index
    %swap3A_300 = arith.constant 80 : index
    %swap3A_301 = tpu.vector_load %arg8[%swap3A_299, %swap3A_300] {strides = array<i32>} : memref<5x128xi32, #tpu.memory_space<vmem>>, vector<16xi32>,
    tpu.vector_store %arg8[%swap3A_299, %swap3A_300], %add3A_298 {strides = array<i32>} : memref<5x128xi32, #tpu.memory_space<vmem>>, vector<16xi32>,
    %get3A_302 = arith.constant 0 : i32
    %get3A_303 = arith.index_cast %rem3A_229 : i32 to index
    %get3A_304 = arith.index_cast %get3A_302 : i32 to index
    %get3A_305 = arith.constant 96 : index
    %get3A_306 = tpu.vector_load %arg7[%get3A_303, %get3A_304, %get3A_305] {strides = array<i32>} : memref<5x2x128xi32, #tpu.memory_space<vmem>>, vector<16xi32>,
    %and3A_307 = arith.constant 262143 : i32
    %and3A_308 = vector.broadcast %and3A_307 : i32 to vector<16xi32>
    %and3A_309 = arith.andi %get3A_306, %and3A_308 : vector<16xi32>
    %add3A_310 = arith.addi %and3A_309, %broadcast_in_dim3A_33 : vector<16xi32>
    %swap3A_311 = arith.index_cast %rem3A_229 : i32 to index
    %swap3A_312 = arith.constant 96 : index
    %swap3A_313 = tpu.vector_load %arg8[%swap3A_311, %swap3A_312] {strides = array<i32>} : memref<5x128xi32, #tpu.memory_space<vmem>>, vector<16xi32>,
    tpu.vector_store %arg8[%swap3A_311, %swap3A_312], %add3A_310 {strides = array<i32>} : memref<5x128xi32, #tpu.memory_space<vmem>>, vector<16xi32>,
    %get3A_314 = arith.constant 0 : i32
    %get3A_315 = arith.index_cast %rem3A_229 : i32 to index
    %get3A_316 = arith.index_cast %get3A_314 : i32 to index
    %get3A_317 = arith.constant 112 : index
    %get3A_318 = tpu.vector_load %arg7[%get3A_315, %get3A_316, %get3A_317] {strides = array<i32>} : memref<5x2x128xi32, #tpu.memory_space<vmem>>, vector<16xi32>,
    %and3A_319 = arith.constant 262143 : i32
    %and3A_320 = vector.broadcast %and3A_319 : i32 to vector<16xi32>
    %and3A_321 = arith.andi %get3A_318, %and3A_320 : vector<16xi32>
    %add3A_322 = arith.addi %and3A_321, %broadcast_in_dim3A_33 : vector<16xi32>
    %swap3A_323 = arith.index_cast %rem3A_229 : i32 to index
    %swap3A_324 = arith.constant 112 : index
    %swap3A_325 = tpu.vector_load %arg8[%swap3A_323, %swap3A_324] {strides = array<i32>} : memref<5x128xi32, #tpu.memory_space<vmem>>, vector<16xi32>,
    tpu.vector_store %arg8[%swap3A_323, %swap3A_324], %add3A_322 {strides = array<i32>} : memref<5x128xi32, #tpu.memory_space<vmem>>, vector<16xi32>,
    %rem3A_326 = arith.constant 1 : i32
    %rem3A_327 = arith.constant 5 : i32
    %rem3A_328 = arith.remsi %rem3A_326, %rem3A_327 : i32
    %rem3A_329 = arith.constant 1 : i32
    %rem3A_330 = arith.constant 3 : i32
    %rem3A_331 = arith.remsi %rem3A_329, %rem3A_330 : i32
    %dma_start3A_332 = arith.constant 0 : i32
    %dma_start3A_333 = arith.constant 0 : i32
    %dma_start3A_334 = tpu.memref_slice %arg9[%rem3A_331, %dma_start3A_332, %dma_start3A_333] : memref<3x128x64xf32, #tpu.memory_space<vmem>> -> memref<1x128x64xf32, #tpu.memory_space<vmem>>
    %dma_start3A_335 = tpu.memref_squeeze %dma_start3A_334 : memref<1x128x64xf32, #tpu.memory_space<vmem>> -> memref<128x64xf32, #tpu.memory_space<vmem>>
    %dma_start3A_336 = arith.constant 0 : i32
    %dma_start3A_337 = tpu.memref_slice %arg8[%rem3A_328, %dma_start3A_336] : memref<5x128xi32, #tpu.memory_space<vmem>> -> memref<1x128xi32, #tpu.memory_space<vmem>>
    %dma_start3A_338 = tpu.memref_squeeze %dma_start3A_337 : memref<1x128xi32, #tpu.memory_space<vmem>> -> memref<128xi32, #tpu.memory_space<vmem>>
    %dma_start3A_339 = arith.constant 0 : i32
    %dma_start3A_340 = arith.constant 0 : i32
    %dma_start3A_341 = tpu.memref_slice %arg2[%dma_start3A_339, %dma_start3A_340] : memref<20000x64xf32, #tpu.memory_space<hbm>> -> memref<20000x64xf32, #tpu.memory_space<hbm>>
    tpu.enqueue_indirect_dma source(%dma_start3A_341 : memref<20000x64xf32, #tpu.memory_space<hbm>>) target(%dma_start3A_335 : memref<128x64xf32, #tpu.memory_space<vmem>>) offsets(%dma_start3A_338 : memref<128xi32, #tpu.memory_space<vmem>>) semaphore(%arg13 : memref<!tpu.dma_semaphore, #tpu.memory_space<semaphore_mem>>)
    %add3A_342 = arith.constant 2 : i32
    %add3A_343 = arith.addi %mul3A_30, %add3A_342 : i32
    %rem3A_344 = arith.constant 2 : i32
    %rem3A_345 = arith.constant 5 : i32
    %rem3A_346 = arith.remsi %rem3A_344, %rem3A_345 : i32
    %dma_start3A_347 = arith.constant 0 : i32
    %dma_start3A_348 = arith.constant 0 : i32
    %dma_start3A_349 = tpu.memref_slice %arg7[%rem3A_346, %dma_start3A_347, %dma_start3A_348] : memref<5x2x128xi32, #tpu.memory_space<vmem>> -> memref<1x2x128xi32, #tpu.memory_space<vmem>>
    %dma_start3A_350 = tpu.memref_squeeze %dma_start3A_349 : memref<1x2x128xi32, #tpu.memory_space<vmem>> -> memref<2x128xi32, #tpu.memory_space<vmem>>
    %dma_start3A_351 = arith.constant 0 : i32
    %dma_start3A_352 = arith.constant 0 : i32
    %dma_start3A_353 = tpu.memref_slice %arg3[%add3A_343, %dma_start3A_351, %dma_start3A_352] : memref<2512x2x128xi32, #tpu.memory_space<hbm>> -> memref<1x2x128xi32, #tpu.memory_space<hbm>>
    %dma_start3A_354 = tpu.memref_squeeze %dma_start3A_353 : memref<1x2x128xi32, #tpu.memory_space<hbm>> -> memref<2x128xi32, #tpu.memory_space<hbm>>
    %dma_start3A_355 = arith.constant 0 : i32
    %dma_start3A_356 = arith.constant 0 : i32
    %dma_start3A_357 = tpu.memref_slice %arg7[%rem3A_346, %dma_start3A_355, %dma_start3A_356] : memref<5x2x128xi32, #tpu.memory_space<vmem>> -> memref<1x2x128xi32, #tpu.memory_space<vmem>>
    %dma_start3A_358 = tpu.memref_squeeze %dma_start3A_357 : memref<1x2x128xi32, #tpu.memory_space<vmem>> -> memref<2x128xi32, #tpu.memory_space<vmem>>
    %dma_start3A_359 = arith.constant 0 : i32
    %dma_start3A_360 = arith.constant 0 : i32
    %dma_start3A_361 = tpu.memref_slice %arg3[%add3A_343, %dma_start3A_359, %dma_start3A_360] : memref<2512x2x128xi32, #tpu.memory_space<hbm>> -> memref<1x2x128xi32, #tpu.memory_space<hbm>>
    %dma_start3A_362 = tpu.memref_squeeze %dma_start3A_361 : memref<1x2x128xi32, #tpu.memory_space<hbm>> -> memref<2x128xi32, #tpu.memory_space<hbm>>
    tpu.enqueue_dma source(%dma_start3A_362 : memref<2x128xi32, #tpu.memory_space<hbm>>) target(%dma_start3A_358 : memref<2x128xi32, #tpu.memory_space<vmem>>) target_semaphore(%arg12 : memref<!tpu.dma_semaphore, #tpu.memory_space<semaphore_mem>>)
    %scan3A_363 = arith.constant 0 : i32
    %scan3A_364 = arith.constant 157 : i32
    %scan3A_365 = arith.addi %scan3A_363, %scan3A_364 : i32
    %scan3A_366 = arith.constant 1 : i32
    scf.for %scan3A_409 = %scan3A_363 to %scan3A_365 step %scan3A_366  : i32 {
      %rem3A_410 = arith.constant 3 : i32
      %rem3A_411 = arith.remsi %scan3A_409, %rem3A_410 : i32
      %rem3A_412 = arith.constant 2 : i32
      %rem3A_413 = arith.remsi %scan3A_409, %rem3A_412 : i32
      %rem3A_414 = arith.constant 5 : i32
      %rem3A_415 = arith.remsi %scan3A_409, %rem3A_414 : i32
      %rem3A_416 = arith.constant 5 : i32
      %rem3A_417 = arith.remsi %scan3A_409, %rem3A_416 : i32
      %rem3A_418 = arith.constant 3 : i32
      %rem3A_419 = arith.remsi %scan3A_409, %rem3A_418 : i32
      %dma_wait3A_420 = arith.constant 0 : i32
      %dma_wait3A_421 = arith.constant 0 : i32
      %dma_wait3A_422 = tpu.memref_slice %arg9[%rem3A_419, %dma_wait3A_420, %dma_wait3A_421] : memref<3x128x64xf32, #tpu.memory_space<vmem>> -> memref<1x128x64xf32, #tpu.memory_space<vmem>>
      %dma_wait3A_423 = tpu.memref_squeeze %dma_wait3A_422 : memref<1x128x64xf32, #tpu.memory_space<vmem>> -> memref<128x64xf32, #tpu.memory_space<vmem>>
      %dma_wait3A_424 = arith.constant 0 : i32
      %dma_wait3A_425 = tpu.memref_slice %arg8[%rem3A_417, %dma_wait3A_424] : memref<5x128xi32, #tpu.memory_space<vmem>> -> memref<1x128xi32, #tpu.memory_space<vmem>>
      %dma_wait3A_426 = tpu.memref_squeeze %dma_wait3A_425 : memref<1x128xi32, #tpu.memory_space<vmem>> -> memref<128xi32, #tpu.memory_space<vmem>>
      %dma_wait3A_427 = arith.constant 0 : i32
      %dma_wait3A_428 = arith.constant 0 : i32
      %dma_wait3A_429 = tpu.memref_slice %arg2[%dma_wait3A_427, %dma_wait3A_428] : memref<20000x64xf32, #tpu.memory_space<hbm>> -> memref<20000x64xf32, #tpu.memory_space<hbm>>
      tpu.wait_indirect_dma semaphore(%arg13 : memref<!tpu.dma_semaphore, #tpu.memory_space<semaphore_mem>>) src(%dma_wait3A_429 : memref<20000x64xf32, #tpu.memory_space<hbm>>) dst(%dma_wait3A_423 : memref<128x64xf32, #tpu.memory_space<vmem>>)
      %ge3A = arith.constant 2 : i32
      %ge3A_430 = arith.cmpi sge, %scan3A_409, %ge3A : i32
      %convert_element_type3A_431 = arith.extui %ge3A_430 : i1 to i32
      %cond3A_432 = arith.constant 0 : i32
      %cond3A_433 = arith.cmpi ne, %convert_element_type3A_431, %cond3A_432 : i32
      scf.if %cond3A_433 {
        %sub3A = arith.constant 2 : i32
        %sub3A_461 = arith.subi %scan3A_409, %sub3A : i32
        %rem3A_462 = arith.constant 2 : i32
        %rem3A_463 = arith.remsi %sub3A_461, %rem3A_462 : i32
        %rem3A_464 = arith.constant 5 : i32
        %rem3A_465 = arith.remsi %sub3A_461, %rem3A_464 : i32
        %dma_wait3A_466 = arith.constant 1 : i32
        %dma_wait3A_467 = arith.constant 0 : i32
        %dma_wait3A_468 = arith.constant 0 : i32
        %dma_wait3A_469 = tpu.memref_slice %arg10[%rem3A_463, %dma_wait3A_467, %dma_wait3A_468] : memref<2x128x64xf32, #tpu.memory_space<vmem>> -> memref<1x128x64xf32, #tpu.memory_space<vmem>>
        %dma_wait3A_470 = tpu.memref_squeeze %dma_wait3A_469 : memref<1x128x64xf32, #tpu.memory_space<vmem>> -> memref<128x64xf32, #tpu.memory_space<vmem>>
        %dma_wait3A_471 = arith.constant 0 : i32
        %dma_wait3A_472 = tpu.memref_slice %arg7[%rem3A_465, %dma_wait3A_466, %dma_wait3A_471] : memref<5x2x128xi32, #tpu.memory_space<vmem>> -> memref<1x1x128xi32, #tpu.memory_space<vmem>>
        %dma_wait3A_473 = tpu.memref_squeeze %dma_wait3A_472 : memref<1x1x128xi32, #tpu.memory_space<vmem>> -> memref<128xi32, #tpu.memory_space<vmem>>
        %dma_wait3A_474 = arith.constant 0 : i32
        %dma_wait3A_475 = arith.constant 0 : i32
        %dma_wait3A_476 = tpu.memref_slice %arg11[%dma_wait3A_474, %dma_wait3A_475] : memref<10112x64xf32, #tpu.memory_space<vmem_shared>> -> memref<10112x64xf32, #tpu.memory_space<vmem_shared>>
        tpu.wait_indirect_dma semaphore(%arg14 : memref<!tpu.dma_semaphore, #tpu.memory_space<semaphore_mem>>) src(%dma_wait3A_470 : memref<128x64xf32, #tpu.memory_space<vmem>>) dst(%dma_wait3A_476 : memref<10112x64xf32, #tpu.memory_space<vmem_shared>>)
      } else {
      }
      %lt3A_434 = arith.constant 155 : i32
      %lt3A_435 = arith.cmpi slt, %scan3A_409, %lt3A_434 : i32
      %convert_element_type3A_436 = arith.extui %lt3A_435 : i1 to i32
      %cond3A_437 = arith.constant 0 : i32
      %cond3A_438 = arith.cmpi ne, %convert_element_type3A_436, %cond3A_437 : i32
      scf.if %cond3A_438 {
        %add3A_461 = arith.constant 2 : i32
        %add3A_462 = arith.addi %scan3A_409, %add3A_461 : i32
        %add3A_463 = arith.addi %mul3A_30, %add3A_462 : i32
        %rem3A_464 = arith.constant 5 : i32
        %rem3A_465 = arith.remsi %add3A_462, %rem3A_464 : i32
        %dma_wait3A_466 = arith.constant 0 : i32
        %dma_wait3A_467 = arith.constant 0 : i32
        %dma_wait3A_468 = tpu.memref_slice %arg7[%rem3A_465, %dma_wait3A_466, %dma_wait3A_467] : memref<5x2x128xi32, #tpu.memory_space<vmem>> -> memref<1x2x128xi32, #tpu.memory_space<vmem>>
        %dma_wait3A_469 = tpu.memref_squeeze %dma_wait3A_468 : memref<1x2x128xi32, #tpu.memory_space<vmem>> -> memref<2x128xi32, #tpu.memory_space<vmem>>
        %dma_wait3A_470 = arith.constant 0 : i32
        %dma_wait3A_471 = arith.constant 0 : i32
        %dma_wait3A_472 = tpu.memref_slice %arg3[%add3A_463, %dma_wait3A_470, %dma_wait3A_471] : memref<2512x2x128xi32, #tpu.memory_space<hbm>> -> memref<1x2x128xi32, #tpu.memory_space<hbm>>
        %dma_wait3A_473 = tpu.memref_squeeze %dma_wait3A_472 : memref<1x2x128xi32, #tpu.memory_space<hbm>> -> memref<2x128xi32, #tpu.memory_space<hbm>>
        %dma_wait3A_474 = arith.constant 0 : i32
        %dma_wait3A_475 = arith.constant 0 : i32
        %dma_wait3A_476 = tpu.memref_slice %arg7[%rem3A_465, %dma_wait3A_474, %dma_wait3A_475] : memref<5x2x128xi32, #tpu.memory_space<vmem>> -> memref<1x2x128xi32, #tpu.memory_space<vmem>>
        %dma_wait3A_477 = tpu.memref_squeeze %dma_wait3A_476 : memref<1x2x128xi32, #tpu.memory_space<vmem>> -> memref<2x128xi32, #tpu.memory_space<vmem>>
        %dma_wait3A_478 = arith.constant 0 : i32
        %dma_wait3A_479 = arith.constant 0 : i32
        %dma_wait3A_480 = tpu.memref_slice %arg3[%add3A_463, %dma_wait3A_478, %dma_wait3A_479] : memref<2512x2x128xi32, #tpu.memory_space<hbm>> -> memref<1x2x128xi32, #tpu.memory_space<hbm>>
        %dma_wait3A_481 = tpu.memref_squeeze %dma_wait3A_480 : memref<1x2x128xi32, #tpu.memory_space<hbm>> -> memref<2x128xi32, #tpu.memory_space<hbm>>
        tpu.wait_dma2 semaphore(%arg12 : memref<!tpu.dma_semaphore, #tpu.memory_space<semaphore_mem>>) src(%dma_wait3A_481 : memref<2x128xi32, #tpu.memory_space<hbm>>) dst(%dma_wait3A_477 : memref<2x128xi32, #tpu.memory_space<vmem>>)
        %add3A_482 = arith.constant 2 : i32
        %add3A_483 = arith.addi %scan3A_409, %add3A_482 : i32
        %rem3A_484 = arith.constant 5 : i32
        %rem3A_485 = arith.remsi %add3A_483, %rem3A_484 : i32
        %get3A_486 = arith.constant 0 : i32
        %get3A_487 = arith.index_cast %rem3A_485 : i32 to index
        %get3A_488 = arith.index_cast %get3A_486 : i32 to index
        %get3A_489 = arith.constant 0 : index
        %get3A_490 = tpu.vector_load %arg7[%get3A_487, %get3A_488, %get3A_489] {strides = array<i32>} : memref<5x2x128xi32, #tpu.memory_space<vmem>>, vector<16xi32>,
        %and3A_491 = arith.constant 262143 : i32
        %and3A_492 = vector.broadcast %and3A_491 : i32 to vector<16xi32>
        %and3A_493 = arith.andi %get3A_490, %and3A_492 : vector<16xi32>
        %add3A_494 = arith.addi %and3A_493, %broadcast_in_dim3A_33 : vector<16xi32>
        %swap3A_495 = arith.index_cast %rem3A_485 : i32 to index
        %swap3A_496 = arith.constant 0 : index
        %swap3A_497 = tpu.vector_load %arg8[%swap3A_495, %swap3A_496] {strides = array<i32>} : memref<5x128xi32, #tpu.memory_space<vmem>>, vector<16xi32>,
        tpu.vector_store %arg8[%swap3A_495, %swap3A_496], %add3A_494 {strides = array<i32>} : memref<5x128xi32, #tpu.memory_space<vmem>>, vector<16xi32>,
        %get3A_498 = arith.constant 0 : i32
        %get3A_499 = arith.index_cast %rem3A_485 : i32 to index
        %get3A_500 = arith.index_cast %get3A_498 : i32 to index
        %get3A_501 = arith.constant 16 : index
        %get3A_502 = tpu.vector_load %arg7[%get3A_499, %get3A_500, %get3A_501] {strides = array<i32>} : memref<5x2x128xi32, #tpu.memory_space<vmem>>, vector<16xi32>,
        %and3A_503 = arith.constant 262143 : i32
        %and3A_504 = vector.broadcast %and3A_503 : i32 to vector<16xi32>
        %and3A_505 = arith.andi %get3A_502, %and3A_504 : vector<16xi32>
        %add3A_506 = arith.addi %and3A_505, %broadcast_in_dim3A_33 : vector<16xi32>
        %swap3A_507 = arith.index_cast %rem3A_485 : i32 to index
        %swap3A_508 = arith.constant 16 : index
        %swap3A_509 = tpu.vector_load %arg8[%swap3A_507, %swap3A_508] {strides = array<i32>} : memref<5x128xi32, #tpu.memory_space<vmem>>, vector<16xi32>,
        tpu.vector_store %arg8[%swap3A_507, %swap3A_508], %add3A_506 {strides = array<i32>} : memref<5x128xi32, #tpu.memory_space<vmem>>, vector<16xi32>,
        %get3A_510 = arith.constant 0 : i32
        %get3A_511 = arith.index_cast %rem3A_485 : i32 to index
        %get3A_512 = arith.index_cast %get3A_510 : i32 to index
        %get3A_513 = arith.constant 32 : index
        %get3A_514 = tpu.vector_load %arg7[%get3A_511, %get3A_512, %get3A_513] {strides = array<i32>} : memref<5x2x128xi32, #tpu.memory_space<vmem>>, vector<16xi32>,
        %and3A_515 = arith.constant 262143 : i32
        %and3A_516 = vector.broadcast %and3A_515 : i32 to vector<16xi32>
        %and3A_517 = arith.andi %get3A_514, %and3A_516 : vector<16xi32>
        %add3A_518 = arith.addi %and3A_517, %broadcast_in_dim3A_33 : vector<16xi32>
        %swap3A_519 = arith.index_cast %rem3A_485 : i32 to index
        %swap3A_520 = arith.constant 32 : index
        %swap3A_521 = tpu.vector_load %arg8[%swap3A_519, %swap3A_520] {strides = array<i32>} : memref<5x128xi32, #tpu.memory_space<vmem>>, vector<16xi32>,
        tpu.vector_store %arg8[%swap3A_519, %swap3A_520], %add3A_518 {strides = array<i32>} : memref<5x128xi32, #tpu.memory_space<vmem>>, vector<16xi32>,
        %get3A_522 = arith.constant 0 : i32
        %get3A_523 = arith.index_cast %rem3A_485 : i32 to index
        %get3A_524 = arith.index_cast %get3A_522 : i32 to index
        %get3A_525 = arith.constant 48 : index
        %get3A_526 = tpu.vector_load %arg7[%get3A_523, %get3A_524, %get3A_525] {strides = array<i32>} : memref<5x2x128xi32, #tpu.memory_space<vmem>>, vector<16xi32>,
        %and3A_527 = arith.constant 262143 : i32
        %and3A_528 = vector.broadcast %and3A_527 : i32 to vector<16xi32>
        %and3A_529 = arith.andi %get3A_526, %and3A_528 : vector<16xi32>
        %add3A_530 = arith.addi %and3A_529, %broadcast_in_dim3A_33 : vector<16xi32>
        %swap3A_531 = arith.index_cast %rem3A_485 : i32 to index
        %swap3A_532 = arith.constant 48 : index
        %swap3A_533 = tpu.vector_load %arg8[%swap3A_531, %swap3A_532] {strides = array<i32>} : memref<5x128xi32, #tpu.memory_space<vmem>>, vector<16xi32>,
        tpu.vector_store %arg8[%swap3A_531, %swap3A_532], %add3A_530 {strides = array<i32>} : memref<5x128xi32, #tpu.memory_space<vmem>>, vector<16xi32>,
        %get3A_534 = arith.constant 0 : i32
        %get3A_535 = arith.index_cast %rem3A_485 : i32 to index
        %get3A_536 = arith.index_cast %get3A_534 : i32 to index
        %get3A_537 = arith.constant 64 : index
        %get3A_538 = tpu.vector_load %arg7[%get3A_535, %get3A_536, %get3A_537] {strides = array<i32>} : memref<5x2x128xi32, #tpu.memory_space<vmem>>, vector<16xi32>,
        %and3A_539 = arith.constant 262143 : i32
        %and3A_540 = vector.broadcast %and3A_539 : i32 to vector<16xi32>
        %and3A_541 = arith.andi %get3A_538, %and3A_540 : vector<16xi32>
        %add3A_542 = arith.addi %and3A_541, %broadcast_in_dim3A_33 : vector<16xi32>
        %swap3A_543 = arith.index_cast %rem3A_485 : i32 to index
        %swap3A_544 = arith.constant 64 : index
        %swap3A_545 = tpu.vector_load %arg8[%swap3A_543, %swap3A_544] {strides = array<i32>} : memref<5x128xi32, #tpu.memory_space<vmem>>, vector<16xi32>,
        tpu.vector_store %arg8[%swap3A_543, %swap3A_544], %add3A_542 {strides = array<i32>} : memref<5x128xi32, #tpu.memory_space<vmem>>, vector<16xi32>,
        %get3A_546 = arith.constant 0 : i32
        %get3A_547 = arith.index_cast %rem3A_485 : i32 to index
        %get3A_548 = arith.index_cast %get3A_546 : i32 to index
        %get3A_549 = arith.constant 80 : index
        %get3A_550 = tpu.vector_load %arg7[%get3A_547, %get3A_548, %get3A_549] {strides = array<i32>} : memref<5x2x128xi32, #tpu.memory_space<vmem>>, vector<16xi32>,
        %and3A_551 = arith.constant 262143 : i32
        %and3A_552 = vector.broadcast %and3A_551 : i32 to vector<16xi32>
        %and3A_553 = arith.andi %get3A_550, %and3A_552 : vector<16xi32>
        %add3A_554 = arith.addi %and3A_553, %broadcast_in_dim3A_33 : vector<16xi32>
        %swap3A_555 = arith.index_cast %rem3A_485 : i32 to index
        %swap3A_556 = arith.constant 80 : index
        %swap3A_557 = tpu.vector_load %arg8[%swap3A_555, %swap3A_556] {strides = array<i32>} : memref<5x128xi32, #tpu.memory_space<vmem>>, vector<16xi32>,
        tpu.vector_store %arg8[%swap3A_555, %swap3A_556], %add3A_554 {strides = array<i32>} : memref<5x128xi32, #tpu.memory_space<vmem>>, vector<16xi32>,
        %get3A_558 = arith.constant 0 : i32
        %get3A_559 = arith.index_cast %rem3A_485 : i32 to index
        %get3A_560 = arith.index_cast %get3A_558 : i32 to index
        %get3A_561 = arith.constant 96 : index
        %get3A_562 = tpu.vector_load %arg7[%get3A_559, %get3A_560, %get3A_561] {strides = array<i32>} : memref<5x2x128xi32, #tpu.memory_space<vmem>>, vector<16xi32>,
        %and3A_563 = arith.constant 262143 : i32
        %and3A_564 = vector.broadcast %and3A_563 : i32 to vector<16xi32>
        %and3A_565 = arith.andi %get3A_562, %and3A_564 : vector<16xi32>
        %add3A_566 = arith.addi %and3A_565, %broadcast_in_dim3A_33 : vector<16xi32>
        %swap3A_567 = arith.index_cast %rem3A_485 : i32 to index
        %swap3A_568 = arith.constant 96 : index
        %swap3A_569 = tpu.vector_load %arg8[%swap3A_567, %swap3A_568] {strides = array<i32>} : memref<5x128xi32, #tpu.memory_space<vmem>>, vector<16xi32>,
        tpu.vector_store %arg8[%swap3A_567, %swap3A_568], %add3A_566 {strides = array<i32>} : memref<5x128xi32, #tpu.memory_space<vmem>>, vector<16xi32>,
        %get3A_570 = arith.constant 0 : i32
        %get3A_571 = arith.index_cast %rem3A_485 : i32 to index
        %get3A_572 = arith.index_cast %get3A_570 : i32 to index
        %get3A_573 = arith.constant 112 : index
        %get3A_574 = tpu.vector_load %arg7[%get3A_571, %get3A_572, %get3A_573] {strides = array<i32>} : memref<5x2x128xi32, #tpu.memory_space<vmem>>, vector<16xi32>,
        %and3A_575 = arith.constant 262143 : i32
        %and3A_576 = vector.broadcast %and3A_575 : i32 to vector<16xi32>
        %and3A_577 = arith.andi %get3A_574, %and3A_576 : vector<16xi32>
        %add3A_578 = arith.addi %and3A_577, %broadcast_in_dim3A_33 : vector<16xi32>
        %swap3A_579 = arith.index_cast %rem3A_485 : i32 to index
        %swap3A_580 = arith.constant 112 : index
        %swap3A_581 = tpu.vector_load %arg8[%swap3A_579, %swap3A_580] {strides = array<i32>} : memref<5x128xi32, #tpu.memory_space<vmem>>, vector<16xi32>,
        tpu.vector_store %arg8[%swap3A_579, %swap3A_580], %add3A_578 {strides = array<i32>} : memref<5x128xi32, #tpu.memory_space<vmem>>, vector<16xi32>,
        %add3A_582 = arith.constant 2 : i32
        %add3A_583 = arith.addi %scan3A_409, %add3A_582 : i32
        %rem3A_584 = arith.constant 5 : i32
        %rem3A_585 = arith.remsi %add3A_583, %rem3A_584 : i32
        %rem3A_586 = arith.constant 3 : i32
        %rem3A_587 = arith.remsi %add3A_583, %rem3A_586 : i32
        %dma_start3A_588 = arith.constant 0 : i32
        %dma_start3A_589 = arith.constant 0 : i32
        %dma_start3A_590 = tpu.memref_slice %arg9[%rem3A_587, %dma_start3A_588, %dma_start3A_589] : memref<3x128x64xf32, #tpu.memory_space<vmem>> -> memref<1x128x64xf32, #tpu.memory_space<vmem>>
        %dma_start3A_591 = tpu.memref_squeeze %dma_start3A_590 : memref<1x128x64xf32, #tpu.memory_space<vmem>> -> memref<128x64xf32, #tpu.memory_space<vmem>>
        %dma_start3A_592 = arith.constant 0 : i32
        %dma_start3A_593 = tpu.memref_slice %arg8[%rem3A_585, %dma_start3A_592] : memref<5x128xi32, #tpu.memory_space<vmem>> -> memref<1x128xi32, #tpu.memory_space<vmem>>
        %dma_start3A_594 = tpu.memref_squeeze %dma_start3A_593 : memref<1x128xi32, #tpu.memory_space<vmem>> -> memref<128xi32, #tpu.memory_space<vmem>>
        %dma_start3A_595 = arith.constant 0 : i32
        %dma_start3A_596 = arith.constant 0 : i32
        %dma_start3A_597 = tpu.memref_slice %arg2[%dma_start3A_595, %dma_start3A_596] : memref<20000x64xf32, #tpu.memory_space<hbm>> -> memref<20000x64xf32, #tpu.memory_space<hbm>>
        tpu.enqueue_indirect_dma source(%dma_start3A_597 : memref<20000x64xf32, #tpu.memory_space<hbm>>) target(%dma_start3A_591 : memref<128x64xf32, #tpu.memory_space<vmem>>) offsets(%dma_start3A_594 : memref<128xi32, #tpu.memory_space<vmem>>) semaphore(%arg13 : memref<!tpu.dma_semaphore, #tpu.memory_space<semaphore_mem>>)
      } else {
      }
      %lt3A_439 = arith.constant 154 : i32
      %lt3A_440 = arith.cmpi slt, %scan3A_409, %lt3A_439 : i32
      %convert_element_type3A_441 = arith.extui %lt3A_440 : i1 to i32
      %cond3A_442 = arith.constant 0 : i32
      %cond3A_443 = arith.cmpi ne, %convert_element_type3A_441, %cond3A_442 : i32
      scf.if %cond3A_443 {
        %add3A_461 = arith.constant 3 : i32
        %add3A_462 = arith.addi %scan3A_409, %add3A_461 : i32
        %add3A_463 = arith.addi %mul3A_30, %add3A_462 : i32
        %rem3A_464 = arith.constant 5 : i32
        %rem3A_465 = arith.remsi %add3A_462, %rem3A_464 : i32
        %dma_start3A_466 = arith.constant 0 : i32
        %dma_start3A_467 = arith.constant 0 : i32
        %dma_start3A_468 = tpu.memref_slice %arg7[%rem3A_465, %dma_start3A_466, %dma_start3A_467] : memref<5x2x128xi32, #tpu.memory_space<vmem>> -> memref<1x2x128xi32, #tpu.memory_space<vmem>>
        %dma_start3A_469 = tpu.memref_squeeze %dma_start3A_468 : memref<1x2x128xi32, #tpu.memory_space<vmem>> -> memref<2x128xi32, #tpu.memory_space<vmem>>
        %dma_start3A_470 = arith.constant 0 : i32
        %dma_start3A_471 = arith.constant 0 : i32
        %dma_start3A_472 = tpu.memref_slice %arg3[%add3A_463, %dma_start3A_470, %dma_start3A_471] : memref<2512x2x128xi32, #tpu.memory_space<hbm>> -> memref<1x2x128xi32, #tpu.memory_space<hbm>>
        %dma_start3A_473 = tpu.memref_squeeze %dma_start3A_472 : memref<1x2x128xi32, #tpu.memory_space<hbm>> -> memref<2x128xi32, #tpu.memory_space<hbm>>
        %dma_start3A_474 = arith.constant 0 : i32
        %dma_start3A_475 = arith.constant 0 : i32
        %dma_start3A_476 = tpu.memref_slice %arg7[%rem3A_465, %dma_start3A_474, %dma_start3A_475] : memref<5x2x128xi32, #tpu.memory_space<vmem>> -> memref<1x2x128xi32, #tpu.memory_space<vmem>>
        %dma_start3A_477 = tpu.memref_squeeze %dma_start3A_476 : memref<1x2x128xi32, #tpu.memory_space<vmem>> -> memref<2x128xi32, #tpu.memory_space<vmem>>
        %dma_start3A_478 = arith.constant 0 : i32
        %dma_start3A_479 = arith.constant 0 : i32
        %dma_start3A_480 = tpu.memref_slice %arg3[%add3A_463, %dma_start3A_478, %dma_start3A_479] : memref<2512x2x128xi32, #tpu.memory_space<hbm>> -> memref<1x2x128xi32, #tpu.memory_space<hbm>>
        %dma_start3A_481 = tpu.memref_squeeze %dma_start3A_480 : memref<1x2x128xi32, #tpu.memory_space<hbm>> -> memref<2x128xi32, #tpu.memory_space<hbm>>
        tpu.enqueue_dma source(%dma_start3A_481 : memref<2x128xi32, #tpu.memory_space<hbm>>) target(%dma_start3A_477 : memref<2x128xi32, #tpu.memory_space<vmem>>) target_semaphore(%arg12 : memref<!tpu.dma_semaphore, #tpu.memory_space<semaphore_mem>>)
      } else {
      }
      %parallel_loop3A = arith.constant 0 : i32
      %parallel_loop3A_444 = arith.constant 8 : i32
      %parallel_loop3A_445 = arith.constant 1 : i32
      scf.for %parallel_loop3A_461 = %parallel_loop3A to %parallel_loop3A_444 step %parallel_loop3A_445  : i32 {
        %parallel_loop3A_462 = arith.constant 16 : i32
        %parallel_loop3A_463 = arith.muli %parallel_loop3A_461, %parallel_loop3A_462 : i32
        %parallel_loop3A_464 = arith.constant 0 : i32
        %parallel_loop3A_465 = arith.index_cast %rem3A_415 : i32 to index
        %parallel_loop3A_466 = arith.index_cast %parallel_loop3A_464 : i32 to index
        %parallel_loop3A_467 = arith.index_cast %parallel_loop3A_463 : i32 to index
        %parallel_loop3A_468 = tpu.vector_load %arg7[%parallel_loop3A_465, %parallel_loop3A_466, %parallel_loop3A_467] {strides = array<i32>} : memref<5x2x128xi32, #tpu.memory_space<vmem>>, vector<16xi32>,
        %parallel_loop3A_469 = arith.constant 18 : i32
        %parallel_loop3A_470 = vector.broadcast %parallel_loop3A_469 : i32 to vector<16xi32>
        %parallel_loop3A_471 = arith.shrsi %parallel_loop3A_468, %parallel_loop3A_470 : vector<16xi32>
        %parallel_loop3A_472 = arith.constant 64 : i32
        %parallel_loop3A_473 = vector.broadcast %parallel_loop3A_472 : i32 to vector<16xi32>
        %parallel_loop3A_474 = arith.muli %parallel_loop3A_471, %parallel_loop3A_473 : vector<16xi32>
        %parallel_loop3A_475 = arith.constant 0 : i32
        %parallel_loop3A_476 = vector.broadcast %parallel_loop3A_475 : i32 to vector<16x1xi32>
        %parallel_loop3A_477 = vector.shape_cast %parallel_loop3A_476 : vector<16x1xi32> to vector<16xi32>
        %parallel_loop3A_478 = tpu.dynamic_gather %parallel_loop3A_474[%parallel_loop3A_477] in [0] : vector<16xi32>, vector<16xi32> -> vector<16xi32>
        %parallel_loop3A_479 = arith.constant 0 : i32
        %parallel_loop3A_480 = arith.addi %parallel_loop3A_463, %parallel_loop3A_479 : i32
        %parallel_loop3A_481 = arith.constant 0 : i32
        %parallel_loop3A_482 = vector.broadcast %parallel_loop3A_481 : i32 to vector<16xi32>
        %parallel_loop3A_483 = arith.addi %iota3A, %parallel_loop3A_482 : vector<16xi32>
        %parallel_loop3A_484 = arith.addi %parallel_loop3A_478, %parallel_loop3A_483 : vector<16xi32>
        %parallel_loop3A_485 = tpu.vector_load_idx %arg6[%parallel_loop3A_484] : memref<32768xf32, #tpu.memory_space<vmem>>[vector<16xi32>], vector<16xf32>,
        %parallel_loop3A_486 = arith.index_cast %rem3A_411 : i32 to index
        %parallel_loop3A_487 = arith.index_cast %parallel_loop3A_480 : i32 to index
        %parallel_loop3A_488 = arith.constant 0 : index
        %parallel_loop3A_489 = tpu.vector_load %arg9[%parallel_loop3A_486, %parallel_loop3A_487, %parallel_loop3A_488] {strides = array<i32>} : memref<3x128x64xf32, #tpu.memory_space<vmem>>, vector<16xf32>,
        %parallel_loop3A_490 = arith.addf %parallel_loop3A_489, %parallel_loop3A_485 : vector<16xf32>
        %parallel_loop3A_491 = arith.constant 0.000000e+00 : f32
        %parallel_loop3A_492 = vector.broadcast %parallel_loop3A_491 : f32 to vector<16xf32>
        %parallel_loop3A_493 = arith.maximumf %parallel_loop3A_490, %parallel_loop3A_492 : vector<16xf32>
        %parallel_loop3A_494 = arith.index_cast %rem3A_413 : i32 to index
        %parallel_loop3A_495 = arith.index_cast %parallel_loop3A_480 : i32 to index
        %parallel_loop3A_496 = arith.constant 0 : index
        %parallel_loop3A_497 = tpu.vector_load %arg10[%parallel_loop3A_494, %parallel_loop3A_495, %parallel_loop3A_496] {strides = array<i32>} : memref<2x128x64xf32, #tpu.memory_space<vmem>>, vector<16xf32>,
        tpu.vector_store %arg10[%parallel_loop3A_494, %parallel_loop3A_495, %parallel_loop3A_496], %parallel_loop3A_493 {strides = array<i32>} : memref<2x128x64xf32, #tpu.memory_space<vmem>>, vector<16xf32>,
        %parallel_loop3A_498 = arith.constant 16 : i32
        %parallel_loop3A_499 = vector.broadcast %parallel_loop3A_498 : i32 to vector<16xi32>
        %parallel_loop3A_500 = arith.addi %iota3A, %parallel_loop3A_499 : vector<16xi32>
        %parallel_loop3A_501 = arith.addi %parallel_loop3A_478, %parallel_loop3A_500 : vector<16xi32>
        %parallel_loop3A_502 = tpu.vector_load_idx %arg6[%parallel_loop3A_501] : memref<32768xf32, #tpu.memory_space<vmem>>[vector<16xi32>], vector<16xf32>,
        %parallel_loop3A_503 = arith.index_cast %rem3A_411 : i32 to index
        %parallel_loop3A_504 = arith.index_cast %parallel_loop3A_480 : i32 to index
        %parallel_loop3A_505 = arith.constant 16 : index
        %parallel_loop3A_506 = tpu.vector_load %arg9[%parallel_loop3A_503, %parallel_loop3A_504, %parallel_loop3A_505] {strides = array<i32>} : memref<3x128x64xf32, #tpu.memory_space<vmem>>, vector<16xf32>,
        %parallel_loop3A_507 = arith.addf %parallel_loop3A_506, %parallel_loop3A_502 : vector<16xf32>
        %parallel_loop3A_508 = arith.constant 0.000000e+00 : f32
        %parallel_loop3A_509 = vector.broadcast %parallel_loop3A_508 : f32 to vector<16xf32>
        %parallel_loop3A_510 = arith.maximumf %parallel_loop3A_507, %parallel_loop3A_509 : vector<16xf32>
        %parallel_loop3A_511 = arith.index_cast %rem3A_413 : i32 to index
        %parallel_loop3A_512 = arith.index_cast %parallel_loop3A_480 : i32 to index
        %parallel_loop3A_513 = arith.constant 16 : index
        %parallel_loop3A_514 = tpu.vector_load %arg10[%parallel_loop3A_511, %parallel_loop3A_512, %parallel_loop3A_513] {strides = array<i32>} : memref<2x128x64xf32, #tpu.memory_space<vmem>>, vector<16xf32>,
        tpu.vector_store %arg10[%parallel_loop3A_511, %parallel_loop3A_512, %parallel_loop3A_513], %parallel_loop3A_510 {strides = array<i32>} : memref<2x128x64xf32, #tpu.memory_space<vmem>>, vector<16xf32>,
        %parallel_loop3A_515 = arith.constant 32 : i32
        %parallel_loop3A_516 = vector.broadcast %parallel_loop3A_515 : i32 to vector<16xi32>
        %parallel_loop3A_517 = arith.addi %iota3A, %parallel_loop3A_516 : vector<16xi32>
        %parallel_loop3A_518 = arith.addi %parallel_loop3A_478, %parallel_loop3A_517 : vector<16xi32>
        %parallel_loop3A_519 = tpu.vector_load_idx %arg6[%parallel_loop3A_518] : memref<32768xf32, #tpu.memory_space<vmem>>[vector<16xi32>], vector<16xf32>,
        %parallel_loop3A_520 = arith.index_cast %rem3A_411 : i32 to index
        %parallel_loop3A_521 = arith.index_cast %parallel_loop3A_480 : i32 to index
        %parallel_loop3A_522 = arith.constant 32 : index
        %parallel_loop3A_523 = tpu.vector_load %arg9[%parallel_loop3A_520, %parallel_loop3A_521, %parallel_loop3A_522] {strides = array<i32>} : memref<3x128x64xf32, #tpu.memory_space<vmem>>, vector<16xf32>,
        %parallel_loop3A_524 = arith.addf %parallel_loop3A_523, %parallel_loop3A_519 : vector<16xf32>
        %parallel_loop3A_525 = arith.constant 0.000000e+00 : f32
        %parallel_loop3A_526 = vector.broadcast %parallel_loop3A_525 : f32 to vector<16xf32>
        %parallel_loop3A_527 = arith.maximumf %parallel_loop3A_524, %parallel_loop3A_526 : vector<16xf32>
        %parallel_loop3A_528 = arith.index_cast %rem3A_413 : i32 to index
        %parallel_loop3A_529 = arith.index_cast %parallel_loop3A_480 : i32 to index
        %parallel_loop3A_530 = arith.constant 32 : index
        %parallel_loop3A_531 = tpu.vector_load %arg10[%parallel_loop3A_528, %parallel_loop3A_529, %parallel_loop3A_530] {strides = array<i32>} : memref<2x128x64xf32, #tpu.memory_space<vmem>>, vector<16xf32>,
        tpu.vector_store %arg10[%parallel_loop3A_528, %parallel_loop3A_529, %parallel_loop3A_530], %parallel_loop3A_527 {strides = array<i32>} : memref<2x128x64xf32, #tpu.memory_space<vmem>>, vector<16xf32>,
        %parallel_loop3A_532 = arith.constant 48 : i32
        %parallel_loop3A_533 = vector.broadcast %parallel_loop3A_532 : i32 to vector<16xi32>
        %parallel_loop3A_534 = arith.addi %iota3A, %parallel_loop3A_533 : vector<16xi32>
        %parallel_loop3A_535 = arith.addi %parallel_loop3A_478, %parallel_loop3A_534 : vector<16xi32>
        %parallel_loop3A_536 = tpu.vector_load_idx %arg6[%parallel_loop3A_535] : memref<32768xf32, #tpu.memory_space<vmem>>[vector<16xi32>], vector<16xf32>,
        %parallel_loop3A_537 = arith.index_cast %rem3A_411 : i32 to index
        %parallel_loop3A_538 = arith.index_cast %parallel_loop3A_480 : i32 to index
        %parallel_loop3A_539 = arith.constant 48 : index
        %parallel_loop3A_540 = tpu.vector_load %arg9[%parallel_loop3A_537, %parallel_loop3A_538, %parallel_loop3A_539] {strides = array<i32>} : memref<3x128x64xf32, #tpu.memory_space<vmem>>, vector<16xf32>,
        %parallel_loop3A_541 = arith.addf %parallel_loop3A_540, %parallel_loop3A_536 : vector<16xf32>
        %parallel_loop3A_542 = arith.constant 0.000000e+00 : f32
        %parallel_loop3A_543 = vector.broadcast %parallel_loop3A_542 : f32 to vector<16xf32>
        %parallel_loop3A_544 = arith.maximumf %parallel_loop3A_541, %parallel_loop3A_543 : vector<16xf32>
        %parallel_loop3A_545 = arith.index_cast %rem3A_413 : i32 to index
        %parallel_loop3A_546 = arith.index_cast %parallel_loop3A_480 : i32 to index
        %parallel_loop3A_547 = arith.constant 48 : index
        %parallel_loop3A_548 = tpu.vector_load %arg10[%parallel_loop3A_545, %parallel_loop3A_546, %parallel_loop3A_547] {strides = array<i32>} : memref<2x128x64xf32, #tpu.memory_space<vmem>>, vector<16xf32>,
        tpu.vector_store %arg10[%parallel_loop3A_545, %parallel_loop3A_546, %parallel_loop3A_547], %parallel_loop3A_544 {strides = array<i32>} : memref<2x128x64xf32, #tpu.memory_space<vmem>>, vector<16xf32>,
        %parallel_loop3A_549 = arith.constant 1 : i32
        %parallel_loop3A_550 = vector.broadcast %parallel_loop3A_549 : i32 to vector<16x1xi32>
        %parallel_loop3A_551 = vector.shape_cast %parallel_loop3A_550 : vector<16x1xi32> to vector<16xi32>
        %parallel_loop3A_552 = tpu.dynamic_gather %parallel_loop3A_474[%parallel_loop3A_551] in [0] : vector<16xi32>, vector<16xi32> -> vector<16xi32>
        %parallel_loop3A_553 = arith.constant 1 : i32
        %parallel_loop3A_554 = arith.addi %parallel_loop3A_463, %parallel_loop3A_553 : i32
        %parallel_loop3A_555 = arith.constant 0 : i32
        %parallel_loop3A_556 = vector.broadcast %parallel_loop3A_555 : i32 to vector<16xi32>
        %parallel_loop3A_557 = arith.addi %iota3A, %parallel_loop3A_556 : vector<16xi32>
        %parallel_loop3A_558 = arith.addi %parallel_loop3A_552, %parallel_loop3A_557 : vector<16xi32>
        %parallel_loop3A_559 = tpu.vector_load_idx %arg6[%parallel_loop3A_558] : memref<32768xf32, #tpu.memory_space<vmem>>[vector<16xi32>], vector<16xf32>,
        %parallel_loop3A_560 = arith.index_cast %rem3A_411 : i32 to index
        %parallel_loop3A_561 = arith.index_cast %parallel_loop3A_554 : i32 to index
        %parallel_loop3A_562 = arith.constant 0 : index
        %parallel_loop3A_563 = tpu.vector_load %arg9[%parallel_loop3A_560, %parallel_loop3A_561, %parallel_loop3A_562] {strides = array<i32>} : memref<3x128x64xf32, #tpu.memory_space<vmem>>, vector<16xf32>,
        %parallel_loop3A_564 = arith.addf %parallel_loop3A_563, %parallel_loop3A_559 : vector<16xf32>
        %parallel_loop3A_565 = arith.constant 0.000000e+00 : f32
        %parallel_loop3A_566 = vector.broadcast %parallel_loop3A_565 : f32 to vector<16xf32>
        %parallel_loop3A_567 = arith.maximumf %parallel_loop3A_564, %parallel_loop3A_566 : vector<16xf32>
        %parallel_loop3A_568 = arith.index_cast %rem3A_413 : i32 to index
        %parallel_loop3A_569 = arith.index_cast %parallel_loop3A_554 : i32 to index
        %parallel_loop3A_570 = arith.constant 0 : index
        %parallel_loop3A_571 = tpu.vector_load %arg10[%parallel_loop3A_568, %parallel_loop3A_569, %parallel_loop3A_570] {strides = array<i32>} : memref<2x128x64xf32, #tpu.memory_space<vmem>>, vector<16xf32>,
        tpu.vector_store %arg10[%parallel_loop3A_568, %parallel_loop3A_569, %parallel_loop3A_570], %parallel_loop3A_567 {strides = array<i32>} : memref<2x128x64xf32, #tpu.memory_space<vmem>>, vector<16xf32>,
        %parallel_loop3A_572 = arith.constant 16 : i32
        %parallel_loop3A_573 = vector.broadcast %parallel_loop3A_572 : i32 to vector<16xi32>
        %parallel_loop3A_574 = arith.addi %iota3A, %parallel_loop3A_573 : vector<16xi32>
        %parallel_loop3A_575 = arith.addi %parallel_loop3A_552, %parallel_loop3A_574 : vector<16xi32>
        %parallel_loop3A_576 = tpu.vector_load_idx %arg6[%parallel_loop3A_575] : memref<32768xf32, #tpu.memory_space<vmem>>[vector<16xi32>], vector<16xf32>,
        %parallel_loop3A_577 = arith.index_cast %rem3A_411 : i32 to index
        %parallel_loop3A_578 = arith.index_cast %parallel_loop3A_554 : i32 to index
        %parallel_loop3A_579 = arith.constant 16 : index
        %parallel_loop3A_580 = tpu.vector_load %arg9[%parallel_loop3A_577, %parallel_loop3A_578, %parallel_loop3A_579] {strides = array<i32>} : memref<3x128x64xf32, #tpu.memory_space<vmem>>, vector<16xf32>,
        %parallel_loop3A_581 = arith.addf %parallel_loop3A_580, %parallel_loop3A_576 : vector<16xf32>
        %parallel_loop3A_582 = arith.constant 0.000000e+00 : f32
        %parallel_loop3A_583 = vector.broadcast %parallel_loop3A_582 : f32 to vector<16xf32>
        %parallel_loop3A_584 = arith.maximumf %parallel_loop3A_581, %parallel_loop3A_583 : vector<16xf32>
        %parallel_loop3A_585 = arith.index_cast %rem3A_413 : i32 to index
        %parallel_loop3A_586 = arith.index_cast %parallel_loop3A_554 : i32 to index
        %parallel_loop3A_587 = arith.constant 16 : index
        %parallel_loop3A_588 = tpu.vector_load %arg10[%parallel_loop3A_585, %parallel_loop3A_586, %parallel_loop3A_587] {strides = array<i32>} : memref<2x128x64xf32, #tpu.memory_space<vmem>>, vector<16xf32>,
        tpu.vector_store %arg10[%parallel_loop3A_585, %parallel_loop3A_586, %parallel_loop3A_587], %parallel_loop3A_584 {strides = array<i32>} : memref<2x128x64xf32, #tpu.memory_space<vmem>>, vector<16xf32>,
        %parallel_loop3A_589 = arith.constant 32 : i32
        %parallel_loop3A_590 = vector.broadcast %parallel_loop3A_589 : i32 to vector<16xi32>
        %parallel_loop3A_591 = arith.addi %iota3A, %parallel_loop3A_590 : vector<16xi32>
        %parallel_loop3A_592 = arith.addi %parallel_loop3A_552, %parallel_loop3A_591 : vector<16xi32>
        %parallel_loop3A_593 = tpu.vector_load_idx %arg6[%parallel_loop3A_592] : memref<32768xf32, #tpu.memory_space<vmem>>[vector<16xi32>], vector<16xf32>,
        %parallel_loop3A_594 = arith.index_cast %rem3A_411 : i32 to index
        %parallel_loop3A_595 = arith.index_cast %parallel_loop3A_554 : i32 to index
        %parallel_loop3A_596 = arith.constant 32 : index
        %parallel_loop3A_597 = tpu.vector_load %arg9[%parallel_loop3A_594, %parallel_loop3A_595, %parallel_loop3A_596] {strides = array<i32>} : memref<3x128x64xf32, #tpu.memory_space<vmem>>, vector<16xf32>,
        %parallel_loop3A_598 = arith.addf %parallel_loop3A_597, %parallel_loop3A_593 : vector<16xf32>
        %parallel_loop3A_599 = arith.constant 0.000000e+00 : f32
        %parallel_loop3A_600 = vector.broadcast %parallel_loop3A_599 : f32 to vector<16xf32>
        %parallel_loop3A_601 = arith.maximumf %parallel_loop3A_598, %parallel_loop3A_600 : vector<16xf32>
        %parallel_loop3A_602 = arith.index_cast %rem3A_413 : i32 to index
        %parallel_loop3A_603 = arith.index_cast %parallel_loop3A_554 : i32 to index
        %parallel_loop3A_604 = arith.constant 32 : index
        %parallel_loop3A_605 = tpu.vector_load %arg10[%parallel_loop3A_602, %parallel_loop3A_603, %parallel_loop3A_604] {strides = array<i32>} : memref<2x128x64xf32, #tpu.memory_space<vmem>>, vector<16xf32>,
        tpu.vector_store %arg10[%parallel_loop3A_602, %parallel_loop3A_603, %parallel_loop3A_604], %parallel_loop3A_601 {strides = array<i32>} : memref<2x128x64xf32, #tpu.memory_space<vmem>>, vector<16xf32>,
        %parallel_loop3A_606 = arith.constant 48 : i32
        %parallel_loop3A_607 = vector.broadcast %parallel_loop3A_606 : i32 to vector<16xi32>
        %parallel_loop3A_608 = arith.addi %iota3A, %parallel_loop3A_607 : vector<16xi32>
        %parallel_loop3A_609 = arith.addi %parallel_loop3A_552, %parallel_loop3A_608 : vector<16xi32>
        %parallel_loop3A_610 = tpu.vector_load_idx %arg6[%parallel_loop3A_609] : memref<32768xf32, #tpu.memory_space<vmem>>[vector<16xi32>], vector<16xf32>,
        %parallel_loop3A_611 = arith.index_cast %rem3A_411 : i32 to index
        %parallel_loop3A_612 = arith.index_cast %parallel_loop3A_554 : i32 to index
        %parallel_loop3A_613 = arith.constant 48 : index
        %parallel_loop3A_614 = tpu.vector_load %arg9[%parallel_loop3A_611, %parallel_loop3A_612, %parallel_loop3A_613] {strides = array<i32>} : memref<3x128x64xf32, #tpu.memory_space<vmem>>, vector<16xf32>,
        %parallel_loop3A_615 = arith.addf %parallel_loop3A_614, %parallel_loop3A_610 : vector<16xf32>
        %parallel_loop3A_616 = arith.constant 0.000000e+00 : f32
        %parallel_loop3A_617 = vector.broadcast %parallel_loop3A_616 : f32 to vector<16xf32>
        %parallel_loop3A_618 = arith.maximumf %parallel_loop3A_615, %parallel_loop3A_617 : vector<16xf32>
        %parallel_loop3A_619 = arith.index_cast %rem3A_413 : i32 to index
        %parallel_loop3A_620 = arith.index_cast %parallel_loop3A_554 : i32 to index
        %parallel_loop3A_621 = arith.constant 48 : index
        %parallel_loop3A_622 = tpu.vector_load %arg10[%parallel_loop3A_619, %parallel_loop3A_620, %parallel_loop3A_621] {strides = array<i32>} : memref<2x128x64xf32, #tpu.memory_space<vmem>>, vector<16xf32>,
        tpu.vector_store %arg10[%parallel_loop3A_619, %parallel_loop3A_620, %parallel_loop3A_621], %parallel_loop3A_618 {strides = array<i32>} : memref<2x128x64xf32, #tpu.memory_space<vmem>>, vector<16xf32>,
        %parallel_loop3A_623 = arith.constant 2 : i32
        %parallel_loop3A_624 = vector.broadcast %parallel_loop3A_623 : i32 to vector<16x1xi32>
        %parallel_loop3A_625 = vector.shape_cast %parallel_loop3A_624 : vector<16x1xi32> to vector<16xi32>
        %parallel_loop3A_626 = tpu.dynamic_gather %parallel_loop3A_474[%parallel_loop3A_625] in [0] : vector<16xi32>, vector<16xi32> -> vector<16xi32>
        %parallel_loop3A_627 = arith.constant 2 : i32
        %parallel_loop3A_628 = arith.addi %parallel_loop3A_463, %parallel_loop3A_627 : i32
        %parallel_loop3A_629 = arith.constant 0 : i32
        %parallel_loop3A_630 = vector.broadcast %parallel_loop3A_629 : i32 to vector<16xi32>
        %parallel_loop3A_631 = arith.addi %iota3A, %parallel_loop3A_630 : vector<16xi32>
        %parallel_loop3A_632 = arith.addi %parallel_loop3A_626, %parallel_loop3A_631 : vector<16xi32>
        %parallel_loop3A_633 = tpu.vector_load_idx %arg6[%parallel_loop3A_632] : memref<32768xf32, #tpu.memory_space<vmem>>[vector<16xi32>], vector<16xf32>,
        %parallel_loop3A_634 = arith.index_cast %rem3A_411 : i32 to index
        %parallel_loop3A_635 = arith.index_cast %parallel_loop3A_628 : i32 to index
        %parallel_loop3A_636 = arith.constant 0 : index
        %parallel_loop3A_637 = tpu.vector_load %arg9[%parallel_loop3A_634, %parallel_loop3A_635, %parallel_loop3A_636] {strides = array<i32>} : memref<3x128x64xf32, #tpu.memory_space<vmem>>, vector<16xf32>,
        %parallel_loop3A_638 = arith.addf %parallel_loop3A_637, %parallel_loop3A_633 : vector<16xf32>
        %parallel_loop3A_639 = arith.constant 0.000000e+00 : f32
        %parallel_loop3A_640 = vector.broadcast %parallel_loop3A_639 : f32 to vector<16xf32>
        %parallel_loop3A_641 = arith.maximumf %parallel_loop3A_638, %parallel_loop3A_640 : vector<16xf32>
        %parallel_loop3A_642 = arith.index_cast %rem3A_413 : i32 to index
        %parallel_loop3A_643 = arith.index_cast %parallel_loop3A_628 : i32 to index
        %parallel_loop3A_644 = arith.constant 0 : index
        %parallel_loop3A_645 = tpu.vector_load %arg10[%parallel_loop3A_642, %parallel_loop3A_643, %parallel_loop3A_644] {strides = array<i32>} : memref<2x128x64xf32, #tpu.memory_space<vmem>>, vector<16xf32>,
        tpu.vector_store %arg10[%parallel_loop3A_642, %parallel_loop3A_643, %parallel_loop3A_644], %parallel_loop3A_641 {strides = array<i32>} : memref<2x128x64xf32, #tpu.memory_space<vmem>>, vector<16xf32>,
        %parallel_loop3A_646 = arith.constant 16 : i32
        %parallel_loop3A_647 = vector.broadcast %parallel_loop3A_646 : i32 to vector<16xi32>
        %parallel_loop3A_648 = arith.addi %iota3A, %parallel_loop3A_647 : vector<16xi32>
        %parallel_loop3A_649 = arith.addi %parallel_loop3A_626, %parallel_loop3A_648 : vector<16xi32>
        %parallel_loop3A_650 = tpu.vector_load_idx %arg6[%parallel_loop3A_649] : memref<32768xf32, #tpu.memory_space<vmem>>[vector<16xi32>], vector<16xf32>,
        %parallel_loop3A_651 = arith.index_cast %rem3A_411 : i32 to index
        %parallel_loop3A_652 = arith.index_cast %parallel_loop3A_628 : i32 to index
        %parallel_loop3A_653 = arith.constant 16 : index
        %parallel_loop3A_654 = tpu.vector_load %arg9[%parallel_loop3A_651, %parallel_loop3A_652, %parallel_loop3A_653] {strides = array<i32>} : memref<3x128x64xf32, #tpu.memory_space<vmem>>, vector<16xf32>,
        %parallel_loop3A_655 = arith.addf %parallel_loop3A_654, %parallel_loop3A_650 : vector<16xf32>
        %parallel_loop3A_656 = arith.constant 0.000000e+00 : f32
        %parallel_loop3A_657 = vector.broadcast %parallel_loop3A_656 : f32 to vector<16xf32>
        %parallel_loop3A_658 = arith.maximumf %parallel_loop3A_655, %parallel_loop3A_657 : vector<16xf32>
        %parallel_loop3A_659 = arith.index_cast %rem3A_413 : i32 to index
        %parallel_loop3A_660 = arith.index_cast %parallel_loop3A_628 : i32 to index
        %parallel_loop3A_661 = arith.constant 16 : index
        %parallel_loop3A_662 = tpu.vector_load %arg10[%parallel_loop3A_659, %parallel_loop3A_660, %parallel_loop3A_661] {strides = array<i32>} : memref<2x128x64xf32, #tpu.memory_space<vmem>>, vector<16xf32>,
        tpu.vector_store %arg10[%parallel_loop3A_659, %parallel_loop3A_660, %parallel_loop3A_661], %parallel_loop3A_658 {strides = array<i32>} : memref<2x128x64xf32, #tpu.memory_space<vmem>>, vector<16xf32>,
        %parallel_loop3A_663 = arith.constant 32 : i32
        %parallel_loop3A_664 = vector.broadcast %parallel_loop3A_663 : i32 to vector<16xi32>
        %parallel_loop3A_665 = arith.addi %iota3A, %parallel_loop3A_664 : vector<16xi32>
        %parallel_loop3A_666 = arith.addi %parallel_loop3A_626, %parallel_loop3A_665 : vector<16xi32>
        %parallel_loop3A_667 = tpu.vector_load_idx %arg6[%parallel_loop3A_666] : memref<32768xf32, #tpu.memory_space<vmem>>[vector<16xi32>], vector<16xf32>,
        %parallel_loop3A_668 = arith.index_cast %rem3A_411 : i32 to index
        %parallel_loop3A_669 = arith.index_cast %parallel_loop3A_628 : i32 to index
        %parallel_loop3A_670 = arith.constant 32 : index
        %parallel_loop3A_671 = tpu.vector_load %arg9[%parallel_loop3A_668, %parallel_loop3A_669, %parallel_loop3A_670] {strides = array<i32>} : memref<3x128x64xf32, #tpu.memory_space<vmem>>, vector<16xf32>,
        %parallel_loop3A_672 = arith.addf %parallel_loop3A_671, %parallel_loop3A_667 : vector<16xf32>
        %parallel_loop3A_673 = arith.constant 0.000000e+00 : f32
        %parallel_loop3A_674 = vector.broadcast %parallel_loop3A_673 : f32 to vector<16xf32>
        %parallel_loop3A_675 = arith.maximumf %parallel_loop3A_672, %parallel_loop3A_674 : vector<16xf32>
        %parallel_loop3A_676 = arith.index_cast %rem3A_413 : i32 to index
        %parallel_loop3A_677 = arith.index_cast %parallel_loop3A_628 : i32 to index
        %parallel_loop3A_678 = arith.constant 32 : index
        %parallel_loop3A_679 = tpu.vector_load %arg10[%parallel_loop3A_676, %parallel_loop3A_677, %parallel_loop3A_678] {strides = array<i32>} : memref<2x128x64xf32, #tpu.memory_space<vmem>>, vector<16xf32>,
        tpu.vector_store %arg10[%parallel_loop3A_676, %parallel_loop3A_677, %parallel_loop3A_678], %parallel_loop3A_675 {strides = array<i32>} : memref<2x128x64xf32, #tpu.memory_space<vmem>>, vector<16xf32>,
        %parallel_loop3A_680 = arith.constant 48 : i32
        %parallel_loop3A_681 = vector.broadcast %parallel_loop3A_680 : i32 to vector<16xi32>
        %parallel_loop3A_682 = arith.addi %iota3A, %parallel_loop3A_681 : vector<16xi32>
        %parallel_loop3A_683 = arith.addi %parallel_loop3A_626, %parallel_loop3A_682 : vector<16xi32>
        %parallel_loop3A_684 = tpu.vector_load_idx %arg6[%parallel_loop3A_683] : memref<32768xf32, #tpu.memory_space<vmem>>[vector<16xi32>], vector<16xf32>,
        %parallel_loop3A_685 = arith.index_cast %rem3A_411 : i32 to index
        %parallel_loop3A_686 = arith.index_cast %parallel_loop3A_628 : i32 to index
        %parallel_loop3A_687 = arith.constant 48 : index
        %parallel_loop3A_688 = tpu.vector_load %arg9[%parallel_loop3A_685, %parallel_loop3A_686, %parallel_loop3A_687] {strides = array<i32>} : memref<3x128x64xf32, #tpu.memory_space<vmem>>, vector<16xf32>,
        %parallel_loop3A_689 = arith.addf %parallel_loop3A_688, %parallel_loop3A_684 : vector<16xf32>
        %parallel_loop3A_690 = arith.constant 0.000000e+00 : f32
        %parallel_loop3A_691 = vector.broadcast %parallel_loop3A_690 : f32 to vector<16xf32>
        %parallel_loop3A_692 = arith.maximumf %parallel_loop3A_689, %parallel_loop3A_691 : vector<16xf32>
        %parallel_loop3A_693 = arith.index_cast %rem3A_413 : i32 to index
        %parallel_loop3A_694 = arith.index_cast %parallel_loop3A_628 : i32 to index
        %parallel_loop3A_695 = arith.constant 48 : index
        %parallel_loop3A_696 = tpu.vector_load %arg10[%parallel_loop3A_693, %parallel_loop3A_694, %parallel_loop3A_695] {strides = array<i32>} : memref<2x128x64xf32, #tpu.memory_space<vmem>>, vector<16xf32>,
        tpu.vector_store %arg10[%parallel_loop3A_693, %parallel_loop3A_694, %parallel_loop3A_695], %parallel_loop3A_692 {strides = array<i32>} : memref<2x128x64xf32, #tpu.memory_space<vmem>>, vector<16xf32>,
        %parallel_loop3A_697 = arith.constant 3 : i32
        %parallel_loop3A_698 = vector.broadcast %parallel_loop3A_697 : i32 to vector<16x1xi32>
        %parallel_loop3A_699 = vector.shape_cast %parallel_loop3A_698 : vector<16x1xi32> to vector<16xi32>
        %parallel_loop3A_700 = tpu.dynamic_gather %parallel_loop3A_474[%parallel_loop3A_699] in [0] : vector<16xi32>, vector<16xi32> -> vector<16xi32>
        %parallel_loop3A_701 = arith.constant 3 : i32
        %parallel_loop3A_702 = arith.addi %parallel_loop3A_463, %parallel_loop3A_701 : i32
        %parallel_loop3A_703 = arith.constant 0 : i32
        %parallel_loop3A_704 = vector.broadcast %parallel_loop3A_703 : i32 to vector<16xi32>
        %parallel_loop3A_705 = arith.addi %iota3A, %parallel_loop3A_704 : vector<16xi32>
        %parallel_loop3A_706 = arith.addi %parallel_loop3A_700, %parallel_loop3A_705 : vector<16xi32>
        %parallel_loop3A_707 = tpu.vector_load_idx %arg6[%parallel_loop3A_706] : memref<32768xf32, #tpu.memory_space<vmem>>[vector<16xi32>], vector<16xf32>,
        %parallel_loop3A_708 = arith.index_cast %rem3A_411 : i32 to index
        %parallel_loop3A_709 = arith.index_cast %parallel_loop3A_702 : i32 to index
        %parallel_loop3A_710 = arith.constant 0 : index
        %parallel_loop3A_711 = tpu.vector_load %arg9[%parallel_loop3A_708, %parallel_loop3A_709, %parallel_loop3A_710] {strides = array<i32>} : memref<3x128x64xf32, #tpu.memory_space<vmem>>, vector<16xf32>,
        %parallel_loop3A_712 = arith.addf %parallel_loop3A_711, %parallel_loop3A_707 : vector<16xf32>
        %parallel_loop3A_713 = arith.constant 0.000000e+00 : f32
        %parallel_loop3A_714 = vector.broadcast %parallel_loop3A_713 : f32 to vector<16xf32>
        %parallel_loop3A_715 = arith.maximumf %parallel_loop3A_712, %parallel_loop3A_714 : vector<16xf32>
        %parallel_loop3A_716 = arith.index_cast %rem3A_413 : i32 to index
        %parallel_loop3A_717 = arith.index_cast %parallel_loop3A_702 : i32 to index
        %parallel_loop3A_718 = arith.constant 0 : index
        %parallel_loop3A_719 = tpu.vector_load %arg10[%parallel_loop3A_716, %parallel_loop3A_717, %parallel_loop3A_718] {strides = array<i32>} : memref<2x128x64xf32, #tpu.memory_space<vmem>>, vector<16xf32>,
        tpu.vector_store %arg10[%parallel_loop3A_716, %parallel_loop3A_717, %parallel_loop3A_718], %parallel_loop3A_715 {strides = array<i32>} : memref<2x128x64xf32, #tpu.memory_space<vmem>>, vector<16xf32>,
        %parallel_loop3A_720 = arith.constant 16 : i32
        %parallel_loop3A_721 = vector.broadcast %parallel_loop3A_720 : i32 to vector<16xi32>
        %parallel_loop3A_722 = arith.addi %iota3A, %parallel_loop3A_721 : vector<16xi32>
        %parallel_loop3A_723 = arith.addi %parallel_loop3A_700, %parallel_loop3A_722 : vector<16xi32>
        %parallel_loop3A_724 = tpu.vector_load_idx %arg6[%parallel_loop3A_723] : memref<32768xf32, #tpu.memory_space<vmem>>[vector<16xi32>], vector<16xf32>,
        %parallel_loop3A_725 = arith.index_cast %rem3A_411 : i32 to index
        %parallel_loop3A_726 = arith.index_cast %parallel_loop3A_702 : i32 to index
        %parallel_loop3A_727 = arith.constant 16 : index
        %parallel_loop3A_728 = tpu.vector_load %arg9[%parallel_loop3A_725, %parallel_loop3A_726, %parallel_loop3A_727] {strides = array<i32>} : memref<3x128x64xf32, #tpu.memory_space<vmem>>, vector<16xf32>,
        %parallel_loop3A_729 = arith.addf %parallel_loop3A_728, %parallel_loop3A_724 : vector<16xf32>
        %parallel_loop3A_730 = arith.constant 0.000000e+00 : f32
        %parallel_loop3A_731 = vector.broadcast %parallel_loop3A_730 : f32 to vector<16xf32>
        %parallel_loop3A_732 = arith.maximumf %parallel_loop3A_729, %parallel_loop3A_731 : vector<16xf32>
        %parallel_loop3A_733 = arith.index_cast %rem3A_413 : i32 to index
        %parallel_loop3A_734 = arith.index_cast %parallel_loop3A_702 : i32 to index
        %parallel_loop3A_735 = arith.constant 16 : index
        %parallel_loop3A_736 = tpu.vector_load %arg10[%parallel_loop3A_733, %parallel_loop3A_734, %parallel_loop3A_735] {strides = array<i32>} : memref<2x128x64xf32, #tpu.memory_space<vmem>>, vector<16xf32>,
        tpu.vector_store %arg10[%parallel_loop3A_733, %parallel_loop3A_734, %parallel_loop3A_735], %parallel_loop3A_732 {strides = array<i32>} : memref<2x128x64xf32, #tpu.memory_space<vmem>>, vector<16xf32>,
        %parallel_loop3A_737 = arith.constant 32 : i32
        %parallel_loop3A_738 = vector.broadcast %parallel_loop3A_737 : i32 to vector<16xi32>
        %parallel_loop3A_739 = arith.addi %iota3A, %parallel_loop3A_738 : vector<16xi32>
        %parallel_loop3A_740 = arith.addi %parallel_loop3A_700, %parallel_loop3A_739 : vector<16xi32>
        %parallel_loop3A_741 = tpu.vector_load_idx %arg6[%parallel_loop3A_740] : memref<32768xf32, #tpu.memory_space<vmem>>[vector<16xi32>], vector<16xf32>,
        %parallel_loop3A_742 = arith.index_cast %rem3A_411 : i32 to index
        %parallel_loop3A_743 = arith.index_cast %parallel_loop3A_702 : i32 to index
        %parallel_loop3A_744 = arith.constant 32 : index
        %parallel_loop3A_745 = tpu.vector_load %arg9[%parallel_loop3A_742, %parallel_loop3A_743, %parallel_loop3A_744] {strides = array<i32>} : memref<3x128x64xf32, #tpu.memory_space<vmem>>, vector<16xf32>,
        %parallel_loop3A_746 = arith.addf %parallel_loop3A_745, %parallel_loop3A_741 : vector<16xf32>
        %parallel_loop3A_747 = arith.constant 0.000000e+00 : f32
        %parallel_loop3A_748 = vector.broadcast %parallel_loop3A_747 : f32 to vector<16xf32>
        %parallel_loop3A_749 = arith.maximumf %parallel_loop3A_746, %parallel_loop3A_748 : vector<16xf32>
        %parallel_loop3A_750 = arith.index_cast %rem3A_413 : i32 to index
        %parallel_loop3A_751 = arith.index_cast %parallel_loop3A_702 : i32 to index
        %parallel_loop3A_752 = arith.constant 32 : index
        %parallel_loop3A_753 = tpu.vector_load %arg10[%parallel_loop3A_750, %parallel_loop3A_751, %parallel_loop3A_752] {strides = array<i32>} : memref<2x128x64xf32, #tpu.memory_space<vmem>>, vector<16xf32>,
        tpu.vector_store %arg10[%parallel_loop3A_750, %parallel_loop3A_751, %parallel_loop3A_752], %parallel_loop3A_749 {strides = array<i32>} : memref<2x128x64xf32, #tpu.memory_space<vmem>>, vector<16xf32>,
        %parallel_loop3A_754 = arith.constant 48 : i32
        %parallel_loop3A_755 = vector.broadcast %parallel_loop3A_754 : i32 to vector<16xi32>
        %parallel_loop3A_756 = arith.addi %iota3A, %parallel_loop3A_755 : vector<16xi32>
        %parallel_loop3A_757 = arith.addi %parallel_loop3A_700, %parallel_loop3A_756 : vector<16xi32>
        %parallel_loop3A_758 = tpu.vector_load_idx %arg6[%parallel_loop3A_757] : memref<32768xf32, #tpu.memory_space<vmem>>[vector<16xi32>], vector<16xf32>,
        %parallel_loop3A_759 = arith.index_cast %rem3A_411 : i32 to index
        %parallel_loop3A_760 = arith.index_cast %parallel_loop3A_702 : i32 to index
        %parallel_loop3A_761 = arith.constant 48 : index
        %parallel_loop3A_762 = tpu.vector_load %arg9[%parallel_loop3A_759, %parallel_loop3A_760, %parallel_loop3A_761] {strides = array<i32>} : memref<3x128x64xf32, #tpu.memory_space<vmem>>, vector<16xf32>,
        %parallel_loop3A_763 = arith.addf %parallel_loop3A_762, %parallel_loop3A_758 : vector<16xf32>
        %parallel_loop3A_764 = arith.constant 0.000000e+00 : f32
        %parallel_loop3A_765 = vector.broadcast %parallel_loop3A_764 : f32 to vector<16xf32>
        %parallel_loop3A_766 = arith.maximumf %parallel_loop3A_763, %parallel_loop3A_765 : vector<16xf32>
        %parallel_loop3A_767 = arith.index_cast %rem3A_413 : i32 to index
        %parallel_loop3A_768 = arith.index_cast %parallel_loop3A_702 : i32 to index
        %parallel_loop3A_769 = arith.constant 48 : index
        %parallel_loop3A_770 = tpu.vector_load %arg10[%parallel_loop3A_767, %parallel_loop3A_768, %parallel_loop3A_769] {strides = array<i32>} : memref<2x128x64xf32, #tpu.memory_space<vmem>>, vector<16xf32>,
        tpu.vector_store %arg10[%parallel_loop3A_767, %parallel_loop3A_768, %parallel_loop3A_769], %parallel_loop3A_766 {strides = array<i32>} : memref<2x128x64xf32, #tpu.memory_space<vmem>>, vector<16xf32>,
        %parallel_loop3A_771 = arith.constant 4 : i32
        %parallel_loop3A_772 = vector.broadcast %parallel_loop3A_771 : i32 to vector<16x1xi32>
        %parallel_loop3A_773 = vector.shape_cast %parallel_loop3A_772 : vector<16x1xi32> to vector<16xi32>
        %parallel_loop3A_774 = tpu.dynamic_gather %parallel_loop3A_474[%parallel_loop3A_773] in [0] : vector<16xi32>, vector<16xi32> -> vector<16xi32>
        %parallel_loop3A_775 = arith.constant 4 : i32
        %parallel_loop3A_776 = arith.addi %parallel_loop3A_463, %parallel_loop3A_775 : i32
        %parallel_loop3A_777 = arith.constant 0 : i32
        %parallel_loop3A_778 = vector.broadcast %parallel_loop3A_777 : i32 to vector<16xi32>
        %parallel_loop3A_779 = arith.addi %iota3A, %parallel_loop3A_778 : vector<16xi32>
        %parallel_loop3A_780 = arith.addi %parallel_loop3A_774, %parallel_loop3A_779 : vector<16xi32>
        %parallel_loop3A_781 = tpu.vector_load_idx %arg6[%parallel_loop3A_780] : memref<32768xf32, #tpu.memory_space<vmem>>[vector<16xi32>], vector<16xf32>,
        %parallel_loop3A_782 = arith.index_cast %rem3A_411 : i32 to index
        %parallel_loop3A_783 = arith.index_cast %parallel_loop3A_776 : i32 to index
        %parallel_loop3A_784 = arith.constant 0 : index
        %parallel_loop3A_785 = tpu.vector_load %arg9[%parallel_loop3A_782, %parallel_loop3A_783, %parallel_loop3A_784] {strides = array<i32>} : memref<3x128x64xf32, #tpu.memory_space<vmem>>, vector<16xf32>,
        %parallel_loop3A_786 = arith.addf %parallel_loop3A_785, %parallel_loop3A_781 : vector<16xf32>
        %parallel_loop3A_787 = arith.constant 0.000000e+00 : f32
        %parallel_loop3A_788 = vector.broadcast %parallel_loop3A_787 : f32 to vector<16xf32>
        %parallel_loop3A_789 = arith.maximumf %parallel_loop3A_786, %parallel_loop3A_788 : vector<16xf32>
        %parallel_loop3A_790 = arith.index_cast %rem3A_413 : i32 to index
        %parallel_loop3A_791 = arith.index_cast %parallel_loop3A_776 : i32 to index
        %parallel_loop3A_792 = arith.constant 0 : index
        %parallel_loop3A_793 = tpu.vector_load %arg10[%parallel_loop3A_790, %parallel_loop3A_791, %parallel_loop3A_792] {strides = array<i32>} : memref<2x128x64xf32, #tpu.memory_space<vmem>>, vector<16xf32>,
        tpu.vector_store %arg10[%parallel_loop3A_790, %parallel_loop3A_791, %parallel_loop3A_792], %parallel_loop3A_789 {strides = array<i32>} : memref<2x128x64xf32, #tpu.memory_space<vmem>>, vector<16xf32>,
        %parallel_loop3A_794 = arith.constant 16 : i32
        %parallel_loop3A_795 = vector.broadcast %parallel_loop3A_794 : i32 to vector<16xi32>
        %parallel_loop3A_796 = arith.addi %iota3A, %parallel_loop3A_795 : vector<16xi32>
        %parallel_loop3A_797 = arith.addi %parallel_loop3A_774, %parallel_loop3A_796 : vector<16xi32>
        %parallel_loop3A_798 = tpu.vector_load_idx %arg6[%parallel_loop3A_797] : memref<32768xf32, #tpu.memory_space<vmem>>[vector<16xi32>], vector<16xf32>,
        %parallel_loop3A_799 = arith.index_cast %rem3A_411 : i32 to index
        %parallel_loop3A_800 = arith.index_cast %parallel_loop3A_776 : i32 to index
        %parallel_loop3A_801 = arith.constant 16 : index
        %parallel_loop3A_802 = tpu.vector_load %arg9[%parallel_loop3A_799, %parallel_loop3A_800, %parallel_loop3A_801] {strides = array<i32>} : memref<3x128x64xf32, #tpu.memory_space<vmem>>, vector<16xf32>,
        %parallel_loop3A_803 = arith.addf %parallel_loop3A_802, %parallel_loop3A_798 : vector<16xf32>
        %parallel_loop3A_804 = arith.constant 0.000000e+00 : f32
        %parallel_loop3A_805 = vector.broadcast %parallel_loop3A_804 : f32 to vector<16xf32>
        %parallel_loop3A_806 = arith.maximumf %parallel_loop3A_803, %parallel_loop3A_805 : vector<16xf32>
        %parallel_loop3A_807 = arith.index_cast %rem3A_413 : i32 to index
        %parallel_loop3A_808 = arith.index_cast %parallel_loop3A_776 : i32 to index
        %parallel_loop3A_809 = arith.constant 16 : index
        %parallel_loop3A_810 = tpu.vector_load %arg10[%parallel_loop3A_807, %parallel_loop3A_808, %parallel_loop3A_809] {strides = array<i32>} : memref<2x128x64xf32, #tpu.memory_space<vmem>>, vector<16xf32>,
        tpu.vector_store %arg10[%parallel_loop3A_807, %parallel_loop3A_808, %parallel_loop3A_809], %parallel_loop3A_806 {strides = array<i32>} : memref<2x128x64xf32, #tpu.memory_space<vmem>>, vector<16xf32>,
        %parallel_loop3A_811 = arith.constant 32 : i32
        %parallel_loop3A_812 = vector.broadcast %parallel_loop3A_811 : i32 to vector<16xi32>
        %parallel_loop3A_813 = arith.addi %iota3A, %parallel_loop3A_812 : vector<16xi32>
        %parallel_loop3A_814 = arith.addi %parallel_loop3A_774, %parallel_loop3A_813 : vector<16xi32>
        %parallel_loop3A_815 = tpu.vector_load_idx %arg6[%parallel_loop3A_814] : memref<32768xf32, #tpu.memory_space<vmem>>[vector<16xi32>], vector<16xf32>,
        %parallel_loop3A_816 = arith.index_cast %rem3A_411 : i32 to index
        %parallel_loop3A_817 = arith.index_cast %parallel_loop3A_776 : i32 to index
        %parallel_loop3A_818 = arith.constant 32 : index
        %parallel_loop3A_819 = tpu.vector_load %arg9[%parallel_loop3A_816, %parallel_loop3A_817, %parallel_loop3A_818] {strides = array<i32>} : memref<3x128x64xf32, #tpu.memory_space<vmem>>, vector<16xf32>,
        %parallel_loop3A_820 = arith.addf %parallel_loop3A_819, %parallel_loop3A_815 : vector<16xf32>
        %parallel_loop3A_821 = arith.constant 0.000000e+00 : f32
        %parallel_loop3A_822 = vector.broadcast %parallel_loop3A_821 : f32 to vector<16xf32>
        %parallel_loop3A_823 = arith.maximumf %parallel_loop3A_820, %parallel_loop3A_822 : vector<16xf32>
        %parallel_loop3A_824 = arith.index_cast %rem3A_413 : i32 to index
        %parallel_loop3A_825 = arith.index_cast %parallel_loop3A_776 : i32 to index
        %parallel_loop3A_826 = arith.constant 32 : index
        %parallel_loop3A_827 = tpu.vector_load %arg10[%parallel_loop3A_824, %parallel_loop3A_825, %parallel_loop3A_826] {strides = array<i32>} : memref<2x128x64xf32, #tpu.memory_space<vmem>>, vector<16xf32>,
        tpu.vector_store %arg10[%parallel_loop3A_824, %parallel_loop3A_825, %parallel_loop3A_826], %parallel_loop3A_823 {strides = array<i32>} : memref<2x128x64xf32, #tpu.memory_space<vmem>>, vector<16xf32>,
        %parallel_loop3A_828 = arith.constant 48 : i32
        %parallel_loop3A_829 = vector.broadcast %parallel_loop3A_828 : i32 to vector<16xi32>
        %parallel_loop3A_830 = arith.addi %iota3A, %parallel_loop3A_829 : vector<16xi32>
        %parallel_loop3A_831 = arith.addi %parallel_loop3A_774, %parallel_loop3A_830 : vector<16xi32>
        %parallel_loop3A_832 = tpu.vector_load_idx %arg6[%parallel_loop3A_831] : memref<32768xf32, #tpu.memory_space<vmem>>[vector<16xi32>], vector<16xf32>,
        %parallel_loop3A_833 = arith.index_cast %rem3A_411 : i32 to index
        %parallel_loop3A_834 = arith.index_cast %parallel_loop3A_776 : i32 to index
        %parallel_loop3A_835 = arith.constant 48 : index
        %parallel_loop3A_836 = tpu.vector_load %arg9[%parallel_loop3A_833, %parallel_loop3A_834, %parallel_loop3A_835] {strides = array<i32>} : memref<3x128x64xf32, #tpu.memory_space<vmem>>, vector<16xf32>,
        %parallel_loop3A_837 = arith.addf %parallel_loop3A_836, %parallel_loop3A_832 : vector<16xf32>
        %parallel_loop3A_838 = arith.constant 0.000000e+00 : f32
        %parallel_loop3A_839 = vector.broadcast %parallel_loop3A_838 : f32 to vector<16xf32>
        %parallel_loop3A_840 = arith.maximumf %parallel_loop3A_837, %parallel_loop3A_839 : vector<16xf32>
        %parallel_loop3A_841 = arith.index_cast %rem3A_413 : i32 to index
        %parallel_loop3A_842 = arith.index_cast %parallel_loop3A_776 : i32 to index
        %parallel_loop3A_843 = arith.constant 48 : index
        %parallel_loop3A_844 = tpu.vector_load %arg10[%parallel_loop3A_841, %parallel_loop3A_842, %parallel_loop3A_843] {strides = array<i32>} : memref<2x128x64xf32, #tpu.memory_space<vmem>>, vector<16xf32>,
        tpu.vector_store %arg10[%parallel_loop3A_841, %parallel_loop3A_842, %parallel_loop3A_843], %parallel_loop3A_840 {strides = array<i32>} : memref<2x128x64xf32, #tpu.memory_space<vmem>>, vector<16xf32>,
        %parallel_loop3A_845 = arith.constant 5 : i32
        %parallel_loop3A_846 = vector.broadcast %parallel_loop3A_845 : i32 to vector<16x1xi32>
        %parallel_loop3A_847 = vector.shape_cast %parallel_loop3A_846 : vector<16x1xi32> to vector<16xi32>
        %parallel_loop3A_848 = tpu.dynamic_gather %parallel_loop3A_474[%parallel_loop3A_847] in [0] : vector<16xi32>, vector<16xi32> -> vector<16xi32>
        %parallel_loop3A_849 = arith.constant 5 : i32
        %parallel_loop3A_850 = arith.addi %parallel_loop3A_463, %parallel_loop3A_849 : i32
        %parallel_loop3A_851 = arith.constant 0 : i32
        %parallel_loop3A_852 = vector.broadcast %parallel_loop3A_851 : i32 to vector<16xi32>
        %parallel_loop3A_853 = arith.addi %iota3A, %parallel_loop3A_852 : vector<16xi32>
        %parallel_loop3A_854 = arith.addi %parallel_loop3A_848, %parallel_loop3A_853 : vector<16xi32>
        %parallel_loop3A_855 = tpu.vector_load_idx %arg6[%parallel_loop3A_854] : memref<32768xf32, #tpu.memory_space<vmem>>[vector<16xi32>], vector<16xf32>,
        %parallel_loop3A_856 = arith.index_cast %rem3A_411 : i32 to index
        %parallel_loop3A_857 = arith.index_cast %parallel_loop3A_850 : i32 to index
        %parallel_loop3A_858 = arith.constant 0 : index
        %parallel_loop3A_859 = tpu.vector_load %arg9[%parallel_loop3A_856, %parallel_loop3A_857, %parallel_loop3A_858] {strides = array<i32>} : memref<3x128x64xf32, #tpu.memory_space<vmem>>, vector<16xf32>,
        %parallel_loop3A_860 = arith.addf %parallel_loop3A_859, %parallel_loop3A_855 : vector<16xf32>
        %parallel_loop3A_861 = arith.constant 0.000000e+00 : f32
        %parallel_loop3A_862 = vector.broadcast %parallel_loop3A_861 : f32 to vector<16xf32>
        %parallel_loop3A_863 = arith.maximumf %parallel_loop3A_860, %parallel_loop3A_862 : vector<16xf32>
        %parallel_loop3A_864 = arith.index_cast %rem3A_413 : i32 to index
        %parallel_loop3A_865 = arith.index_cast %parallel_loop3A_850 : i32 to index
        %parallel_loop3A_866 = arith.constant 0 : index
        %parallel_loop3A_867 = tpu.vector_load %arg10[%parallel_loop3A_864, %parallel_loop3A_865, %parallel_loop3A_866] {strides = array<i32>} : memref<2x128x64xf32, #tpu.memory_space<vmem>>, vector<16xf32>,
        tpu.vector_store %arg10[%parallel_loop3A_864, %parallel_loop3A_865, %parallel_loop3A_866], %parallel_loop3A_863 {strides = array<i32>} : memref<2x128x64xf32, #tpu.memory_space<vmem>>, vector<16xf32>,
        %parallel_loop3A_868 = arith.constant 16 : i32
        %parallel_loop3A_869 = vector.broadcast %parallel_loop3A_868 : i32 to vector<16xi32>
        %parallel_loop3A_870 = arith.addi %iota3A, %parallel_loop3A_869 : vector<16xi32>
        %parallel_loop3A_871 = arith.addi %parallel_loop3A_848, %parallel_loop3A_870 : vector<16xi32>
        %parallel_loop3A_872 = tpu.vector_load_idx %arg6[%parallel_loop3A_871] : memref<32768xf32, #tpu.memory_space<vmem>>[vector<16xi32>], vector<16xf32>,
        %parallel_loop3A_873 = arith.index_cast %rem3A_411 : i32 to index
        %parallel_loop3A_874 = arith.index_cast %parallel_loop3A_850 : i32 to index
        %parallel_loop3A_875 = arith.constant 16 : index
        %parallel_loop3A_876 = tpu.vector_load %arg9[%parallel_loop3A_873, %parallel_loop3A_874, %parallel_loop3A_875] {strides = array<i32>} : memref<3x128x64xf32, #tpu.memory_space<vmem>>, vector<16xf32>,
        %parallel_loop3A_877 = arith.addf %parallel_loop3A_876, %parallel_loop3A_872 : vector<16xf32>
        %parallel_loop3A_878 = arith.constant 0.000000e+00 : f32
        %parallel_loop3A_879 = vector.broadcast %parallel_loop3A_878 : f32 to vector<16xf32>
        %parallel_loop3A_880 = arith.maximumf %parallel_loop3A_877, %parallel_loop3A_879 : vector<16xf32>
        %parallel_loop3A_881 = arith.index_cast %rem3A_413 : i32 to index
        %parallel_loop3A_882 = arith.index_cast %parallel_loop3A_850 : i32 to index
        %parallel_loop3A_883 = arith.constant 16 : index
        %parallel_loop3A_884 = tpu.vector_load %arg10[%parallel_loop3A_881, %parallel_loop3A_882, %parallel_loop3A_883] {strides = array<i32>} : memref<2x128x64xf32, #tpu.memory_space<vmem>>, vector<16xf32>,
        tpu.vector_store %arg10[%parallel_loop3A_881, %parallel_loop3A_882, %parallel_loop3A_883], %parallel_loop3A_880 {strides = array<i32>} : memref<2x128x64xf32, #tpu.memory_space<vmem>>, vector<16xf32>,
        %parallel_loop3A_885 = arith.constant 32 : i32
        %parallel_loop3A_886 = vector.broadcast %parallel_loop3A_885 : i32 to vector<16xi32>
        %parallel_loop3A_887 = arith.addi %iota3A, %parallel_loop3A_886 : vector<16xi32>
        %parallel_loop3A_888 = arith.addi %parallel_loop3A_848, %parallel_loop3A_887 : vector<16xi32>
        %parallel_loop3A_889 = tpu.vector_load_idx %arg6[%parallel_loop3A_888] : memref<32768xf32, #tpu.memory_space<vmem>>[vector<16xi32>], vector<16xf32>,
        %parallel_loop3A_890 = arith.index_cast %rem3A_411 : i32 to index
        %parallel_loop3A_891 = arith.index_cast %parallel_loop3A_850 : i32 to index
        %parallel_loop3A_892 = arith.constant 32 : index
        %parallel_loop3A_893 = tpu.vector_load %arg9[%parallel_loop3A_890, %parallel_loop3A_891, %parallel_loop3A_892] {strides = array<i32>} : memref<3x128x64xf32, #tpu.memory_space<vmem>>, vector<16xf32>,
        %parallel_loop3A_894 = arith.addf %parallel_loop3A_893, %parallel_loop3A_889 : vector<16xf32>
        %parallel_loop3A_895 = arith.constant 0.000000e+00 : f32
        %parallel_loop3A_896 = vector.broadcast %parallel_loop3A_895 : f32 to vector<16xf32>
        %parallel_loop3A_897 = arith.maximumf %parallel_loop3A_894, %parallel_loop3A_896 : vector<16xf32>
        %parallel_loop3A_898 = arith.index_cast %rem3A_413 : i32 to index
        %parallel_loop3A_899 = arith.index_cast %parallel_loop3A_850 : i32 to index
        %parallel_loop3A_900 = arith.constant 32 : index
        %parallel_loop3A_901 = tpu.vector_load %arg10[%parallel_loop3A_898, %parallel_loop3A_899, %parallel_loop3A_900] {strides = array<i32>} : memref<2x128x64xf32, #tpu.memory_space<vmem>>, vector<16xf32>,
        tpu.vector_store %arg10[%parallel_loop3A_898, %parallel_loop3A_899, %parallel_loop3A_900], %parallel_loop3A_897 {strides = array<i32>} : memref<2x128x64xf32, #tpu.memory_space<vmem>>, vector<16xf32>,
        %parallel_loop3A_902 = arith.constant 48 : i32
        %parallel_loop3A_903 = vector.broadcast %parallel_loop3A_902 : i32 to vector<16xi32>
        %parallel_loop3A_904 = arith.addi %iota3A, %parallel_loop3A_903 : vector<16xi32>
        %parallel_loop3A_905 = arith.addi %parallel_loop3A_848, %parallel_loop3A_904 : vector<16xi32>
        %parallel_loop3A_906 = tpu.vector_load_idx %arg6[%parallel_loop3A_905] : memref<32768xf32, #tpu.memory_space<vmem>>[vector<16xi32>], vector<16xf32>,
        %parallel_loop3A_907 = arith.index_cast %rem3A_411 : i32 to index
        %parallel_loop3A_908 = arith.index_cast %parallel_loop3A_850 : i32 to index
        %parallel_loop3A_909 = arith.constant 48 : index
        %parallel_loop3A_910 = tpu.vector_load %arg9[%parallel_loop3A_907, %parallel_loop3A_908, %parallel_loop3A_909] {strides = array<i32>} : memref<3x128x64xf32, #tpu.memory_space<vmem>>, vector<16xf32>,
        %parallel_loop3A_911 = arith.addf %parallel_loop3A_910, %parallel_loop3A_906 : vector<16xf32>
        %parallel_loop3A_912 = arith.constant 0.000000e+00 : f32
        %parallel_loop3A_913 = vector.broadcast %parallel_loop3A_912 : f32 to vector<16xf32>
        %parallel_loop3A_914 = arith.maximumf %parallel_loop3A_911, %parallel_loop3A_913 : vector<16xf32>
        %parallel_loop3A_915 = arith.index_cast %rem3A_413 : i32 to index
        %parallel_loop3A_916 = arith.index_cast %parallel_loop3A_850 : i32 to index
        %parallel_loop3A_917 = arith.constant 48 : index
        %parallel_loop3A_918 = tpu.vector_load %arg10[%parallel_loop3A_915, %parallel_loop3A_916, %parallel_loop3A_917] {strides = array<i32>} : memref<2x128x64xf32, #tpu.memory_space<vmem>>, vector<16xf32>,
        tpu.vector_store %arg10[%parallel_loop3A_915, %parallel_loop3A_916, %parallel_loop3A_917], %parallel_loop3A_914 {strides = array<i32>} : memref<2x128x64xf32, #tpu.memory_space<vmem>>, vector<16xf32>,
        %parallel_loop3A_919 = arith.constant 6 : i32
        %parallel_loop3A_920 = vector.broadcast %parallel_loop3A_919 : i32 to vector<16x1xi32>
        %parallel_loop3A_921 = vector.shape_cast %parallel_loop3A_920 : vector<16x1xi32> to vector<16xi32>
        %parallel_loop3A_922 = tpu.dynamic_gather %parallel_loop3A_474[%parallel_loop3A_921] in [0] : vector<16xi32>, vector<16xi32> -> vector<16xi32>
        %parallel_loop3A_923 = arith.constant 6 : i32
        %parallel_loop3A_924 = arith.addi %parallel_loop3A_463, %parallel_loop3A_923 : i32
        %parallel_loop3A_925 = arith.constant 0 : i32
        %parallel_loop3A_926 = vector.broadcast %parallel_loop3A_925 : i32 to vector<16xi32>
        %parallel_loop3A_927 = arith.addi %iota3A, %parallel_loop3A_926 : vector<16xi32>
        %parallel_loop3A_928 = arith.addi %parallel_loop3A_922, %parallel_loop3A_927 : vector<16xi32>
        %parallel_loop3A_929 = tpu.vector_load_idx %arg6[%parallel_loop3A_928] : memref<32768xf32, #tpu.memory_space<vmem>>[vector<16xi32>], vector<16xf32>,
        %parallel_loop3A_930 = arith.index_cast %rem3A_411 : i32 to index
        %parallel_loop3A_931 = arith.index_cast %parallel_loop3A_924 : i32 to index
        %parallel_loop3A_932 = arith.constant 0 : index
        %parallel_loop3A_933 = tpu.vector_load %arg9[%parallel_loop3A_930, %parallel_loop3A_931, %parallel_loop3A_932] {strides = array<i32>} : memref<3x128x64xf32, #tpu.memory_space<vmem>>, vector<16xf32>,
        %parallel_loop3A_934 = arith.addf %parallel_loop3A_933, %parallel_loop3A_929 : vector<16xf32>
        %parallel_loop3A_935 = arith.constant 0.000000e+00 : f32
        %parallel_loop3A_936 = vector.broadcast %parallel_loop3A_935 : f32 to vector<16xf32>
        %parallel_loop3A_937 = arith.maximumf %parallel_loop3A_934, %parallel_loop3A_936 : vector<16xf32>
        %parallel_loop3A_938 = arith.index_cast %rem3A_413 : i32 to index
        %parallel_loop3A_939 = arith.index_cast %parallel_loop3A_924 : i32 to index
        %parallel_loop3A_940 = arith.constant 0 : index
        %parallel_loop3A_941 = tpu.vector_load %arg10[%parallel_loop3A_938, %parallel_loop3A_939, %parallel_loop3A_940] {strides = array<i32>} : memref<2x128x64xf32, #tpu.memory_space<vmem>>, vector<16xf32>,
        tpu.vector_store %arg10[%parallel_loop3A_938, %parallel_loop3A_939, %parallel_loop3A_940], %parallel_loop3A_937 {strides = array<i32>} : memref<2x128x64xf32, #tpu.memory_space<vmem>>, vector<16xf32>,
        %parallel_loop3A_942 = arith.constant 16 : i32
        %parallel_loop3A_943 = vector.broadcast %parallel_loop3A_942 : i32 to vector<16xi32>
        %parallel_loop3A_944 = arith.addi %iota3A, %parallel_loop3A_943 : vector<16xi32>
        %parallel_loop3A_945 = arith.addi %parallel_loop3A_922, %parallel_loop3A_944 : vector<16xi32>
        %parallel_loop3A_946 = tpu.vector_load_idx %arg6[%parallel_loop3A_945] : memref<32768xf32, #tpu.memory_space<vmem>>[vector<16xi32>], vector<16xf32>,
        %parallel_loop3A_947 = arith.index_cast %rem3A_411 : i32 to index
        %parallel_loop3A_948 = arith.index_cast %parallel_loop3A_924 : i32 to index
        %parallel_loop3A_949 = arith.constant 16 : index
        %parallel_loop3A_950 = tpu.vector_load %arg9[%parallel_loop3A_947, %parallel_loop3A_948, %parallel_loop3A_949] {strides = array<i32>} : memref<3x128x64xf32, #tpu.memory_space<vmem>>, vector<16xf32>,
        %parallel_loop3A_951 = arith.addf %parallel_loop3A_950, %parallel_loop3A_946 : vector<16xf32>
        %parallel_loop3A_952 = arith.constant 0.000000e+00 : f32
        %parallel_loop3A_953 = vector.broadcast %parallel_loop3A_952 : f32 to vector<16xf32>
        %parallel_loop3A_954 = arith.maximumf %parallel_loop3A_951, %parallel_loop3A_953 : vector<16xf32>
        %parallel_loop3A_955 = arith.index_cast %rem3A_413 : i32 to index
        %parallel_loop3A_956 = arith.index_cast %parallel_loop3A_924 : i32 to index
        %parallel_loop3A_957 = arith.constant 16 : index
        %parallel_loop3A_958 = tpu.vector_load %arg10[%parallel_loop3A_955, %parallel_loop3A_956, %parallel_loop3A_957] {strides = array<i32>} : memref<2x128x64xf32, #tpu.memory_space<vmem>>, vector<16xf32>,
        tpu.vector_store %arg10[%parallel_loop3A_955, %parallel_loop3A_956, %parallel_loop3A_957], %parallel_loop3A_954 {strides = array<i32>} : memref<2x128x64xf32, #tpu.memory_space<vmem>>, vector<16xf32>,
        %parallel_loop3A_959 = arith.constant 32 : i32
        %parallel_loop3A_960 = vector.broadcast %parallel_loop3A_959 : i32 to vector<16xi32>
        %parallel_loop3A_961 = arith.addi %iota3A, %parallel_loop3A_960 : vector<16xi32>
        %parallel_loop3A_962 = arith.addi %parallel_loop3A_922, %parallel_loop3A_961 : vector<16xi32>
        %parallel_loop3A_963 = tpu.vector_load_idx %arg6[%parallel_loop3A_962] : memref<32768xf32, #tpu.memory_space<vmem>>[vector<16xi32>], vector<16xf32>,
        %parallel_loop3A_964 = arith.index_cast %rem3A_411 : i32 to index
        %parallel_loop3A_965 = arith.index_cast %parallel_loop3A_924 : i32 to index
        %parallel_loop3A_966 = arith.constant 32 : index
        %parallel_loop3A_967 = tpu.vector_load %arg9[%parallel_loop3A_964, %parallel_loop3A_965, %parallel_loop3A_966] {strides = array<i32>} : memref<3x128x64xf32, #tpu.memory_space<vmem>>, vector<16xf32>,
        %parallel_loop3A_968 = arith.addf %parallel_loop3A_967, %parallel_loop3A_963 : vector<16xf32>
        %parallel_loop3A_969 = arith.constant 0.000000e+00 : f32
        %parallel_loop3A_970 = vector.broadcast %parallel_loop3A_969 : f32 to vector<16xf32>
        %parallel_loop3A_971 = arith.maximumf %parallel_loop3A_968, %parallel_loop3A_970 : vector<16xf32>
        %parallel_loop3A_972 = arith.index_cast %rem3A_413 : i32 to index
        %parallel_loop3A_973 = arith.index_cast %parallel_loop3A_924 : i32 to index
        %parallel_loop3A_974 = arith.constant 32 : index
        %parallel_loop3A_975 = tpu.vector_load %arg10[%parallel_loop3A_972, %parallel_loop3A_973, %parallel_loop3A_974] {strides = array<i32>} : memref<2x128x64xf32, #tpu.memory_space<vmem>>, vector<16xf32>,
        tpu.vector_store %arg10[%parallel_loop3A_972, %parallel_loop3A_973, %parallel_loop3A_974], %parallel_loop3A_971 {strides = array<i32>} : memref<2x128x64xf32, #tpu.memory_space<vmem>>, vector<16xf32>,
        %parallel_loop3A_976 = arith.constant 48 : i32
        %parallel_loop3A_977 = vector.broadcast %parallel_loop3A_976 : i32 to vector<16xi32>
        %parallel_loop3A_978 = arith.addi %iota3A, %parallel_loop3A_977 : vector<16xi32>
        %parallel_loop3A_979 = arith.addi %parallel_loop3A_922, %parallel_loop3A_978 : vector<16xi32>
        %parallel_loop3A_980 = tpu.vector_load_idx %arg6[%parallel_loop3A_979] : memref<32768xf32, #tpu.memory_space<vmem>>[vector<16xi32>], vector<16xf32>,
        %parallel_loop3A_981 = arith.index_cast %rem3A_411 : i32 to index
        %parallel_loop3A_982 = arith.index_cast %parallel_loop3A_924 : i32 to index
        %parallel_loop3A_983 = arith.constant 48 : index
        %parallel_loop3A_984 = tpu.vector_load %arg9[%parallel_loop3A_981, %parallel_loop3A_982, %parallel_loop3A_983] {strides = array<i32>} : memref<3x128x64xf32, #tpu.memory_space<vmem>>, vector<16xf32>,
        %parallel_loop3A_985 = arith.addf %parallel_loop3A_984, %parallel_loop3A_980 : vector<16xf32>
        %parallel_loop3A_986 = arith.constant 0.000000e+00 : f32
        %parallel_loop3A_987 = vector.broadcast %parallel_loop3A_986 : f32 to vector<16xf32>
        %parallel_loop3A_988 = arith.maximumf %parallel_loop3A_985, %parallel_loop3A_987 : vector<16xf32>
        %parallel_loop3A_989 = arith.index_cast %rem3A_413 : i32 to index
        %parallel_loop3A_990 = arith.index_cast %parallel_loop3A_924 : i32 to index
        %parallel_loop3A_991 = arith.constant 48 : index
        %parallel_loop3A_992 = tpu.vector_load %arg10[%parallel_loop3A_989, %parallel_loop3A_990, %parallel_loop3A_991] {strides = array<i32>} : memref<2x128x64xf32, #tpu.memory_space<vmem>>, vector<16xf32>,
        tpu.vector_store %arg10[%parallel_loop3A_989, %parallel_loop3A_990, %parallel_loop3A_991], %parallel_loop3A_988 {strides = array<i32>} : memref<2x128x64xf32, #tpu.memory_space<vmem>>, vector<16xf32>,
        %parallel_loop3A_993 = arith.constant 7 : i32
        %parallel_loop3A_994 = vector.broadcast %parallel_loop3A_993 : i32 to vector<16x1xi32>
        %parallel_loop3A_995 = vector.shape_cast %parallel_loop3A_994 : vector<16x1xi32> to vector<16xi32>
        %parallel_loop3A_996 = tpu.dynamic_gather %parallel_loop3A_474[%parallel_loop3A_995] in [0] : vector<16xi32>, vector<16xi32> -> vector<16xi32>
        %parallel_loop3A_997 = arith.constant 7 : i32
        %parallel_loop3A_998 = arith.addi %parallel_loop3A_463, %parallel_loop3A_997 : i32
        %parallel_loop3A_999 = arith.constant 0 : i32
        %parallel_loop3A_1000 = vector.broadcast %parallel_loop3A_999 : i32 to vector<16xi32>
        %parallel_loop3A_1001 = arith.addi %iota3A, %parallel_loop3A_1000 : vector<16xi32>
        %parallel_loop3A_1002 = arith.addi %parallel_loop3A_996, %parallel_loop3A_1001 : vector<16xi32>
        %parallel_loop3A_1003 = tpu.vector_load_idx %arg6[%parallel_loop3A_1002] : memref<32768xf32, #tpu.memory_space<vmem>>[vector<16xi32>], vector<16xf32>,
        %parallel_loop3A_1004 = arith.index_cast %rem3A_411 : i32 to index
        %parallel_loop3A_1005 = arith.index_cast %parallel_loop3A_998 : i32 to index
        %parallel_loop3A_1006 = arith.constant 0 : index
        %parallel_loop3A_1007 = tpu.vector_load %arg9[%parallel_loop3A_1004, %parallel_loop3A_1005, %parallel_loop3A_1006] {strides = array<i32>} : memref<3x128x64xf32, #tpu.memory_space<vmem>>, vector<16xf32>,
        %parallel_loop3A_1008 = arith.addf %parallel_loop3A_1007, %parallel_loop3A_1003 : vector<16xf32>
        %parallel_loop3A_1009 = arith.constant 0.000000e+00 : f32
        %parallel_loop3A_1010 = vector.broadcast %parallel_loop3A_1009 : f32 to vector<16xf32>
        %parallel_loop3A_1011 = arith.maximumf %parallel_loop3A_1008, %parallel_loop3A_1010 : vector<16xf32>
        %parallel_loop3A_1012 = arith.index_cast %rem3A_413 : i32 to index
        %parallel_loop3A_1013 = arith.index_cast %parallel_loop3A_998 : i32 to index
        %parallel_loop3A_1014 = arith.constant 0 : index
        %parallel_loop3A_1015 = tpu.vector_load %arg10[%parallel_loop3A_1012, %parallel_loop3A_1013, %parallel_loop3A_1014] {strides = array<i32>} : memref<2x128x64xf32, #tpu.memory_space<vmem>>, vector<16xf32>,
        tpu.vector_store %arg10[%parallel_loop3A_1012, %parallel_loop3A_1013, %parallel_loop3A_1014], %parallel_loop3A_1011 {strides = array<i32>} : memref<2x128x64xf32, #tpu.memory_space<vmem>>, vector<16xf32>,
        %parallel_loop3A_1016 = arith.constant 16 : i32
        %parallel_loop3A_1017 = vector.broadcast %parallel_loop3A_1016 : i32 to vector<16xi32>
        %parallel_loop3A_1018 = arith.addi %iota3A, %parallel_loop3A_1017 : vector<16xi32>
        %parallel_loop3A_1019 = arith.addi %parallel_loop3A_996, %parallel_loop3A_1018 : vector<16xi32>
        %parallel_loop3A_1020 = tpu.vector_load_idx %arg6[%parallel_loop3A_1019] : memref<32768xf32, #tpu.memory_space<vmem>>[vector<16xi32>], vector<16xf32>,
        %parallel_loop3A_1021 = arith.index_cast %rem3A_411 : i32 to index
        %parallel_loop3A_1022 = arith.index_cast %parallel_loop3A_998 : i32 to index
        %parallel_loop3A_1023 = arith.constant 16 : index
        %parallel_loop3A_1024 = tpu.vector_load %arg9[%parallel_loop3A_1021, %parallel_loop3A_1022, %parallel_loop3A_1023] {strides = array<i32>} : memref<3x128x64xf32, #tpu.memory_space<vmem>>, vector<16xf32>,
        %parallel_loop3A_1025 = arith.addf %parallel_loop3A_1024, %parallel_loop3A_1020 : vector<16xf32>
        %parallel_loop3A_1026 = arith.constant 0.000000e+00 : f32
        %parallel_loop3A_1027 = vector.broadcast %parallel_loop3A_1026 : f32 to vector<16xf32>
        %parallel_loop3A_1028 = arith.maximumf %parallel_loop3A_1025, %parallel_loop3A_1027 : vector<16xf32>
        %parallel_loop3A_1029 = arith.index_cast %rem3A_413 : i32 to index
        %parallel_loop3A_1030 = arith.index_cast %parallel_loop3A_998 : i32 to index
        %parallel_loop3A_1031 = arith.constant 16 : index
        %parallel_loop3A_1032 = tpu.vector_load %arg10[%parallel_loop3A_1029, %parallel_loop3A_1030, %parallel_loop3A_1031] {strides = array<i32>} : memref<2x128x64xf32, #tpu.memory_space<vmem>>, vector<16xf32>,
        tpu.vector_store %arg10[%parallel_loop3A_1029, %parallel_loop3A_1030, %parallel_loop3A_1031], %parallel_loop3A_1028 {strides = array<i32>} : memref<2x128x64xf32, #tpu.memory_space<vmem>>, vector<16xf32>,
        %parallel_loop3A_1033 = arith.constant 32 : i32
        %parallel_loop3A_1034 = vector.broadcast %parallel_loop3A_1033 : i32 to vector<16xi32>
        %parallel_loop3A_1035 = arith.addi %iota3A, %parallel_loop3A_1034 : vector<16xi32>
        %parallel_loop3A_1036 = arith.addi %parallel_loop3A_996, %parallel_loop3A_1035 : vector<16xi32>
        %parallel_loop3A_1037 = tpu.vector_load_idx %arg6[%parallel_loop3A_1036] : memref<32768xf32, #tpu.memory_space<vmem>>[vector<16xi32>], vector<16xf32>,
        %parallel_loop3A_1038 = arith.index_cast %rem3A_411 : i32 to index
        %parallel_loop3A_1039 = arith.index_cast %parallel_loop3A_998 : i32 to index
        %parallel_loop3A_1040 = arith.constant 32 : index
        %parallel_loop3A_1041 = tpu.vector_load %arg9[%parallel_loop3A_1038, %parallel_loop3A_1039, %parallel_loop3A_1040] {strides = array<i32>} : memref<3x128x64xf32, #tpu.memory_space<vmem>>, vector<16xf32>,
        %parallel_loop3A_1042 = arith.addf %parallel_loop3A_1041, %parallel_loop3A_1037 : vector<16xf32>
        %parallel_loop3A_1043 = arith.constant 0.000000e+00 : f32
        %parallel_loop3A_1044 = vector.broadcast %parallel_loop3A_1043 : f32 to vector<16xf32>
        %parallel_loop3A_1045 = arith.maximumf %parallel_loop3A_1042, %parallel_loop3A_1044 : vector<16xf32>
        %parallel_loop3A_1046 = arith.index_cast %rem3A_413 : i32 to index
        %parallel_loop3A_1047 = arith.index_cast %parallel_loop3A_998 : i32 to index
        %parallel_loop3A_1048 = arith.constant 32 : index
        %parallel_loop3A_1049 = tpu.vector_load %arg10[%parallel_loop3A_1046, %parallel_loop3A_1047, %parallel_loop3A_1048] {strides = array<i32>} : memref<2x128x64xf32, #tpu.memory_space<vmem>>, vector<16xf32>,
        tpu.vector_store %arg10[%parallel_loop3A_1046, %parallel_loop3A_1047, %parallel_loop3A_1048], %parallel_loop3A_1045 {strides = array<i32>} : memref<2x128x64xf32, #tpu.memory_space<vmem>>, vector<16xf32>,
        %parallel_loop3A_1050 = arith.constant 48 : i32
        %parallel_loop3A_1051 = vector.broadcast %parallel_loop3A_1050 : i32 to vector<16xi32>
        %parallel_loop3A_1052 = arith.addi %iota3A, %parallel_loop3A_1051 : vector<16xi32>
        %parallel_loop3A_1053 = arith.addi %parallel_loop3A_996, %parallel_loop3A_1052 : vector<16xi32>
        %parallel_loop3A_1054 = tpu.vector_load_idx %arg6[%parallel_loop3A_1053] : memref<32768xf32, #tpu.memory_space<vmem>>[vector<16xi32>], vector<16xf32>,
        %parallel_loop3A_1055 = arith.index_cast %rem3A_411 : i32 to index
        %parallel_loop3A_1056 = arith.index_cast %parallel_loop3A_998 : i32 to index
        %parallel_loop3A_1057 = arith.constant 48 : index
        %parallel_loop3A_1058 = tpu.vector_load %arg9[%parallel_loop3A_1055, %parallel_loop3A_1056, %parallel_loop3A_1057] {strides = array<i32>} : memref<3x128x64xf32, #tpu.memory_space<vmem>>, vector<16xf32>,
        %parallel_loop3A_1059 = arith.addf %parallel_loop3A_1058, %parallel_loop3A_1054 : vector<16xf32>
        %parallel_loop3A_1060 = arith.constant 0.000000e+00 : f32
        %parallel_loop3A_1061 = vector.broadcast %parallel_loop3A_1060 : f32 to vector<16xf32>
        %parallel_loop3A_1062 = arith.maximumf %parallel_loop3A_1059, %parallel_loop3A_1061 : vector<16xf32>
        %parallel_loop3A_1063 = arith.index_cast %rem3A_413 : i32 to index
        %parallel_loop3A_1064 = arith.index_cast %parallel_loop3A_998 : i32 to index
        %parallel_loop3A_1065 = arith.constant 48 : index
        %parallel_loop3A_1066 = tpu.vector_load %arg10[%parallel_loop3A_1063, %parallel_loop3A_1064, %parallel_loop3A_1065] {strides = array<i32>} : memref<2x128x64xf32, #tpu.memory_space<vmem>>, vector<16xf32>,
        tpu.vector_store %arg10[%parallel_loop3A_1063, %parallel_loop3A_1064, %parallel_loop3A_1065], %parallel_loop3A_1062 {strides = array<i32>} : memref<2x128x64xf32, #tpu.memory_space<vmem>>, vector<16xf32>,
        %parallel_loop3A_1067 = arith.constant 8 : i32
        %parallel_loop3A_1068 = vector.broadcast %parallel_loop3A_1067 : i32 to vector<16x1xi32>
        %parallel_loop3A_1069 = vector.shape_cast %parallel_loop3A_1068 : vector<16x1xi32> to vector<16xi32>
        %parallel_loop3A_1070 = tpu.dynamic_gather %parallel_loop3A_474[%parallel_loop3A_1069] in [0] : vector<16xi32>, vector<16xi32> -> vector<16xi32>
        %parallel_loop3A_1071 = arith.constant 8 : i32
        %parallel_loop3A_1072 = arith.addi %parallel_loop3A_463, %parallel_loop3A_1071 : i32
        %parallel_loop3A_1073 = arith.constant 0 : i32
        %parallel_loop3A_1074 = vector.broadcast %parallel_loop3A_1073 : i32 to vector<16xi32>
        %parallel_loop3A_1075 = arith.addi %iota3A, %parallel_loop3A_1074 : vector<16xi32>
        %parallel_loop3A_1076 = arith.addi %parallel_loop3A_1070, %parallel_loop3A_1075 : vector<16xi32>
        %parallel_loop3A_1077 = tpu.vector_load_idx %arg6[%parallel_loop3A_1076] : memref<32768xf32, #tpu.memory_space<vmem>>[vector<16xi32>], vector<16xf32>,
        %parallel_loop3A_1078 = arith.index_cast %rem3A_411 : i32 to index
        %parallel_loop3A_1079 = arith.index_cast %parallel_loop3A_1072 : i32 to index
        %parallel_loop3A_1080 = arith.constant 0 : index
        %parallel_loop3A_1081 = tpu.vector_load %arg9[%parallel_loop3A_1078, %parallel_loop3A_1079, %parallel_loop3A_1080] {strides = array<i32>} : memref<3x128x64xf32, #tpu.memory_space<vmem>>, vector<16xf32>,
        %parallel_loop3A_1082 = arith.addf %parallel_loop3A_1081, %parallel_loop3A_1077 : vector<16xf32>
        %parallel_loop3A_1083 = arith.constant 0.000000e+00 : f32
        %parallel_loop3A_1084 = vector.broadcast %parallel_loop3A_1083 : f32 to vector<16xf32>
        %parallel_loop3A_1085 = arith.maximumf %parallel_loop3A_1082, %parallel_loop3A_1084 : vector<16xf32>
        %parallel_loop3A_1086 = arith.index_cast %rem3A_413 : i32 to index
        %parallel_loop3A_1087 = arith.index_cast %parallel_loop3A_1072 : i32 to index
        %parallel_loop3A_1088 = arith.constant 0 : index
        %parallel_loop3A_1089 = tpu.vector_load %arg10[%parallel_loop3A_1086, %parallel_loop3A_1087, %parallel_loop3A_1088] {strides = array<i32>} : memref<2x128x64xf32, #tpu.memory_space<vmem>>, vector<16xf32>,
        tpu.vector_store %arg10[%parallel_loop3A_1086, %parallel_loop3A_1087, %parallel_loop3A_1088], %parallel_loop3A_1085 {strides = array<i32>} : memref<2x128x64xf32, #tpu.memory_space<vmem>>, vector<16xf32>,
        %parallel_loop3A_1090 = arith.constant 16 : i32
        %parallel_loop3A_1091 = vector.broadcast %parallel_loop3A_1090 : i32 to vector<16xi32>
        %parallel_loop3A_1092 = arith.addi %iota3A, %parallel_loop3A_1091 : vector<16xi32>
        %parallel_loop3A_1093 = arith.addi %parallel_loop3A_1070, %parallel_loop3A_1092 : vector<16xi32>
        %parallel_loop3A_1094 = tpu.vector_load_idx %arg6[%parallel_loop3A_1093] : memref<32768xf32, #tpu.memory_space<vmem>>[vector<16xi32>], vector<16xf32>,
        %parallel_loop3A_1095 = arith.index_cast %rem3A_411 : i32 to index
        %parallel_loop3A_1096 = arith.index_cast %parallel_loop3A_1072 : i32 to index
        %parallel_loop3A_1097 = arith.constant 16 : index
        %parallel_loop3A_1098 = tpu.vector_load %arg9[%parallel_loop3A_1095, %parallel_loop3A_1096, %parallel_loop3A_1097] {strides = array<i32>} : memref<3x128x64xf32, #tpu.memory_space<vmem>>, vector<16xf32>,
        %parallel_loop3A_1099 = arith.addf %parallel_loop3A_1098, %parallel_loop3A_1094 : vector<16xf32>
        %parallel_loop3A_1100 = arith.constant 0.000000e+00 : f32
        %parallel_loop3A_1101 = vector.broadcast %parallel_loop3A_1100 : f32 to vector<16xf32>
        %parallel_loop3A_1102 = arith.maximumf %parallel_loop3A_1099, %parallel_loop3A_1101 : vector<16xf32>
        %parallel_loop3A_1103 = arith.index_cast %rem3A_413 : i32 to index
        %parallel_loop3A_1104 = arith.index_cast %parallel_loop3A_1072 : i32 to index
        %parallel_loop3A_1105 = arith.constant 16 : index
        %parallel_loop3A_1106 = tpu.vector_load %arg10[%parallel_loop3A_1103, %parallel_loop3A_1104, %parallel_loop3A_1105] {strides = array<i32>} : memref<2x128x64xf32, #tpu.memory_space<vmem>>, vector<16xf32>,
        tpu.vector_store %arg10[%parallel_loop3A_1103, %parallel_loop3A_1104, %parallel_loop3A_1105], %parallel_loop3A_1102 {strides = array<i32>} : memref<2x128x64xf32, #tpu.memory_space<vmem>>, vector<16xf32>,
        %parallel_loop3A_1107 = arith.constant 32 : i32
        %parallel_loop3A_1108 = vector.broadcast %parallel_loop3A_1107 : i32 to vector<16xi32>
        %parallel_loop3A_1109 = arith.addi %iota3A, %parallel_loop3A_1108 : vector<16xi32>
        %parallel_loop3A_1110 = arith.addi %parallel_loop3A_1070, %parallel_loop3A_1109 : vector<16xi32>
        %parallel_loop3A_1111 = tpu.vector_load_idx %arg6[%parallel_loop3A_1110] : memref<32768xf32, #tpu.memory_space<vmem>>[vector<16xi32>], vector<16xf32>,
        %parallel_loop3A_1112 = arith.index_cast %rem3A_411 : i32 to index
        %parallel_loop3A_1113 = arith.index_cast %parallel_loop3A_1072 : i32 to index
        %parallel_loop3A_1114 = arith.constant 32 : index
        %parallel_loop3A_1115 = tpu.vector_load %arg9[%parallel_loop3A_1112, %parallel_loop3A_1113, %parallel_loop3A_1114] {strides = array<i32>} : memref<3x128x64xf32, #tpu.memory_space<vmem>>, vector<16xf32>,
        %parallel_loop3A_1116 = arith.addf %parallel_loop3A_1115, %parallel_loop3A_1111 : vector<16xf32>
        %parallel_loop3A_1117 = arith.constant 0.000000e+00 : f32
        %parallel_loop3A_1118 = vector.broadcast %parallel_loop3A_1117 : f32 to vector<16xf32>
        %parallel_loop3A_1119 = arith.maximumf %parallel_loop3A_1116, %parallel_loop3A_1118 : vector<16xf32>
        %parallel_loop3A_1120 = arith.index_cast %rem3A_413 : i32 to index
        %parallel_loop3A_1121 = arith.index_cast %parallel_loop3A_1072 : i32 to index
        %parallel_loop3A_1122 = arith.constant 32 : index
        %parallel_loop3A_1123 = tpu.vector_load %arg10[%parallel_loop3A_1120, %parallel_loop3A_1121, %parallel_loop3A_1122] {strides = array<i32>} : memref<2x128x64xf32, #tpu.memory_space<vmem>>, vector<16xf32>,
        tpu.vector_store %arg10[%parallel_loop3A_1120, %parallel_loop3A_1121, %parallel_loop3A_1122], %parallel_loop3A_1119 {strides = array<i32>} : memref<2x128x64xf32, #tpu.memory_space<vmem>>, vector<16xf32>,
        %parallel_loop3A_1124 = arith.constant 48 : i32
        %parallel_loop3A_1125 = vector.broadcast %parallel_loop3A_1124 : i32 to vector<16xi32>
        %parallel_loop3A_1126 = arith.addi %iota3A, %parallel_loop3A_1125 : vector<16xi32>
        %parallel_loop3A_1127 = arith.addi %parallel_loop3A_1070, %parallel_loop3A_1126 : vector<16xi32>
        %parallel_loop3A_1128 = tpu.vector_load_idx %arg6[%parallel_loop3A_1127] : memref<32768xf32, #tpu.memory_space<vmem>>[vector<16xi32>], vector<16xf32>,
        %parallel_loop3A_1129 = arith.index_cast %rem3A_411 : i32 to index
        %parallel_loop3A_1130 = arith.index_cast %parallel_loop3A_1072 : i32 to index
        %parallel_loop3A_1131 = arith.constant 48 : index
        %parallel_loop3A_1132 = tpu.vector_load %arg9[%parallel_loop3A_1129, %parallel_loop3A_1130, %parallel_loop3A_1131] {strides = array<i32>} : memref<3x128x64xf32, #tpu.memory_space<vmem>>, vector<16xf32>,
        %parallel_loop3A_1133 = arith.addf %parallel_loop3A_1132, %parallel_loop3A_1128 : vector<16xf32>
        %parallel_loop3A_1134 = arith.constant 0.000000e+00 : f32
        %parallel_loop3A_1135 = vector.broadcast %parallel_loop3A_1134 : f32 to vector<16xf32>
        %parallel_loop3A_1136 = arith.maximumf %parallel_loop3A_1133, %parallel_loop3A_1135 : vector<16xf32>
        %parallel_loop3A_1137 = arith.index_cast %rem3A_413 : i32 to index
        %parallel_loop3A_1138 = arith.index_cast %parallel_loop3A_1072 : i32 to index
        %parallel_loop3A_1139 = arith.constant 48 : index
        %parallel_loop3A_1140 = tpu.vector_load %arg10[%parallel_loop3A_1137, %parallel_loop3A_1138, %parallel_loop3A_1139] {strides = array<i32>} : memref<2x128x64xf32, #tpu.memory_space<vmem>>, vector<16xf32>,
        tpu.vector_store %arg10[%parallel_loop3A_1137, %parallel_loop3A_1138, %parallel_loop3A_1139], %parallel_loop3A_1136 {strides = array<i32>} : memref<2x128x64xf32, #tpu.memory_space<vmem>>, vector<16xf32>,
        %parallel_loop3A_1141 = arith.constant 9 : i32
        %parallel_loop3A_1142 = vector.broadcast %parallel_loop3A_1141 : i32 to vector<16x1xi32>
        %parallel_loop3A_1143 = vector.shape_cast %parallel_loop3A_1142 : vector<16x1xi32> to vector<16xi32>
        %parallel_loop3A_1144 = tpu.dynamic_gather %parallel_loop3A_474[%parallel_loop3A_1143] in [0] : vector<16xi32>, vector<16xi32> -> vector<16xi32>
        %parallel_loop3A_1145 = arith.constant 9 : i32
        %parallel_loop3A_1146 = arith.addi %parallel_loop3A_463, %parallel_loop3A_1145 : i32
        %parallel_loop3A_1147 = arith.constant 0 : i32
        %parallel_loop3A_1148 = vector.broadcast %parallel_loop3A_1147 : i32 to vector<16xi32>
        %parallel_loop3A_1149 = arith.addi %iota3A, %parallel_loop3A_1148 : vector<16xi32>
        %parallel_loop3A_1150 = arith.addi %parallel_loop3A_1144, %parallel_loop3A_1149 : vector<16xi32>
        %parallel_loop3A_1151 = tpu.vector_load_idx %arg6[%parallel_loop3A_1150] : memref<32768xf32, #tpu.memory_space<vmem>>[vector<16xi32>], vector<16xf32>,
        %parallel_loop3A_1152 = arith.index_cast %rem3A_411 : i32 to index
        %parallel_loop3A_1153 = arith.index_cast %parallel_loop3A_1146 : i32 to index
        %parallel_loop3A_1154 = arith.constant 0 : index
        %parallel_loop3A_1155 = tpu.vector_load %arg9[%parallel_loop3A_1152, %parallel_loop3A_1153, %parallel_loop3A_1154] {strides = array<i32>} : memref<3x128x64xf32, #tpu.memory_space<vmem>>, vector<16xf32>,
        %parallel_loop3A_1156 = arith.addf %parallel_loop3A_1155, %parallel_loop3A_1151 : vector<16xf32>
        %parallel_loop3A_1157 = arith.constant 0.000000e+00 : f32
        %parallel_loop3A_1158 = vector.broadcast %parallel_loop3A_1157 : f32 to vector<16xf32>
        %parallel_loop3A_1159 = arith.maximumf %parallel_loop3A_1156, %parallel_loop3A_1158 : vector<16xf32>
        %parallel_loop3A_1160 = arith.index_cast %rem3A_413 : i32 to index
        %parallel_loop3A_1161 = arith.index_cast %parallel_loop3A_1146 : i32 to index
        %parallel_loop3A_1162 = arith.constant 0 : index
        %parallel_loop3A_1163 = tpu.vector_load %arg10[%parallel_loop3A_1160, %parallel_loop3A_1161, %parallel_loop3A_1162] {strides = array<i32>} : memref<2x128x64xf32, #tpu.memory_space<vmem>>, vector<16xf32>,
        tpu.vector_store %arg10[%parallel_loop3A_1160, %parallel_loop3A_1161, %parallel_loop3A_1162], %parallel_loop3A_1159 {strides = array<i32>} : memref<2x128x64xf32, #tpu.memory_space<vmem>>, vector<16xf32>,
        %parallel_loop3A_1164 = arith.constant 16 : i32
        %parallel_loop3A_1165 = vector.broadcast %parallel_loop3A_1164 : i32 to vector<16xi32>
        %parallel_loop3A_1166 = arith.addi %iota3A, %parallel_loop3A_1165 : vector<16xi32>
        %parallel_loop3A_1167 = arith.addi %parallel_loop3A_1144, %parallel_loop3A_1166 : vector<16xi32>
        %parallel_loop3A_1168 = tpu.vector_load_idx %arg6[%parallel_loop3A_1167] : memref<32768xf32, #tpu.memory_space<vmem>>[vector<16xi32>], vector<16xf32>,
        %parallel_loop3A_1169 = arith.index_cast %rem3A_411 : i32 to index
        %parallel_loop3A_1170 = arith.index_cast %parallel_loop3A_1146 : i32 to index
        %parallel_loop3A_1171 = arith.constant 16 : index
        %parallel_loop3A_1172 = tpu.vector_load %arg9[%parallel_loop3A_1169, %parallel_loop3A_1170, %parallel_loop3A_1171] {strides = array<i32>} : memref<3x128x64xf32, #tpu.memory_space<vmem>>, vector<16xf32>,
        %parallel_loop3A_1173 = arith.addf %parallel_loop3A_1172, %parallel_loop3A_1168 : vector<16xf32>
        %parallel_loop3A_1174 = arith.constant 0.000000e+00 : f32
        %parallel_loop3A_1175 = vector.broadcast %parallel_loop3A_1174 : f32 to vector<16xf32>
        %parallel_loop3A_1176 = arith.maximumf %parallel_loop3A_1173, %parallel_loop3A_1175 : vector<16xf32>
        %parallel_loop3A_1177 = arith.index_cast %rem3A_413 : i32 to index
        %parallel_loop3A_1178 = arith.index_cast %parallel_loop3A_1146 : i32 to index
        %parallel_loop3A_1179 = arith.constant 16 : index
        %parallel_loop3A_1180 = tpu.vector_load %arg10[%parallel_loop3A_1177, %parallel_loop3A_1178, %parallel_loop3A_1179] {strides = array<i32>} : memref<2x128x64xf32, #tpu.memory_space<vmem>>, vector<16xf32>,
        tpu.vector_store %arg10[%parallel_loop3A_1177, %parallel_loop3A_1178, %parallel_loop3A_1179], %parallel_loop3A_1176 {strides = array<i32>} : memref<2x128x64xf32, #tpu.memory_space<vmem>>, vector<16xf32>,
        %parallel_loop3A_1181 = arith.constant 32 : i32
        %parallel_loop3A_1182 = vector.broadcast %parallel_loop3A_1181 : i32 to vector<16xi32>
        %parallel_loop3A_1183 = arith.addi %iota3A, %parallel_loop3A_1182 : vector<16xi32>
        %parallel_loop3A_1184 = arith.addi %parallel_loop3A_1144, %parallel_loop3A_1183 : vector<16xi32>
        %parallel_loop3A_1185 = tpu.vector_load_idx %arg6[%parallel_loop3A_1184] : memref<32768xf32, #tpu.memory_space<vmem>>[vector<16xi32>], vector<16xf32>,
        %parallel_loop3A_1186 = arith.index_cast %rem3A_411 : i32 to index
        %parallel_loop3A_1187 = arith.index_cast %parallel_loop3A_1146 : i32 to index
        %parallel_loop3A_1188 = arith.constant 32 : index
        %parallel_loop3A_1189 = tpu.vector_load %arg9[%parallel_loop3A_1186, %parallel_loop3A_1187, %parallel_loop3A_1188] {strides = array<i32>} : memref<3x128x64xf32, #tpu.memory_space<vmem>>, vector<16xf32>,
        %parallel_loop3A_1190 = arith.addf %parallel_loop3A_1189, %parallel_loop3A_1185 : vector<16xf32>
        %parallel_loop3A_1191 = arith.constant 0.000000e+00 : f32
        %parallel_loop3A_1192 = vector.broadcast %parallel_loop3A_1191 : f32 to vector<16xf32>
        %parallel_loop3A_1193 = arith.maximumf %parallel_loop3A_1190, %parallel_loop3A_1192 : vector<16xf32>
        %parallel_loop3A_1194 = arith.index_cast %rem3A_413 : i32 to index
        %parallel_loop3A_1195 = arith.index_cast %parallel_loop3A_1146 : i32 to index
        %parallel_loop3A_1196 = arith.constant 32 : index
        %parallel_loop3A_1197 = tpu.vector_load %arg10[%parallel_loop3A_1194, %parallel_loop3A_1195, %parallel_loop3A_1196] {strides = array<i32>} : memref<2x128x64xf32, #tpu.memory_space<vmem>>, vector<16xf32>,
        tpu.vector_store %arg10[%parallel_loop3A_1194, %parallel_loop3A_1195, %parallel_loop3A_1196], %parallel_loop3A_1193 {strides = array<i32>} : memref<2x128x64xf32, #tpu.memory_space<vmem>>, vector<16xf32>,
        %parallel_loop3A_1198 = arith.constant 48 : i32
        %parallel_loop3A_1199 = vector.broadcast %parallel_loop3A_1198 : i32 to vector<16xi32>
        %parallel_loop3A_1200 = arith.addi %iota3A, %parallel_loop3A_1199 : vector<16xi32>
        %parallel_loop3A_1201 = arith.addi %parallel_loop3A_1144, %parallel_loop3A_1200 : vector<16xi32>
        %parallel_loop3A_1202 = tpu.vector_load_idx %arg6[%parallel_loop3A_1201] : memref<32768xf32, #tpu.memory_space<vmem>>[vector<16xi32>], vector<16xf32>,
        %parallel_loop3A_1203 = arith.index_cast %rem3A_411 : i32 to index
        %parallel_loop3A_1204 = arith.index_cast %parallel_loop3A_1146 : i32 to index
        %parallel_loop3A_1205 = arith.constant 48 : index
        %parallel_loop3A_1206 = tpu.vector_load %arg9[%parallel_loop3A_1203, %parallel_loop3A_1204, %parallel_loop3A_1205] {strides = array<i32>} : memref<3x128x64xf32, #tpu.memory_space<vmem>>, vector<16xf32>,
        %parallel_loop3A_1207 = arith.addf %parallel_loop3A_1206, %parallel_loop3A_1202 : vector<16xf32>
        %parallel_loop3A_1208 = arith.constant 0.000000e+00 : f32
        %parallel_loop3A_1209 = vector.broadcast %parallel_loop3A_1208 : f32 to vector<16xf32>
        %parallel_loop3A_1210 = arith.maximumf %parallel_loop3A_1207, %parallel_loop3A_1209 : vector<16xf32>
        %parallel_loop3A_1211 = arith.index_cast %rem3A_413 : i32 to index
        %parallel_loop3A_1212 = arith.index_cast %parallel_loop3A_1146 : i32 to index
        %parallel_loop3A_1213 = arith.constant 48 : index
        %parallel_loop3A_1214 = tpu.vector_load %arg10[%parallel_loop3A_1211, %parallel_loop3A_1212, %parallel_loop3A_1213] {strides = array<i32>} : memref<2x128x64xf32, #tpu.memory_space<vmem>>, vector<16xf32>,
        tpu.vector_store %arg10[%parallel_loop3A_1211, %parallel_loop3A_1212, %parallel_loop3A_1213], %parallel_loop3A_1210 {strides = array<i32>} : memref<2x128x64xf32, #tpu.memory_space<vmem>>, vector<16xf32>,
        %parallel_loop3A_1215 = arith.constant 10 : i32
        %parallel_loop3A_1216 = vector.broadcast %parallel_loop3A_1215 : i32 to vector<16x1xi32>
        %parallel_loop3A_1217 = vector.shape_cast %parallel_loop3A_1216 : vector<16x1xi32> to vector<16xi32>
        %parallel_loop3A_1218 = tpu.dynamic_gather %parallel_loop3A_474[%parallel_loop3A_1217] in [0] : vector<16xi32>, vector<16xi32> -> vector<16xi32>
        %parallel_loop3A_1219 = arith.constant 10 : i32
        %parallel_loop3A_1220 = arith.addi %parallel_loop3A_463, %parallel_loop3A_1219 : i32
        %parallel_loop3A_1221 = arith.constant 0 : i32
        %parallel_loop3A_1222 = vector.broadcast %parallel_loop3A_1221 : i32 to vector<16xi32>
        %parallel_loop3A_1223 = arith.addi %iota3A, %parallel_loop3A_1222 : vector<16xi32>
        %parallel_loop3A_1224 = arith.addi %parallel_loop3A_1218, %parallel_loop3A_1223 : vector<16xi32>
        %parallel_loop3A_1225 = tpu.vector_load_idx %arg6[%parallel_loop3A_1224] : memref<32768xf32, #tpu.memory_space<vmem>>[vector<16xi32>], vector<16xf32>,
        %parallel_loop3A_1226 = arith.index_cast %rem3A_411 : i32 to index
        %parallel_loop3A_1227 = arith.index_cast %parallel_loop3A_1220 : i32 to index
        %parallel_loop3A_1228 = arith.constant 0 : index
        %parallel_loop3A_1229 = tpu.vector_load %arg9[%parallel_loop3A_1226, %parallel_loop3A_1227, %parallel_loop3A_1228] {strides = array<i32>} : memref<3x128x64xf32, #tpu.memory_space<vmem>>, vector<16xf32>,
        %parallel_loop3A_1230 = arith.addf %parallel_loop3A_1229, %parallel_loop3A_1225 : vector<16xf32>
        %parallel_loop3A_1231 = arith.constant 0.000000e+00 : f32
        %parallel_loop3A_1232 = vector.broadcast %parallel_loop3A_1231 : f32 to vector<16xf32>
        %parallel_loop3A_1233 = arith.maximumf %parallel_loop3A_1230, %parallel_loop3A_1232 : vector<16xf32>
        %parallel_loop3A_1234 = arith.index_cast %rem3A_413 : i32 to index
        %parallel_loop3A_1235 = arith.index_cast %parallel_loop3A_1220 : i32 to index
        %parallel_loop3A_1236 = arith.constant 0 : index
        %parallel_loop3A_1237 = tpu.vector_load %arg10[%parallel_loop3A_1234, %parallel_loop3A_1235, %parallel_loop3A_1236] {strides = array<i32>} : memref<2x128x64xf32, #tpu.memory_space<vmem>>, vector<16xf32>,
        tpu.vector_store %arg10[%parallel_loop3A_1234, %parallel_loop3A_1235, %parallel_loop3A_1236], %parallel_loop3A_1233 {strides = array<i32>} : memref<2x128x64xf32, #tpu.memory_space<vmem>>, vector<16xf32>,
        %parallel_loop3A_1238 = arith.constant 16 : i32
        %parallel_loop3A_1239 = vector.broadcast %parallel_loop3A_1238 : i32 to vector<16xi32>
        %parallel_loop3A_1240 = arith.addi %iota3A, %parallel_loop3A_1239 : vector<16xi32>
        %parallel_loop3A_1241 = arith.addi %parallel_loop3A_1218, %parallel_loop3A_1240 : vector<16xi32>
        %parallel_loop3A_1242 = tpu.vector_load_idx %arg6[%parallel_loop3A_1241] : memref<32768xf32, #tpu.memory_space<vmem>>[vector<16xi32>], vector<16xf32>,
        %parallel_loop3A_1243 = arith.index_cast %rem3A_411 : i32 to index
        %parallel_loop3A_1244 = arith.index_cast %parallel_loop3A_1220 : i32 to index
        %parallel_loop3A_1245 = arith.constant 16 : index
        %parallel_loop3A_1246 = tpu.vector_load %arg9[%parallel_loop3A_1243, %parallel_loop3A_1244, %parallel_loop3A_1245] {strides = array<i32>} : memref<3x128x64xf32, #tpu.memory_space<vmem>>, vector<16xf32>,
        %parallel_loop3A_1247 = arith.addf %parallel_loop3A_1246, %parallel_loop3A_1242 : vector<16xf32>
        %parallel_loop3A_1248 = arith.constant 0.000000e+00 : f32
        %parallel_loop3A_1249 = vector.broadcast %parallel_loop3A_1248 : f32 to vector<16xf32>
        %parallel_loop3A_1250 = arith.maximumf %parallel_loop3A_1247, %parallel_loop3A_1249 : vector<16xf32>
        %parallel_loop3A_1251 = arith.index_cast %rem3A_413 : i32 to index
        %parallel_loop3A_1252 = arith.index_cast %parallel_loop3A_1220 : i32 to index
        %parallel_loop3A_1253 = arith.constant 16 : index
        %parallel_loop3A_1254 = tpu.vector_load %arg10[%parallel_loop3A_1251, %parallel_loop3A_1252, %parallel_loop3A_1253] {strides = array<i32>} : memref<2x128x64xf32, #tpu.memory_space<vmem>>, vector<16xf32>,
        tpu.vector_store %arg10[%parallel_loop3A_1251, %parallel_loop3A_1252, %parallel_loop3A_1253], %parallel_loop3A_1250 {strides = array<i32>} : memref<2x128x64xf32, #tpu.memory_space<vmem>>, vector<16xf32>,
        %parallel_loop3A_1255 = arith.constant 32 : i32
        %parallel_loop3A_1256 = vector.broadcast %parallel_loop3A_1255 : i32 to vector<16xi32>
        %parallel_loop3A_1257 = arith.addi %iota3A, %parallel_loop3A_1256 : vector<16xi32>
        %parallel_loop3A_1258 = arith.addi %parallel_loop3A_1218, %parallel_loop3A_1257 : vector<16xi32>
        %parallel_loop3A_1259 = tpu.vector_load_idx %arg6[%parallel_loop3A_1258] : memref<32768xf32, #tpu.memory_space<vmem>>[vector<16xi32>], vector<16xf32>,
        %parallel_loop3A_1260 = arith.index_cast %rem3A_411 : i32 to index
        %parallel_loop3A_1261 = arith.index_cast %parallel_loop3A_1220 : i32 to index
        %parallel_loop3A_1262 = arith.constant 32 : index
        %parallel_loop3A_1263 = tpu.vector_load %arg9[%parallel_loop3A_1260, %parallel_loop3A_1261, %parallel_loop3A_1262] {strides = array<i32>} : memref<3x128x64xf32, #tpu.memory_space<vmem>>, vector<16xf32>,
        %parallel_loop3A_1264 = arith.addf %parallel_loop3A_1263, %parallel_loop3A_1259 : vector<16xf32>
        %parallel_loop3A_1265 = arith.constant 0.000000e+00 : f32
        %parallel_loop3A_1266 = vector.broadcast %parallel_loop3A_1265 : f32 to vector<16xf32>
        %parallel_loop3A_1267 = arith.maximumf %parallel_loop3A_1264, %parallel_loop3A_1266 : vector<16xf32>
        %parallel_loop3A_1268 = arith.index_cast %rem3A_413 : i32 to index
        %parallel_loop3A_1269 = arith.index_cast %parallel_loop3A_1220 : i32 to index
        %parallel_loop3A_1270 = arith.constant 32 : index
        %parallel_loop3A_1271 = tpu.vector_load %arg10[%parallel_loop3A_1268, %parallel_loop3A_1269, %parallel_loop3A_1270] {strides = array<i32>} : memref<2x128x64xf32, #tpu.memory_space<vmem>>, vector<16xf32>,
        tpu.vector_store %arg10[%parallel_loop3A_1268, %parallel_loop3A_1269, %parallel_loop3A_1270], %parallel_loop3A_1267 {strides = array<i32>} : memref<2x128x64xf32, #tpu.memory_space<vmem>>, vector<16xf32>,
        %parallel_loop3A_1272 = arith.constant 48 : i32
        %parallel_loop3A_1273 = vector.broadcast %parallel_loop3A_1272 : i32 to vector<16xi32>
        %parallel_loop3A_1274 = arith.addi %iota3A, %parallel_loop3A_1273 : vector<16xi32>
        %parallel_loop3A_1275 = arith.addi %parallel_loop3A_1218, %parallel_loop3A_1274 : vector<16xi32>
        %parallel_loop3A_1276 = tpu.vector_load_idx %arg6[%parallel_loop3A_1275] : memref<32768xf32, #tpu.memory_space<vmem>>[vector<16xi32>], vector<16xf32>,
        %parallel_loop3A_1277 = arith.index_cast %rem3A_411 : i32 to index
        %parallel_loop3A_1278 = arith.index_cast %parallel_loop3A_1220 : i32 to index
        %parallel_loop3A_1279 = arith.constant 48 : index
        %parallel_loop3A_1280 = tpu.vector_load %arg9[%parallel_loop3A_1277, %parallel_loop3A_1278, %parallel_loop3A_1279] {strides = array<i32>} : memref<3x128x64xf32, #tpu.memory_space<vmem>>, vector<16xf32>,
        %parallel_loop3A_1281 = arith.addf %parallel_loop3A_1280, %parallel_loop3A_1276 : vector<16xf32>
        %parallel_loop3A_1282 = arith.constant 0.000000e+00 : f32
        %parallel_loop3A_1283 = vector.broadcast %parallel_loop3A_1282 : f32 to vector<16xf32>
        %parallel_loop3A_1284 = arith.maximumf %parallel_loop3A_1281, %parallel_loop3A_1283 : vector<16xf32>
        %parallel_loop3A_1285 = arith.index_cast %rem3A_413 : i32 to index
        %parallel_loop3A_1286 = arith.index_cast %parallel_loop3A_1220 : i32 to index
        %parallel_loop3A_1287 = arith.constant 48 : index
        %parallel_loop3A_1288 = tpu.vector_load %arg10[%parallel_loop3A_1285, %parallel_loop3A_1286, %parallel_loop3A_1287] {strides = array<i32>} : memref<2x128x64xf32, #tpu.memory_space<vmem>>, vector<16xf32>,
        tpu.vector_store %arg10[%parallel_loop3A_1285, %parallel_loop3A_1286, %parallel_loop3A_1287], %parallel_loop3A_1284 {strides = array<i32>} : memref<2x128x64xf32, #tpu.memory_space<vmem>>, vector<16xf32>,
        %parallel_loop3A_1289 = arith.constant 11 : i32
        %parallel_loop3A_1290 = vector.broadcast %parallel_loop3A_1289 : i32 to vector<16x1xi32>
        %parallel_loop3A_1291 = vector.shape_cast %parallel_loop3A_1290 : vector<16x1xi32> to vector<16xi32>
        %parallel_loop3A_1292 = tpu.dynamic_gather %parallel_loop3A_474[%parallel_loop3A_1291] in [0] : vector<16xi32>, vector<16xi32> -> vector<16xi32>
        %parallel_loop3A_1293 = arith.constant 11 : i32
        %parallel_loop3A_1294 = arith.addi %parallel_loop3A_463, %parallel_loop3A_1293 : i32
        %parallel_loop3A_1295 = arith.constant 0 : i32
        %parallel_loop3A_1296 = vector.broadcast %parallel_loop3A_1295 : i32 to vector<16xi32>
        %parallel_loop3A_1297 = arith.addi %iota3A, %parallel_loop3A_1296 : vector<16xi32>
        %parallel_loop3A_1298 = arith.addi %parallel_loop3A_1292, %parallel_loop3A_1297 : vector<16xi32>
        %parallel_loop3A_1299 = tpu.vector_load_idx %arg6[%parallel_loop3A_1298] : memref<32768xf32, #tpu.memory_space<vmem>>[vector<16xi32>], vector<16xf32>,
        %parallel_loop3A_1300 = arith.index_cast %rem3A_411 : i32 to index
        %parallel_loop3A_1301 = arith.index_cast %parallel_loop3A_1294 : i32 to index
        %parallel_loop3A_1302 = arith.constant 0 : index
        %parallel_loop3A_1303 = tpu.vector_load %arg9[%parallel_loop3A_1300, %parallel_loop3A_1301, %parallel_loop3A_1302] {strides = array<i32>} : memref<3x128x64xf32, #tpu.memory_space<vmem>>, vector<16xf32>,
        %parallel_loop3A_1304 = arith.addf %parallel_loop3A_1303, %parallel_loop3A_1299 : vector<16xf32>
        %parallel_loop3A_1305 = arith.constant 0.000000e+00 : f32
        %parallel_loop3A_1306 = vector.broadcast %parallel_loop3A_1305 : f32 to vector<16xf32>
        %parallel_loop3A_1307 = arith.maximumf %parallel_loop3A_1304, %parallel_loop3A_1306 : vector<16xf32>
        %parallel_loop3A_1308 = arith.index_cast %rem3A_413 : i32 to index
        %parallel_loop3A_1309 = arith.index_cast %parallel_loop3A_1294 : i32 to index
        %parallel_loop3A_1310 = arith.constant 0 : index
        %parallel_loop3A_1311 = tpu.vector_load %arg10[%parallel_loop3A_1308, %parallel_loop3A_1309, %parallel_loop3A_1310] {strides = array<i32>} : memref<2x128x64xf32, #tpu.memory_space<vmem>>, vector<16xf32>,
        tpu.vector_store %arg10[%parallel_loop3A_1308, %parallel_loop3A_1309, %parallel_loop3A_1310], %parallel_loop3A_1307 {strides = array<i32>} : memref<2x128x64xf32, #tpu.memory_space<vmem>>, vector<16xf32>,
        %parallel_loop3A_1312 = arith.constant 16 : i32
        %parallel_loop3A_1313 = vector.broadcast %parallel_loop3A_1312 : i32 to vector<16xi32>
        %parallel_loop3A_1314 = arith.addi %iota3A, %parallel_loop3A_1313 : vector<16xi32>
        %parallel_loop3A_1315 = arith.addi %parallel_loop3A_1292, %parallel_loop3A_1314 : vector<16xi32>
        %parallel_loop3A_1316 = tpu.vector_load_idx %arg6[%parallel_loop3A_1315] : memref<32768xf32, #tpu.memory_space<vmem>>[vector<16xi32>], vector<16xf32>,
        %parallel_loop3A_1317 = arith.index_cast %rem3A_411 : i32 to index
        %parallel_loop3A_1318 = arith.index_cast %parallel_loop3A_1294 : i32 to index
        %parallel_loop3A_1319 = arith.constant 16 : index
        %parallel_loop3A_1320 = tpu.vector_load %arg9[%parallel_loop3A_1317, %parallel_loop3A_1318, %parallel_loop3A_1319] {strides = array<i32>} : memref<3x128x64xf32, #tpu.memory_space<vmem>>, vector<16xf32>,
        %parallel_loop3A_1321 = arith.addf %parallel_loop3A_1320, %parallel_loop3A_1316 : vector<16xf32>
        %parallel_loop3A_1322 = arith.constant 0.000000e+00 : f32
        %parallel_loop3A_1323 = vector.broadcast %parallel_loop3A_1322 : f32 to vector<16xf32>
        %parallel_loop3A_1324 = arith.maximumf %parallel_loop3A_1321, %parallel_loop3A_1323 : vector<16xf32>
        %parallel_loop3A_1325 = arith.index_cast %rem3A_413 : i32 to index
        %parallel_loop3A_1326 = arith.index_cast %parallel_loop3A_1294 : i32 to index
        %parallel_loop3A_1327 = arith.constant 16 : index
        %parallel_loop3A_1328 = tpu.vector_load %arg10[%parallel_loop3A_1325, %parallel_loop3A_1326, %parallel_loop3A_1327] {strides = array<i32>} : memref<2x128x64xf32, #tpu.memory_space<vmem>>, vector<16xf32>,
        tpu.vector_store %arg10[%parallel_loop3A_1325, %parallel_loop3A_1326, %parallel_loop3A_1327], %parallel_loop3A_1324 {strides = array<i32>} : memref<2x128x64xf32, #tpu.memory_space<vmem>>, vector<16xf32>,
        %parallel_loop3A_1329 = arith.constant 32 : i32
        %parallel_loop3A_1330 = vector.broadcast %parallel_loop3A_1329 : i32 to vector<16xi32>
        %parallel_loop3A_1331 = arith.addi %iota3A, %parallel_loop3A_1330 : vector<16xi32>
        %parallel_loop3A_1332 = arith.addi %parallel_loop3A_1292, %parallel_loop3A_1331 : vector<16xi32>
        %parallel_loop3A_1333 = tpu.vector_load_idx %arg6[%parallel_loop3A_1332] : memref<32768xf32, #tpu.memory_space<vmem>>[vector<16xi32>], vector<16xf32>,
        %parallel_loop3A_1334 = arith.index_cast %rem3A_411 : i32 to index
        %parallel_loop3A_1335 = arith.index_cast %parallel_loop3A_1294 : i32 to index
        %parallel_loop3A_1336 = arith.constant 32 : index
        %parallel_loop3A_1337 = tpu.vector_load %arg9[%parallel_loop3A_1334, %parallel_loop3A_1335, %parallel_loop3A_1336] {strides = array<i32>} : memref<3x128x64xf32, #tpu.memory_space<vmem>>, vector<16xf32>,
        %parallel_loop3A_1338 = arith.addf %parallel_loop3A_1337, %parallel_loop3A_1333 : vector<16xf32>
        %parallel_loop3A_1339 = arith.constant 0.000000e+00 : f32
        %parallel_loop3A_1340 = vector.broadcast %parallel_loop3A_1339 : f32 to vector<16xf32>
        %parallel_loop3A_1341 = arith.maximumf %parallel_loop3A_1338, %parallel_loop3A_1340 : vector<16xf32>
        %parallel_loop3A_1342 = arith.index_cast %rem3A_413 : i32 to index
        %parallel_loop3A_1343 = arith.index_cast %parallel_loop3A_1294 : i32 to index
        %parallel_loop3A_1344 = arith.constant 32 : index
        %parallel_loop3A_1345 = tpu.vector_load %arg10[%parallel_loop3A_1342, %parallel_loop3A_1343, %parallel_loop3A_1344] {strides = array<i32>} : memref<2x128x64xf32, #tpu.memory_space<vmem>>, vector<16xf32>,
        tpu.vector_store %arg10[%parallel_loop3A_1342, %parallel_loop3A_1343, %parallel_loop3A_1344], %parallel_loop3A_1341 {strides = array<i32>} : memref<2x128x64xf32, #tpu.memory_space<vmem>>, vector<16xf32>,
        %parallel_loop3A_1346 = arith.constant 48 : i32
        %parallel_loop3A_1347 = vector.broadcast %parallel_loop3A_1346 : i32 to vector<16xi32>
        %parallel_loop3A_1348 = arith.addi %iota3A, %parallel_loop3A_1347 : vector<16xi32>
        %parallel_loop3A_1349 = arith.addi %parallel_loop3A_1292, %parallel_loop3A_1348 : vector<16xi32>
        %parallel_loop3A_1350 = tpu.vector_load_idx %arg6[%parallel_loop3A_1349] : memref<32768xf32, #tpu.memory_space<vmem>>[vector<16xi32>], vector<16xf32>,
        %parallel_loop3A_1351 = arith.index_cast %rem3A_411 : i32 to index
        %parallel_loop3A_1352 = arith.index_cast %parallel_loop3A_1294 : i32 to index
        %parallel_loop3A_1353 = arith.constant 48 : index
        %parallel_loop3A_1354 = tpu.vector_load %arg9[%parallel_loop3A_1351, %parallel_loop3A_1352, %parallel_loop3A_1353] {strides = array<i32>} : memref<3x128x64xf32, #tpu.memory_space<vmem>>, vector<16xf32>,
        %parallel_loop3A_1355 = arith.addf %parallel_loop3A_1354, %parallel_loop3A_1350 : vector<16xf32>
        %parallel_loop3A_1356 = arith.constant 0.000000e+00 : f32
        %parallel_loop3A_1357 = vector.broadcast %parallel_loop3A_1356 : f32 to vector<16xf32>
        %parallel_loop3A_1358 = arith.maximumf %parallel_loop3A_1355, %parallel_loop3A_1357 : vector<16xf32>
        %parallel_loop3A_1359 = arith.index_cast %rem3A_413 : i32 to index
        %parallel_loop3A_1360 = arith.index_cast %parallel_loop3A_1294 : i32 to index
        %parallel_loop3A_1361 = arith.constant 48 : index
        %parallel_loop3A_1362 = tpu.vector_load %arg10[%parallel_loop3A_1359, %parallel_loop3A_1360, %parallel_loop3A_1361] {strides = array<i32>} : memref<2x128x64xf32, #tpu.memory_space<vmem>>, vector<16xf32>,
        tpu.vector_store %arg10[%parallel_loop3A_1359, %parallel_loop3A_1360, %parallel_loop3A_1361], %parallel_loop3A_1358 {strides = array<i32>} : memref<2x128x64xf32, #tpu.memory_space<vmem>>, vector<16xf32>,
        %parallel_loop3A_1363 = arith.constant 12 : i32
        %parallel_loop3A_1364 = vector.broadcast %parallel_loop3A_1363 : i32 to vector<16x1xi32>
        %parallel_loop3A_1365 = vector.shape_cast %parallel_loop3A_1364 : vector<16x1xi32> to vector<16xi32>
        %parallel_loop3A_1366 = tpu.dynamic_gather %parallel_loop3A_474[%parallel_loop3A_1365] in [0] : vector<16xi32>, vector<16xi32> -> vector<16xi32>
        %parallel_loop3A_1367 = arith.constant 12 : i32
        %parallel_loop3A_1368 = arith.addi %parallel_loop3A_463, %parallel_loop3A_1367 : i32
        %parallel_loop3A_1369 = arith.constant 0 : i32
        %parallel_loop3A_1370 = vector.broadcast %parallel_loop3A_1369 : i32 to vector<16xi32>
        %parallel_loop3A_1371 = arith.addi %iota3A, %parallel_loop3A_1370 : vector<16xi32>
        %parallel_loop3A_1372 = arith.addi %parallel_loop3A_1366, %parallel_loop3A_1371 : vector<16xi32>
        %parallel_loop3A_1373 = tpu.vector_load_idx %arg6[%parallel_loop3A_1372] : memref<32768xf32, #tpu.memory_space<vmem>>[vector<16xi32>], vector<16xf32>,
        %parallel_loop3A_1374 = arith.index_cast %rem3A_411 : i32 to index
        %parallel_loop3A_1375 = arith.index_cast %parallel_loop3A_1368 : i32 to index
        %parallel_loop3A_1376 = arith.constant 0 : index
        %parallel_loop3A_1377 = tpu.vector_load %arg9[%parallel_loop3A_1374, %parallel_loop3A_1375, %parallel_loop3A_1376] {strides = array<i32>} : memref<3x128x64xf32, #tpu.memory_space<vmem>>, vector<16xf32>,
        %parallel_loop3A_1378 = arith.addf %parallel_loop3A_1377, %parallel_loop3A_1373 : vector<16xf32>
        %parallel_loop3A_1379 = arith.constant 0.000000e+00 : f32
        %parallel_loop3A_1380 = vector.broadcast %parallel_loop3A_1379 : f32 to vector<16xf32>
        %parallel_loop3A_1381 = arith.maximumf %parallel_loop3A_1378, %parallel_loop3A_1380 : vector<16xf32>
        %parallel_loop3A_1382 = arith.index_cast %rem3A_413 : i32 to index
        %parallel_loop3A_1383 = arith.index_cast %parallel_loop3A_1368 : i32 to index
        %parallel_loop3A_1384 = arith.constant 0 : index
        %parallel_loop3A_1385 = tpu.vector_load %arg10[%parallel_loop3A_1382, %parallel_loop3A_1383, %parallel_loop3A_1384] {strides = array<i32>} : memref<2x128x64xf32, #tpu.memory_space<vmem>>, vector<16xf32>,
        tpu.vector_store %arg10[%parallel_loop3A_1382, %parallel_loop3A_1383, %parallel_loop3A_1384], %parallel_loop3A_1381 {strides = array<i32>} : memref<2x128x64xf32, #tpu.memory_space<vmem>>, vector<16xf32>,
        %parallel_loop3A_1386 = arith.constant 16 : i32
        %parallel_loop3A_1387 = vector.broadcast %parallel_loop3A_1386 : i32 to vector<16xi32>
        %parallel_loop3A_1388 = arith.addi %iota3A, %parallel_loop3A_1387 : vector<16xi32>
        %parallel_loop3A_1389 = arith.addi %parallel_loop3A_1366, %parallel_loop3A_1388 : vector<16xi32>
        %parallel_loop3A_1390 = tpu.vector_load_idx %arg6[%parallel_loop3A_1389] : memref<32768xf32, #tpu.memory_space<vmem>>[vector<16xi32>], vector<16xf32>,
        %parallel_loop3A_1391 = arith.index_cast %rem3A_411 : i32 to index
        %parallel_loop3A_1392 = arith.index_cast %parallel_loop3A_1368 : i32 to index
        %parallel_loop3A_1393 = arith.constant 16 : index
        %parallel_loop3A_1394 = tpu.vector_load %arg9[%parallel_loop3A_1391, %parallel_loop3A_1392, %parallel_loop3A_1393] {strides = array<i32>} : memref<3x128x64xf32, #tpu.memory_space<vmem>>, vector<16xf32>,
        %parallel_loop3A_1395 = arith.addf %parallel_loop3A_1394, %parallel_loop3A_1390 : vector<16xf32>
        %parallel_loop3A_1396 = arith.constant 0.000000e+00 : f32
        %parallel_loop3A_1397 = vector.broadcast %parallel_loop3A_1396 : f32 to vector<16xf32>
        %parallel_loop3A_1398 = arith.maximumf %parallel_loop3A_1395, %parallel_loop3A_1397 : vector<16xf32>
        %parallel_loop3A_1399 = arith.index_cast %rem3A_413 : i32 to index
        %parallel_loop3A_1400 = arith.index_cast %parallel_loop3A_1368 : i32 to index
        %parallel_loop3A_1401 = arith.constant 16 : index
        %parallel_loop3A_1402 = tpu.vector_load %arg10[%parallel_loop3A_1399, %parallel_loop3A_1400, %parallel_loop3A_1401] {strides = array<i32>} : memref<2x128x64xf32, #tpu.memory_space<vmem>>, vector<16xf32>,
        tpu.vector_store %arg10[%parallel_loop3A_1399, %parallel_loop3A_1400, %parallel_loop3A_1401], %parallel_loop3A_1398 {strides = array<i32>} : memref<2x128x64xf32, #tpu.memory_space<vmem>>, vector<16xf32>,
        %parallel_loop3A_1403 = arith.constant 32 : i32
        %parallel_loop3A_1404 = vector.broadcast %parallel_loop3A_1403 : i32 to vector<16xi32>
        %parallel_loop3A_1405 = arith.addi %iota3A, %parallel_loop3A_1404 : vector<16xi32>
        %parallel_loop3A_1406 = arith.addi %parallel_loop3A_1366, %parallel_loop3A_1405 : vector<16xi32>
        %parallel_loop3A_1407 = tpu.vector_load_idx %arg6[%parallel_loop3A_1406] : memref<32768xf32, #tpu.memory_space<vmem>>[vector<16xi32>], vector<16xf32>,
        %parallel_loop3A_1408 = arith.index_cast %rem3A_411 : i32 to index
        %parallel_loop3A_1409 = arith.index_cast %parallel_loop3A_1368 : i32 to index
        %parallel_loop3A_1410 = arith.constant 32 : index
        %parallel_loop3A_1411 = tpu.vector_load %arg9[%parallel_loop3A_1408, %parallel_loop3A_1409, %parallel_loop3A_1410] {strides = array<i32>} : memref<3x128x64xf32, #tpu.memory_space<vmem>>, vector<16xf32>,
        %parallel_loop3A_1412 = arith.addf %parallel_loop3A_1411, %parallel_loop3A_1407 : vector<16xf32>
        %parallel_loop3A_1413 = arith.constant 0.000000e+00 : f32
        %parallel_loop3A_1414 = vector.broadcast %parallel_loop3A_1413 : f32 to vector<16xf32>
        %parallel_loop3A_1415 = arith.maximumf %parallel_loop3A_1412, %parallel_loop3A_1414 : vector<16xf32>
        %parallel_loop3A_1416 = arith.index_cast %rem3A_413 : i32 to index
        %parallel_loop3A_1417 = arith.index_cast %parallel_loop3A_1368 : i32 to index
        %parallel_loop3A_1418 = arith.constant 32 : index
        %parallel_loop3A_1419 = tpu.vector_load %arg10[%parallel_loop3A_1416, %parallel_loop3A_1417, %parallel_loop3A_1418] {strides = array<i32>} : memref<2x128x64xf32, #tpu.memory_space<vmem>>, vector<16xf32>,
        tpu.vector_store %arg10[%parallel_loop3A_1416, %parallel_loop3A_1417, %parallel_loop3A_1418], %parallel_loop3A_1415 {strides = array<i32>} : memref<2x128x64xf32, #tpu.memory_space<vmem>>, vector<16xf32>,
        %parallel_loop3A_1420 = arith.constant 48 : i32
        %parallel_loop3A_1421 = vector.broadcast %parallel_loop3A_1420 : i32 to vector<16xi32>
        %parallel_loop3A_1422 = arith.addi %iota3A, %parallel_loop3A_1421 : vector<16xi32>
        %parallel_loop3A_1423 = arith.addi %parallel_loop3A_1366, %parallel_loop3A_1422 : vector<16xi32>
        %parallel_loop3A_1424 = tpu.vector_load_idx %arg6[%parallel_loop3A_1423] : memref<32768xf32, #tpu.memory_space<vmem>>[vector<16xi32>], vector<16xf32>,
        %parallel_loop3A_1425 = arith.index_cast %rem3A_411 : i32 to index
        %parallel_loop3A_1426 = arith.index_cast %parallel_loop3A_1368 : i32 to index
        %parallel_loop3A_1427 = arith.constant 48 : index
        %parallel_loop3A_1428 = tpu.vector_load %arg9[%parallel_loop3A_1425, %parallel_loop3A_1426, %parallel_loop3A_1427] {strides = array<i32>} : memref<3x128x64xf32, #tpu.memory_space<vmem>>, vector<16xf32>,
        %parallel_loop3A_1429 = arith.addf %parallel_loop3A_1428, %parallel_loop3A_1424 : vector<16xf32>
        %parallel_loop3A_1430 = arith.constant 0.000000e+00 : f32
        %parallel_loop3A_1431 = vector.broadcast %parallel_loop3A_1430 : f32 to vector<16xf32>
        %parallel_loop3A_1432 = arith.maximumf %parallel_loop3A_1429, %parallel_loop3A_1431 : vector<16xf32>
        %parallel_loop3A_1433 = arith.index_cast %rem3A_413 : i32 to index
        %parallel_loop3A_1434 = arith.index_cast %parallel_loop3A_1368 : i32 to index
        %parallel_loop3A_1435 = arith.constant 48 : index
        %parallel_loop3A_1436 = tpu.vector_load %arg10[%parallel_loop3A_1433, %parallel_loop3A_1434, %parallel_loop3A_1435] {strides = array<i32>} : memref<2x128x64xf32, #tpu.memory_space<vmem>>, vector<16xf32>,
        tpu.vector_store %arg10[%parallel_loop3A_1433, %parallel_loop3A_1434, %parallel_loop3A_1435], %parallel_loop3A_1432 {strides = array<i32>} : memref<2x128x64xf32, #tpu.memory_space<vmem>>, vector<16xf32>,
        %parallel_loop3A_1437 = arith.constant 13 : i32
        %parallel_loop3A_1438 = vector.broadcast %parallel_loop3A_1437 : i32 to vector<16x1xi32>
        %parallel_loop3A_1439 = vector.shape_cast %parallel_loop3A_1438 : vector<16x1xi32> to vector<16xi32>
        %parallel_loop3A_1440 = tpu.dynamic_gather %parallel_loop3A_474[%parallel_loop3A_1439] in [0] : vector<16xi32>, vector<16xi32> -> vector<16xi32>
        %parallel_loop3A_1441 = arith.constant 13 : i32
        %parallel_loop3A_1442 = arith.addi %parallel_loop3A_463, %parallel_loop3A_1441 : i32
        %parallel_loop3A_1443 = arith.constant 0 : i32
        %parallel_loop3A_1444 = vector.broadcast %parallel_loop3A_1443 : i32 to vector<16xi32>
        %parallel_loop3A_1445 = arith.addi %iota3A, %parallel_loop3A_1444 : vector<16xi32>
        %parallel_loop3A_1446 = arith.addi %parallel_loop3A_1440, %parallel_loop3A_1445 : vector<16xi32>
        %parallel_loop3A_1447 = tpu.vector_load_idx %arg6[%parallel_loop3A_1446] : memref<32768xf32, #tpu.memory_space<vmem>>[vector<16xi32>], vector<16xf32>,
        %parallel_loop3A_1448 = arith.index_cast %rem3A_411 : i32 to index
        %parallel_loop3A_1449 = arith.index_cast %parallel_loop3A_1442 : i32 to index
        %parallel_loop3A_1450 = arith.constant 0 : index
        %parallel_loop3A_1451 = tpu.vector_load %arg9[%parallel_loop3A_1448, %parallel_loop3A_1449, %parallel_loop3A_1450] {strides = array<i32>} : memref<3x128x64xf32, #tpu.memory_space<vmem>>, vector<16xf32>,
        %parallel_loop3A_1452 = arith.addf %parallel_loop3A_1451, %parallel_loop3A_1447 : vector<16xf32>
        %parallel_loop3A_1453 = arith.constant 0.000000e+00 : f32
        %parallel_loop3A_1454 = vector.broadcast %parallel_loop3A_1453 : f32 to vector<16xf32>
        %parallel_loop3A_1455 = arith.maximumf %parallel_loop3A_1452, %parallel_loop3A_1454 : vector<16xf32>
        %parallel_loop3A_1456 = arith.index_cast %rem3A_413 : i32 to index
        %parallel_loop3A_1457 = arith.index_cast %parallel_loop3A_1442 : i32 to index
        %parallel_loop3A_1458 = arith.constant 0 : index
        %parallel_loop3A_1459 = tpu.vector_load %arg10[%parallel_loop3A_1456, %parallel_loop3A_1457, %parallel_loop3A_1458] {strides = array<i32>} : memref<2x128x64xf32, #tpu.memory_space<vmem>>, vector<16xf32>,
        tpu.vector_store %arg10[%parallel_loop3A_1456, %parallel_loop3A_1457, %parallel_loop3A_1458], %parallel_loop3A_1455 {strides = array<i32>} : memref<2x128x64xf32, #tpu.memory_space<vmem>>, vector<16xf32>,
        %parallel_loop3A_1460 = arith.constant 16 : i32
        %parallel_loop3A_1461 = vector.broadcast %parallel_loop3A_1460 : i32 to vector<16xi32>
        %parallel_loop3A_1462 = arith.addi %iota3A, %parallel_loop3A_1461 : vector<16xi32>
        %parallel_loop3A_1463 = arith.addi %parallel_loop3A_1440, %parallel_loop3A_1462 : vector<16xi32>
        %parallel_loop3A_1464 = tpu.vector_load_idx %arg6[%parallel_loop3A_1463] : memref<32768xf32, #tpu.memory_space<vmem>>[vector<16xi32>], vector<16xf32>,
        %parallel_loop3A_1465 = arith.index_cast %rem3A_411 : i32 to index
        %parallel_loop3A_1466 = arith.index_cast %parallel_loop3A_1442 : i32 to index
        %parallel_loop3A_1467 = arith.constant 16 : index
        %parallel_loop3A_1468 = tpu.vector_load %arg9[%parallel_loop3A_1465, %parallel_loop3A_1466, %parallel_loop3A_1467] {strides = array<i32>} : memref<3x128x64xf32, #tpu.memory_space<vmem>>, vector<16xf32>,
        %parallel_loop3A_1469 = arith.addf %parallel_loop3A_1468, %parallel_loop3A_1464 : vector<16xf32>
        %parallel_loop3A_1470 = arith.constant 0.000000e+00 : f32
        %parallel_loop3A_1471 = vector.broadcast %parallel_loop3A_1470 : f32 to vector<16xf32>
        %parallel_loop3A_1472 = arith.maximumf %parallel_loop3A_1469, %parallel_loop3A_1471 : vector<16xf32>
        %parallel_loop3A_1473 = arith.index_cast %rem3A_413 : i32 to index
        %parallel_loop3A_1474 = arith.index_cast %parallel_loop3A_1442 : i32 to index
        %parallel_loop3A_1475 = arith.constant 16 : index
        %parallel_loop3A_1476 = tpu.vector_load %arg10[%parallel_loop3A_1473, %parallel_loop3A_1474, %parallel_loop3A_1475] {strides = array<i32>} : memref<2x128x64xf32, #tpu.memory_space<vmem>>, vector<16xf32>,
        tpu.vector_store %arg10[%parallel_loop3A_1473, %parallel_loop3A_1474, %parallel_loop3A_1475], %parallel_loop3A_1472 {strides = array<i32>} : memref<2x128x64xf32, #tpu.memory_space<vmem>>, vector<16xf32>,
        %parallel_loop3A_1477 = arith.constant 32 : i32
        %parallel_loop3A_1478 = vector.broadcast %parallel_loop3A_1477 : i32 to vector<16xi32>
        %parallel_loop3A_1479 = arith.addi %iota3A, %parallel_loop3A_1478 : vector<16xi32>
        %parallel_loop3A_1480 = arith.addi %parallel_loop3A_1440, %parallel_loop3A_1479 : vector<16xi32>
        %parallel_loop3A_1481 = tpu.vector_load_idx %arg6[%parallel_loop3A_1480] : memref<32768xf32, #tpu.memory_space<vmem>>[vector<16xi32>], vector<16xf32>,
        %parallel_loop3A_1482 = arith.index_cast %rem3A_411 : i32 to index
        %parallel_loop3A_1483 = arith.index_cast %parallel_loop3A_1442 : i32 to index
        %parallel_loop3A_1484 = arith.constant 32 : index
        %parallel_loop3A_1485 = tpu.vector_load %arg9[%parallel_loop3A_1482, %parallel_loop3A_1483, %parallel_loop3A_1484] {strides = array<i32>} : memref<3x128x64xf32, #tpu.memory_space<vmem>>, vector<16xf32>,
        %parallel_loop3A_1486 = arith.addf %parallel_loop3A_1485, %parallel_loop3A_1481 : vector<16xf32>
        %parallel_loop3A_1487 = arith.constant 0.000000e+00 : f32
        %parallel_loop3A_1488 = vector.broadcast %parallel_loop3A_1487 : f32 to vector<16xf32>
        %parallel_loop3A_1489 = arith.maximumf %parallel_loop3A_1486, %parallel_loop3A_1488 : vector<16xf32>
        %parallel_loop3A_1490 = arith.index_cast %rem3A_413 : i32 to index
        %parallel_loop3A_1491 = arith.index_cast %parallel_loop3A_1442 : i32 to index
        %parallel_loop3A_1492 = arith.constant 32 : index
        %parallel_loop3A_1493 = tpu.vector_load %arg10[%parallel_loop3A_1490, %parallel_loop3A_1491, %parallel_loop3A_1492] {strides = array<i32>} : memref<2x128x64xf32, #tpu.memory_space<vmem>>, vector<16xf32>,
        tpu.vector_store %arg10[%parallel_loop3A_1490, %parallel_loop3A_1491, %parallel_loop3A_1492], %parallel_loop3A_1489 {strides = array<i32>} : memref<2x128x64xf32, #tpu.memory_space<vmem>>, vector<16xf32>,
        %parallel_loop3A_1494 = arith.constant 48 : i32
        %parallel_loop3A_1495 = vector.broadcast %parallel_loop3A_1494 : i32 to vector<16xi32>
        %parallel_loop3A_1496 = arith.addi %iota3A, %parallel_loop3A_1495 : vector<16xi32>
        %parallel_loop3A_1497 = arith.addi %parallel_loop3A_1440, %parallel_loop3A_1496 : vector<16xi32>
        %parallel_loop3A_1498 = tpu.vector_load_idx %arg6[%parallel_loop3A_1497] : memref<32768xf32, #tpu.memory_space<vmem>>[vector<16xi32>], vector<16xf32>,
        %parallel_loop3A_1499 = arith.index_cast %rem3A_411 : i32 to index
        %parallel_loop3A_1500 = arith.index_cast %parallel_loop3A_1442 : i32 to index
        %parallel_loop3A_1501 = arith.constant 48 : index
        %parallel_loop3A_1502 = tpu.vector_load %arg9[%parallel_loop3A_1499, %parallel_loop3A_1500, %parallel_loop3A_1501] {strides = array<i32>} : memref<3x128x64xf32, #tpu.memory_space<vmem>>, vector<16xf32>,
        %parallel_loop3A_1503 = arith.addf %parallel_loop3A_1502, %parallel_loop3A_1498 : vector<16xf32>
        %parallel_loop3A_1504 = arith.constant 0.000000e+00 : f32
        %parallel_loop3A_1505 = vector.broadcast %parallel_loop3A_1504 : f32 to vector<16xf32>
        %parallel_loop3A_1506 = arith.maximumf %parallel_loop3A_1503, %parallel_loop3A_1505 : vector<16xf32>
        %parallel_loop3A_1507 = arith.index_cast %rem3A_413 : i32 to index
        %parallel_loop3A_1508 = arith.index_cast %parallel_loop3A_1442 : i32 to index
        %parallel_loop3A_1509 = arith.constant 48 : index
        %parallel_loop3A_1510 = tpu.vector_load %arg10[%parallel_loop3A_1507, %parallel_loop3A_1508, %parallel_loop3A_1509] {strides = array<i32>} : memref<2x128x64xf32, #tpu.memory_space<vmem>>, vector<16xf32>,
        tpu.vector_store %arg10[%parallel_loop3A_1507, %parallel_loop3A_1508, %parallel_loop3A_1509], %parallel_loop3A_1506 {strides = array<i32>} : memref<2x128x64xf32, #tpu.memory_space<vmem>>, vector<16xf32>,
        %parallel_loop3A_1511 = arith.constant 14 : i32
        %parallel_loop3A_1512 = vector.broadcast %parallel_loop3A_1511 : i32 to vector<16x1xi32>
        %parallel_loop3A_1513 = vector.shape_cast %parallel_loop3A_1512 : vector<16x1xi32> to vector<16xi32>
        %parallel_loop3A_1514 = tpu.dynamic_gather %parallel_loop3A_474[%parallel_loop3A_1513] in [0] : vector<16xi32>, vector<16xi32> -> vector<16xi32>
        %parallel_loop3A_1515 = arith.constant 14 : i32
        %parallel_loop3A_1516 = arith.addi %parallel_loop3A_463, %parallel_loop3A_1515 : i32
        %parallel_loop3A_1517 = arith.constant 0 : i32
        %parallel_loop3A_1518 = vector.broadcast %parallel_loop3A_1517 : i32 to vector<16xi32>
        %parallel_loop3A_1519 = arith.addi %iota3A, %parallel_loop3A_1518 : vector<16xi32>
        %parallel_loop3A_1520 = arith.addi %parallel_loop3A_1514, %parallel_loop3A_1519 : vector<16xi32>
        %parallel_loop3A_1521 = tpu.vector_load_idx %arg6[%parallel_loop3A_1520] : memref<32768xf32, #tpu.memory_space<vmem>>[vector<16xi32>], vector<16xf32>,
        %parallel_loop3A_1522 = arith.index_cast %rem3A_411 : i32 to index
        %parallel_loop3A_1523 = arith.index_cast %parallel_loop3A_1516 : i32 to index
        %parallel_loop3A_1524 = arith.constant 0 : index
        %parallel_loop3A_1525 = tpu.vector_load %arg9[%parallel_loop3A_1522, %parallel_loop3A_1523, %parallel_loop3A_1524] {strides = array<i32>} : memref<3x128x64xf32, #tpu.memory_space<vmem>>, vector<16xf32>,
        %parallel_loop3A_1526 = arith.addf %parallel_loop3A_1525, %parallel_loop3A_1521 : vector<16xf32>
        %parallel_loop3A_1527 = arith.constant 0.000000e+00 : f32
        %parallel_loop3A_1528 = vector.broadcast %parallel_loop3A_1527 : f32 to vector<16xf32>
        %parallel_loop3A_1529 = arith.maximumf %parallel_loop3A_1526, %parallel_loop3A_1528 : vector<16xf32>
        %parallel_loop3A_1530 = arith.index_cast %rem3A_413 : i32 to index
        %parallel_loop3A_1531 = arith.index_cast %parallel_loop3A_1516 : i32 to index
        %parallel_loop3A_1532 = arith.constant 0 : index
        %parallel_loop3A_1533 = tpu.vector_load %arg10[%parallel_loop3A_1530, %parallel_loop3A_1531, %parallel_loop3A_1532] {strides = array<i32>} : memref<2x128x64xf32, #tpu.memory_space<vmem>>, vector<16xf32>,
        tpu.vector_store %arg10[%parallel_loop3A_1530, %parallel_loop3A_1531, %parallel_loop3A_1532], %parallel_loop3A_1529 {strides = array<i32>} : memref<2x128x64xf32, #tpu.memory_space<vmem>>, vector<16xf32>,
        %parallel_loop3A_1534 = arith.constant 16 : i32
        %parallel_loop3A_1535 = vector.broadcast %parallel_loop3A_1534 : i32 to vector<16xi32>
        %parallel_loop3A_1536 = arith.addi %iota3A, %parallel_loop3A_1535 : vector<16xi32>
        %parallel_loop3A_1537 = arith.addi %parallel_loop3A_1514, %parallel_loop3A_1536 : vector<16xi32>
        %parallel_loop3A_1538 = tpu.vector_load_idx %arg6[%parallel_loop3A_1537] : memref<32768xf32, #tpu.memory_space<vmem>>[vector<16xi32>], vector<16xf32>,
        %parallel_loop3A_1539 = arith.index_cast %rem3A_411 : i32 to index
        %parallel_loop3A_1540 = arith.index_cast %parallel_loop3A_1516 : i32 to index
        %parallel_loop3A_1541 = arith.constant 16 : index
        %parallel_loop3A_1542 = tpu.vector_load %arg9[%parallel_loop3A_1539, %parallel_loop3A_1540, %parallel_loop3A_1541] {strides = array<i32>} : memref<3x128x64xf32, #tpu.memory_space<vmem>>, vector<16xf32>,
        %parallel_loop3A_1543 = arith.addf %parallel_loop3A_1542, %parallel_loop3A_1538 : vector<16xf32>
        %parallel_loop3A_1544 = arith.constant 0.000000e+00 : f32
        %parallel_loop3A_1545 = vector.broadcast %parallel_loop3A_1544 : f32 to vector<16xf32>
        %parallel_loop3A_1546 = arith.maximumf %parallel_loop3A_1543, %parallel_loop3A_1545 : vector<16xf32>
        %parallel_loop3A_1547 = arith.index_cast %rem3A_413 : i32 to index
        %parallel_loop3A_1548 = arith.index_cast %parallel_loop3A_1516 : i32 to index
        %parallel_loop3A_1549 = arith.constant 16 : index
        %parallel_loop3A_1550 = tpu.vector_load %arg10[%parallel_loop3A_1547, %parallel_loop3A_1548, %parallel_loop3A_1549] {strides = array<i32>} : memref<2x128x64xf32, #tpu.memory_space<vmem>>, vector<16xf32>,
        tpu.vector_store %arg10[%parallel_loop3A_1547, %parallel_loop3A_1548, %parallel_loop3A_1549], %parallel_loop3A_1546 {strides = array<i32>} : memref<2x128x64xf32, #tpu.memory_space<vmem>>, vector<16xf32>,
        %parallel_loop3A_1551 = arith.constant 32 : i32
        %parallel_loop3A_1552 = vector.broadcast %parallel_loop3A_1551 : i32 to vector<16xi32>
        %parallel_loop3A_1553 = arith.addi %iota3A, %parallel_loop3A_1552 : vector<16xi32>
        %parallel_loop3A_1554 = arith.addi %parallel_loop3A_1514, %parallel_loop3A_1553 : vector<16xi32>
        %parallel_loop3A_1555 = tpu.vector_load_idx %arg6[%parallel_loop3A_1554] : memref<32768xf32, #tpu.memory_space<vmem>>[vector<16xi32>], vector<16xf32>,
        %parallel_loop3A_1556 = arith.index_cast %rem3A_411 : i32 to index
        %parallel_loop3A_1557 = arith.index_cast %parallel_loop3A_1516 : i32 to index
        %parallel_loop3A_1558 = arith.constant 32 : index
        %parallel_loop3A_1559 = tpu.vector_load %arg9[%parallel_loop3A_1556, %parallel_loop3A_1557, %parallel_loop3A_1558] {strides = array<i32>} : memref<3x128x64xf32, #tpu.memory_space<vmem>>, vector<16xf32>,
        %parallel_loop3A_1560 = arith.addf %parallel_loop3A_1559, %parallel_loop3A_1555 : vector<16xf32>
        %parallel_loop3A_1561 = arith.constant 0.000000e+00 : f32
        %parallel_loop3A_1562 = vector.broadcast %parallel_loop3A_1561 : f32 to vector<16xf32>
        %parallel_loop3A_1563 = arith.maximumf %parallel_loop3A_1560, %parallel_loop3A_1562 : vector<16xf32>
        %parallel_loop3A_1564 = arith.index_cast %rem3A_413 : i32 to index
        %parallel_loop3A_1565 = arith.index_cast %parallel_loop3A_1516 : i32 to index
        %parallel_loop3A_1566 = arith.constant 32 : index
        %parallel_loop3A_1567 = tpu.vector_load %arg10[%parallel_loop3A_1564, %parallel_loop3A_1565, %parallel_loop3A_1566] {strides = array<i32>} : memref<2x128x64xf32, #tpu.memory_space<vmem>>, vector<16xf32>,
        tpu.vector_store %arg10[%parallel_loop3A_1564, %parallel_loop3A_1565, %parallel_loop3A_1566], %parallel_loop3A_1563 {strides = array<i32>} : memref<2x128x64xf32, #tpu.memory_space<vmem>>, vector<16xf32>,
        %parallel_loop3A_1568 = arith.constant 48 : i32
        %parallel_loop3A_1569 = vector.broadcast %parallel_loop3A_1568 : i32 to vector<16xi32>
        %parallel_loop3A_1570 = arith.addi %iota3A, %parallel_loop3A_1569 : vector<16xi32>
        %parallel_loop3A_1571 = arith.addi %parallel_loop3A_1514, %parallel_loop3A_1570 : vector<16xi32>
        %parallel_loop3A_1572 = tpu.vector_load_idx %arg6[%parallel_loop3A_1571] : memref<32768xf32, #tpu.memory_space<vmem>>[vector<16xi32>], vector<16xf32>,
        %parallel_loop3A_1573 = arith.index_cast %rem3A_411 : i32 to index
        %parallel_loop3A_1574 = arith.index_cast %parallel_loop3A_1516 : i32 to index
        %parallel_loop3A_1575 = arith.constant 48 : index
        %parallel_loop3A_1576 = tpu.vector_load %arg9[%parallel_loop3A_1573, %parallel_loop3A_1574, %parallel_loop3A_1575] {strides = array<i32>} : memref<3x128x64xf32, #tpu.memory_space<vmem>>, vector<16xf32>,
        %parallel_loop3A_1577 = arith.addf %parallel_loop3A_1576, %parallel_loop3A_1572 : vector<16xf32>
        %parallel_loop3A_1578 = arith.constant 0.000000e+00 : f32
        %parallel_loop3A_1579 = vector.broadcast %parallel_loop3A_1578 : f32 to vector<16xf32>
        %parallel_loop3A_1580 = arith.maximumf %parallel_loop3A_1577, %parallel_loop3A_1579 : vector<16xf32>
        %parallel_loop3A_1581 = arith.index_cast %rem3A_413 : i32 to index
        %parallel_loop3A_1582 = arith.index_cast %parallel_loop3A_1516 : i32 to index
        %parallel_loop3A_1583 = arith.constant 48 : index
        %parallel_loop3A_1584 = tpu.vector_load %arg10[%parallel_loop3A_1581, %parallel_loop3A_1582, %parallel_loop3A_1583] {strides = array<i32>} : memref<2x128x64xf32, #tpu.memory_space<vmem>>, vector<16xf32>,
        tpu.vector_store %arg10[%parallel_loop3A_1581, %parallel_loop3A_1582, %parallel_loop3A_1583], %parallel_loop3A_1580 {strides = array<i32>} : memref<2x128x64xf32, #tpu.memory_space<vmem>>, vector<16xf32>,
        %parallel_loop3A_1585 = arith.constant 15 : i32
        %parallel_loop3A_1586 = vector.broadcast %parallel_loop3A_1585 : i32 to vector<16x1xi32>
        %parallel_loop3A_1587 = vector.shape_cast %parallel_loop3A_1586 : vector<16x1xi32> to vector<16xi32>
        %parallel_loop3A_1588 = tpu.dynamic_gather %parallel_loop3A_474[%parallel_loop3A_1587] in [0] : vector<16xi32>, vector<16xi32> -> vector<16xi32>
        %parallel_loop3A_1589 = arith.constant 15 : i32
        %parallel_loop3A_1590 = arith.addi %parallel_loop3A_463, %parallel_loop3A_1589 : i32
        %parallel_loop3A_1591 = arith.constant 0 : i32
        %parallel_loop3A_1592 = vector.broadcast %parallel_loop3A_1591 : i32 to vector<16xi32>
        %parallel_loop3A_1593 = arith.addi %iota3A, %parallel_loop3A_1592 : vector<16xi32>
        %parallel_loop3A_1594 = arith.addi %parallel_loop3A_1588, %parallel_loop3A_1593 : vector<16xi32>
        %parallel_loop3A_1595 = tpu.vector_load_idx %arg6[%parallel_loop3A_1594] : memref<32768xf32, #tpu.memory_space<vmem>>[vector<16xi32>], vector<16xf32>,
        %parallel_loop3A_1596 = arith.index_cast %rem3A_411 : i32 to index
        %parallel_loop3A_1597 = arith.index_cast %parallel_loop3A_1590 : i32 to index
        %parallel_loop3A_1598 = arith.constant 0 : index
        %parallel_loop3A_1599 = tpu.vector_load %arg9[%parallel_loop3A_1596, %parallel_loop3A_1597, %parallel_loop3A_1598] {strides = array<i32>} : memref<3x128x64xf32, #tpu.memory_space<vmem>>, vector<16xf32>,
        %parallel_loop3A_1600 = arith.addf %parallel_loop3A_1599, %parallel_loop3A_1595 : vector<16xf32>
        %parallel_loop3A_1601 = arith.constant 0.000000e+00 : f32
        %parallel_loop3A_1602 = vector.broadcast %parallel_loop3A_1601 : f32 to vector<16xf32>
        %parallel_loop3A_1603 = arith.maximumf %parallel_loop3A_1600, %parallel_loop3A_1602 : vector<16xf32>
        %parallel_loop3A_1604 = arith.index_cast %rem3A_413 : i32 to index
        %parallel_loop3A_1605 = arith.index_cast %parallel_loop3A_1590 : i32 to index
        %parallel_loop3A_1606 = arith.constant 0 : index
        %parallel_loop3A_1607 = tpu.vector_load %arg10[%parallel_loop3A_1604, %parallel_loop3A_1605, %parallel_loop3A_1606] {strides = array<i32>} : memref<2x128x64xf32, #tpu.memory_space<vmem>>, vector<16xf32>,
        tpu.vector_store %arg10[%parallel_loop3A_1604, %parallel_loop3A_1605, %parallel_loop3A_1606], %parallel_loop3A_1603 {strides = array<i32>} : memref<2x128x64xf32, #tpu.memory_space<vmem>>, vector<16xf32>,
        %parallel_loop3A_1608 = arith.constant 16 : i32
        %parallel_loop3A_1609 = vector.broadcast %parallel_loop3A_1608 : i32 to vector<16xi32>
        %parallel_loop3A_1610 = arith.addi %iota3A, %parallel_loop3A_1609 : vector<16xi32>
        %parallel_loop3A_1611 = arith.addi %parallel_loop3A_1588, %parallel_loop3A_1610 : vector<16xi32>
        %parallel_loop3A_1612 = tpu.vector_load_idx %arg6[%parallel_loop3A_1611] : memref<32768xf32, #tpu.memory_space<vmem>>[vector<16xi32>], vector<16xf32>,
        %parallel_loop3A_1613 = arith.index_cast %rem3A_411 : i32 to index
        %parallel_loop3A_1614 = arith.index_cast %parallel_loop3A_1590 : i32 to index
        %parallel_loop3A_1615 = arith.constant 16 : index
        %parallel_loop3A_1616 = tpu.vector_load %arg9[%parallel_loop3A_1613, %parallel_loop3A_1614, %parallel_loop3A_1615] {strides = array<i32>} : memref<3x128x64xf32, #tpu.memory_space<vmem>>, vector<16xf32>,
        %parallel_loop3A_1617 = arith.addf %parallel_loop3A_1616, %parallel_loop3A_1612 : vector<16xf32>
        %parallel_loop3A_1618 = arith.constant 0.000000e+00 : f32
        %parallel_loop3A_1619 = vector.broadcast %parallel_loop3A_1618 : f32 to vector<16xf32>
        %parallel_loop3A_1620 = arith.maximumf %parallel_loop3A_1617, %parallel_loop3A_1619 : vector<16xf32>
        %parallel_loop3A_1621 = arith.index_cast %rem3A_413 : i32 to index
        %parallel_loop3A_1622 = arith.index_cast %parallel_loop3A_1590 : i32 to index
        %parallel_loop3A_1623 = arith.constant 16 : index
        %parallel_loop3A_1624 = tpu.vector_load %arg10[%parallel_loop3A_1621, %parallel_loop3A_1622, %parallel_loop3A_1623] {strides = array<i32>} : memref<2x128x64xf32, #tpu.memory_space<vmem>>, vector<16xf32>,
        tpu.vector_store %arg10[%parallel_loop3A_1621, %parallel_loop3A_1622, %parallel_loop3A_1623], %parallel_loop3A_1620 {strides = array<i32>} : memref<2x128x64xf32, #tpu.memory_space<vmem>>, vector<16xf32>,
        %parallel_loop3A_1625 = arith.constant 32 : i32
        %parallel_loop3A_1626 = vector.broadcast %parallel_loop3A_1625 : i32 to vector<16xi32>
        %parallel_loop3A_1627 = arith.addi %iota3A, %parallel_loop3A_1626 : vector<16xi32>
        %parallel_loop3A_1628 = arith.addi %parallel_loop3A_1588, %parallel_loop3A_1627 : vector<16xi32>
        %parallel_loop3A_1629 = tpu.vector_load_idx %arg6[%parallel_loop3A_1628] : memref<32768xf32, #tpu.memory_space<vmem>>[vector<16xi32>], vector<16xf32>,
        %parallel_loop3A_1630 = arith.index_cast %rem3A_411 : i32 to index
        %parallel_loop3A_1631 = arith.index_cast %parallel_loop3A_1590 : i32 to index
        %parallel_loop3A_1632 = arith.constant 32 : index
        %parallel_loop3A_1633 = tpu.vector_load %arg9[%parallel_loop3A_1630, %parallel_loop3A_1631, %parallel_loop3A_1632] {strides = array<i32>} : memref<3x128x64xf32, #tpu.memory_space<vmem>>, vector<16xf32>,
        %parallel_loop3A_1634 = arith.addf %parallel_loop3A_1633, %parallel_loop3A_1629 : vector<16xf32>
        %parallel_loop3A_1635 = arith.constant 0.000000e+00 : f32
        %parallel_loop3A_1636 = vector.broadcast %parallel_loop3A_1635 : f32 to vector<16xf32>
        %parallel_loop3A_1637 = arith.maximumf %parallel_loop3A_1634, %parallel_loop3A_1636 : vector<16xf32>
        %parallel_loop3A_1638 = arith.index_cast %rem3A_413 : i32 to index
        %parallel_loop3A_1639 = arith.index_cast %parallel_loop3A_1590 : i32 to index
        %parallel_loop3A_1640 = arith.constant 32 : index
        %parallel_loop3A_1641 = tpu.vector_load %arg10[%parallel_loop3A_1638, %parallel_loop3A_1639, %parallel_loop3A_1640] {strides = array<i32>} : memref<2x128x64xf32, #tpu.memory_space<vmem>>, vector<16xf32>,
        tpu.vector_store %arg10[%parallel_loop3A_1638, %parallel_loop3A_1639, %parallel_loop3A_1640], %parallel_loop3A_1637 {strides = array<i32>} : memref<2x128x64xf32, #tpu.memory_space<vmem>>, vector<16xf32>,
        %parallel_loop3A_1642 = arith.constant 48 : i32
        %parallel_loop3A_1643 = vector.broadcast %parallel_loop3A_1642 : i32 to vector<16xi32>
        %parallel_loop3A_1644 = arith.addi %iota3A, %parallel_loop3A_1643 : vector<16xi32>
        %parallel_loop3A_1645 = arith.addi %parallel_loop3A_1588, %parallel_loop3A_1644 : vector<16xi32>
        %parallel_loop3A_1646 = tpu.vector_load_idx %arg6[%parallel_loop3A_1645] : memref<32768xf32, #tpu.memory_space<vmem>>[vector<16xi32>], vector<16xf32>,
        %parallel_loop3A_1647 = arith.index_cast %rem3A_411 : i32 to index
        %parallel_loop3A_1648 = arith.index_cast %parallel_loop3A_1590 : i32 to index
        %parallel_loop3A_1649 = arith.constant 48 : index
        %parallel_loop3A_1650 = tpu.vector_load %arg9[%parallel_loop3A_1647, %parallel_loop3A_1648, %parallel_loop3A_1649] {strides = array<i32>} : memref<3x128x64xf32, #tpu.memory_space<vmem>>, vector<16xf32>,
        %parallel_loop3A_1651 = arith.addf %parallel_loop3A_1650, %parallel_loop3A_1646 : vector<16xf32>
        %parallel_loop3A_1652 = arith.constant 0.000000e+00 : f32
        %parallel_loop3A_1653 = vector.broadcast %parallel_loop3A_1652 : f32 to vector<16xf32>
        %parallel_loop3A_1654 = arith.maximumf %parallel_loop3A_1651, %parallel_loop3A_1653 : vector<16xf32>
        %parallel_loop3A_1655 = arith.index_cast %rem3A_413 : i32 to index
        %parallel_loop3A_1656 = arith.index_cast %parallel_loop3A_1590 : i32 to index
        %parallel_loop3A_1657 = arith.constant 48 : index
        %parallel_loop3A_1658 = tpu.vector_load %arg10[%parallel_loop3A_1655, %parallel_loop3A_1656, %parallel_loop3A_1657] {strides = array<i32>} : memref<2x128x64xf32, #tpu.memory_space<vmem>>, vector<16xf32>,
        tpu.vector_store %arg10[%parallel_loop3A_1655, %parallel_loop3A_1656, %parallel_loop3A_1657], %parallel_loop3A_1654 {strides = array<i32>} : memref<2x128x64xf32, #tpu.memory_space<vmem>>, vector<16xf32>,
      } {sc.loop_unroll_factor = 1 : i64, sc.parallel_access}
      %rem3A_446 = arith.constant 2 : i32
      %rem3A_447 = arith.remsi %scan3A_409, %rem3A_446 : i32
      %rem3A_448 = arith.constant 5 : i32
      %rem3A_449 = arith.remsi %scan3A_409, %rem3A_448 : i32
      %dma_start3A_450 = arith.constant 1 : i32
      %dma_start3A_451 = arith.constant 0 : i32
      %dma_start3A_452 = arith.constant 0 : i32
      %dma_start3A_453 = tpu.memref_slice %arg10[%rem3A_447, %dma_start3A_451, %dma_start3A_452] : memref<2x128x64xf32, #tpu.memory_space<vmem>> -> memref<1x128x64xf32, #tpu.memory_space<vmem>>
      %dma_start3A_454 = tpu.memref_squeeze %dma_start3A_453 : memref<1x128x64xf32, #tpu.memory_space<vmem>> -> memref<128x64xf32, #tpu.memory_space<vmem>>
      %dma_start3A_455 = arith.constant 0 : i32
      %dma_start3A_456 = tpu.memref_slice %arg7[%rem3A_449, %dma_start3A_450, %dma_start3A_455] : memref<5x2x128xi32, #tpu.memory_space<vmem>> -> memref<1x1x128xi32, #tpu.memory_space<vmem>>
      %dma_start3A_457 = tpu.memref_squeeze %dma_start3A_456 : memref<1x1x128xi32, #tpu.memory_space<vmem>> -> memref<128xi32, #tpu.memory_space<vmem>>
      %dma_start3A_458 = arith.constant 0 : i32
      %dma_start3A_459 = arith.constant 0 : i32
      %dma_start3A_460 = tpu.memref_slice %arg11[%dma_start3A_458, %dma_start3A_459] : memref<10112x64xf32, #tpu.memory_space<vmem_shared>> -> memref<10112x64xf32, #tpu.memory_space<vmem_shared>>
      tpu.enqueue_indirect_dma source(%dma_start3A_454 : memref<128x64xf32, #tpu.memory_space<vmem>>) target(%dma_start3A_460 : memref<10112x64xf32, #tpu.memory_space<vmem_shared>>) offsets(%dma_start3A_457 : memref<128xi32, #tpu.memory_space<vmem>>) semaphore(%arg14 : memref<!tpu.dma_semaphore, #tpu.memory_space<semaphore_mem>>) {add = true}
    }
    %scan3A_367 = arith.constant 157 : i32
    %rem3A_368 = arith.constant 155 : i32
    %rem3A_369 = arith.constant 2 : i32
    %rem3A_370 = arith.remsi %rem3A_368, %rem3A_369 : i32
    %rem3A_371 = arith.constant 155 : i32
    %rem3A_372 = arith.constant 5 : i32
    %rem3A_373 = arith.remsi %rem3A_371, %rem3A_372 : i32
    %dma_wait3A_374 = arith.constant 1 : i32
    %dma_wait3A_375 = arith.constant 0 : i32
    %dma_wait3A_376 = arith.constant 0 : i32
    %dma_wait3A_377 = tpu.memref_slice %arg10[%rem3A_370, %dma_wait3A_375, %dma_wait3A_376] : memref<2x128x64xf32, #tpu.memory_space<vmem>> -> memref<1x128x64xf32, #tpu.memory_space<vmem>>
    %dma_wait3A_378 = tpu.memref_squeeze %dma_wait3A_377 : memref<1x128x64xf32, #tpu.memory_space<vmem>> -> memref<128x64xf32, #tpu.memory_space<vmem>>
    %dma_wait3A_379 = arith.constant 0 : i32
    %dma_wait3A_380 = tpu.memref_slice %arg7[%rem3A_373, %dma_wait3A_374, %dma_wait3A_379] : memref<5x2x128xi32, #tpu.memory_space<vmem>> -> memref<1x1x128xi32, #tpu.memory_space<vmem>>
    %dma_wait3A_381 = tpu.memref_squeeze %dma_wait3A_380 : memref<1x1x128xi32, #tpu.memory_space<vmem>> -> memref<128xi32, #tpu.memory_space<vmem>>
    %dma_wait3A_382 = arith.constant 0 : i32
    %dma_wait3A_383 = arith.constant 0 : i32
    %dma_wait3A_384 = tpu.memref_slice %arg11[%dma_wait3A_382, %dma_wait3A_383] : memref<10112x64xf32, #tpu.memory_space<vmem_shared>> -> memref<10112x64xf32, #tpu.memory_space<vmem_shared>>
    tpu.wait_indirect_dma semaphore(%arg14 : memref<!tpu.dma_semaphore, #tpu.memory_space<semaphore_mem>>) src(%dma_wait3A_378 : memref<128x64xf32, #tpu.memory_space<vmem>>) dst(%dma_wait3A_384 : memref<10112x64xf32, #tpu.memory_space<vmem_shared>>)
    %rem3A_385 = arith.constant 156 : i32
    %rem3A_386 = arith.constant 2 : i32
    %rem3A_387 = arith.remsi %rem3A_385, %rem3A_386 : i32
    %rem3A_388 = arith.constant 156 : i32
    %rem3A_389 = arith.constant 5 : i32
    %rem3A_390 = arith.remsi %rem3A_388, %rem3A_389 : i32
    %dma_wait3A_391 = arith.constant 1 : i32
    %dma_wait3A_392 = arith.constant 0 : i32
    %dma_wait3A_393 = arith.constant 0 : i32
    %dma_wait3A_394 = tpu.memref_slice %arg10[%rem3A_387, %dma_wait3A_392, %dma_wait3A_393] : memref<2x128x64xf32, #tpu.memory_space<vmem>> -> memref<1x128x64xf32, #tpu.memory_space<vmem>>
    %dma_wait3A_395 = tpu.memref_squeeze %dma_wait3A_394 : memref<1x128x64xf32, #tpu.memory_space<vmem>> -> memref<128x64xf32, #tpu.memory_space<vmem>>
    %dma_wait3A_396 = arith.constant 0 : i32
    %dma_wait3A_397 = tpu.memref_slice %arg7[%rem3A_390, %dma_wait3A_391, %dma_wait3A_396] : memref<5x2x128xi32, #tpu.memory_space<vmem>> -> memref<1x1x128xi32, #tpu.memory_space<vmem>>
    %dma_wait3A_398 = tpu.memref_squeeze %dma_wait3A_397 : memref<1x1x128xi32, #tpu.memory_space<vmem>> -> memref<128xi32, #tpu.memory_space<vmem>>
    %dma_wait3A_399 = arith.constant 0 : i32
    %dma_wait3A_400 = arith.constant 0 : i32
    %dma_wait3A_401 = tpu.memref_slice %arg11[%dma_wait3A_399, %dma_wait3A_400] : memref<10112x64xf32, #tpu.memory_space<vmem_shared>> -> memref<10112x64xf32, #tpu.memory_space<vmem_shared>>
    tpu.wait_indirect_dma semaphore(%arg14 : memref<!tpu.dma_semaphore, #tpu.memory_space<semaphore_mem>>) src(%dma_wait3A_395 : memref<128x64xf32, #tpu.memory_space<vmem>>) dst(%dma_wait3A_401 : memref<10112x64xf32, #tpu.memory_space<vmem_shared>>)
    %barrier3A_402 = arith.constant 0 : index
    tpu.barrier barrier_id(%barrier3A_402)
    %lt3A = arith.constant 15 : i32
    %lt3A_403 = arith.cmpi slt, %arg1, %lt3A : i32
    %convert_element_type3A = arith.extui %lt3A_403 : i1 to i32
    %cond3A = arith.constant 0 : i32
    %cond3A_404 = arith.cmpi ne, %convert_element_type3A, %cond3A : i32
    scf.if %cond3A_404 {
      %mul3A_409 = arith.constant 632 : i32
      %mul3A_410 = arith.muli %arg1, %mul3A_409 : i32
      %mul3A_411 = arith.constant 10000 : i32
      %mul3A_412 = arith.muli %arg0, %mul3A_411 : i32
      %mul3A_413 = arith.constant 632 : i32
      %mul3A_414 = arith.muli %arg1, %mul3A_413 : i32
      %add3A_415 = arith.addi %mul3A_412, %mul3A_414 : i32
      "tpu.region"() ({
        %run_scoped3A_416 = tpu.sem_alloc : memref<!tpu.dma_semaphore, #tpu.memory_space<semaphore_mem>>
        %dma_start3A_417 = arith.constant 0 : i32
        %dma_start3A_418 = tpu.memref_slice %arg5[%add3A_415, %dma_start3A_417] : memref<20000x64xf32, #tpu.memory_space<hbm>> -> memref<632x64xf32, #tpu.memory_space<hbm>>
        %dma_start3A_419 = arith.constant 0 : i32
        %dma_start3A_420 = tpu.memref_slice %arg11[%mul3A_410, %dma_start3A_419] : memref<10112x64xf32, #tpu.memory_space<vmem_shared>> -> memref<632x64xf32, #tpu.memory_space<vmem_shared>>
        tpu.enqueue_dma source(%dma_start3A_420 : memref<632x64xf32, #tpu.memory_space<vmem_shared>>) target(%dma_start3A_418 : memref<632x64xf32, #tpu.memory_space<hbm>>) target_semaphore(%run_scoped3A_416 : memref<!tpu.dma_semaphore, #tpu.memory_space<semaphore_mem>>)
        %dma_wait3A_421 = arith.constant 0 : i32
        %dma_wait3A_422 = tpu.memref_slice %arg5[%add3A_415, %dma_wait3A_421] : memref<20000x64xf32, #tpu.memory_space<hbm>> -> memref<632x64xf32, #tpu.memory_space<hbm>>
        %dma_wait3A_423 = arith.constant 0 : i32
        %dma_wait3A_424 = tpu.memref_slice %arg11[%mul3A_410, %dma_wait3A_423] : memref<10112x64xf32, #tpu.memory_space<vmem_shared>> -> memref<632x64xf32, #tpu.memory_space<vmem_shared>>
        tpu.wait_dma2 semaphore(%run_scoped3A_416 : memref<!tpu.dma_semaphore, #tpu.memory_space<semaphore_mem>>) src(%dma_wait3A_424 : memref<632x64xf32, #tpu.memory_space<vmem_shared>>) dst(%dma_wait3A_422 : memref<632x64xf32, #tpu.memory_space<hbm>>)
        tpu.yield
      }) : () -> ()
    } else {
    }
    %eq3A = arith.constant 15 : i32
    %eq3A_405 = arith.cmpi eq, %arg1, %eq3A : i32
    %convert_element_type3A_406 = arith.extui %eq3A_405 : i1 to i32
    %cond3A_407 = arith.constant 0 : i32
    %cond3A_408 = arith.cmpi ne, %convert_element_type3A_406, %cond3A_407 : i32
    scf.if %cond3A_408 {
      %mul3A_409 = arith.constant 10000 : i32
      %mul3A_410 = arith.muli %arg0, %mul3A_409 : i32
      %add3A_411 = arith.constant 9480 : i32
      %add3A_412 = arith.addi %mul3A_410, %add3A_411 : i32
      "tpu.region"() ({
        %run_scoped3A_413 = tpu.sem_alloc : memref<!tpu.dma_semaphore, #tpu.memory_space<semaphore_mem>>
        %dma_start3A_414 = arith.constant 0 : i32
        %dma_start3A_415 = tpu.memref_slice %arg5[%add3A_412, %dma_start3A_414] : memref<20000x64xf32, #tpu.memory_space<hbm>> -> memref<520x64xf32, #tpu.memory_space<hbm>>
        %dma_start3A_416 = arith.constant 9480 : i32
        %dma_start3A_417 = arith.constant 0 : i32
        %dma_start3A_418 = tpu.memref_slice %arg11[%dma_start3A_416, %dma_start3A_417] : memref<10112x64xf32, #tpu.memory_space<vmem_shared>> -> memref<520x64xf32, #tpu.memory_space<vmem_shared>>
        tpu.enqueue_dma source(%dma_start3A_418 : memref<520x64xf32, #tpu.memory_space<vmem_shared>>) target(%dma_start3A_415 : memref<520x64xf32, #tpu.memory_space<hbm>>) target_semaphore(%run_scoped3A_413 : memref<!tpu.dma_semaphore, #tpu.memory_space<semaphore_mem>>)
        %dma_wait3A_419 = arith.constant 0 : i32
        %dma_wait3A_420 = tpu.memref_slice %arg5[%add3A_412, %dma_wait3A_419] : memref<20000x64xf32, #tpu.memory_space<hbm>> -> memref<520x64xf32, #tpu.memory_space<hbm>>
        %dma_wait3A_421 = arith.constant 9480 : i32
        %dma_wait3A_422 = arith.constant 0 : i32
        %dma_wait3A_423 = tpu.memref_slice %arg11[%dma_wait3A_421, %dma_wait3A_422] : memref<10112x64xf32, #tpu.memory_space<vmem_shared>> -> memref<520x64xf32, #tpu.memory_space<vmem_shared>>
        tpu.wait_dma2 semaphore(%run_scoped3A_413 : memref<!tpu.dma_semaphore, #tpu.memory_space<semaphore_mem>>) src(%dma_wait3A_423 : memref<520x64xf32, #tpu.memory_space<vmem_shared>>) dst(%dma_wait3A_420 : memref<520x64xf32, #tpu.memory_space<hbm>>)
        tpu.yield
      }) : () -> ()
    } else {
    }
    return
  }
}

module attributes {stable_mosaic.version = 14 : i64} {
  func.func @_tc_body(%arg0: memref<10000x128xf32, #tpu.memory_space<vmem>>, %arg1: memref<2x10000x64xf32, #tpu.memory_space<vmem>>, %arg2: memref<1x128xf32, #tpu.memory_space<vmem>>, %arg3: memref<128x256xf32, #tpu.memory_space<vmem>>, %arg4: memref<1x256xf32, #tpu.memory_space<vmem>>, %arg5: memref<1x256xf32, #tpu.memory_space<vmem>>, %arg6: memref<1x256xf32, #tpu.memory_space<vmem>>, %arg7: memref<256x128xf32, #tpu.memory_space<vmem>>, %arg8: memref<1x128xf32, #tpu.memory_space<vmem>>, %arg9: memref<1x128xf32, #tpu.memory_space<vmem>>, %arg10: memref<1x128xf32, #tpu.memory_space<vmem>>, %arg11: memref<1x1xf32, #tpu.memory_space<vmem>>, %arg12: memref<10000x128xf32, #tpu.memory_space<vmem>>) attributes {dimension_semantics = [], scalar_prefetch = 0 : i64, scratch_operands = 0 : i64, tpu.core_type = #tpu.core_type<tc>} {
    %get3A = arith.constant 0 : index
    %get3A_0 = arith.constant 0 : index
    %get3A_1 = vector.load %arg0[%get3A, %get3A_0] : memref<10000x128xf32, #tpu.memory_space<vmem>>, vector<10000x128xf32>
    %get3A_2 = arith.constant 0 : index
    %get3A_3 = arith.constant 0 : index
    %get3A_4 = arith.constant 0 : index
    %get3A_5 = vector.load %arg1[%get3A_2, %get3A_3, %get3A_4] : memref<2x10000x64xf32, #tpu.memory_space<vmem>>, vector<1x10000x64xf32>
    %get3A_6 = vector.shape_cast %get3A_5 : vector<1x10000x64xf32> to vector<10000x64xf32>
    %get3A_7 = arith.constant 1 : index
    %get3A_8 = arith.constant 0 : index
    %get3A_9 = arith.constant 0 : index
    %get3A_10 = vector.load %arg1[%get3A_7, %get3A_8, %get3A_9] : memref<2x10000x64xf32, #tpu.memory_space<vmem>>, vector<1x10000x64xf32>
    %get3A_11 = vector.shape_cast %get3A_10 : vector<1x10000x64xf32> to vector<10000x64xf32>
    %concatenate3A = tpu.concatenate %get3A_6, %get3A_11 in 1 : vector<10000x64xf32>, vector<10000x64xf32> -> vector<10000x128xf32>
    %get3A_12 = arith.constant 0 : index
    %get3A_13 = arith.constant 0 : index
    %get3A_14 = vector.load %arg11[%get3A_12, %get3A_13] : memref<1x1xf32, #tpu.memory_space<vmem>>, vector<1x1xf32>
    %get3A_15 = vector.extract %get3A_14[0, 0] : f32 from vector<1x1xf32>
    %add3A = arith.constant 1.000000e+00 : f32
    %add3A_16 = arith.addf %add3A, %get3A_15 : f32
    %mul3A = vector.broadcast %add3A_16 : f32 to vector<10000x128xf32>
    %mul3A_17 = arith.mulf %mul3A, %get3A_1 : vector<10000x128xf32>
    %add3A_18 = arith.addf %mul3A_17, %concatenate3A : vector<10000x128xf32>
    %get3A_19 = arith.constant 0 : index
    %get3A_20 = arith.constant 0 : index
    %get3A_21 = vector.load %arg2[%get3A_19, %get3A_20] : memref<1x128xf32, #tpu.memory_space<vmem>>, vector<1x128xf32>
    %add3A_22 = vector.broadcast %get3A_21 : vector<1x128xf32> to vector<10000x128xf32>
    %add3A_23 = arith.addf %get3A_1, %add3A_22 : vector<10000x128xf32>
    %max3A = arith.constant 0.000000e+00 : f32
    %max3A_24 = vector.broadcast %max3A : f32 to vector<10000x128xf32>
    %max3A_25 = arith.maximumf %add3A_23, %max3A_24 : vector<10000x128xf32>
    %add3A_26 = arith.addf %add3A_18, %max3A_25 : vector<10000x128xf32>
    %get3A_27 = arith.constant 0 : index
    %get3A_28 = arith.constant 0 : index
    %get3A_29 = vector.load %arg3[%get3A_27, %get3A_28] : memref<128x256xf32, #tpu.memory_space<vmem>>, vector<128x256xf32>
    %dot_general3A = arith.constant dense<0.000000e+00> : vector<10000x256xf32>
    %dot_general3A_30 = tpu.matmul %add3A_26, %get3A_29, %dot_general3A {dimension_numbers = #tpu.dot_dimension_numbers<[1], [0], [0], [1], [0, 0, 1, 1], [], []>, transpose_lhs_hint = false} : vector<10000x128xf32>, vector<128x256xf32>, vector<10000x256xf32> -> vector<10000x256xf32>
    %get3A_31 = arith.constant 0 : index
    %get3A_32 = arith.constant 0 : index
    %get3A_33 = vector.load %arg4[%get3A_31, %get3A_32] : memref<1x256xf32, #tpu.memory_space<vmem>>, vector<1x256xf32>
    %add3A_34 = vector.broadcast %get3A_33 : vector<1x256xf32> to vector<10000x256xf32>
    %add3A_35 = arith.addf %dot_general3A_30, %add3A_34 : vector<10000x256xf32>
    %reduce_sum3A = arith.constant dense<0.000000e+00> : vector<256xf32>
    %reduce_sum3A_36 = vector.multi_reduction <add>, %add3A_35, %reduce_sum3A [0] : vector<10000x256xf32> to vector<256xf32>
    %broadcast_in_dim3A = vector.shape_cast %reduce_sum3A_36 : vector<256xf32> to vector<1x256xf32>
    %div3A = arith.constant 1.000000e+04 : f32
    %div3A_37 = vector.broadcast %div3A : f32 to vector<1x256xf32>
    %div3A_38 = arith.divf %broadcast_in_dim3A, %div3A_37 : vector<1x256xf32>
    %sub3A = vector.broadcast %div3A_38 : vector<1x256xf32> to vector<10000x256xf32>
    %sub3A_39 = arith.subf %add3A_35, %sub3A : vector<10000x256xf32>
    %mul3A_40 = arith.mulf %sub3A_39, %sub3A_39 : vector<10000x256xf32>
    %reduce_sum3A_41 = arith.constant dense<0.000000e+00> : vector<256xf32>
    %reduce_sum3A_42 = vector.multi_reduction <add>, %mul3A_40, %reduce_sum3A_41 [0] : vector<10000x256xf32> to vector<256xf32>
    %broadcast_in_dim3A_43 = vector.shape_cast %reduce_sum3A_42 : vector<256xf32> to vector<1x256xf32>
    %div3A_44 = arith.constant 1.000000e+04 : f32
    %div3A_45 = vector.broadcast %div3A_44 : f32 to vector<1x256xf32>
    %div3A_46 = arith.divf %broadcast_in_dim3A_43, %div3A_45 : vector<1x256xf32>
    %add3A_47 = arith.constant 9.99999974E-6 : f32
    %add3A_48 = vector.broadcast %add3A_47 : f32 to vector<1x256xf32>
    %add3A_49 = arith.addf %div3A_46, %add3A_48 : vector<1x256xf32>
    %rsqrt3A = math.rsqrt %add3A_49 : vector<1x256xf32>
    %mul3A_50 = vector.broadcast %rsqrt3A : vector<1x256xf32> to vector<10000x256xf32>
    %mul3A_51 = arith.mulf %sub3A_39, %mul3A_50 : vector<10000x256xf32>
    %get3A_52 = arith.constant 0 : index
    %get3A_53 = arith.constant 0 : index
    %get3A_54 = vector.load %arg5[%get3A_52, %get3A_53] : memref<1x256xf32, #tpu.memory_space<vmem>>, vector<1x256xf32>
    %mul3A_55 = vector.broadcast %get3A_54 : vector<1x256xf32> to vector<10000x256xf32>
    %mul3A_56 = arith.mulf %mul3A_51, %mul3A_55 : vector<10000x256xf32>
    %get3A_57 = arith.constant 0 : index
    %get3A_58 = arith.constant 0 : index
    %get3A_59 = vector.load %arg6[%get3A_57, %get3A_58] : memref<1x256xf32, #tpu.memory_space<vmem>>, vector<1x256xf32>
    %add3A_60 = vector.broadcast %get3A_59 : vector<1x256xf32> to vector<10000x256xf32>
    %add3A_61 = arith.addf %mul3A_56, %add3A_60 : vector<10000x256xf32>
    %max3A_62 = arith.constant 0.000000e+00 : f32
    %max3A_63 = vector.broadcast %max3A_62 : f32 to vector<10000x256xf32>
    %max3A_64 = arith.maximumf %add3A_61, %max3A_63 : vector<10000x256xf32>
    %get3A_65 = arith.constant 0 : index
    %get3A_66 = arith.constant 0 : index
    %get3A_67 = vector.load %arg7[%get3A_65, %get3A_66] : memref<256x128xf32, #tpu.memory_space<vmem>>, vector<256x128xf32>
    %dot_general3A_68 = arith.constant dense<0.000000e+00> : vector<10000x128xf32>
    %dot_general3A_69 = tpu.matmul %max3A_64, %get3A_67, %dot_general3A_68 {dimension_numbers = #tpu.dot_dimension_numbers<[1], [0], [0], [1], [0, 0, 1, 1], [], []>, transpose_lhs_hint = false} : vector<10000x256xf32>, vector<256x128xf32>, vector<10000x128xf32> -> vector<10000x128xf32>
    %get3A_70 = arith.constant 0 : index
    %get3A_71 = arith.constant 0 : index
    %get3A_72 = vector.load %arg8[%get3A_70, %get3A_71] : memref<1x128xf32, #tpu.memory_space<vmem>>, vector<1x128xf32>
    %add3A_73 = vector.broadcast %get3A_72 : vector<1x128xf32> to vector<10000x128xf32>
    %add3A_74 = arith.addf %dot_general3A_69, %add3A_73 : vector<10000x128xf32>
    %reduce_sum3A_75 = arith.constant dense<0.000000e+00> : vector<128xf32>
    %reduce_sum3A_76 = vector.multi_reduction <add>, %add3A_74, %reduce_sum3A_75 [0] : vector<10000x128xf32> to vector<128xf32>
    %broadcast_in_dim3A_77 = vector.shape_cast %reduce_sum3A_76 : vector<128xf32> to vector<1x128xf32>
    %div3A_78 = arith.constant 1.000000e+04 : f32
    %div3A_79 = vector.broadcast %div3A_78 : f32 to vector<1x128xf32>
    %div3A_80 = arith.divf %broadcast_in_dim3A_77, %div3A_79 : vector<1x128xf32>
    %sub3A_81 = vector.broadcast %div3A_80 : vector<1x128xf32> to vector<10000x128xf32>
    %sub3A_82 = arith.subf %add3A_74, %sub3A_81 : vector<10000x128xf32>
    %mul3A_83 = arith.mulf %sub3A_82, %sub3A_82 : vector<10000x128xf32>
    %reduce_sum3A_84 = arith.constant dense<0.000000e+00> : vector<128xf32>
    %reduce_sum3A_85 = vector.multi_reduction <add>, %mul3A_83, %reduce_sum3A_84 [0] : vector<10000x128xf32> to vector<128xf32>
    %broadcast_in_dim3A_86 = vector.shape_cast %reduce_sum3A_85 : vector<128xf32> to vector<1x128xf32>
    %div3A_87 = arith.constant 1.000000e+04 : f32
    %div3A_88 = vector.broadcast %div3A_87 : f32 to vector<1x128xf32>
    %div3A_89 = arith.divf %broadcast_in_dim3A_86, %div3A_88 : vector<1x128xf32>
    %add3A_90 = arith.constant 9.99999974E-6 : f32
    %add3A_91 = vector.broadcast %add3A_90 : f32 to vector<1x128xf32>
    %add3A_92 = arith.addf %div3A_89, %add3A_91 : vector<1x128xf32>
    %rsqrt3A_93 = math.rsqrt %add3A_92 : vector<1x128xf32>
    %mul3A_94 = vector.broadcast %rsqrt3A_93 : vector<1x128xf32> to vector<10000x128xf32>
    %mul3A_95 = arith.mulf %sub3A_82, %mul3A_94 : vector<10000x128xf32>
    %get3A_96 = arith.constant 0 : index
    %get3A_97 = arith.constant 0 : index
    %get3A_98 = vector.load %arg9[%get3A_96, %get3A_97] : memref<1x128xf32, #tpu.memory_space<vmem>>, vector<1x128xf32>
    %mul3A_99 = vector.broadcast %get3A_98 : vector<1x128xf32> to vector<10000x128xf32>
    %mul3A_100 = arith.mulf %mul3A_95, %mul3A_99 : vector<10000x128xf32>
    %get3A_101 = arith.constant 0 : index
    %get3A_102 = arith.constant 0 : index
    %get3A_103 = vector.load %arg10[%get3A_101, %get3A_102] : memref<1x128xf32, #tpu.memory_space<vmem>>, vector<1x128xf32>
    %add3A_104 = vector.broadcast %get3A_103 : vector<1x128xf32> to vector<10000x128xf32>
    %add3A_105 = arith.addf %mul3A_100, %add3A_104 : vector<10000x128xf32>
    %swap3A = arith.constant 0 : index
    %swap3A_106 = arith.constant 0 : index
    %swap3A_107 = vector.load %arg12[%swap3A, %swap3A_106] : memref<10000x128xf32, #tpu.memory_space<vmem>>, vector<10000x128xf32>
    tpu.vector_store %arg12[%swap3A, %swap3A_106], %add3A_105 {strides = array<i32>} : memref<10000x128xf32, #tpu.memory_space<vmem>>, vector<10000x128xf32>,
    return
  }
}

</mosaic_0001>

<sc_bundles>
// kernel: kernel.4.cloned.1.call-start
scs
__scs_entry_jumppad:
0x0: {  	(pc) =	sbr.rel $0x88, $3  }
0x1: {  	(tag) =	ssettag $0x0;
	lr =	simm.s32 $0x1  }
0x2: {  	[smem:$0x3F92] =	sst lr;
	_ =	strace $0xD0000000  }
0x3: {  	_ = 	snop  }
0x4: {  	_ = 	snop  }
0x5: {  	_ = 	snop  }
0x6: {  	_ = 	snop  }
0x7: {  	_ = 	snop  }
__scs_overlays_trampoline_lowered:
0x8: {  	[smem:$0x3FA1] =	sst s0  }
0x9: {  	[smem:$0x3FA2] =	sst s1  }
0xa: {  	[smem:$0x3FA3] =	sst s2  }
0xb: {  	[smem:$0x3FA4] =	sst s3  }
0xc: {  	[smem:$0x3FA5] =	sst s4  }
0xd: {  	[smem:$0x3FA6] =	sst s5  }
0xe: {  	[smem:$0x3FA7] =	sst s6  }
0xf: {  	[smem:$0x3FA8] =	sst s7  }
0x10: {  	[smem:$0x3FA9] =	sst s8  }
0x11: {  	[smem:$0x3FAA] =	sst s9;
	s0 =	simm.s32 @!p0 $0x0  }
0x12: {  	s1 =	sld [smem:$0x3F90];
	s0 =	simm.s32 @p0 $0x1  }
0x13: {  	[smem:$0x3FAB] =	sst s0;
	s0 =	simm.s32 @!p1 $0x0  }
0x14: {  	s2 =	sld [smem:$0x3F8F];
	s0 =	simm.s32 @p1 $0x1  }
0x15: {  	[smem:$0x3FAC] =	sst s0;
	s0 =	simm.s32 @!p2 $0x0  }
0x16: {  	s3 =	sld [smem:$0x3FDB];
	s0 =	simm.s32 @p2 $0x1  }
0x17: {  	s4 =	simm.s32 $0x1BF5;
	[smem:$0x3FAE] =	sst s0  }
0x18: {  	s0 =	sld [smem:$0x3F91];
	_ =	swait.ge [sflag:s4], $0x0  }
0x19: {  	s7 =	sld [smem:$0x3F92]  }
0x1a: {  	s8 =	sadd.s32 $0xFFFFE003, lr  }
0x1b: {  	s9 =	sadd.s32 $0xFFFFFEF7, lr;
	s5 =	simm.s32 $0xFFFFFFFF;
	p2 =	slt.u32 s8, $0xFFFFF086  }
0x1c: {  	p1 =	slt.u32 s9, $0xF7A;
	s5 =	simm.s32 @!p2 $0x0  }
0x1d: {  	s5 =	simm.s32 @p1 $0x1;
	p0 =	seq.s32 s7, s2  }
0x1e: {  	s7 =	smul.u32 @!p0 $0xF7A, s2;
	p2 =	seq.s32 @!p0 s5, $0x0  }
0x1f: {  	s9 =	smul.u32 $0xF7A, s1;
	s8 =	simm.s32 @!p0 $0x1BF5;
	p2 =	por !p2, p0  }
0x20: {  	[sflag:s8] =	ssyncset.s32 @!p0 $0xFFFFF086;
	s6 =	sadd.s32 @!p0 s3, s7;
	s7 =	simm.s32 @!p0 $0x108  }
0x21: {  	s3 =	sadd.s32 s3, s9;
	s6 =	sadd.s32 @!p0 $0x88, s6;
	s7 =	simm.s32 @p2 $0x1082  }
0x22: {  	[simem:s7], [sflag:s8] =	dma.local @!p0 [hbm:s6], $0xF7A  }
0x23: {  	s9 =	sor.u32 $0xD0000000, s2;
	s6 =	simm.s32 $0x108;
	_ =	swait.ge @!p0 [sflag:s8], $0x0  }
0x24: {  	s3 =	sadd.s32 $0x88, s3;
	s6 =	simm.s32 @!p1 $0x1082;
	[sflag:s4] =	ssyncset.s32 $0xFFFFF086  }
0x25: {  	[simem:s6], [sflag:s4] =	dma.local [hbm:s3], $0xF7A  }
0x26: {  	[smem:$0x3F92] =	sst s1;
	(tag) =	ssettag s2;
	_ =	strace s9  }
0x27: {  	s1 =	sld [smem:$0x3FA2]  }
0x28: {  	s2 =	sld [smem:$0x3FA3]  }
0x29: {  	s4 =	sld [smem:$0x3FA5]  }
0x2a: {  	p0 =	seq.s32 s5, $0x0;
	s5 =	sld [smem:$0x3FA6]  }
0x2b: {  	s6 =	sld [smem:$0x3FA7]  }
0x2c: {  	s7 =	sld [smem:$0x3FA8]  }
0x2d: {  	s3 =	simm.s32 $0x108;
	s8 =	sld [smem:$0x3FA9]  }
0x2e: {  	s3 =	simm.s32 @!p0 $0x1082;
	s9 =	sld [smem:$0x3FAA]  }
0x2f: {  	lr =	sadd.s32 s0, s3;
	s0 =	sld [smem:$0x3FA1]  }
0x30: {  	s3 =	sld [smem:$0x3FA4]  }
0x31: {  	[smem:$0x3FAD] =	sst s10  }
0x32: {  	s10 =	sld [smem:$0x3FAB];
	_ =	sdelay $0x3  }
0x33: {  	p0 =	seq.s32 s10, $0x1;
	s10 =	sld [smem:$0x3FAD];
	_ =	sdelay $0x3  }
0x34: {  	[smem:$0x3FAD] =	sst s10  }
0x35: {  	s10 =	sld [smem:$0x3FAC];
	_ =	sdelay $0x3  }
0x36: {  	p1 =	seq.s32 s10, $0x1;
	s10 =	sld [smem:$0x3FAD];
	_ =	sdelay $0x3  }
0x37: {  	[smem:$0x3FAD] =	sst s10  }
0x38: {  	s10 =	sld [smem:$0x3FAE]  }
0x39: {  	_ = 	snop;
	(pc) =	sbr.ind lr, $3  }
0x3a: {  	_ = 	snop  }
0x3b: {  	_ = 	snop  }
0x3c: {  	p2 =	seq.s32 s10, $0x1;
	s10 =	sld [smem:$0x3FAD]  }
0x3d: {  	_ =	shalt  }
0x3e: {  	_ =	shalt  }
0x3f: {  	_ =	shalt  }
0x40: {  	_ =	shalt  }
0x41: {  	_ =	shalt  }
0x42: {  	_ =	shalt  }
0x43: {  	_ =	shalt  }
0x44: {  	_ =	shalt  }
0x45: {  	_ =	shalt  }
0x46: {  	_ =	shalt  }
0x47: {  	_ =	shalt  }
0x48: {  	_ =	shalt  }
0x49: {  	_ =	shalt  }
0x4a: {  	_ =	shalt  }
0x4b: {  	_ =	shalt  }
0x4c: {  	_ =	shalt  }
0x4d: {  	_ =	shalt  }
0x4e: {  	_ =	shalt  }
0x4f: {  	_ =	shalt  }
0x50: {  	_ =	shalt  }
0x51: {  	_ =	shalt  }
0x52: {  	_ =	shalt  }
0x53: {  	_ =	shalt  }
0x54: {  	_ =	shalt  }
0x55: {  	_ =	shalt  }
0x56: {  	_ =	shalt  }
0x57: {  	_ =	shalt  }
0x58: {  	_ =	shalt  }
0x59: {  	_ =	shalt  }
0x5a: {  	_ =	shalt  }
0x5b: {  	_ =	shalt  }
0x5c: {  	_ =	shalt  }
0x5d: {  	_ =	shalt  }
0x5e: {  	_ =	shalt  }
0x5f: {  	_ =	shalt  }
0x60: {  	_ =	shalt  }
0x61: {  	_ =	shalt  }
0x62: {  	_ =	shalt  }
0x63: {  	_ =	shalt  }
0x64: {  	_ =	shalt  }
0x65: {  	_ =	shalt  }
0x66: {  	_ =	shalt  }
0x67: {  	_ =	shalt  }
0x68: {  	_ =	shalt  }
0x69: {  	_ =	shalt  }
0x6a: {  	_ =	shalt  }
0x6b: {  	_ =	shalt  }
0x6c: {  	_ =	shalt  }
0x6d: {  	_ =	shalt  }
0x6e: {  	_ =	shalt  }
0x6f: {  	_ =	shalt  }
0x70: {  	_ =	shalt  }
0x71: {  	_ =	shalt  }
0x72: {  	_ =	shalt  }
0x73: {  	_ =	shalt  }
0x74: {  	_ =	shalt  }
0x75: {  	_ =	shalt  }
0x76: {  	_ =	shalt  }
0x77: {  	_ =	shalt  }
0x78: {  	_ =	shalt  }
0x79: {  	_ =	shalt  }
0x7a: {  	_ =	shalt  }
0x7b: {  	_ =	shalt  }
0x7c: {  	_ =	shalt  }
0x7d: {  	_ =	shalt  }
0x7e: {  	_ =	shalt  }
0x7f: {  	_ =	shalt  }
0x80: {  	_ =	shalt  }
0x81: {  	_ =	shalt  }
0x82: {  	_ =	shalt  }
0x83: {  	_ =	shalt  }
0x84: {  	_ =	shalt  }
0x85: {  	_ =	shalt  }
0x86: {  	_ =	shalt  }
0x87: {  	_ =	shalt  }
.Lfunc_end0:
.L_simem_size_0:
called_computation_lowered:
.L_overlay_start_0:
0x88: {  	s2 =	sld [smem:$0x3FD9]  }
0x89: {  	s3 =	sld [smem:$0x3FFE];
	_ =	sdelay $0x1  }
0x8a: {  	s1 =	srdreg.scid  }
0x8b: {  	s0 =	sand.u32 $0x1, s1  }
0x8c: {  	s17 =	sshll.u32 s0, $0xA;
	s2 =	sadd.s32 s3, s2  }
0x8d: {  	s2 =	sadd.s32 s2, s17  }
0x8e: {  	[smem:$0x3FB9] =	sst s2  }
0x8f: {  	_ = 	snop  }
0x90: {  	s2 =	sld [smem:$0x3FD0];
	(tm) =	ssettm $0x1  }
0x91: {  	s18 =	sld [smem:$0x3FFB];
	_ =	sdelay $0x3  }
0x92: {  	_ =	strace s18  }
0x93: {  	s3 =	sld [smem:$0x3FFC];
	_ =	sdelay $0x3  }
0x94: {  	_ =	strace s3  }
0x95: {  	s3 =	sld [smem:$0x3FFD];
	_ =	sdelay $0x3  }
0x96: {  	_ =	strace s3  }
0x97: {  	_ =	strace $0x8FFFFFFF  }
0x98: {  	s19 =	sld [smem:$0x3FDB];
	_ =	sdelay $0x1  }
0x99: {  	s4 =	simm.s32 $_scs_section_size  }
0x9a: {  	s5 =	simm.s32 $_size__tile_overlayer_lowered;
	s6 =	simm.s32 $_tile_overlayer_lowered  }
0x9b: {  	s22 =	simm.s32 $0x1BFF;
	s21 =	sshll.u32 s6, $0x1;
	s3 =	sadd.s32 s4, s19  }
0x9c: {  	s7 =	simm.s32 $0x0;
	s20 =	sshll.u32 s5, $0x1;
	s5 =	sadd.s32 s21, s3  }
0x9d: {  	[timem:s7], [sflag:s22] =	dma.local [hbm:s5], s20  }
0x9e: {  	_ =	swait.ge [sflag:s22], s20  }
0x9f: {  	s4 =	ssub.s32 $0x0, s20;
	[sflag:s22] =	ssyncset.done $0x0  }
0xa0: {  	[sflag:s22] =	ssyncadd.s32 s4;
	_ =	sdelay $0x1  }
0xa1: {  	s23 =	simm.s32 $0x1B8B  }
0xa2: {  	_ =	swait.ge [sflag:s23], $0x1  }
0xa3: {  	[sflag:s23] =	ssyncset.done $0x0  }
0xa4: {  	s25 =	simm.s32 $0x1B8E;
	s24 =	sld [smem:$0x3FFE];
	[sflag:s23] =	ssyncadd.s32 $0xFFFFFFFF  }
0xa5: {  	s26 =	simm.s32 $execute0_lowered;
	[smem:$0x3FD2] =	sst s25  }
0xa6: {  	s5 =	sshll.u32 s26, $0x1;
	_ =	strace $0x80000046;
	[dreg:$0x1] =	wrdreg $0xFFFFFFFF  }
0xa7: {  	s28 =	simm.s32 $_size_execute0_lowered;
	s3 =	sadd.s32 s3, s5;
	[dreg:$0x0] =	wrdreg $0x0  }
0xa8: {  	s5 =	sshll.u32 s28, $0x1;
	[dreg:$0x2] =	wrdreg s3  }
0xa9: {  	[dreg:$0x3] =	wrdreg s5  }
0xaa: {  	[dreg:$0x4] =	wrdreg $0xC0  }
0xab: {  	_ =	task [dreg:s7], $0x5FFFF  }
0xac: {  	[dreg:$0x1] =	wrdreg $0xFFFFFFFF  }
0xad: {  	[dreg:$0x0] =	wrdreg $0x60  }
0xae: {  	[dreg:$0x2] =	wrdreg s2  }
0xaf: {  	[dreg:$0x3] =	wrdreg s24  }
0xb0: {  	[dreg:$0x4] =	wrdreg $0x127800  }
0xb1: {  	[dreg:$0x5] =	wrdreg $0x9  }
0xb2: {  	_ =	task.clear_ibuf [dreg:s7], $0x6FFFF;
	_ =	strace $0x90000046  }
0xb3: {  	s29 =	simm.s32 $0x9;
	_ =	strace $0x80000048  }
0xb4: {  	_ =	swait.ge [sflag:s29], $0x1  }
0xb5: {  	[sflag:s29] =	ssyncadd.s32 $0xFFFFFFFF  }
0xb6: {  	_ =	strace $0x90000048  }
0xb7: {  	_ =	sfence  }
0xb8: {  	s30 =	sld [smem:$0x0];
	_ =	sdelay $0x2  }
0xb9: {  	s31 =	sshll.u32 s1, $0xD;
	s1 =	sshrl.u32 s1, $0x2  }
0xba: {  	s3 =	sand.u32 $0x4000, s31;
	s1 =	sadd.s32 s1, s30  }
0xbb: {  	s0 =	sor.u32 s3, s0;
	s1 =	sshll.u32 s1, $0x11  }
0xbc: {  	s0 =	sor.u32 s1, s0  }
0xbd: {  	s0 =	sadd.s32 $0x8F2B, s0  }
0xbe: {  	[sflag:s0] =	ssyncadd.remote.s32 $0x1  }
0xbf: {  	_ =	sfence.sel $0xFFFF  }
0xc0: {  	[dreg:$0x0] =	wrdreg $0xFFFFFFFF;
	(pc) =	sbr.abs _section_cstart, $3  }
0xc1: {  	[dreg:$0x1] =	wrdreg $0xFFFFFFFF  }
0xc2: {  	_ =	task.clear_ibuf [dreg:s7], $0x2FFFF;
	_ =	strace $0x9FFFFFFF  }
0xc3: {  	(tm) =	ssettm $0x7FFFFFFF  }
tec
execute0_lowered:
.L_overlay_start_1:
0x0: {  	(tag) =	ssettag $0x1  }
0x1: {  	s1 =	rddreg [dreg:$0x0]  }
0x2: {  	s0 =	rddreg [dreg:$0x1]  }
0x3: {  	s2 =	rddreg [dreg:$0x2];
	s3 =	simm.s32 $0x0;
	s4 =	srdreg.scid  }
0x4: {  	s13 =	stileid.u32;
	s19 =	simm.s32 $0x4;
	s20 =	simm.s32 $0xE780  }
0x5: {  	s21 =	simm.s32 $0x1;
	s30 =	simm.s32 $0x2;
	s7 =	smul.u32 $0x27800, s13  }
0x6: {  	s31 =	simm.s32 $0x3;
	[smem:$0x7FF] =	sst s3;
	s10 =	smul.u32 $0x278, s13  }
0x7: {  	s4 =	sand.u32 $0x1, s4;
	s5 =	sadd.s32 $0x2400, s0;
	s25 =	smul.u32 $0x9D00, s13  }
0x8: {  	s28 =	smul.u32 $0x13A0, s13;
	p0 =	seq.s32 s13, $0xF;
	_ =	strace $0x80000047  }
0x9: {  	s6 =	sshll.u32 s4, $0xC;
	s22 =	ssub.s32 $0x2, s4;
	s23 =	smul.u32 $0x2710, s4  }
0xa: {  	s4 =	smul.u32 $0x9C400, s4;
	s8 =	sadd.s32 s6, s0;
	s9 =	sshrl.u32 s22, $0x1  }
0xb: {  	s0 =	sadd.s32 $0x17E00, s0;
	s7 =	sshrl.u32 s7, $0x2;
	s9 =	ssub.s32 s22, s9  }
0xc: {  	s6 =	sadd.s32 s7, s2;
	s8 =	sadd.s32 $0x15E00, s8;
	s7 =	sadd.s32 s10, s23  }
0xd: {  	s4 =	sshrl.u32 s4, $0x3;
	[dreg:$0x4] =	wrdreg s8;
	s24 =	sadd.s32 $0x2000, s6  }
0xe: {  	v1 =	vimm.f32 $0.0e+00;
	s22 =	simm.s32 $0x80;
	s11 =	sadd.s32 $0x4000, s6;
	[dreg:$0x5] =	wrdreg s24  }
0xf: {  	v2 =	vimm.s32 $0xC;
	v3 =	vlaneseq.u32;
	v4 =	vimm.s32 $0x0;
	s26 =	sadd.s32 $0x6000, s6;
	s12 =	sadd.s32 $0x8000, s6;
	[dreg:$0x6] =	wrdreg s11  }
0x10: {  	v8 =	vimm.s32 $0x1;
	v9 =	vimm.s32 $0x2;
	v10 =	vimm.s32 $0x3;
	s8 =	sshrl.u32 s25, $0x3;
	s7 =	sshll.u32 s7, $0x3;
	[dreg:$0x7] =	wrdreg s26  }
0x11: {  	v11 =	vimm.s32 $0x4;
	v12 =	vimm.s32 $0x5;
	v13 =	vimm.s32 $0x6;
	s4 =	sadd.s32 s0, s4;
	s18 =	smax.u32 s9, $0x1;
	[dreg:$0x8] =	wrdreg s12  }
0x12: {  	v14 =	vimm.s32 $0x7;
	v15 =	vimm.s32 $0x8;
	v16 =	vimm.s32 $0x9;
	s12 =	smul.u32 $0x9D, s13;
	s11 =	sadd.s32 s5, s28;
	s8 =	sadd.s32 s5, s8  }
0x13: {  	v17 =	vimm.s32 $0xA;
	v18 =	vimm.s32 $0xB;
	v19 =	vimm.s32 $0xD;
	s16 =	sadd.s32 s0, s7;
	s17 =	sadd.s32 $0x12840, s4;
	s0 =	sadd.s32 $0x94200, s2  }
0x14: {  	v20 =	vimm.s32 $0xE;
	v21 =	vimm.s32 $0xF;
	v5 =	vor.u32 $0x10, v3;
	[dreg:$0x9] =	wrdreg s11;
	s29 =	sadd.s32 $0x20, s8;
	s15 =	sadd.s32 $0x40, s8  }
0x15: {  	v6 =	vor.u32 $0x20, v3;
	v7 =	vor.u32 $0x30, v3;
	v0 =	vmov s23;
	s25 =	sshrl.u32 @p0 s0, $0x3;
	s0 =	simm.s32 $0x0;
	[dreg:$0xa] =	wrdreg s29  }
.LBB2_1:
0x16: {  	s4 =	rddreg [dreg:$0x4]  }
0x17: {  	[tilespmem:s3], [sflag:$0x4] =	stream.linear.gather [hbm4b:s4+s3], $0x8000, $0x38;
	[tilespmem:$0x1C580] =	vst v63  }
0x18: {  	_ =	swait.ge [sflag:s19], $0x8000  }
0x19: {  	[sflag:s19] =	ssyncset.done $0x0  }
0x1a: {  	s7 =	simm.s32 $0x100;
	s4 =	simm.s32 $0x0;
	[sflag:s19] =	ssyncadd.s32 $0xFFFF8000  }
.LBB2_2:
0x1b: {  	p1 =	sne.s32 s7, $0x7F00;
	[tilespmem:s4+$0xE7B0] =	vst v1;
	s8 =	smov.u32 s7;
	s7 =	sadd.s32 $0x100, s7  }
.Ltmp0:
0x1c: {  	[tilespmem:s4+$0xE7A0] =	vst v1;
	(pc) =	sbr.rel @p1 .LBB2_2-.Ltmp0, $3  }
0x1d: {  	[tilespmem:s4+$0xE780] =	vst v1  }
0x1e: {  	[tilespmem:s4+$0xE790] =	vst v1;
	_ =	sdelay $0x1  }
0x1f: {  	s4 =	sshra.s32 s8, $0x2  }
0x20: {  	[tilespmem:s4+$0xE7B0] =	vst v1  }
0x21: {  	[tilespmem:s4+$0xE7A0] =	vst v1  }
0x22: {  	[tilespmem:s4+$0xE780] =	vst v1  }
0x23: {  	[tilespmem:s4+$0xE790] =	vst v1  }
0x24: {  	[spmem:s6] =	stream.linear.scatter [tilespmem:s20], [sflag:$0x4], $0x2000, $0x38;
	[tilespmem:$0x1C580] =	vst v63  }
0x25: {  	_ =	swait.ge [sflag:s19], $0x2000  }
0x26: {  	[sflag:s19] =	ssyncset.done $0x0  }
0x27: {  	s29 =	rddreg [dreg:$0x5];
	[sflag:s19] =	ssyncadd.s32 $0xFFFFE000  }
0x28: {  	[spmem:s29] =	stream.linear.scatter [tilespmem:s20], [sflag:$0x4], $0x2000, $0x38;
	[tilespmem:$0x1C580] =	vst v63  }
0x29: {  	_ =	swait.ge [sflag:s19], $0x2000  }
0x2a: {  	[sflag:s19] =	ssyncset.done $0x0  }
0x2b: {  	s7 =	rddreg [dreg:$0x6];
	[sflag:s19] =	ssyncadd.s32 $0xFFFFE000  }
0x2c: {  	[spmem:s7] =	stream.linear.scatter [tilespmem:s20], [sflag:$0x4], $0x2000, $0x38;
	[tilespmem:$0x1C580] =	vst v63  }
0x2d: {  	_ =	swait.ge [sflag:s19], $0x2000  }
0x2e: {  	[sflag:s19] =	ssyncset.done $0x0  }
0x2f: {  	s8 =	rddreg [dreg:$0x7];
	[sflag:s19] =	ssyncadd.s32 $0xFFFFE000  }
0x30: {  	[spmem:s8] =	stream.linear.scatter [tilespmem:s20], [sflag:$0x4], $0x2000, $0x38;
	[tilespmem:$0x1C580] =	vst v63  }
0x31: {  	_ =	swait.ge [sflag:s19], $0x2000  }
0x32: {  	[sflag:s19] =	ssyncset.done $0x0  }
0x33: {  	s9 =	rddreg [dreg:$0x8];
	[sflag:s19] =	ssyncadd.s32 $0xFFFFE000  }
0x34: {  	[spmem:s9] =	stream.linear.scatter [tilespmem:s20], [sflag:$0x4], $0x1E00, $0x38;
	[tilespmem:$0x1C580] =	vst v63  }
0x35: {  	_ =	swait.ge [sflag:s19], $0x1E00  }
0x36: {  	[sflag:s19] =	ssyncset.done $0x0  }
0x37: {  	[sflag:s19] =	ssyncadd.s32 $0xFFFFE200  }
0x38: {  	[bflag:$0x0] =	sbarrier.arrive $0xFFFF  }
0x39: {  	s23 =	simm.s32 $0x0;
	s24 =	simm.s32 $0x8000;
	s10 =	rddreg [dreg:$0x9]  }
0x3a: {  	[tilespmem:s24], [sflag:$0x1] =	stream.linear.gather [hbm4b:s10+s23], $0x100, $0x38;
	[tilespmem:$0x1C580] =	vst v63  }
0x3b: {  	_ =	swait.ge [sflag:s21], $0x100  }
0x3c: {  	[sflag:s21] =	ssyncset.done $0x0  }
0x3d: {  	[sflag:s21] =	ssyncadd.s32 $0xFFFFFF00  }
0x3e: {  	v22 =	vld [tilespmem:$0x8000]  }
0x3f: {  	v23 =	vld [tilespmem:$0x8010]  }
0x40: {  	v24 =	vld [tilespmem:$0x8020]  }
0x41: {  	v25 =	vld [tilespmem:$0x8030]  }
0x42: {  	v26 =	vld [tilespmem:$0x8040]  }
0x43: {  	v27 =	vld [tilespmem:$0x8050];
	v22 =	vand.u32 $0x3FFFF, v22  }
0x44: {  	v28 =	vld [tilespmem:$0x8060];
	v23 =	vand.u32 $0x3FFFF, v23;
	v22 =	vadd.s32 v0, v22  }
0x45: {  	v57 =	vld [tilespmem:$0x8070];
	[tilespmem:$0x8500] =	vst v22;
	v22 =	vadd.s32 v0, v23;
	v23 =	vand.u32 $0x3FFFF, v24  }
0x46: {  	[tilespmem:$0x8510] =	vst v22;
	v22 =	vadd.s32 v0, v23;
	v23 =	vand.u32 $0x3FFFF, v25  }
0x47: {  	[tilespmem:$0x8520] =	vst v22;
	v22 =	vadd.s32 v0, v23;
	v23 =	vand.u32 $0x3FFFF, v26  }
0x48: {  	[tilespmem:$0x8530] =	vst v22;
	v22 =	vadd.s32 v0, v23;
	v23 =	vand.u32 $0x3FFFF, v27  }
0x49: {  	[tilespmem:$0x8540] =	vst v22;
	v22 =	vadd.s32 v0, v23;
	v23 =	vand.u32 $0x3FFFF, v28  }
0x4a: {  	[tilespmem:$0x8550] =	vst v22;
	v22 =	vadd.s32 v0, v23;
	v23 =	vand.u32 $0x3FFFF, v57  }
0x4b: {  	[tilespmem:$0x8560] =	vst v22;
	v22 =	vadd.s32 v0, v23  }
0x4c: {  	s26 =	simm.s32 $0x8780;
	s11 =	simm.s32 $0x8500;
	[tilespmem:$0x8570] =	vst v22  }
0x4d: {  	[tilespmem:s26], [sflag:$0x2] =	stream.indirect.gather [hbm4b:s1+s22], $0x40, s11, s22, $0xb8;
	[tilespmem:$0x1C580] =	vst v63  }
0x4e: {  	s7 =	simm.s32 $0x8100;
	s13 =	rddreg [dreg:$0xa]  }
0x4f: {  	[tilespmem:s7], [sflag:$0x1] =	stream.linear.gather [hbm4b:s13+s23], $0x100, $0x38;
	[tilespmem:$0x1C580] =	vst v63  }
0x50: {  	_ =	swait.ge [sflag:s21], $0x100  }
0x51: {  	[sflag:s21] =	ssyncset.done $0x0  }
0x52: {  	[sflag:s21] =	ssyncadd.s32 $0xFFFFFF00  }
0x53: {  	v22 =	vld [tilespmem:$0x8100]  }
0x54: {  	v23 =	vld [tilespmem:$0x8110]  }
0x55: {  	v58 =	vld [tilespmem:$0x8120]  }
0x56: {  	v59 =	vld [tilespmem:$0x8130]  }
0x57: {  	v60 =	vld [tilespmem:$0x8140]  }
0x58: {  	v61 =	vld [tilespmem:$0x8150];
	v22 =	vand.u32 $0x3FFFF, v22  }
0x59: {  	v62 =	vld [tilespmem:$0x8160];
	v23 =	vand.u32 $0x3FFFF, v23;
	v22 =	vadd.s32 v0, v22  }
0x5a: {  	v63 =	vld [tilespmem:$0x8170];
	[tilespmem:$0x8580] =	vst v22;
	v22 =	vadd.s32 v0, v23;
	v23 =	vand.u32 $0x3FFFF, v58  }
0x5b: {  	[tilespmem:$0x8590] =	vst v22;
	v22 =	vadd.s32 v0, v23;
	v23 =	vand.u32 $0x3FFFF, v59  }
0x5c: {  	[tilespmem:$0x85A0] =	vst v22;
	v22 =	vadd.s32 v0, v23;
	v23 =	vand.u32 $0x3FFFF, v60  }
0x5d: {  	[tilespmem:$0x85B0] =	vst v22;
	v22 =	vadd.s32 v0, v23;
	v23 =	vand.u32 $0x3FFFF, v61  }
0x5e: {  	[tilespmem:$0x85C0] =	vst v22;
	v22 =	vadd.s32 v0, v23;
	v23 =	vand.u32 $0x3FFFF, v62  }
0x5f: {  	[tilespmem:$0x85D0] =	vst v22;
	v22 =	vadd.s32 v0, v23;
	v23 =	vand.u32 $0x3FFFF, v63  }
0x60: {  	[tilespmem:$0x85E0] =	vst v22;
	v22 =	vadd.s32 v0, v23  }
0x61: {  	s14 =	simm.s32 $0x8580;
	s28 =	simm.s32 $0xA780;
	[tilespmem:$0x85F0] =	vst v22  }
0x62: {  	[tilespmem:s28], [sflag:$0x2] =	stream.indirect.gather [hbm4b:s1+s22], $0x40, s14, s22, $0xb8;
	[tilespmem:$0x1C580] =	vst v63  }
0x63: {  	p1 =	por $0x0, $0x0;
	s29 =	simm.s32 $0x8200  }
0x64: {  	[tilespmem:s29], [sflag:$0x1] =	stream.linear.gather [hbm4b:s15+s23], $0x100, $0x38;
	[tilespmem:$0x1C580] =	vst v63  }
.LBB2_4:
0x65: {  	p2 =	slt.u32 s23, $0x2  }
0x66: {  	p3 =	sgt.u32 @!p2 s23, $0x9A  }
0x67: {  	_ =	swait.ge [sflag:s30], $0x2000;
	p3 =	por p2, !p3  }
.Ltmp1:
0x68: {  	[sflag:s30] =	ssyncset.done $0x0;
	(pc) =	sbr.rel @!p3 .LBB2_6-.Ltmp1, $4  }
0x69: {  	s4 =	simm.s32 @!p2 $0x3;
	[sflag:s30] =	ssyncadd.s32 $0xFFFFE000  }
0x6a: {  	_ =	swait.ge @!p2 [sflag:s4], $0x2000  }
0x6b: {  	[sflag:s4] =	ssyncset.done @!p2 $0x0  }
0x6c: {  	[sflag:s4] =	ssyncadd.s32 @!p2 $0xFFFFE000  }
0x6d: {  	s4 =	sadd.s32 $0x2, s23  }
0x6e: {  	s7 =	sand.u32 $0xFF, s4  }
0x6f: {  	s8 =	smul.u32 $0xCD, s7;
	_ =	sdelay $0x1  }
0x70: {  	s8 =	sshrl.u32 s8, $0xA  }
0x71: {  	s8 =	smul.u32 $0x5, s8;
	_ =	sdelay $0x1  }
0x72: {  	s8 =	ssub.s32 s4, s8  }
0x73: {  	_ =	swait.ge [sflag:s21], $0x100;
	s8 =	sand.u32 $0xFF, s8  }
0x74: {  	[sflag:s21] =	ssyncset.done $0x0;
	s9 =	sshll.u32 s8, $0x8  }
0x75: {  	[sflag:s21] =	ssyncadd.s32 $0xFFFFFF00;
	s10 =	sor.u32 $0x8000, s9  }
0x76: {  	v22 =	vld [tilespmem:s10+$0x0];
	_ =	sdelay $0x4  }
0x77: {  	v22 =	vand.u32 $0x3FFFF, v22  }
0x78: {  	s8 =	sshll.u32 s8, $0x7;
	v22 =	vadd.s32 v0, v22  }
0x79: {  	s28 =	sor.u32 $0x8010, s9;
	[tilespmem:s8+$0x8500] =	vst v22  }
0x7a: {  	v22 =	vld [tilespmem:s28+$0x0];
	_ =	sdelay $0x4  }
0x7b: {  	v22 =	vand.u32 $0x3FFFF, v22  }
0x7c: {  	v22 =	vadd.s32 v0, v22  }
0x7d: {  	s29 =	sor.u32 $0x8020, s9;
	[tilespmem:s8+$0x8510] =	vst v22  }
0x7e: {  	v22 =	vld [tilespmem:s29+$0x0];
	_ =	sdelay $0x4  }
0x7f: {  	v22 =	vand.u32 $0x3FFFF, v22  }
0x80: {  	v22 =	vadd.s32 v0, v22  }
0x81: {  	s11 =	sor.u32 $0x8030, s9;
	[tilespmem:s8+$0x8520] =	vst v22  }
0x82: {  	v22 =	vld [tilespmem:s11+$0x0];
	_ =	sdelay $0x4  }
0x83: {  	v22 =	vand.u32 $0x3FFFF, v22  }
0x84: {  	v22 =	vadd.s32 v0, v22  }
0x85: {  	s13 =	sor.u32 $0x8040, s9;
	[tilespmem:s8+$0x8530] =	vst v22  }
0x86: {  	v22 =	vld [tilespmem:s13+$0x0];
	_ =	sdelay $0x4  }
0x87: {  	v22 =	vand.u32 $0x3FFFF, v22  }
0x88: {  	v22 =	vadd.s32 v0, v22  }
0x89: {  	s14 =	sor.u32 $0x8050, s9;
	[tilespmem:s8+$0x8540] =	vst v22  }
0x8a: {  	v22 =	vld [tilespmem:s14+$0x0];
	_ =	sdelay $0x4  }
0x8b: {  	v22 =	vand.u32 $0x3FFFF, v22  }
0x8c: {  	v22 =	vadd.s32 v0, v22  }
0x8d: {  	s28 =	sor.u32 $0x8060, s9;
	[tilespmem:s8+$0x8550] =	vst v22  }
0x8e: {  	v22 =	vld [tilespmem:s28+$0x0];
	_ =	sdelay $0x4  }
0x8f: {  	v22 =	vand.u32 $0x3FFFF, v22  }
0x90: {  	v22 =	vadd.s32 v0, v22  }
0x91: {  	s7 =	smul.u32 $0xAB, s7;
	s9 =	sor.u32 $0x8070, s9;
	[tilespmem:s8+$0x8560] =	vst v22  }
0x92: {  	v22 =	vld [tilespmem:s9+$0x0]  }
0x93: {  	p2 =	sgt.u32 s23, $0x99;
	s7 =	sshrl.u32 s7, $0x9  }
0x94: {  	s7 =	smul.u32 $0x3, s7;
	s9 =	sadd.s32 @!p2 $0x3, s23  }
0x95: {  	s10 =	smul.u32 @!p2 $0xCD, s9  }
0x96: {  	s4 =	ssub.s32 s4, s7  }
0x97: {  	s4 =	sand.u32 $0xFB, s4;
	s7 =	sshrl.u32 @!p2 s10, $0xA;
	v22 =	vand.u32 $0x3FFFF, v22  }
0x98: {  	s4 =	sshll.u32 s4, $0xD;
	s7 =	sand.u32 @!p2 $0x3F, s7;
	v22 =	vadd.s32 v0, v22  }
0x99: {  	s4 =	sor.u32 $0x8780, s4;
	s29 =	sadd.s32 $0x8500, s8;
	s7 =	smul.u32 @!p2 $0x5, s7;
	[tilespmem:s8+$0x8570] =	vst v22  }
0x9a: {  	[tilespmem:s4], [sflag:$0x2] =	stream.indirect.gather [hbm4b:s1+s22], $0x40, s29, s22, $0xb8;
	[tilespmem:$0x1C580] =	vst v63  }
0x9b: {  	s4 =	ssub.s32 @!p2 s9, s7  }
0x9c: {  	s7 =	sadd.s32 @!p2 s12, s9;
	s4 =	sand.u32 @!p2 $0x7F, s4  }
0x9d: {  	s7 =	sshll.u32 @!p2 s7, $0x5;
	s4 =	sshll.u32 @!p2 s4, $0x8  }
0x9e: {  	s8 =	simm.s32 @!p2 $0x0;
	s7 =	sadd.s32 @!p2 s5, s7;
	s4 =	sor.u32 @!p2 $0x8000, s4  }
0x9f: {  	[tilespmem:s4], [sflag:$0x1] =	stream.linear.gather @!p2 [hbm4b:s7+s8], $0x100, $0x38;
	[tilespmem:$0x1C580] =	vst v63  }
.LBB2_6:
0xa0: {  	s4 =	smulhi.u32 $0xCCCCCCCD, s23;
	_ =	sdelay $0x1  }
0xa1: {  	s4 =	sshrl.u32 s4, $0x2  }
0xa2: {  	s4 =	smul.u32 $0xFFFFEC00, s4;
	_ =	sdelay $0x1  }
0xa3: {  	s4 =	sshra.s32 s4, $0x2  }
0xa4: {  	s4 =	sadd.s32 s4, s24  }
0xa5: {  	v22 =	vld [tilespmem:s4+$0x0]  }
0xa6: {  	s7 =	smulhi.u32 $0xAAAAAAAB, s23;
	_ =	sdelay $0x1  }
0xa7: {  	s7 =	sshrl.u32 s7, $0x1  }
0xa8: {  	s7 =	smul.u32 $0xFFFE8000, s7  }
0xa9: {  	v22 =	vshra.s32 v22, $0xC  }
0xaa: {  	s7 =	sshra.s32 s7, $0x2;
	v29 =	vand.u32 $0xFFFFFFC0, v22  }
0xab: {  	s7 =	sadd.s32 s7, s26;
	v24 =	vperm.xlane v29, v4  }
0xac: {  	v23 =	vmov s7  }
0xad: {  	v22 =	vadd.s32 v3, v24;
	_ =	sdelay $0x2  }
0xae: {  	s9 =	simm.s32 $0x3F0  }
0xaf: {  	s7 =	simm.s32 $0x1;
	v25 =	vld.idx.msk [tilespmem:v23+s9+$0xFFFFFC10 ss:$0x1], $0xffff  }
0xb0: {  	s7 =	simm.s32 @!p1 $0x0;
	v26 =	vld.idx.msk [tilespmem:v22+s3+$0x0], $0xffff  }
0xb1: {  	s7 =	sshll.u32 s7, $0xD  }
0xb2: {  	s7 =	sadd.s32 $0xE780, s7  }
0xb3: {  	v22 =	vmov s7  }
0xb4: {  	v27 =	vadd.s32 v5, v24  }
0xb5: {  	v25 =	vadd.f32 v25, v26;
	_ =	sdelay $0x1  }
0xb6: {  	v25 =	vmax.f32 v25, $0.0e+00  }
0xb7: {  	[tilespmem:v22+s9+$0xFFFFFC10 ss:$0x1] =	vst.idx.msk $0xffff, v25  }
0xb8: {  	v25 =	vld.idx.msk [tilespmem:v27+s3+$0x0], $0xffff  }
0xb9: {  	v26 =	vld.idx.msk [tilespmem:v23+s9+$0xFFFFFC20 ss:$0x1], $0xffff;
	_ =	sdelay $0x3  }
0xba: {  	v27 =	vadd.s32 v6, v24  }
0xbb: {  	v25 =	vadd.f32 v26, v25;
	_ =	sdelay $0x1  }
0xbc: {  	v25 =	vmax.f32 v25, $0.0e+00  }
0xbd: {  	[tilespmem:v22+s9+$0xFFFFFC20 ss:$0x1] =	vst.idx.msk $0xffff, v25  }
0xbe: {  	v25 =	vld.idx.msk [tilespmem:v27+s3+$0x0], $0xffff  }
0xbf: {  	v26 =	vld.idx.msk [tilespmem:v23+s9+$0xFFFFFC30 ss:$0x1], $0xffff;
	_ =	sdelay $0x3  }
0xc0: {  	v24 =	vadd.s32 v7, v24  }
0xc1: {  	v25 =	vadd.f32 v26, v25;
	_ =	sdelay $0x1  }
0xc2: {  	v25 =	vmax.f32 v25, $0.0e+00  }
0xc3: {  	[tilespmem:v22+s9+$0xFFFFFC30 ss:$0x1] =	vst.idx.msk $0xffff, v25  }
0xc4: {  	v24 =	vld.idx.msk [tilespmem:v24+s3+$0x0], $0xffff  }
0xc5: {  	v25 =	vld.idx.msk [tilespmem:v23+s9+$0xFFFFFC40 ss:$0x1], $0xffff;
	_ =	sdelay $0x1  }
0xc6: {  	v26 =	vperm.xlane v29, v8;
	_ =	sdelay $0x1  }
0xc7: {  	v27 =	vadd.s32 v3, v26  }
0xc8: {  	v24 =	vadd.f32 v25, v24;
	_ =	sdelay $0x1  }
0xc9: {  	v24 =	vmax.f32 v24, $0.0e+00  }
0xca: {  	[tilespmem:v22+s9+$0xFFFFFC40 ss:$0x1] =	vst.idx.msk $0xffff, v24  }
0xcb: {  	v24 =	vld.idx.msk [tilespmem:v27+s3+$0x0], $0xffff  }
0xcc: {  	v25 =	vld.idx.msk [tilespmem:v23+s9+$0xFFFFFC50 ss:$0x1], $0xffff;
	_ =	sdelay $0x3  }
0xcd: {  	v27 =	vadd.s32 v5, v26  }
0xce: {  	v24 =	vadd.f32 v25, v24;
	_ =	sdelay $0x1  }
0xcf: {  	v24 =	vmax.f32 v24, $0.0e+00  }
0xd0: {  	[tilespmem:v22+s9+$0xFFFFFC50 ss:$0x1] =	vst.idx.msk $0xffff, v24  }
0xd1: {  	v24 =	vld.idx.msk [tilespmem:v27+s3+$0x0], $0xffff  }
0xd2: {  	v25 =	vld.idx.msk [tilespmem:v23+s9+$0xFFFFFC60 ss:$0x1], $0xffff;
	_ =	sdelay $0x3  }
0xd3: {  	v27 =	vadd.s32 v6, v26  }
0xd4: {  	v24 =	vadd.f32 v25, v24;
	_ =	sdelay $0x1  }
0xd5: {  	v24 =	vmax.f32 v24, $0.0e+00  }
0xd6: {  	[tilespmem:v22+s9+$0xFFFFFC60 ss:$0x1] =	vst.idx.msk $0xffff, v24  }
0xd7: {  	v24 =	vld.idx.msk [tilespmem:v27+s3+$0x0], $0xffff  }
0xd8: {  	v25 =	vld.idx.msk [tilespmem:v23+s9+$0xFFFFFC70 ss:$0x1], $0xffff;
	_ =	sdelay $0x3  }
0xd9: {  	v26 =	vadd.s32 v7, v26  }
0xda: {  	v24 =	vadd.f32 v25, v24;
	_ =	sdelay $0x1  }
0xdb: {  	v24 =	vmax.f32 v24, $0.0e+00  }
0xdc: {  	[tilespmem:v22+s9+$0xFFFFFC70 ss:$0x1] =	vst.idx.msk $0xffff, v24  }
0xdd: {  	v24 =	vld.idx.msk [tilespmem:v26+s3+$0x0], $0xffff  }
0xde: {  	v25 =	vld.idx.msk [tilespmem:v23+s9+$0xFFFFFC80 ss:$0x1], $0xffff;
	_ =	sdelay $0x1  }
0xdf: {  	v26 =	vperm.xlane v29, v9;
	_ =	sdelay $0x1  }
0xe0: {  	v27 =	vadd.s32 v3, v26  }
0xe1: {  	v24 =	vadd.f32 v25, v24;
	_ =	sdelay $0x1  }
0xe2: {  	v24 =	vmax.f32 v24, $0.0e+00  }
0xe3: {  	[tilespmem:v22+s9+$0xFFFFFC80 ss:$0x1] =	vst.idx.msk $0xffff, v24  }
0xe4: {  	v24 =	vld.idx.msk [tilespmem:v27+s3+$0x0], $0xffff  }
0xe5: {  	v25 =	vld.idx.msk [tilespmem:v23+s9+$0xFFFFFC90 ss:$0x1], $0xffff;
	_ =	sdelay $0x3  }
0xe6: {  	v27 =	vadd.s32 v5, v26  }
0xe7: {  	v24 =	vadd.f32 v25, v24;
	_ =	sdelay $0x1  }
0xe8: {  	v24 =	vmax.f32 v24, $0.0e+00  }
0xe9: {  	[tilespmem:v22+s9+$0xFFFFFC90 ss:$0x1] =	vst.idx.msk $0xffff, v24  }
0xea: {  	v24 =	vld.idx.msk [tilespmem:v27+s3+$0x0], $0xffff  }
0xeb: {  	v25 =	vld.idx.msk [tilespmem:v23+s9+$0xFFFFFCA0 ss:$0x1], $0xffff;
	_ =	sdelay $0x1  }
0xec: {  	s4 =	sadd.s32 $0x10, s4  }
0xed: {  	v27 =	vld [tilespmem:s4+$0x0]  }
0xee: {  	v28 =	vadd.s32 v6, v26  }
0xef: {  	v24 =	vadd.f32 v25, v24;
	_ =	sdelay $0x1  }
0xf0: {  	v24 =	vmax.f32 v24, $0.0e+00  }
0xf1: {  	v25 =	vshra.s32 v27, $0xC;
	[tilespmem:v22+s9+$0xFFFFFCA0 ss:$0x1] =	vst.idx.msk $0xffff, v24  }
0xf2: {  	v24 =	vand.u32 $0xFFFFFFC0, v25;
	v25 =	vld.idx.msk [tilespmem:v28+s3+$0x0], $0xffff  }
0xf3: {  	v27 =	vperm.xlane v24, v4;
	v28 =	vld.idx.msk [tilespmem:v23+s9+$0xFFFFFCB0 ss:$0x1], $0xffff;
	_ =	sdelay $0x1  }
0xf4: {  	v30 =	vadd.s32 v3, v27;
	_ =	sdelay $0x1  }
0xf5: {  	v26 =	vadd.s32 v7, v26  }
0xf6: {  	s28 =	simm.s32 $0x7F0;
	v25 =	vadd.f32 v28, v25  }
0xf7: {  	v28 =	vld.idx.msk [tilespmem:v23+s28+$0xFFFFFC10 ss:$0x1], $0xffff  }
0xf8: {  	v30 =	vld.idx.msk [tilespmem:v30+s3+$0x0], $0xffff;
	v25 =	vmax.f32 v25, $0.0e+00  }
0xf9: {  	[tilespmem:v22+s9+$0xFFFFFCB0 ss:$0x1] =	vst.idx.msk $0xffff, v25  }
0xfa: {  	v25 =	vld.idx.msk [tilespmem:v26+s3+$0x0], $0xffff  }
0xfb: {  	v26 =	vld.idx.msk [tilespmem:v23+s9+$0xFFFFFCC0 ss:$0x1], $0xffff  }
0xfc: {  	v31 =	vadd.s32 v5, v27  }
0xfd: {  	v28 =	vadd.f32 v28, v30  }
0xfe: {  	v30 =	vperm.xlane v29, v10  }
0xff: {  	v28 =	vmax.f32 v28, $0.0e+00  }
0x100: {  	v32 =	vadd.s32 v3, v30;
	v25 =	vadd.f32 v26, v25;
	[tilespmem:v22+s28+$0xFFFFFC10 ss:$0x1] =	vst.idx.msk $0xffff, v28  }
0x101: {  	v26 =	vld.idx.msk [tilespmem:v31+s3+$0x0], $0xffff  }
0x102: {  	v28 =	vld.idx.msk [tilespmem:v23+s28+$0xFFFFFC20 ss:$0x1], $0xffff;
	v25 =	vmax.f32 v25, $0.0e+00  }
0x103: {  	[tilespmem:v22+s9+$0xFFFFFCC0 ss:$0x1] =	vst.idx.msk $0xffff, v25  }
0x104: {  	v31 =	vld.idx.msk [tilespmem:v23+s9+$0xFFFFFCD0 ss:$0x1], $0xffff  }
0x105: {  	v25 =	vld.idx.msk [tilespmem:v32+s3+$0x0], $0xffff  }
0x106: {  	v52 =	vadd.s32 v6, v27  }
0x107: {  	v26 =	vadd.f32 v28, v26;
	_ =	sdelay $0x1  }
0x108: {  	v28 =	vadd.s32 v5, v30;
	v26 =	vmax.f32 v26, $0.0e+00  }
0x109: {  	[tilespmem:v22+s28+$0xFFFFFC20 ss:$0x1] =	vst.idx.msk $0xffff, v26;
	v25 =	vadd.f32 v31, v25  }
0x10a: {  	v26 =	vld.idx.msk [tilespmem:v52+s3+$0x0], $0xffff  }
0x10b: {  	v31 =	vld.idx.msk [tilespmem:v23+s28+$0xFFFFFC30 ss:$0x1], $0xffff;
	v25 =	vmax.f32 v25, $0.0e+00  }
0x10c: {  	[tilespmem:v22+s9+$0xFFFFFCD0 ss:$0x1] =	vst.idx.msk $0xffff, v25  }
0x10d: {  	v25 =	vld.idx.msk [tilespmem:v28+s3+$0x0], $0xffff  }
0x10e: {  	v28 =	vld.idx.msk [tilespmem:v23+s9+$0xFFFFFCE0 ss:$0x1], $0xffff  }
0x10f: {  	v27 =	vadd.s32 v7, v27  }
0x110: {  	v26 =	vadd.f32 v31, v26;
	_ =	sdelay $0x1  }
0x111: {  	v31 =	vadd.s32 v6, v30;
	v26 =	vmax.f32 v26, $0.0e+00  }
0x112: {  	[tilespmem:v22+s28+$0xFFFFFC30 ss:$0x1] =	vst.idx.msk $0xffff, v26;
	v25 =	vadd.f32 v28, v25  }
0x113: {  	v26 =	vld.idx.msk [tilespmem:v27+s3+$0x0], $0xffff  }
0x114: {  	v27 =	vld.idx.msk [tilespmem:v23+s28+$0xFFFFFC40 ss:$0x1], $0xffff;
	v25 =	vmax.f32 v25, $0.0e+00  }
0x115: {  	[tilespmem:v22+s9+$0xFFFFFCE0 ss:$0x1] =	vst.idx.msk $0xffff, v25  }
0x116: {  	v25 =	vperm.xlane v24, v8;
	v28 =	vld.idx.msk [tilespmem:v31+s3+$0x0], $0xffff  }
0x117: {  	v31 =	vld.idx.msk [tilespmem:v23+s9+$0xFFFFFCF0 ss:$0x1], $0xffff  }
0x118: {  	v53 =	vadd.s32 v3, v25  }
0x119: {  	v26 =	vadd.f32 v27, v26;
	_ =	sdelay $0x1  }
0x11a: {  	v27 =	vadd.s32 v7, v30;
	v26 =	vmax.f32 v26, $0.0e+00  }
0x11b: {  	[tilespmem:v22+s28+$0xFFFFFC40 ss:$0x1] =	vst.idx.msk $0xffff, v26;
	v26 =	vadd.f32 v31, v28  }
0x11c: {  	v28 =	vld.idx.msk [tilespmem:v53+s3+$0x0], $0xffff  }
0x11d: {  	v30 =	vld.idx.msk [tilespmem:v23+s28+$0xFFFFFC50 ss:$0x1], $0xffff;
	v26 =	vmax.f32 v26, $0.0e+00  }
0x11e: {  	[tilespmem:v22+s9+$0xFFFFFCF0 ss:$0x1] =	vst.idx.msk $0xffff, v26  }
0x11f: {  	v26 =	vld.idx.msk [tilespmem:v27+s3+$0x0], $0xffff  }
0x120: {  	v27 =	vld.idx.msk [tilespmem:v23+s9+$0xFFFFFD00 ss:$0x1], $0xffff  }
0x121: {  	v31 =	vadd.s32 v5, v25  }
0x122: {  	v28 =	vadd.f32 v30, v28;
	v30 =	vperm.xlane v29, v11;
	_ =	sdelay $0x1  }
0x123: {  	v28 =	vmax.f32 v28, $0.0e+00;
	v54 =	vadd.s32 v3, v30  }
0x124: {  	[tilespmem:v22+s28+$0xFFFFFC50 ss:$0x1] =	vst.idx.msk $0xffff, v28;
	v26 =	vadd.f32 v27, v26  }
0x125: {  	v27 =	vld.idx.msk [tilespmem:v31+s3+$0x0], $0xffff  }
0x126: {  	v28 =	vld.idx.msk [tilespmem:v23+s28+$0xFFFFFC60 ss:$0x1], $0xffff;
	v26 =	vmax.f32 v26, $0.0e+00  }
0x127: {  	[tilespmem:v22+s9+$0xFFFFFD00 ss:$0x1] =	vst.idx.msk $0xffff, v26  }
0x128: {  	v26 =	vld.idx.msk [tilespmem:v54+s3+$0x0], $0xffff  }
0x129: {  	v31 =	vld.idx.msk [tilespmem:v23+s9+$0xFFFFFD10 ss:$0x1], $0xffff  }
0x12a: {  	v55 =	vadd.s32 v6, v25  }
0x12b: {  	v27 =	vadd.f32 v28, v27;
	_ =	sdelay $0x1  }
0x12c: {  	v28 =	vadd.s32 v5, v30;
	v27 =	vmax.f32 v27, $0.0e+00  }
0x12d: {  	[tilespmem:v22+s28+$0xFFFFFC60 ss:$0x1] =	vst.idx.msk $0xffff, v27;
	v26 =	vadd.f32 v31, v26  }
0x12e: {  	v27 =	vld.idx.msk [tilespmem:v55+s3+$0x0], $0xffff  }
0x12f: {  	v31 =	vld.idx.msk [tilespmem:v23+s28+$0xFFFFFC70 ss:$0x1], $0xffff;
	v26 =	vmax.f32 v26, $0.0e+00  }
0x130: {  	[tilespmem:v22+s9+$0xFFFFFD10 ss:$0x1] =	vst.idx.msk $0xffff, v26  }
0x131: {  	v26 =	vld.idx.msk [tilespmem:v28+s3+$0x0], $0xffff  }
0x132: {  	v28 =	vld.idx.msk [tilespmem:v23+s9+$0xFFFFFD20 ss:$0x1], $0xffff  }
0x133: {  	v25 =	vadd.s32 v7, v25  }
0x134: {  	v27 =	vadd.f32 v31, v27;
	_ =	sdelay $0x1  }
0x135: {  	v31 =	vadd.s32 v6, v30;
	v27 =	vmax.f32 v27, $0.0e+00  }
0x136: {  	[tilespmem:v22+s28+$0xFFFFFC70 ss:$0x1] =	vst.idx.msk $0xffff, v27;
	v26 =	vadd.f32 v28, v26  }
0x137: {  	v25 =	vld.idx.msk [tilespmem:v25+s3+$0x0], $0xffff  }
0x138: {  	v27 =	vld.idx.msk [tilespmem:v23+s28+$0xFFFFFC80 ss:$0x1], $0xffff;
	v26 =	vmax.f32 v26, $0.0e+00  }
0x139: {  	[tilespmem:v22+s9+$0xFFFFFD20 ss:$0x1] =	vst.idx.msk $0xffff, v26  }
0x13a: {  	v26 =	vperm.xlane v24, v9;
	v28 =	vld.idx.msk [tilespmem:v31+s3+$0x0], $0xffff  }
0x13b: {  	s4 =	sadd.s32 $0x10, s4;
	v31 =	vld.idx.msk [tilespmem:v23+s9+$0xFFFFFD30 ss:$0x1], $0xffff  }
0x13c: {  	v33 =	vld [tilespmem:s4+$0x0];
	v56 =	vadd.s32 v3, v26  }
0x13d: {  	v25 =	vadd.f32 v27, v25;
	_ =	sdelay $0x1  }
0x13e: {  	v27 =	vadd.s32 v7, v30;
	v25 =	vmax.f32 v25, $0.0e+00  }
0x13f: {  	[tilespmem:v22+s28+$0xFFFFFC80 ss:$0x1] =	vst.idx.msk $0xffff, v25;
	v28 =	vadd.f32 v31, v28  }
0x140: {  	v25 =	vshra.s32 v33, $0xC;
	v30 =	vld.idx.msk [tilespmem:v56+s3+$0x0], $0xffff  }
0x141: {  	v25 =	vand.u32 $0xFFFFFFC0, v25;
	v31 =	vld.idx.msk [tilespmem:v23+s28+$0xFFFFFC90 ss:$0x1], $0xffff;
	v28 =	vmax.f32 v28, $0.0e+00  }
0x142: {  	v57 =	vperm.xlane v25, v4;
	[tilespmem:v22+s9+$0xFFFFFD30 ss:$0x1] =	vst.idx.msk $0xffff, v28  }
0x143: {  	v27 =	vld.idx.msk [tilespmem:v27+s3+$0x0], $0xffff  }
0x144: {  	v28 =	vadd.s32 v3, v57;
	v58 =	vld.idx.msk [tilespmem:v23+s9+$0xFFFFFD40 ss:$0x1], $0xffff  }
0x145: {  	v34 =	vadd.s32 v5, v26  }
0x146: {  	v30 =	vadd.f32 v31, v30;
	v31 =	vperm.xlane v29, v12  }
0x147: {  	s29 =	simm.s32 $0xBF0  }
0x148: {  	v35 =	vld.idx.msk [tilespmem:v23+s29+$0xFFFFFC10 ss:$0x1], $0xffff;
	v30 =	vmax.f32 v30, $0.0e+00;
	v36 =	vadd.s32 v3, v31  }
0x149: {  	v28 =	vld.idx.msk [tilespmem:v28+s3+$0x0], $0xffff;
	[tilespmem:v22+s28+$0xFFFFFC90 ss:$0x1] =	vst.idx.msk $0xffff, v30;
	v27 =	vadd.f32 v58, v27  }
0x14a: {  	v30 =	vld.idx.msk [tilespmem:v34+s3+$0x0], $0xffff  }
0x14b: {  	v59 =	vld.idx.msk [tilespmem:v23+s28+$0xFFFFFCA0 ss:$0x1], $0xffff;
	v27 =	vmax.f32 v27, $0.0e+00  }
0x14c: {  	[tilespmem:v22+s9+$0xFFFFFD40 ss:$0x1] =	vst.idx.msk $0xffff, v27  }
0x14d: {  	v27 =	vadd.s32 v5, v57;
	v60 =	vld.idx.msk [tilespmem:v36+s3+$0x0], $0xffff  }
0x14e: {  	v61 =	vld.idx.msk [tilespmem:v23+s9+$0xFFFFFD50 ss:$0x1], $0xffff;
	v28 =	vadd.f32 v35, v28  }
0x14f: {  	v62 =	vadd.s32 v6, v26  }
0x150: {  	v30 =	vadd.f32 v59, v30;
	v28 =	vmax.f32 v28, $0.0e+00  }
0x151: {  	[tilespmem:v22+s29+$0xFFFFFC10 ss:$0x1] =	vst.idx.msk $0xffff, v28  }
0x152: {  	v28 =	vmax.f32 v30, $0.0e+00;
	v30 =	vadd.s32 v5, v31;
	v27 =	vld.idx.msk [tilespmem:v27+s3+$0x0], $0xffff  }
0x153: {  	v63 =	vld.idx.msk [tilespmem:v23+s29+$0xFFFFFC20 ss:$0x1], $0xffff;
	[tilespmem:v22+s28+$0xFFFFFCA0 ss:$0x1] =	vst.idx.msk $0xffff, v28;
	v28 =	vadd.f32 v61, v60  }
0x154: {  	v36 =	vld.idx.msk [tilespmem:v62+s3+$0x0], $0xffff  }
0x155: {  	v37 =	vld.idx.msk [tilespmem:v23+s28+$0xFFFFFCB0 ss:$0x1], $0xffff;
	v28 =	vmax.f32 v28, $0.0e+00  }
0x156: {  	[tilespmem:v22+s9+$0xFFFFFD50 ss:$0x1] =	vst.idx.msk $0xffff, v28  }
0x157: {  	v28 =	vadd.s32 v6, v57;
	v30 =	vld.idx.msk [tilespmem:v30+s3+$0x0], $0xffff  }
0x158: {  	v38 =	vld.idx.msk [tilespmem:v23+s9+$0xFFFFFD60 ss:$0x1], $0xffff;
	v27 =	vadd.f32 v63, v27  }
0x159: {  	v26 =	vadd.s32 v7, v26  }
0x15a: {  	v34 =	vadd.f32 v37, v36;
	v27 =	vmax.f32 v27, $0.0e+00  }
0x15b: {  	[tilespmem:v22+s29+$0xFFFFFC20 ss:$0x1] =	vst.idx.msk $0xffff, v27  }
0x15c: {  	v39 =	vadd.s32 v6, v31;
	v27 =	vld.idx.msk [tilespmem:v28+s3+$0x0], $0xffff;
	v28 =	vmax.f32 v34, $0.0e+00  }
0x15d: {  	v40 =	vld.idx.msk [tilespmem:v23+s29+$0xFFFFFC30 ss:$0x1], $0xffff;
	[tilespmem:v22+s28+$0xFFFFFCB0 ss:$0x1] =	vst.idx.msk $0xffff, v28;
	v28 =	vadd.f32 v38, v30  }
0x15e: {  	v26 =	vld.idx.msk [tilespmem:v26+s3+$0x0], $0xffff  }
0x15f: {  	v30 =	vld.idx.msk [tilespmem:v23+s28+$0xFFFFFCC0 ss:$0x1], $0xffff;
	v28 =	vmax.f32 v28, $0.0e+00  }
0x160: {  	[tilespmem:v22+s9+$0xFFFFFD60 ss:$0x1] =	vst.idx.msk $0xffff, v28  }
0x161: {  	v41 =	vperm.xlane v24, v10;
	v28 =	vadd.s32 v7, v57;
	v42 =	vld.idx.msk [tilespmem:v39+s3+$0x0], $0xffff  }
0x162: {  	v27 =	vadd.f32 v40, v27;
	v43 =	vld.idx.msk [tilespmem:v23+s9+$0xFFFFFD70 ss:$0x1], $0xffff  }
0x163: {  	v44 =	vadd.s32 v3, v41  }
0x164: {  	v27 =	vmax.f32 v27, $0.0e+00;
	v26 =	vadd.f32 v30, v26  }
0x165: {  	[tilespmem:v22+s29+$0xFFFFFC30 ss:$0x1] =	vst.idx.msk $0xffff, v27  }
0x166: {  	v27 =	vld.idx.msk [tilespmem:v28+s3+$0x0], $0xffff;
	v26 =	vmax.f32 v26, $0.0e+00;
	v28 =	vadd.s32 v7, v31  }
0x167: {  	v30 =	vld.idx.msk [tilespmem:v23+s29+$0xFFFFFC40 ss:$0x1], $0xffff;
	[tilespmem:v22+s28+$0xFFFFFCC0 ss:$0x1] =	vst.idx.msk $0xffff, v26;
	v26 =	vadd.f32 v43, v42  }
0x168: {  	v31 =	vld.idx.msk [tilespmem:v44+s3+$0x0], $0xffff  }
0x169: {  	v46 =	vld.idx.msk [tilespmem:v23+s28+$0xFFFFFCD0 ss:$0x1], $0xffff;
	v26 =	vmax.f32 v26, $0.0e+00  }
0x16a: {  	v45 =	vperm.xlane v25, v8;
	[tilespmem:v22+s9+$0xFFFFFD70 ss:$0x1] =	vst.idx.msk $0xffff, v26  }
0x16b: {  	v28 =	vld.idx.msk [tilespmem:v28+s3+$0x0], $0xffff  }
0x16c: {  	v26 =	vadd.s32 v3, v45;
	v27 =	vadd.f32 v30, v27;
	v30 =	vld.idx.msk [tilespmem:v23+s9+$0xFFFFFD80 ss:$0x1], $0xffff;
	_ =	sdelay $0x1  }
0x16d: {  	v48 =	vperm.xlane v29, v13;
	v47 =	vadd.s32 v5, v41;
	v31 =	vadd.f32 v46, v31  }
0x16e: {  	v27 =	vmax.f32 v27, $0.0e+00  }
0x16f: {  	[tilespmem:v22+s29+$0xFFFFFC40 ss:$0x1] =	vst.idx.msk $0xffff, v27;
	v27 =	vmax.f32 v31, $0.0e+00;
	v31 =	vadd.s32 v3, v48  }
0x170: {  	v26 =	vld.idx.msk [tilespmem:v26+s3+$0x0], $0xffff;
	[tilespmem:v22+s28+$0xFFFFFCD0 ss:$0x1] =	vst.idx.msk $0xffff, v27;
	v27 =	vadd.f32 v30, v28  }
0x171: {  	v49 =	vld.idx.msk [tilespmem:v23+s29+$0xFFFFFC50 ss:$0x1], $0xffff  }
0x172: {  	v28 =	vld.idx.msk [tilespmem:v47+s3+$0x0], $0xffff;
	v27 =	vmax.f32 v27, $0.0e+00  }
0x173: {  	v30 =	vld.idx.msk [tilespmem:v23+s28+$0xFFFFFCE0 ss:$0x1], $0xffff;
	[tilespmem:v22+s9+$0xFFFFFD80 ss:$0x1] =	vst.idx.msk $0xffff, v27  }
0x174: {  	v27 =	vld.idx.msk [tilespmem:v31+s3+$0x0], $0xffff  }
0x175: {  	v31 =	vld.idx.msk [tilespmem:v23+s9+$0xFFFFFD90 ss:$0x1], $0xffff;
	_ =	sdelay $0x3  }
0x176: {  	v50 =	vadd.s32 v5, v48  }
0x177: {  	v27 =	vadd.f32 v31, v27;
	_ =	sdelay $0x1  }
0x178: {  	v27 =	vmax.f32 v27, $0.0e+00  }
0x179: {  	[tilespmem:v22+s9+$0xFFFFFD90 ss:$0x1] =	vst.idx.msk $0xffff, v27  }
0x17a: {  	v27 =	vld.idx.msk [tilespmem:v50+s3+$0x0], $0xffff  }
0x17b: {  	v31 =	vld.idx.msk [tilespmem:v23+s9+$0xFFFFFDA0 ss:$0x1], $0xffff  }
0x17c: {  	v51 =	vadd.s32 v6, v41  }
0x17d: {  	v28 =	vadd.f32 v30, v28;
	_ =	sdelay $0x1  }
0x17e: {  	v30 =	vadd.s32 v6, v48;
	v28 =	vmax.f32 v28, $0.0e+00  }
0x17f: {  	[tilespmem:v22+s28+$0xFFFFFCE0 ss:$0x1] =	vst.idx.msk $0xffff, v28;
	v27 =	vadd.f32 v31, v27  }
0x180: {  	v28 =	vld.idx.msk [tilespmem:v51+s3+$0x0], $0xffff  }
0x181: {  	v31 =	vld.idx.msk [tilespmem:v23+s28+$0xFFFFFCF0 ss:$0x1], $0xffff;
	v27 =	vmax.f32 v27, $0.0e+00  }
0x182: {  	[tilespmem:v22+s9+$0xFFFFFDA0 ss:$0x1] =	vst.idx.msk $0xffff, v27  }
0x183: {  	v27 =	vld.idx.msk [tilespmem:v30+s3+$0x0], $0xffff  }
0x184: {  	v30 =	vld.idx.msk [tilespmem:v23+s9+$0xFFFFFDB0 ss:$0x1], $0xffff  }
0x185: {  	v32 =	vadd.s32 v7, v41  }
0x186: {  	v28 =	vadd.f32 v31, v28;
	_ =	sdelay $0x1  }
0x187: {  	v31 =	vadd.s32 v7, v48;
	v28 =	vmax.f32 v28, $0.0e+00  }
0x188: {  	[tilespmem:v22+s28+$0xFFFFFCF0 ss:$0x1] =	vst.idx.msk $0xffff, v28;
	v27 =	vadd.f32 v30, v27  }
0x189: {  	v28 =	vld.idx.msk [tilespmem:v32+s3+$0x0], $0xffff  }
0x18a: {  	v30 =	vld.idx.msk [tilespmem:v23+s28+$0xFFFFFD00 ss:$0x1], $0xffff;
	v27 =	vmax.f32 v27, $0.0e+00  }
0x18b: {  	[tilespmem:v22+s9+$0xFFFFFDB0 ss:$0x1] =	vst.idx.msk $0xffff, v27  }
0x18c: {  	v31 =	vld.idx.msk [tilespmem:v31+s3+$0x0], $0xffff  }
0x18d: {  	v27 =	vperm.xlane v24, v11;
	v52 =	vld.idx.msk [tilespmem:v23+s9+$0xFFFFFDC0 ss:$0x1], $0xffff;
	_ =	sdelay $0x1  }
0x18e: {  	v53 =	vadd.s32 v3, v27;
	v28 =	vadd.f32 v30, v28;
	v30 =	vperm.xlane v29, v14;
	_ =	sdelay $0x1  }
0x18f: {  	v28 =	vmax.f32 v28, $0.0e+00;
	v54 =	vadd.s32 v3, v30  }
0x190: {  	[tilespmem:v22+s28+$0xFFFFFD00 ss:$0x1] =	vst.idx.msk $0xffff, v28;
	v28 =	vadd.f32 v52, v31  }
0x191: {  	v55 =	vld.idx.msk [tilespmem:v23+s28+$0xFFFFFD10 ss:$0x1], $0xffff  }
0x192: {  	v31 =	vld.idx.msk [tilespmem:v53+s3+$0x0], $0xffff;
	v28 =	vmax.f32 v28, $0.0e+00  }
0x193: {  	[tilespmem:v22+s9+$0xFFFFFDC0 ss:$0x1] =	vst.idx.msk $0xffff, v28  }
0x194: {  	v56 =	vadd.s32 v5, v45;
	v26 =	vadd.f32 v49, v26;
	v28 =	vld.idx.msk [tilespmem:v54+s3+$0x0], $0xffff  }
0x195: {  	v57 =	vld.idx.msk [tilespmem:v23+s9+$0xFFFFFDD0 ss:$0x1], $0xffff  }
0x196: {  	v26 =	vmax.f32 v26, $0.0e+00;
	v58 =	vadd.s32 v5, v27  }
0x197: {  	[tilespmem:v22+s29+$0xFFFFFC50 ss:$0x1] =	vst.idx.msk $0xffff, v26;
	v26 =	vadd.f32 v55, v31  }
0x198: {  	v59 =	vld.idx.msk [tilespmem:v23+s29+$0xFFFFFC60 ss:$0x1], $0xffff  }
0x199: {  	v60 =	vadd.s32 v5, v30;
	v31 =	vld.idx.msk [tilespmem:v56+s3+$0x0], $0xffff;
	v26 =	vmax.f32 v26, $0.0e+00  }
0x19a: {  	[tilespmem:v22+s28+$0xFFFFFD10 ss:$0x1] =	vst.idx.msk $0xffff, v26;
	v26 =	vadd.f32 v57, v28  }
0x19b: {  	v28 =	vld.idx.msk [tilespmem:v58+s3+$0x0], $0xffff  }
0x19c: {  	v61 =	vld.idx.msk [tilespmem:v23+s28+$0xFFFFFD20 ss:$0x1], $0xffff;
	v26 =	vmax.f32 v26, $0.0e+00  }
0x19d: {  	v62 =	vadd.s32 v6, v45;
	[tilespmem:v22+s9+$0xFFFFFDD0 ss:$0x1] =	vst.idx.msk $0xffff, v26  }
0x19e: {  	v26 =	vadd.f32 v59, v31;
	v31 =	vld.idx.msk [tilespmem:v60+s3+$0x0], $0xffff  }
0x19f: {  	v63 =	vld.idx.msk [tilespmem:v23+s9+$0xFFFFFDE0 ss:$0x1], $0xffff  }
0x1a0: {  	v40 =	vadd.s32 v6, v27;
	v26 =	vmax.f32 v26, $0.0e+00  }
0x1a1: {  	[tilespmem:v22+s29+$0xFFFFFC60 ss:$0x1] =	vst.idx.msk $0xffff, v26;
	v26 =	vadd.f32 v61, v28  }
0x1a2: {  	v28 =	vld.idx.msk [tilespmem:v62+s3+$0x0], $0xffff  }
0x1a3: {  	v42 =	vadd.s32 v6, v30;
	v41 =	vld.idx.msk [tilespmem:v23+s29+$0xFFFFFC70 ss:$0x1], $0xffff;
	v26 =	vmax.f32 v26, $0.0e+00  }
0x1a4: {  	[tilespmem:v22+s28+$0xFFFFFD20 ss:$0x1] =	vst.idx.msk $0xffff, v26;
	v26 =	vadd.f32 v63, v31  }
0x1a5: {  	v31 =	vld.idx.msk [tilespmem:v40+s3+$0x0], $0xffff  }
0x1a6: {  	v43 =	vld.idx.msk [tilespmem:v23+s28+$0xFFFFFD30 ss:$0x1], $0xffff;
	v26 =	vmax.f32 v26, $0.0e+00  }
0x1a7: {  	v33 =	vadd.s32 v7, v45;
	[tilespmem:v22+s9+$0xFFFFFDE0 ss:$0x1] =	vst.idx.msk $0xffff, v26  }
0x1a8: {  	v26 =	vadd.f32 v41, v28;
	v28 =	vld.idx.msk [tilespmem:v42+s3+$0x0], $0xffff  }
0x1a9: {  	v44 =	vld.idx.msk [tilespmem:v23+s9+$0xFFFFFDF0 ss:$0x1], $0xffff  }
0x1aa: {  	v27 =	vadd.s32 v7, v27;
	v26 =	vmax.f32 v26, $0.0e+00  }
0x1ab: {  	[tilespmem:v22+s29+$0xFFFFFC70 ss:$0x1] =	vst.idx.msk $0xffff, v26;
	v26 =	vadd.f32 v43, v31  }
0x1ac: {  	v31 =	vld.idx.msk [tilespmem:v33+s3+$0x0], $0xffff  }
0x1ad: {  	v30 =	vadd.s32 v7, v30;
	v45 =	vld.idx.msk [tilespmem:v23+s29+$0xFFFFFC80 ss:$0x1], $0xffff;
	v26 =	vmax.f32 v26, $0.0e+00  }
0x1ae: {  	[tilespmem:v22+s28+$0xFFFFFD30 ss:$0x1] =	vst.idx.msk $0xffff, v26;
	v26 =	vadd.f32 v44, v28  }
0x1af: {  	v28 =	vperm.xlane v25, v9;
	v27 =	vld.idx.msk [tilespmem:v27+s3+$0x0], $0xffff  }
0x1b0: {  	v46 =	vld.idx.msk [tilespmem:v23+s28+$0xFFFFFD40 ss:$0x1], $0xffff;
	v26 =	vmax.f32 v26, $0.0e+00  }
0x1b1: {  	v47 =	vadd.s32 v3, v28;
	[tilespmem:v22+s9+$0xFFFFFDF0 ss:$0x1] =	vst.idx.msk $0xffff, v26  }
0x1b2: {  	v26 =	vadd.f32 v45, v31;
	v31 =	vperm.xlane v24, v12;
	v30 =	vld.idx.msk [tilespmem:v30+s3+$0x0], $0xffff  }
0x1b3: {  	v48 =	vld.idx.msk [tilespmem:v23+s9+$0xFFFFFE00 ss:$0x1], $0xffff  }
0x1b4: {  	v26 =	vmax.f32 v26, $0.0e+00;
	v49 =	vadd.s32 v3, v31  }
0x1b5: {  	[tilespmem:v22+s29+$0xFFFFFC80 ss:$0x1] =	vst.idx.msk $0xffff, v26;
	v26 =	vadd.f32 v46, v27;
	v27 =	vperm.xlane v29, v15  }
0x1b6: {  	v50 =	vld.idx.msk [tilespmem:v47+s3+$0x0], $0xffff  }
0x1b7: {  	v51 =	vld.idx.msk [tilespmem:v23+s29+$0xFFFFFC90 ss:$0x1], $0xffff;
	v26 =	vmax.f32 v26, $0.0e+00;
	v52 =	vadd.s32 v3, v27  }
0x1b8: {  	[tilespmem:v22+s28+$0xFFFFFD40 ss:$0x1] =	vst.idx.msk $0xffff, v26;
	v26 =	vadd.f32 v48, v30  }
0x1b9: {  	v30 =	vld.idx.msk [tilespmem:v49+s3+$0x0], $0xffff  }
0x1ba: {  	s14 =	sadd.s32 $0x10, s4;
	v53 =	vld.idx.msk [tilespmem:v23+s28+$0xFFFFFD50 ss:$0x1], $0xffff;
	v26 =	vmax.f32 v26, $0.0e+00  }
0x1bb: {  	v54 =	vld [tilespmem:s14+$0x0];
	v37 =	vadd.s32 v5, v28;
	[tilespmem:v22+s9+$0xFFFFFE00 ss:$0x1] =	vst.idx.msk $0xffff, v26  }
0x1bc: {  	v26 =	vadd.f32 v51, v50;
	v55 =	vld.idx.msk [tilespmem:v52+s3+$0x0], $0xffff  }
0x1bd: {  	v56 =	vld.idx.msk [tilespmem:v23+s9+$0xFFFFFE10 ss:$0x1], $0xffff  }
0x1be: {  	v57 =	vadd.s32 v5, v31;
	v26 =	vmax.f32 v26, $0.0e+00  }
0x1bf: {  	[tilespmem:v22+s29+$0xFFFFFC90 ss:$0x1] =	vst.idx.msk $0xffff, v26;
	v30 =	vadd.f32 v53, v30  }
0x1c0: {  	v26 =	vshra.s32 v54, $0xC;
	v58 =	vld.idx.msk [tilespmem:v37+s3+$0x0], $0xffff  }
0x1c1: {  	v60 =	vadd.s32 v5, v27;
	v26 =	vand.u32 $0xFFFFFFC0, v26;
	v59 =	vld.idx.msk [tilespmem:v23+s29+$0xFFFFFCA0 ss:$0x1], $0xffff;
	v30 =	vmax.f32 v30, $0.0e+00  }
0x1c2: {  	v38 =	vperm.xlane v26, v4;
	[tilespmem:v22+s28+$0xFFFFFD50 ss:$0x1] =	vst.idx.msk $0xffff, v30;
	v30 =	vadd.f32 v56, v55  }
0x1c3: {  	v61 =	vld.idx.msk [tilespmem:v57+s3+$0x0], $0xffff  }
0x1c4: {  	v62 =	vadd.s32 v3, v38;
	v63 =	vld.idx.msk [tilespmem:v23+s28+$0xFFFFFD60 ss:$0x1], $0xffff;
	v30 =	vmax.f32 v30, $0.0e+00  }
0x1c5: {  	v39 =	vadd.s32 v6, v28;
	[tilespmem:v22+s9+$0xFFFFFE10 ss:$0x1] =	vst.idx.msk $0xffff, v30  }
0x1c6: {  	v30 =	vadd.f32 v59, v58;
	v44 =	vld.idx.msk [tilespmem:v60+s3+$0x0], $0xffff  }
0x1c7: {  	s4 =	simm.s32 $0xFF0;
	v45 =	vld.idx.msk [tilespmem:v23+s9+$0xFFFFFE20 ss:$0x1], $0xffff  }
0x1c8: {  	v40 =	vadd.s32 v6, v31;
	v46 =	vld.idx.msk [tilespmem:v23+s4+$0xFFFFFC10 ss:$0x1], $0xffff;
	v30 =	vmax.f32 v30, $0.0e+00  }
0x1c9: {  	v34 =	vld.idx.msk [tilespmem:v62+s3+$0x0], $0xffff;
	[tilespmem:v22+s29+$0xFFFFFCA0 ss:$0x1] =	vst.idx.msk $0xffff, v30;
	v30 =	vadd.f32 v63, v61  }
0x1ca: {  	v47 =	vld.idx.msk [tilespmem:v39+s3+$0x0], $0xffff  }
0x1cb: {  	v49 =	vadd.s32 v6, v27;
	v48 =	vld.idx.msk [tilespmem:v23+s29+$0xFFFFFCB0 ss:$0x1], $0xffff;
	v30 =	vmax.f32 v30, $0.0e+00  }
0x1cc: {  	[tilespmem:v22+s28+$0xFFFFFD60 ss:$0x1] =	vst.idx.msk $0xffff, v30;
	v30 =	vadd.f32 v45, v44  }
0x1cd: {  	v50 =	vadd.s32 v5, v38;
	v51 =	vld.idx.msk [tilespmem:v40+s3+$0x0], $0xffff  }
0x1ce: {  	v52 =	vld.idx.msk [tilespmem:v23+s28+$0xFFFFFD70 ss:$0x1], $0xffff;
	v34 =	vadd.f32 v46, v34;
	v30 =	vmax.f32 v30, $0.0e+00  }
0x1cf: {  	v28 =	vadd.s32 v7, v28;
	[tilespmem:v22+s9+$0xFFFFFE20 ss:$0x1] =	vst.idx.msk $0xffff, v30  }
0x1d0: {  	v33 =	vadd.f32 v48, v47;
	v30 =	vmax.f32 v34, $0.0e+00;
	v53 =	vld.idx.msk [tilespmem:v49+s3+$0x0], $0xffff  }
0x1d1: {  	[tilespmem:v22+s4+$0xFFFFFC10 ss:$0x1] =	vst.idx.msk $0xffff, v30;
	v30 =	vld.idx.msk [tilespmem:v23+s9+$0xFFFFFE30 ss:$0x1], $0xffff  }
0x1d2: {  	v31 =	vadd.s32 v7, v31;
	v33 =	vmax.f32 v33, $0.0e+00;
	v32 =	vld.idx.msk [tilespmem:v50+s3+$0x0], $0xffff  }
0x1d3: {  	v54 =	vld.idx.msk [tilespmem:v23+s4+$0xFFFFFC20 ss:$0x1], $0xffff;
	[tilespmem:v22+s29+$0xFFFFFCB0 ss:$0x1] =	vst.idx.msk $0xffff, v33;
	v55 =	vadd.f32 v52, v51  }
0x1d4: {  	v28 =	vld.idx.msk [tilespmem:v28+s3+$0x0], $0xffff  }
0x1d5: {  	v27 =	vadd.s32 v7, v27;
	v56 =	vld.idx.msk [tilespmem:v23+s29+$0xFFFFFCC0 ss:$0x1], $0xffff;
	v33 =	vmax.f32 v55, $0.0e+00  }
0x1d6: {  	[tilespmem:v22+s28+$0xFFFFFD70 ss:$0x1] =	vst.idx.msk $0xffff, v33;
	v30 =	vadd.f32 v30, v53  }
0x1d7: {  	v57 =	vadd.s32 v6, v38;
	v34 =	vperm.xlane v25, v10;
	v31 =	vld.idx.msk [tilespmem:v31+s3+$0x0], $0xffff  }
0x1d8: {  	v58 =	vld.idx.msk [tilespmem:v23+s28+$0xFFFFFD80 ss:$0x1], $0xffff;
	v32 =	vadd.f32 v54, v32;
	v30 =	vmax.f32 v30, $0.0e+00  }
0x1d9: {  	v59 =	vadd.s32 v3, v34;
	[tilespmem:v22+s9+$0xFFFFFE30 ss:$0x1] =	vst.idx.msk $0xffff, v30  }
0x1da: {  	v28 =	vadd.f32 v56, v28;
	v30 =	vmax.f32 v32, $0.0e+00;
	v32 =	vperm.xlane v24, v13;
	v27 =	vld.idx.msk [tilespmem:v27+s3+$0x0], $0xffff  }
0x1db: {  	[tilespmem:v22+s4+$0xFFFFFC20 ss:$0x1] =	vst.idx.msk $0xffff, v30;
	v30 =	vld.idx.msk [tilespmem:v23+s9+$0xFFFFFE40 ss:$0x1], $0xffff  }
0x1dc: {  	v28 =	vmax.f32 v28, $0.0e+00;
	v33 =	vld.idx.msk [tilespmem:v57+s3+$0x0], $0xffff;
	v60 =	vadd.s32 v3, v32  }
0x1dd: {  	v61 =	vld.idx.msk [tilespmem:v23+s4+$0xFFFFFC30 ss:$0x1], $0xffff;
	[tilespmem:v22+s29+$0xFFFFFCC0 ss:$0x1] =	vst.idx.msk $0xffff, v28;
	v28 =	vadd.f32 v58, v31;
	v31 =	vperm.xlane v29, v16  }
0x1de: {  	v62 =	vld.idx.msk [tilespmem:v59+s3+$0x0], $0xffff  }
0x1df: {  	v63 =	vld.idx.msk [tilespmem:v23+s29+$0xFFFFFCD0 ss:$0x1], $0xffff;
	v28 =	vmax.f32 v28, $0.0e+00;
	v44 =	vadd.s32 v3, v31  }
0x1e0: {  	[tilespmem:v22+s28+$0xFFFFFD80 ss:$0x1] =	vst.idx.msk $0xffff, v28;
	v27 =	vadd.f32 v30, v27  }
0x1e1: {  	v28 =	vadd.s32 v7, v38;
	v45 =	vld.idx.msk [tilespmem:v23+s28+$0xFFFFFD90 ss:$0x1], $0xffff  }
0x1e2: {  	v30 =	vld.idx.msk [tilespmem:v60+s3+$0x0], $0xffff;
	v33 =	vadd.f32 v61, v33;
	v27 =	vmax.f32 v27, $0.0e+00  }
0x1e3: {  	v46 =	vadd.s32 v5, v34;
	[tilespmem:v22+s9+$0xFFFFFE40 ss:$0x1] =	vst.idx.msk $0xffff, v27  }
0x1e4: {  	v47 =	vadd.f32 v63, v62;
	v27 =	vmax.f32 v33, $0.0e+00;
	v48 =	vld.idx.msk [tilespmem:v44+s3+$0x0], $0xffff  }
0x1e5: {  	[tilespmem:v22+s4+$0xFFFFFC30 ss:$0x1] =	vst.idx.msk $0xffff, v27;
	v27 =	vld.idx.msk [tilespmem:v23+s9+$0xFFFFFE50 ss:$0x1], $0xffff  }
0x1e6: {  	v49 =	vadd.s32 v5, v32;
	v33 =	vmax.f32 v47, $0.0e+00;
	v28 =	vld.idx.msk [tilespmem:v28+s3+$0x0], $0xffff  }
0x1e7: {  	v50 =	vld.idx.msk [tilespmem:v23+s4+$0xFFFFFC40 ss:$0x1], $0xffff;
	[tilespmem:v22+s29+$0xFFFFFCD0 ss:$0x1] =	vst.idx.msk $0xffff, v33;
	v30 =	vadd.f32 v45, v30  }
0x1e8: {  	v33 =	vld.idx.msk [tilespmem:v46+s3+$0x0], $0xffff  }
0x1e9: {  	v35 =	vperm.xlane v26, v8;
	v52 =	vadd.s32 v5, v31;
	v51 =	vld.idx.msk [tilespmem:v23+s29+$0xFFFFFCE0 ss:$0x1], $0xffff;
	v30 =	vmax.f32 v30, $0.0e+00  }
0x1ea: {  	[tilespmem:v22+s28+$0xFFFFFD90 ss:$0x1] =	vst.idx.msk $0xffff, v30;
	v27 =	vadd.f32 v27, v48  }
0x1eb: {  	v30 =	vadd.s32 v3, v35;
	v53 =	vld.idx.msk [tilespmem:v49+s3+$0x0], $0xffff  }
0x1ec: {  	v28 =	vadd.f32 v50, v28;
	v54 =	vld.idx.msk [tilespmem:v23+s28+$0xFFFFFDA0 ss:$0x1], $0xffff;
	v27 =	vmax.f32 v27, $0.0e+00  }
0x1ed: {  	v55 =	vadd.s32 v6, v34;
	[tilespmem:v22+s9+$0xFFFFFE50 ss:$0x1] =	vst.idx.msk $0xffff, v27  }
0x1ee: {  	v27 =	vmax.f32 v28, $0.0e+00;
	v28 =	vadd.f32 v51, v33;
	v56 =	vld.idx.msk [tilespmem:v52+s3+$0x0], $0xffff  }
0x1ef: {  	[tilespmem:v22+s4+$0xFFFFFC40 ss:$0x1] =	vst.idx.msk $0xffff, v27;
	v27 =	vld.idx.msk [tilespmem:v23+s9+$0xFFFFFE60 ss:$0x1], $0xffff  }
0x1f0: {  	v57 =	vadd.s32 v6, v32;
	v30 =	vld.idx.msk [tilespmem:v30+s3+$0x0], $0xffff;
	v28 =	vmax.f32 v28, $0.0e+00  }
0x1f1: {  	v58 =	vld.idx.msk [tilespmem:v23+s4+$0xFFFFFC50 ss:$0x1], $0xffff;
	[tilespmem:v22+s29+$0xFFFFFCE0 ss:$0x1] =	vst.idx.msk $0xffff, v28;
	v28 =	vadd.f32 v54, v53  }
0x1f2: {  	v59 =	vld.idx.msk [tilespmem:v55+s3+$0x0], $0xffff  }
0x1f3: {  	v61 =	vadd.s32 v6, v31;
	v60 =	vld.idx.msk [tilespmem:v23+s29+$0xFFFFFCF0 ss:$0x1], $0xffff;
	v28 =	vmax.f32 v28, $0.0e+00  }
0x1f4: {  	[tilespmem:v22+s28+$0xFFFFFDA0 ss:$0x1] =	vst.idx.msk $0xffff, v28;
	v27 =	vadd.f32 v27, v56  }
0x1f5: {  	v28 =	vadd.s32 v5, v35;
	v62 =	vld.idx.msk [tilespmem:v57+s3+$0x0], $0xffff  }
0x1f6: {  	v30 =	vadd.f32 v58, v30;
	v63 =	vld.idx.msk [tilespmem:v23+s28+$0xFFFFFDB0 ss:$0x1], $0xffff;
	v27 =	vmax.f32 v27, $0.0e+00  }
0x1f7: {  	v34 =	vadd.s32 v7, v34;
	[tilespmem:v22+s9+$0xFFFFFE60 ss:$0x1] =	vst.idx.msk $0xffff, v27  }
0x1f8: {  	v27 =	vmax.f32 v30, $0.0e+00;
	v30 =	vadd.f32 v60, v59;
	v40 =	vld.idx.msk [tilespmem:v61+s3+$0x0], $0xffff  }
0x1f9: {  	[tilespmem:v22+s4+$0xFFFFFC50 ss:$0x1] =	vst.idx.msk $0xffff, v27;
	v27 =	vld.idx.msk [tilespmem:v23+s9+$0xFFFFFE70 ss:$0x1], $0xffff  }
0x1fa: {  	v32 =	vadd.s32 v7, v32;
	v28 =	vld.idx.msk [tilespmem:v28+s3+$0x0], $0xffff;
	v30 =	vmax.f32 v30, $0.0e+00  }
0x1fb: {  	v41 =	vld.idx.msk [tilespmem:v23+s4+$0xFFFFFC60 ss:$0x1], $0xffff;
	[tilespmem:v22+s29+$0xFFFFFCF0 ss:$0x1] =	vst.idx.msk $0xffff, v30;
	v30 =	vadd.f32 v63, v62  }
0x1fc: {  	v42 =	vld.idx.msk [tilespmem:v34+s3+$0x0], $0xffff  }
0x1fd: {  	v31 =	vadd.s32 v7, v31;
	v43 =	vld.idx.msk [tilespmem:v23+s29+$0xFFFFFD00 ss:$0x1], $0xffff;
	v30 =	vmax.f32 v30, $0.0e+00  }
0x1fe: {  	[tilespmem:v22+s28+$0xFFFFFDB0 ss:$0x1] =	vst.idx.msk $0xffff, v30;
	v27 =	vadd.f32 v27, v40  }
0x1ff: {  	v36 =	vperm.xlane v25, v11;
	v30 =	vadd.s32 v6, v35;
	v32 =	vld.idx.msk [tilespmem:v32+s3+$0x0], $0xffff  }
0x200: {  	v28 =	vadd.f32 v41, v28;
	v44 =	vld.idx.msk [tilespmem:v23+s28+$0xFFFFFDC0 ss:$0x1], $0xffff;
	v27 =	vmax.f32 v27, $0.0e+00  }
0x201: {  	v45 =	vadd.s32 v3, v36;
	[tilespmem:v22+s9+$0xFFFFFE70 ss:$0x1] =	vst.idx.msk $0xffff, v27  }
0x202: {  	v33 =	vperm.xlane v24, v14;
	v27 =	vmax.f32 v28, $0.0e+00;
	v28 =	vadd.f32 v43, v42;
	v31 =	vld.idx.msk [tilespmem:v31+s3+$0x0], $0xffff  }
0x203: {  	[tilespmem:v22+s4+$0xFFFFFC60 ss:$0x1] =	vst.idx.msk $0xffff, v27;
	v27 =	vld.idx.msk [tilespmem:v23+s9+$0xFFFFFE80 ss:$0x1], $0xffff  }
0x204: {  	v46 =	vadd.s32 v3, v33;
	v30 =	vld.idx.msk [tilespmem:v30+s3+$0x0], $0xffff;
	v28 =	vmax.f32 v28, $0.0e+00  }
0x205: {  	v47 =	vld.idx.msk [tilespmem:v23+s4+$0xFFFFFC70 ss:$0x1], $0xffff;
	[tilespmem:v22+s29+$0xFFFFFD00 ss:$0x1] =	vst.idx.msk $0xffff, v28;
	v28 =	vadd.f32 v44, v32;
	v32 =	vperm.xlane v29, v17  }
0x206: {  	v48 =	vld.idx.msk [tilespmem:v45+s3+$0x0], $0xffff  }
0x207: {  	v49 =	vld.idx.msk [tilespmem:v23+s29+$0xFFFFFD10 ss:$0x1], $0xffff;
	v28 =	vmax.f32 v28, $0.0e+00;
	v50 =	vadd.s32 v3, v32  }
0x208: {  	[tilespmem:v22+s28+$0xFFFFFDC0 ss:$0x1] =	vst.idx.msk $0xffff, v28;
	v27 =	vadd.f32 v27, v31  }
0x209: {  	v28 =	vld.idx.msk [tilespmem:v46+s3+$0x0], $0xffff  }
0x20a: {  	v31 =	vadd.s32 v7, v35;
	v51 =	vld.idx.msk [tilespmem:v23+s28+$0xFFFFFDD0 ss:$0x1], $0xffff;
	v27 =	vmax.f32 v27, $0.0e+00  }
0x20b: {  	v30 =	vadd.f32 v47, v30;
	[tilespmem:v22+s9+$0xFFFFFE80 ss:$0x1] =	vst.idx.msk $0xffff, v27  }
0x20c: {  	v27 =	vadd.s32 v5, v36;
	v37 =	vadd.f32 v49, v48;
	v52 =	vld.idx.msk [tilespmem:v50+s3+$0x0], $0xffff  }
0x20d: {  	v30 =	vmax.f32 v30, $0.0e+00;
	v53 =	vld.idx.msk [tilespmem:v23+s9+$0xFFFFFE90 ss:$0x1], $0xffff  }
0x20e: {  	v54 =	vadd.s32 v5, v33;
	[tilespmem:v22+s4+$0xFFFFFC70 ss:$0x1] =	vst.idx.msk $0xffff, v30;
	v30 =	vmax.f32 v37, $0.0e+00  }
0x20f: {  	v31 =	vld.idx.msk [tilespmem:v31+s3+$0x0], $0xffff;
	[tilespmem:v22+s29+$0xFFFFFD10 ss:$0x1] =	vst.idx.msk $0xffff, v30;
	v28 =	vadd.f32 v51, v28  }
0x210: {  	v30 =	vld.idx.msk [tilespmem:v23+s29+$0xFFFFFD20 ss:$0x1], $0xffff  }
0x211: {  	v55 =	vadd.s32 v5, v32;
	v27 =	vld.idx.msk [tilespmem:v27+s3+$0x0], $0xffff;
	v28 =	vmax.f32 v28, $0.0e+00  }
0x212: {  	v56 =	vld.idx.msk [tilespmem:v23+s4+$0xFFFFFC80 ss:$0x1], $0xffff;
	[tilespmem:v22+s28+$0xFFFFFDD0 ss:$0x1] =	vst.idx.msk $0xffff, v28;
	v28 =	vadd.f32 v53, v52  }
0x213: {  	v57 =	vld.idx.msk [tilespmem:v54+s3+$0x0], $0xffff  }
0x214: {  	s8 =	sadd.s32 $0x10, s14;
	v58 =	vld.idx.msk [tilespmem:v23+s28+$0xFFFFFDE0 ss:$0x1], $0xffff;
	v28 =	vmax.f32 v28, $0.0e+00  }
0x215: {  	v38 =	vperm.xlane v26, v9;
	v59 =	vld [tilespmem:s8+$0x0];
	[tilespmem:v22+s9+$0xFFFFFE90 ss:$0x1] =	vst.idx.msk $0xffff, v28;
	v28 =	vadd.s32 v6, v36  }
0x216: {  	v34 =	vld.idx.msk [tilespmem:v55+s3+$0x0], $0xffff;
	v27 =	vadd.f32 v30, v27  }
0x217: {  	v30 =	vadd.s32 v3, v38;
	v41 =	vld.idx.msk [tilespmem:v23+s9+$0xFFFFFEA0 ss:$0x1], $0xffff  }
0x218: {  	v60 =	vadd.s32 v6, v33;
	v31 =	vadd.f32 v56, v31;
	v27 =	vmax.f32 v27, $0.0e+00  }
0x219: {  	v35 =	vadd.f32 v58, v57;
	[tilespmem:v22+s29+$0xFFFFFD20 ss:$0x1] =	vst.idx.msk $0xffff, v27  }
0x21a: {  	v27 =	vmax.f32 v31, $0.0e+00;
	v31 =	vshra.s32 v59, $0xC;
	v28 =	vld.idx.msk [tilespmem:v28+s3+$0x0], $0xffff  }
0x21b: {  	v61 =	vadd.s32 v6, v32;
	[tilespmem:v22+s4+$0xFFFFFC80 ss:$0x1] =	vst.idx.msk $0xffff, v27;
	v27 =	vand.u32 $0xFFFFFFC0, v31;
	v31 =	vld.idx.msk [tilespmem:v23+s29+$0xFFFFFD30 ss:$0x1], $0xffff;
	v35 =	vmax.f32 v35, $0.0e+00  }
0x21c: {  	v30 =	vld.idx.msk [tilespmem:v30+s3+$0x0], $0xffff;
	v40 =	vperm.xlane v27, v4;
	[tilespmem:v22+s28+$0xFFFFFDE0 ss:$0x1] =	vst.idx.msk $0xffff, v35;
	v34 =	vadd.f32 v41, v34  }
0x21d: {  	v35 =	vld.idx.msk [tilespmem:v60+s3+$0x0], $0xffff  }
0x21e: {  	v63 =	vld.idx.msk [tilespmem:v23+s28+$0xFFFFFDF0 ss:$0x1], $0xffff;
	v62 =	vadd.s32 v3, v40;
	v34 =	vmax.f32 v34, $0.0e+00  }
0x21f: {  	v45 =	vadd.s32 v7, v36;
	v42 =	vld.idx.msk [tilespmem:v23+s4+$0xFFFFFC90 ss:$0x1], $0xffff;
	[tilespmem:v22+s9+$0xFFFFFEA0 ss:$0x1] =	vst.idx.msk $0xffff, v34  }
0x220: {  	v46 =	vld.idx.msk [tilespmem:v61+s3+$0x0], $0xffff;
	v28 =	vadd.f32 v31, v28  }
0x221: {  	s7 =	simm.s32 $0x13F0;
	v31 =	vld.idx.msk [tilespmem:v23+s9+$0xFFFFFEB0 ss:$0x1], $0xffff  }
0x222: {  	v33 =	vadd.s32 v7, v33;
	v47 =	vld.idx.msk [tilespmem:v23+s7+$0xFFFFFC10 ss:$0x1], $0xffff;
	v28 =	vmax.f32 v28, $0.0e+00  }
0x223: {  	v39 =	vld.idx.msk [tilespmem:v62+s3+$0x0], $0xffff;
	[tilespmem:v22+s29+$0xFFFFFD30 ss:$0x1] =	vst.idx.msk $0xffff, v28;
	v28 =	vadd.f32 v63, v35  }
0x224: {  	v48 =	vadd.s32 v5, v38;
	v30 =	vadd.f32 v42, v30;
	v34 =	vld.idx.msk [tilespmem:v45+s3+$0x0], $0xffff  }
0x225: {  	v32 =	vadd.s32 v7, v32;
	v49 =	vld.idx.msk [tilespmem:v23+s29+$0xFFFFFD40 ss:$0x1], $0xffff;
	v28 =	vmax.f32 v28, $0.0e+00  }
0x226: {  	v30 =	vmax.f32 v30, $0.0e+00;
	[tilespmem:v22+s28+$0xFFFFFDF0 ss:$0x1] =	vst.idx.msk $0xffff, v28;
	v28 =	vadd.f32 v31, v46  }
0x227: {  	[tilespmem:v22+s4+$0xFFFFFC90 ss:$0x1] =	vst.idx.msk $0xffff, v30;
	v33 =	vld.idx.msk [tilespmem:v33+s3+$0x0], $0xffff  }
0x228: {  	v30 =	vadd.s32 v5, v40;
	v31 =	vperm.xlane v25, v12;
	v50 =	vld.idx.msk [tilespmem:v23+s28+$0xFFFFFE00 ss:$0x1], $0xffff;
	v28 =	vmax.f32 v28, $0.0e+00  }
0x229: {  	v35 =	vld.idx.msk [tilespmem:v48+s3+$0x0], $0xffff;
	v37 =	vadd.f32 v47, v39;
	[tilespmem:v22+s9+$0xFFFFFEB0 ss:$0x1] =	vst.idx.msk $0xffff, v28  }
0x22a: {  	v39 =	vperm.xlane v24, v15;
	v28 =	vadd.s32 v3, v31;
	v34 =	vadd.f32 v49, v34;
	v32 =	vld.idx.msk [tilespmem:v32+s3+$0x0], $0xffff  }
0x22b: {  	v37 =	vmax.f32 v37, $0.0e+00;
	v51 =	vld.idx.msk [tilespmem:v23+s9+$0xFFFFFEC0 ss:$0x1], $0xffff  }
0x22c: {  	v52 =	vld.idx.msk [tilespmem:v23+s4+$0xFFFFFCA0 ss:$0x1], $0xffff;
	v53 =	vadd.s32 v3, v39;
	[tilespmem:v22+s7+$0xFFFFFC10 ss:$0x1] =	vst.idx.msk $0xffff, v37;
	v34 =	vmax.f32 v34, $0.0e+00  }
0x22d: {  	v30 =	vld.idx.msk [tilespmem:v30+s3+$0x0], $0xffff;
	[tilespmem:v22+s29+$0xFFFFFD40 ss:$0x1] =	vst.idx.msk $0xffff, v34;
	v33 =	vadd.f32 v50, v33;
	v34 =	vperm.xlane v29, v18  }
0x22e: {  	v54 =	vld.idx.msk [tilespmem:v23+s29+$0xFFFFFD50 ss:$0x1], $0xffff  }
0x22f: {  	v28 =	vld.idx.msk [tilespmem:v28+s3+$0x0], $0xffff;
	v33 =	vmax.f32 v33, $0.0e+00;
	v43 =	vadd.s32 v3, v34  }
0x230: {  	v44 =	vld.idx.msk [tilespmem:v23+s7+$0xFFFFFC20 ss:$0x1], $0xffff;
	[tilespmem:v22+s28+$0xFFFFFE00 ss:$0x1] =	vst.idx.msk $0xffff, v33;
	v32 =	vadd.f32 v51, v32  }
0x231: {  	v37 =	vld.idx.msk [tilespmem:v53+s3+$0x0], $0xffff  }
0x232: {  	v55 =	vadd.s32 v6, v38;
	v35 =	vadd.f32 v52, v35;
	v56 =	vld.idx.msk [tilespmem:v23+s28+$0xFFFFFE10 ss:$0x1], $0xffff;
	v32 =	vmax.f32 v32, $0.0e+00  }
0x233: {  	v57 =	vadd.s32 v5, v31;
	[tilespmem:v22+s9+$0xFFFFFEC0 ss:$0x1] =	vst.idx.msk $0xffff, v32  }
0x234: {  	v35 =	vmax.f32 v35, $0.0e+00;
	v58 =	vld.idx.msk [tilespmem:v43+s3+$0x0], $0xffff;
	v28 =	vadd.f32 v54, v28  }
0x235: {  	v59 =	vadd.s32 v6, v40;
	[tilespmem:v22+s4+$0xFFFFFCA0 ss:$0x1] =	vst.idx.msk $0xffff, v35;
	v60 =	vld.idx.msk [tilespmem:v23+s9+$0xFFFFFED0 ss:$0x1], $0xffff  }
0x236: {  	v61 =	vadd.s32 v5, v39;
	v62 =	vld.idx.msk [tilespmem:v23+s4+$0xFFFFFCB0 ss:$0x1], $0xffff;
	v30 =	vadd.f32 v44, v30;
	v28 =	vmax.f32 v28, $0.0e+00  }
0x237: {  	v33 =	vld.idx.msk [tilespmem:v55+s3+$0x0], $0xffff;
	[tilespmem:v22+s29+$0xFFFFFD50 ss:$0x1] =	vst.idx.msk $0xffff, v28;
	v28 =	vadd.f32 v56, v37  }
0x238: {  	v30 =	vmax.f32 v30, $0.0e+00;
	v32 =	vld.idx.msk [tilespmem:v57+s3+$0x0], $0xffff  }
0x239: {  	v63 =	vadd.s32 v5, v34;
	[tilespmem:v22+s7+$0xFFFFFC20 ss:$0x1] =	vst.idx.msk $0xffff, v30;
	v30 =	vld.idx.msk [tilespmem:v23+s29+$0xFFFFFD60 ss:$0x1], $0xffff;
	v28 =	vmax.f32 v28, $0.0e+00  }
0x23a: {  	v35 =	vld.idx.msk [tilespmem:v59+s3+$0x0], $0xffff;
	[tilespmem:v22+s28+$0xFFFFFE10 ss:$0x1] =	vst.idx.msk $0xffff, v28;
	v28 =	vadd.f32 v60, v58  }
0x23b: {  	v45 =	vadd.s32 v7, v38;
	v46 =	vld.idx.msk [tilespmem:v61+s3+$0x0], $0xffff  }
0x23c: {  	v33 =	vadd.f32 v62, v33;
	v47 =	vld.idx.msk [tilespmem:v23+s28+$0xFFFFFE20 ss:$0x1], $0xffff;
	v28 =	vmax.f32 v28, $0.0e+00  }
0x23d: {  	v48 =	vld.idx.msk [tilespmem:v23+s7+$0xFFFFFC30 ss:$0x1], $0xffff;
	[tilespmem:v22+s9+$0xFFFFFED0 ss:$0x1] =	vst.idx.msk $0xffff, v28  }
0x23e: {  	v33 =	vmax.f32 v33, $0.0e+00;
	v28 =	vadd.s32 v6, v31;
	v30 =	vadd.f32 v30, v32;
	v37 =	vld.idx.msk [tilespmem:v63+s3+$0x0], $0xffff  }
0x23f: {  	[tilespmem:v22+s4+$0xFFFFFCB0 ss:$0x1] =	vst.idx.msk $0xffff, v33;
	v49 =	vld.idx.msk [tilespmem:v23+s9+$0xFFFFFEE0 ss:$0x1], $0xffff  }
0x240: {  	v50 =	vadd.s32 v6, v39;
	v33 =	vld.idx.msk [tilespmem:v45+s3+$0x0], $0xffff;
	v30 =	vmax.f32 v30, $0.0e+00  }
0x241: {  	v51 =	vld.idx.msk [tilespmem:v23+s4+$0xFFFFFCC0 ss:$0x1], $0xffff;
	[tilespmem:v22+s29+$0xFFFFFD60 ss:$0x1] =	vst.idx.msk $0xffff, v30;
	v30 =	vadd.f32 v47, v46  }
0x242: {  	v52 =	vadd.s32 v7, v40;
	v53 =	vld.idx.msk [tilespmem:v23+s29+$0xFFFFFD70 ss:$0x1], $0xffff  }
0x243: {  	v54 =	vadd.s32 v6, v34;
	v35 =	vadd.f32 v48, v35;
	v28 =	vld.idx.msk [tilespmem:v28+s3+$0x0], $0xffff;
	v30 =	vmax.f32 v30, $0.0e+00  }
0x244: {  	v42 =	vperm.xlane v26, v10;
	[tilespmem:v22+s28+$0xFFFFFE20 ss:$0x1] =	vst.idx.msk $0xffff, v30;
	v30 =	vadd.f32 v49, v37  }
0x245: {  	v55 =	vmax.f32 v35, $0.0e+00;
	v56 =	vld.idx.msk [tilespmem:v50+s3+$0x0], $0xffff  }
0x246: {  	v57 =	vadd.s32 v3, v42;
	[tilespmem:v22+s7+$0xFFFFFC30 ss:$0x1] =	vst.idx.msk $0xffff, v55;
	v58 =	vld.idx.msk [tilespmem:v23+s28+$0xFFFFFE30 ss:$0x1], $0xffff;
	v30 =	vmax.f32 v30, $0.0e+00  }
0x247: {  	v33 =	vadd.f32 v51, v33;
	v59 =	vld.idx.msk [tilespmem:v52+s3+$0x0], $0xffff;
	[tilespmem:v22+s9+$0xFFFFFEE0 ss:$0x1] =	vst.idx.msk $0xffff, v30;
	v30 =	vadd.s32 v7, v31  }
0x248: {  	v31 =	vld.idx.msk [tilespmem:v54+s3+$0x0], $0xffff;
	v28 =	vadd.f32 v53, v28  }
0x249: {  	v33 =	vmax.f32 v33, $0.0e+00;
	v60 =	vld.idx.msk [tilespmem:v23+s9+$0xFFFFFEF0 ss:$0x1], $0xffff  }
0x24a: {  	v62 =	vadd.s32 v7, v39;
	v61 =	vld.idx.msk [tilespmem:v23+s7+$0xFFFFFC40 ss:$0x1], $0xffff;
	[tilespmem:v22+s4+$0xFFFFFCC0 ss:$0x1] =	vst.idx.msk $0xffff, v33;
	v28 =	vmax.f32 v28, $0.0e+00  }
0x24b: {  	v32 =	vld.idx.msk [tilespmem:v57+s3+$0x0], $0xffff;
	[tilespmem:v22+s29+$0xFFFFFD70 ss:$0x1] =	vst.idx.msk $0xffff, v28;
	v28 =	vadd.f32 v58, v56  }
0x24c: {  	v30 =	vld.idx.msk [tilespmem:v30+s3+$0x0], $0xffff  }
0x24d: {  	v34 =	vadd.s32 v7, v34;
	v63 =	vld.idx.msk [tilespmem:v23+s29+$0xFFFFFD80 ss:$0x1], $0xffff;
	v28 =	vmax.f32 v28, $0.0e+00  }
0x24e: {  	v35 =	vperm.xlane v27, v8;
	v44 =	vld.idx.msk [tilespmem:v23+s4+$0xFFFFFCD0 ss:$0x1], $0xffff;
	[tilespmem:v22+s28+$0xFFFFFE30 ss:$0x1] =	vst.idx.msk $0xffff, v28;
	v28 =	vadd.f32 v60, v31  }
0x24f: {  	v38 =	vperm.xlane v25, v13;
	v33 =	vld.idx.msk [tilespmem:v62+s3+$0x0], $0xffff  }
0x250: {  	v37 =	vadd.f32 v61, v59;
	v31 =	vadd.s32 v3, v35;
	v45 =	vld.idx.msk [tilespmem:v23+s28+$0xFFFFFE40 ss:$0x1], $0xffff;
	v28 =	vmax.f32 v28, $0.0e+00  }
0x251: {  	v36 =	vperm.xlane v24, v16;
	[tilespmem:v22+s9+$0xFFFFFEF0 ss:$0x1] =	vst.idx.msk $0xffff, v28  }
0x252: {  	v37 =	vmax.f32 v37, $0.0e+00;
	v28 =	vadd.s32 v3, v38;
	v30 =	vadd.f32 v63, v30;
	v34 =	vld.idx.msk [tilespmem:v34+s3+$0x0], $0xffff  }
0x253: {  	v46 =	vadd.s32 v5, v42;
	[tilespmem:v22+s7+$0xFFFFFC40 ss:$0x1] =	vst.idx.msk $0xffff, v37;
	v47 =	vld.idx.msk [tilespmem:v23+s9+$0xFFFFFF00 ss:$0x1], $0xffff  }
0x254: {  	v48 =	vadd.s32 v3, v36;
	v32 =	vadd.f32 v44, v32;
	v49 =	vld.idx.msk [tilespmem:v23+s7+$0xFFFFFC50 ss:$0x1], $0xffff;
	v30 =	vmax.f32 v30, $0.0e+00  }
0x255: {  	v31 =	vld.idx.msk [tilespmem:v31+s3+$0x0], $0xffff;
	[tilespmem:v22+s29+$0xFFFFFD80 ss:$0x1] =	vst.idx.msk $0xffff, v30;
	v30 =	vadd.f32 v45, v33;
	v33 =	vperm.xlane v29, v2  }
0x256: {  	v32 =	vmax.f32 v32, $0.0e+00;
	v50 =	vld.idx.msk [tilespmem:v23+s29+$0xFFFFFD90 ss:$0x1], $0xffff  }
0x257: {  	[tilespmem:v22+s4+$0xFFFFFCD0 ss:$0x1] =	vst.idx.msk $0xffff, v32;
	v28 =	vld.idx.msk [tilespmem:v28+s3+$0x0], $0xffff;
	v30 =	vmax.f32 v30, $0.0e+00;
	v51 =	vadd.s32 v3, v33  }
0x258: {  	v37 =	vld.idx.msk [tilespmem:v46+s3+$0x0], $0xffff;
	[tilespmem:v22+s28+$0xFFFFFE40 ss:$0x1] =	vst.idx.msk $0xffff, v30;
	v30 =	vadd.f32 v47, v34  }
0x259: {  	v52 =	vadd.s32 v5, v35;
	v39 =	vld.idx.msk [tilespmem:v48+s3+$0x0], $0xffff  }
0x25a: {  	v31 =	vadd.f32 v49, v31;
	v53 =	vld.idx.msk [tilespmem:v23+s28+$0xFFFFFE50 ss:$0x1], $0xffff;
	v30 =	vmax.f32 v30, $0.0e+00  }
0x25b: {  	v54 =	vld.idx.msk [tilespmem:v23+s4+$0xFFFFFCE0 ss:$0x1], $0xffff;
	[tilespmem:v22+s9+$0xFFFFFF00 ss:$0x1] =	vst.idx.msk $0xffff, v30;
	v30 =	vadd.s32 v5, v38  }
0x25c: {  	v31 =	vmax.f32 v31, $0.0e+00;
	v40 =	vld.idx.msk [tilespmem:v51+s3+$0x0], $0xffff;
	v28 =	vadd.f32 v50, v28  }
0x25d: {  	[tilespmem:v22+s7+$0xFFFFFC50 ss:$0x1] =	vst.idx.msk $0xffff, v31;
	v31 =	vld.idx.msk [tilespmem:v23+s9+$0xFFFFFF10 ss:$0x1], $0xffff  }
0x25e: {  	v56 =	vadd.s32 v5, v36;
	v55 =	vld.idx.msk [tilespmem:v52+s3+$0x0], $0xffff;
	v28 =	vmax.f32 v28, $0.0e+00  }
0x25f: {  	v57 =	vld.idx.msk [tilespmem:v23+s7+$0xFFFFFC60 ss:$0x1], $0xffff;
	[tilespmem:v22+s29+$0xFFFFFD90 ss:$0x1] =	vst.idx.msk $0xffff, v28;
	v28 =	vadd.f32 v53, v39  }
0x260: {  	v58 =	vadd.s32 v6, v42;
	v30 =	vld.idx.msk [tilespmem:v30+s3+$0x0], $0xffff  }
0x261: {  	v37 =	vadd.f32 v54, v37;
	v59 =	vld.idx.msk [tilespmem:v23+s29+$0xFFFFFDA0 ss:$0x1], $0xffff;
	v28 =	vmax.f32 v28, $0.0e+00  }
0x262: {  	v60 =	vadd.s32 v5, v33;
	[tilespmem:v22+s28+$0xFFFFFE50 ss:$0x1] =	vst.idx.msk $0xffff, v28  }
0x263: {  	v28 =	vadd.f32 v31, v40;
	v31 =	vmax.f32 v37, $0.0e+00;
	v34 =	vld.idx.msk [tilespmem:v56+s3+$0x0], $0xffff  }
0x264: {  	[tilespmem:v22+s4+$0xFFFFFCE0 ss:$0x1] =	vst.idx.msk $0xffff, v31;
	v61 =	vld.idx.msk [tilespmem:v23+s28+$0xFFFFFE60 ss:$0x1], $0xffff  }
0x265: {  	v32 =	vadd.f32 v57, v55;
	v31 =	vadd.s32 v6, v35;
	v28 =	vmax.f32 v28, $0.0e+00;
	v39 =	vld.idx.msk [tilespmem:v58+s3+$0x0], $0xffff  }
0x266: {  	v48 =	vld.idx.msk [tilespmem:v23+s4+$0xFFFFFCF0 ss:$0x1], $0xffff;
	[tilespmem:v22+s9+$0xFFFFFF10 ss:$0x1] =	vst.idx.msk $0xffff, v28;
	v30 =	vadd.f32 v59, v30  }
0x267: {  	v32 =	vmax.f32 v32, $0.0e+00;
	v28 =	vadd.s32 v6, v38;
	v62 =	vld.idx.msk [tilespmem:v60+s3+$0x0], $0xffff  }
0x268: {  	v49 =	vadd.s32 v6, v36;
	[tilespmem:v22+s7+$0xFFFFFC60 ss:$0x1] =	vst.idx.msk $0xffff, v32;
	v63 =	vld.idx.msk [tilespmem:v23+s9+$0xFFFFFF20 ss:$0x1], $0xffff;
	v30 =	vmax.f32 v30, $0.0e+00  }
0x269: {  	v52 =	vld.idx.msk [tilespmem:v23+s7+$0xFFFFFC70 ss:$0x1], $0xffff;
	[tilespmem:v22+s29+$0xFFFFFDA0 ss:$0x1] =	vst.idx.msk $0xffff, v30;
	v30 =	vadd.f32 v61, v34  }
0x26a: {  	v31 =	vld.idx.msk [tilespmem:v31+s3+$0x0], $0xffff  }
0x26b: {  	v53 =	vadd.s32 v7, v42;
	v50 =	vld.idx.msk [tilespmem:v23+s29+$0xFFFFFDB0 ss:$0x1], $0xffff;
	v39 =	vadd.f32 v48, v39;
	v30 =	vmax.f32 v30, $0.0e+00  }
0x26c: {  	v51 =	vadd.s32 v6, v33;
	v28 =	vld.idx.msk [tilespmem:v28+s3+$0x0], $0xffff;
	[tilespmem:v22+s28+$0xFFFFFE60 ss:$0x1] =	vst.idx.msk $0xffff, v30  }
0x26d: {  	v30 =	vadd.f32 v63, v62;
	v55 =	vmax.f32 v39, $0.0e+00;
	v32 =	vld.idx.msk [tilespmem:v49+s3+$0x0], $0xffff  }
0x26e: {  	v56 =	vadd.s32 v7, v35;
	v54 =	vld.idx.msk [tilespmem:v23+s28+$0xFFFFFE70 ss:$0x1], $0xffff;
	[tilespmem:v22+s4+$0xFFFFFCF0 ss:$0x1] =	vst.idx.msk $0xffff, v55  }
0x26f: {  	v30 =	vmax.f32 v30, $0.0e+00;
	v31 =	vadd.f32 v52, v31;
	v58 =	vld.idx.msk [tilespmem:v23+s4+$0xFFFFFD00 ss:$0x1], $0xffff  }
0x270: {  	[tilespmem:v22+s9+$0xFFFFFF20 ss:$0x1] =	vst.idx.msk $0xffff, v30;
	v30 =	vadd.s32 v7, v38;
	v38 =	vld.idx.msk [tilespmem:v53+s3+$0x0], $0xffff  }
0x271: {  	v37 =	vld.idx.msk [tilespmem:v51+s3+$0x0], $0xffff;
	v28 =	vadd.f32 v50, v28;
	v31 =	vmax.f32 v31, $0.0e+00  }
0x272: {  	v57 =	vld.idx.msk [tilespmem:v23+s9+$0xFFFFFF30 ss:$0x1], $0xffff;
	[tilespmem:v22+s7+$0xFFFFFC70 ss:$0x1] =	vst.idx.msk $0xffff, v31  }
0x273: {  	v36 =	vadd.s32 v7, v36;
	v28 =	vmax.f32 v28, $0.0e+00;
	v34 =	vld.idx.msk [tilespmem:v56+s3+$0x0], $0xffff  }
0x274: {  	v61 =	vld.idx.msk [tilespmem:v23+s7+$0xFFFFFC80 ss:$0x1], $0xffff;
	[tilespmem:v22+s29+$0xFFFFFDB0 ss:$0x1] =	vst.idx.msk $0xffff, v28;
	v28 =	vadd.f32 v54, v32  }
0x275: {  	v30 =	vld.idx.msk [tilespmem:v30+s3+$0x0], $0xffff  }
0x276: {  	v33 =	vadd.s32 v7, v33;
	v31 =	vld.idx.msk [tilespmem:v23+s29+$0xFFFFFDC0 ss:$0x1], $0xffff;
	v28 =	vmax.f32 v28, $0.0e+00  }
0x277: {  	v32 =	vperm.xlane v26, v11;
	[tilespmem:v22+s28+$0xFFFFFE70 ss:$0x1] =	vst.idx.msk $0xffff, v28;
	v28 =	vadd.f32 v57, v37  }
0x278: {  	v36 =	vld.idx.msk [tilespmem:v36+s3+$0x0], $0xffff  }
0x279: {  	s13 =	sadd.s32 $0x10, s8;
	v38 =	vadd.f32 v58, v38;
	v59 =	vadd.s32 v3, v32;
	v60 =	vld.idx.msk [tilespmem:v23+s28+$0xFFFFFE80 ss:$0x1], $0xffff;
	v28 =	vmax.f32 v28, $0.0e+00  }
0x27a: {  	v45 =	vld [tilespmem:s13+$0x0];
	v37 =	vperm.xlane v25, v14;
	v34 =	vadd.f32 v61, v34;
	[tilespmem:v22+s9+$0xFFFFFF30 ss:$0x1] =	vst.idx.msk $0xffff, v28  }
0x27b: {  	v41 =	vperm.xlane v24, v17;
	v38 =	vmax.f32 v38, $0.0e+00;
	v31 =	vadd.f32 v31, v30;
	v33 =	vld.idx.msk [tilespmem:v33+s3+$0x0], $0xffff  }
0x27c: {  	[tilespmem:v22+s4+$0xFFFFFD00 ss:$0x1] =	vst.idx.msk $0xffff, v38;
	v28 =	vadd.s32 v3, v37;
	v52 =	vmax.f32 v34, $0.0e+00;
	v62 =	vld.idx.msk [tilespmem:v23+s9+$0xFFFFFF40 ss:$0x1], $0xffff  }
0x27d: {  	v63 =	vadd.s32 v3, v41;
	v48 =	vld.idx.msk [tilespmem:v23+s4+$0xFFFFFD10 ss:$0x1], $0xffff;
	[tilespmem:v22+s7+$0xFFFFFC80 ss:$0x1] =	vst.idx.msk $0xffff, v52;
	v31 =	vmax.f32 v31, $0.0e+00  }
0x27e: {  	v35 =	vld.idx.msk [tilespmem:v59+s3+$0x0], $0xffff;
	[tilespmem:v22+s29+$0xFFFFFDC0 ss:$0x1] =	vst.idx.msk $0xffff, v31;
	v31 =	vadd.f32 v60, v36;
	v36 =	vperm.xlane v29, v19  }
0x27f: {  	v46 =	vld.idx.msk [tilespmem:v23+s7+$0xFFFFFC90 ss:$0x1], $0xffff  }
0x280: {  	v50 =	vld.idx.msk [tilespmem:v23+s29+$0xFFFFFDD0 ss:$0x1], $0xffff;
	v31 =	vmax.f32 v31, $0.0e+00;
	v51 =	vadd.s32 v3, v36  }
0x281: {  	v28 =	vld.idx.msk [tilespmem:v28+s3+$0x0], $0xffff;
	[tilespmem:v22+s28+$0xFFFFFE80 ss:$0x1] =	vst.idx.msk $0xffff, v31;
	v31 =	vadd.f32 v62, v33  }
0x282: {  	v53 =	vadd.s32 v5, v32;
	v30 =	vperm.xlane v27, v9;
	v54 =	vld.idx.msk [tilespmem:v63+s3+$0x0], $0xffff  }
0x283: {  	s8 =	simm.s32 $0x17F0;
	v55 =	vadd.f32 v48, v35;
	v56 =	vld.idx.msk [tilespmem:v23+s28+$0xFFFFFE90 ss:$0x1], $0xffff;
	v31 =	vmax.f32 v31, $0.0e+00  }
0x284: {  	v49 =	vadd.s32 v3, v30;
	v48 =	vld.idx.msk [tilespmem:v23+s8+$0xFFFFFC10 ss:$0x1], $0xffff;
	[tilespmem:v22+s9+$0xFFFFFF40 ss:$0x1] =	vst.idx.msk $0xffff, v31  }
0x285: {  	v57 =	vadd.s32 v5, v37;
	v59 =	vshra.s32 v45, $0xC;
	v31 =	vmax.f32 v55, $0.0e+00;
	v58 =	vld.idx.msk [tilespmem:v51+s3+$0x0], $0xffff  }
0x286: {  	[tilespmem:v22+s4+$0xFFFFFD10 ss:$0x1] =	vst.idx.msk $0xffff, v31;
	v40 =	vadd.f32 v50, v28;
	v60 =	vld.idx.msk [tilespmem:v23+s9+$0xFFFFFF50 ss:$0x1], $0xffff;
	v28 =	vand.u32 $0xFFFFFFC0, v59  }
0x287: {  	v62 =	vadd.s32 v5, v41;
	v34 =	vld.idx.msk [tilespmem:v53+s3+$0x0], $0xffff;
	v31 =	vperm.xlane v28, v4  }
0x288: {  	v61 =	vld.idx.msk [tilespmem:v23+s4+$0xFFFFFD20 ss:$0x1], $0xffff;
	v40 =	vmax.f32 v40, $0.0e+00;
	v35 =	vadd.f32 v56, v54  }
0x289: {  	v39 =	vld.idx.msk [tilespmem:v49+s3+$0x0], $0xffff;
	[tilespmem:v22+s29+$0xFFFFFDD0 ss:$0x1] =	vst.idx.msk $0xffff, v40;
	v63 =	vadd.s32 v3, v31  }
0x28a: {  	v47 =	vadd.s32 v5, v36;
	v33 =	vld.idx.msk [tilespmem:v57+s3+$0x0], $0xffff;
	v35 =	vmax.f32 v35, $0.0e+00  }
0x28b: {  	v40 =	vld.idx.msk [tilespmem:v23+s29+$0xFFFFFDE0 ss:$0x1], $0xffff;
	[tilespmem:v22+s28+$0xFFFFFE90 ss:$0x1] =	vst.idx.msk $0xffff, v35;
	v52 =	vadd.f32 v60, v58  }
0x28c: {  	v53 =	vadd.s32 v6, v32;
	v54 =	vld.idx.msk [tilespmem:v62+s3+$0x0], $0xffff  }
0x28d: {  	v34 =	vadd.f32 v61, v34;
	v55 =	vld.idx.msk [tilespmem:v23+s28+$0xFFFFFEA0 ss:$0x1], $0xffff;
	v35 =	vmax.f32 v52, $0.0e+00  }
0x28e: {  	v56 =	vadd.s32 v5, v30;
	v38 =	vld.idx.msk [tilespmem:v63+s3+$0x0], $0xffff;
	[tilespmem:v22+s9+$0xFFFFFF50 ss:$0x1] =	vst.idx.msk $0xffff, v35  }
0x28f: {  	v57 =	vadd.f32 v46, v39;
	v34 =	vmax.f32 v34, $0.0e+00;
	v59 =	vld.idx.msk [tilespmem:v47+s3+$0x0], $0xffff  }
0x290: {  	v58 =	vadd.s32 v6, v37;
	[tilespmem:v22+s4+$0xFFFFFD20 ss:$0x1] =	vst.idx.msk $0xffff, v34;
	v60 =	vld.idx.msk [tilespmem:v23+s9+$0xFFFFFF60 ss:$0x1], $0xffff  }
0x291: {  	v35 =	vmax.f32 v57, $0.0e+00;
	v33 =	vadd.f32 v40, v33;
	v61 =	vld.idx.msk [tilespmem:v53+s3+$0x0], $0xffff  }
0x292: {  	v63 =	vadd.s32 v6, v41;
	[tilespmem:v22+s7+$0xFFFFFC90 ss:$0x1] =	vst.idx.msk $0xffff, v35;
	v62 =	vld.idx.msk [tilespmem:v23+s4+$0xFFFFFD30 ss:$0x1], $0xffff  }
0x293: {  	v45 =	vld.idx.msk [tilespmem:v56+s3+$0x0], $0xffff;
	v33 =	vmax.f32 v33, $0.0e+00;
	v52 =	vadd.f32 v55, v54  }
0x294: {  	v53 =	vadd.s32 v5, v31;
	v56 =	vld.idx.msk [tilespmem:v23+s7+$0xFFFFFCA0 ss:$0x1], $0xffff;
	[tilespmem:v22+s29+$0xFFFFFDE0 ss:$0x1] =	vst.idx.msk $0xffff, v33  }
0x295: {  	v55 =	vadd.s32 v6, v36;
	v39 =	vld.idx.msk [tilespmem:v58+s3+$0x0], $0xffff;
	v38 =	vadd.f32 v48, v38;
	v33 =	vmax.f32 v52, $0.0e+00  }
0x296: {  	v54 =	vld.idx.msk [tilespmem:v23+s29+$0xFFFFFDF0 ss:$0x1], $0xffff;
	[tilespmem:v22+s28+$0xFFFFFEA0 ss:$0x1] =	vst.idx.msk $0xffff, v33;
	v57 =	vadd.f32 v60, v59  }
0x297: {  	v32 =	vadd.s32 v7, v32;
	v58 =	vmax.f32 v38, $0.0e+00;
	v59 =	vld.idx.msk [tilespmem:v63+s3+$0x0], $0xffff  }
0x298: {  	v60 =	vadd.f32 v62, v61;
	v61 =	vld.idx.msk [tilespmem:v23+s28+$0xFFFFFEB0 ss:$0x1], $0xffff;
	[tilespmem:v22+s8+$0xFFFFFC10 ss:$0x1] =	vst.idx.msk $0xffff, v58;
	v33 =	vmax.f32 v57, $0.0e+00  }
0x299: {  	v40 =	vld.idx.msk [tilespmem:v53+s3+$0x0], $0xffff;
	[tilespmem:v22+s9+$0xFFFFFF60 ss:$0x1] =	vst.idx.msk $0xffff, v33  }
0x29a: {  	v52 =	vadd.s32 v6, v30;
	v49 =	vld.idx.msk [tilespmem:v55+s3+$0x0], $0xffff  }
0x29b: {  	v62 =	vmax.f32 v60, $0.0e+00;
	v53 =	vadd.f32 v56, v45;
	v51 =	vld.idx.msk [tilespmem:v23+s9+$0xFFFFFF70 ss:$0x1], $0xffff  }
0x29c: {  	v63 =	vadd.s32 v7, v37;
	[tilespmem:v22+s4+$0xFFFFFD30 ss:$0x1] =	vst.idx.msk $0xffff, v62;
	v55 =	vld.idx.msk [tilespmem:v23+s8+$0xFFFFFC20 ss:$0x1], $0xffff  }
0x29d: {  	v50 =	vadd.f32 v54, v39;
	v32 =	vld.idx.msk [tilespmem:v32+s3+$0x0], $0xffff;
	v57 =	vmax.f32 v53, $0.0e+00  }
0x29e: {  	v41 =	vadd.s32 v7, v41;
	v54 =	vld.idx.msk [tilespmem:v23+s4+$0xFFFFFD40 ss:$0x1], $0xffff;
	[tilespmem:v22+s7+$0xFFFFFCA0 ss:$0x1] =	vst.idx.msk $0xffff, v57  }
0x29f: {  	v33 =	vmax.f32 v50, $0.0e+00;
	v56 =	vadd.f32 v61, v59;
	v42 =	vld.idx.msk [tilespmem:v52+s3+$0x0], $0xffff  }
0x2a0: {  	v36 =	vadd.s32 v7, v36;
	v38 =	vperm.xlane v26, v12;
	[tilespmem:v22+s29+$0xFFFFFDF0 ss:$0x1] =	vst.idx.msk $0xffff, v33;
	v48 =	vld.idx.msk [tilespmem:v23+s7+$0xFFFFFCB0 ss:$0x1], $0xffff  }
0x2a1: {  	v34 =	vld.idx.msk [tilespmem:v63+s3+$0x0], $0xffff;
	v33 =	vmax.f32 v56, $0.0e+00;
	v59 =	vadd.f32 v51, v49  }
0x2a2: {  	v60 =	vadd.s32 v3, v38;
	v58 =	vld.idx.msk [tilespmem:v23+s29+$0xFFFFFE00 ss:$0x1], $0xffff;
	[tilespmem:v22+s28+$0xFFFFFEB0 ss:$0x1] =	vst.idx.msk $0xffff, v33  }
0x2a3: {  	v61 =	vld.idx.msk [tilespmem:v41+s3+$0x0], $0xffff;
	v32 =	vadd.f32 v54, v32;
	v33 =	vmax.f32 v59, $0.0e+00  }
0x2a4: {  	v63 =	vadd.s32 v6, v31;
	v62 =	vld.idx.msk [tilespmem:v23+s28+$0xFFFFFEC0 ss:$0x1], $0xffff;
	[tilespmem:v22+s9+$0xFFFFFF70 ss:$0x1] =	vst.idx.msk $0xffff, v33  }
0x2a5: {  	v49 =	vadd.f32 v55, v40;
	v41 =	vperm.xlane v25, v15;
	v32 =	vmax.f32 v32, $0.0e+00;
	v36 =	vld.idx.msk [tilespmem:v36+s3+$0x0], $0xffff  }
0x2a6: {  	v30 =	vadd.s32 v7, v30;
	[tilespmem:v22+s4+$0xFFFFFD40 ss:$0x1] =	vst.idx.msk $0xffff, v32;
	v52 =	vld.idx.msk [tilespmem:v23+s9+$0xFFFFFF80 ss:$0x1], $0xffff  }
0x2a7: {  	v50 =	vadd.s32 v3, v41;
	v33 =	vmax.f32 v49, $0.0e+00;
	v42 =	vadd.f32 v48, v42;
	v37 =	vld.idx.msk [tilespmem:v60+s3+$0x0], $0xffff  }
0x2a8: {  	v51 =	vadd.f32 v58, v34;
	[tilespmem:v22+s8+$0xFFFFFC20 ss:$0x1] =	vst.idx.msk $0xffff, v33;
	v53 =	vld.idx.msk [tilespmem:v23+s4+$0xFFFFFD50 ss:$0x1], $0xffff  }
0x2a9: {  	v34 =	vperm.xlane v24, v18;
	v44 =	vld.idx.msk [tilespmem:v63+s3+$0x0], $0xffff;
	v60 =	vmax.f32 v42, $0.0e+00  }
0x2aa: {  	v39 =	vperm.xlane v29, v20;
	v58 =	vld.idx.msk [tilespmem:v23+s8+$0xFFFFFC30 ss:$0x1], $0xffff;
	v32 =	vmax.f32 v51, $0.0e+00;
	[tilespmem:v22+s7+$0xFFFFFCB0 ss:$0x1] =	vst.idx.msk $0xffff, v60  }
0x2ab: {  	v54 =	vadd.s32 v3, v34;
	v55 =	vadd.f32 v62, v61;
	[tilespmem:v22+s29+$0xFFFFFE00 ss:$0x1] =	vst.idx.msk $0xffff, v32;
	v30 =	vld.idx.msk [tilespmem:v30+s3+$0x0], $0xffff  }
0x2ac: {  	v57 =	vadd.s32 v3, v39;
	v40 =	vld.idx.msk [tilespmem:v50+s3+$0x0], $0xffff  }
0x2ad: {  	v56 =	vld.idx.msk [tilespmem:v23+s29+$0xFFFFFE10 ss:$0x1], $0xffff;
	v32 =	vmax.f32 v55, $0.0e+00;
	v59 =	vadd.f32 v52, v36  }
0x2ae: {  	v61 =	vadd.s32 v5, v38;
	v55 =	vld.idx.msk [tilespmem:v23+s7+$0xFFFFFCC0 ss:$0x1], $0xffff;
	[tilespmem:v22+s28+$0xFFFFFEC0 ss:$0x1] =	vst.idx.msk $0xffff, v32  }
0x2af: {  	v33 =	vadd.f32 v53, v37;
	v63 =	vld.idx.msk [tilespmem:v23+s28+$0xFFFFFED0 ss:$0x1], $0xffff;
	v32 =	vmax.f32 v59, $0.0e+00  }
0x2b0: {  	v31 =	vadd.s32 v7, v31;
	v62 =	vld.idx.msk [tilespmem:v54+s3+$0x0], $0xffff;
	[tilespmem:v22+s9+$0xFFFFFF80 ss:$0x1] =	vst.idx.msk $0xffff, v32  }
0x2b1: {  	v48 =	vadd.s32 v5, v41;
	v52 =	vadd.f32 v58, v44;
	v45 =	vmax.f32 v33, $0.0e+00;
	v49 =	vld.idx.msk [tilespmem:v57+s3+$0x0], $0xffff  }
0x2b2: {  	[tilespmem:v22+s4+$0xFFFFFD50 ss:$0x1] =	vst.idx.msk $0xffff, v45;
	v50 =	vadd.f32 v56, v40;
	v51 =	vld.idx.msk [tilespmem:v23+s9+$0xFFFFFF90 ss:$0x1], $0xffff  }
0x2b3: {  	v57 =	vmax.f32 v52, $0.0e+00;
	v36 =	vld.idx.msk [tilespmem:v61+s3+$0x0], $0xffff  }
0x2b4: {  	v54 =	vadd.s32 v5, v34;
	v53 =	vld.idx.msk [tilespmem:v23+s4+$0xFFFFFD60 ss:$0x1], $0xffff;
	[tilespmem:v22+s8+$0xFFFFFC30 ss:$0x1] =	vst.idx.msk $0xffff, v57;
	v32 =	vmax.f32 v50, $0.0e+00  }
0x2b5: {  	v60 =	vld.idx.msk [tilespmem:v31+s3+$0x0], $0xffff;
	[tilespmem:v22+s29+$0xFFFFFE10 ss:$0x1] =	vst.idx.msk $0xffff, v32;
	v56 =	vadd.f32 v63, v62  }
0x2b6: {  	v59 =	vadd.s32 v5, v39;
	v33 =	vld.idx.msk [tilespmem:v48+s3+$0x0], $0xffff  }
0x2b7: {  	v58 =	vld.idx.msk [tilespmem:v23+s29+$0xFFFFFE20 ss:$0x1], $0xffff;
	v32 =	vmax.f32 v56, $0.0e+00;
	v61 =	vadd.f32 v51, v49  }
0x2b8: {  	v31 =	vperm.xlane v27, v10;
	v62 =	vadd.s32 v6, v38;
	v49 =	vld.idx.msk [tilespmem:v23+s8+$0xFFFFFC40 ss:$0x1], $0xffff;
	[tilespmem:v22+s28+$0xFFFFFED0 ss:$0x1] =	vst.idx.msk $0xffff, v32  }
0x2b9: {  	v36 =	vadd.f32 v53, v36;
	v63 =	vld.idx.msk [tilespmem:v54+s3+$0x0], $0xffff;
	v32 =	vmax.f32 v61, $0.0e+00  }
0x2ba: {  	v50 =	vadd.s32 v3, v31;
	v48 =	vld.idx.msk [tilespmem:v23+s28+$0xFFFFFEE0 ss:$0x1], $0xffff;
	[tilespmem:v22+s9+$0xFFFFFF90 ss:$0x1] =	vst.idx.msk $0xffff, v32  }
0x2bb: {  	v51 =	vadd.f32 v55, v30;
	v30 =	vmax.f32 v36, $0.0e+00;
	v42 =	vld.idx.msk [tilespmem:v59+s3+$0x0], $0xffff  }
0x2bc: {  	v52 =	vadd.s32 v6, v41;
	[tilespmem:v22+s4+$0xFFFFFD60 ss:$0x1] =	vst.idx.msk $0xffff, v30;
	v53 =	vld.idx.msk [tilespmem:v23+s9+$0xFFFFFFA0 ss:$0x1], $0xffff  }
0x2bd: {  	v32 =	vmax.f32 v51, $0.0e+00;
	v33 =	vadd.f32 v58, v33;
	v37 =	vld.idx.msk [tilespmem:v62+s3+$0x0], $0xffff  }
0x2be: {  	v55 =	vadd.s32 v6, v34;
	v30 =	vperm.xlane v28, v8;
	[tilespmem:v22+s7+$0xFFFFFCC0 ss:$0x1] =	vst.idx.msk $0xffff, v32;
	v54 =	vld.idx.msk [tilespmem:v23+s4+$0xFFFFFD70 ss:$0x1], $0xffff  }
0x2bf: {  	v47 =	vld.idx.msk [tilespmem:v50+s3+$0x0], $0xffff;
	v33 =	vmax.f32 v33, $0.0e+00;
	v56 =	vadd.f32 v48, v63  }
0x2c0: {  	v43 =	vadd.f32 v49, v60;
	v60 =	vld.idx.msk [tilespmem:v23+s7+$0xFFFFFCD0 ss:$0x1], $0xffff;
	v57 =	vadd.s32 v3, v30;
	[tilespmem:v22+s29+$0xFFFFFE20 ss:$0x1] =	vst.idx.msk $0xffff, v33  }
0x2c1: {  	v36 =	vld.idx.msk [tilespmem:v52+s3+$0x0], $0xffff;
	v33 =	vmax.f32 v56, $0.0e+00  }
0x2c2: {  	v59 =	vadd.s32 v6, v39;
	v58 =	vld.idx.msk [tilespmem:v23+s29+$0xFFFFFE30 ss:$0x1], $0xffff;
	[tilespmem:v22+s28+$0xFFFFFEE0 ss:$0x1] =	vst.idx.msk $0xffff, v33  }
0x2c3: {  	v62 =	vmax.f32 v43, $0.0e+00;
	v61 =	vadd.f32 v53, v42;
	v63 =	vld.idx.msk [tilespmem:v55+s3+$0x0], $0xffff  }
0x2c4: {  	v38 =	vadd.s32 v7, v38;
	[tilespmem:v22+s8+$0xFFFFFC40 ss:$0x1] =	vst.idx.msk $0xffff, v62;
	v49 =	vld.idx.msk [tilespmem:v23+s28+$0xFFFFFEF0 ss:$0x1], $0xffff  }
0x2c5: {  	v32 =	vadd.f32 v54, v37;
	v33 =	vmax.f32 v61, $0.0e+00;
	v37 =	vld.idx.msk [tilespmem:v57+s3+$0x0], $0xffff  }
0x2c6: {  	v54 =	vadd.s32 v5, v31;
	v57 =	vld.idx.msk [tilespmem:v23+s8+$0xFFFFFC50 ss:$0x1], $0xffff;
	[tilespmem:v22+s9+$0xFFFFFFA0 ss:$0x1] =	vst.idx.msk $0xffff, v33  }
0x2c7: {  	v55 =	vadd.f32 v60, v47;
	v32 =	vmax.f32 v32, $0.0e+00;
	v51 =	vld.idx.msk [tilespmem:v59+s3+$0x0], $0xffff  }
0x2c8: {  	v50 =	vadd.s32 v7, v41;
	[tilespmem:v22+s4+$0xFFFFFD70 ss:$0x1] =	vst.idx.msk $0xffff, v32;
	v53 =	vld.idx.msk [tilespmem:v23+s9+$0xFFFFFFB0 ss:$0x1], $0xffff  }
0x2c9: {  	v52 =	vadd.f32 v58, v36;
	v59 =	vmax.f32 v55, $0.0e+00;
	v38 =	vld.idx.msk [tilespmem:v38+s3+$0x0], $0xffff  }
0x2ca: {  	v34 =	vadd.s32 v7, v34;
	v56 =	vld.idx.msk [tilespmem:v23+s4+$0xFFFFFD80 ss:$0x1], $0xffff;
	[tilespmem:v22+s7+$0xFFFFFCD0 ss:$0x1] =	vst.idx.msk $0xffff, v59  }
0x2cb: {  	v32 =	vmax.f32 v52, $0.0e+00;
	v41 =	vld.idx.msk [tilespmem:v54+s3+$0x0], $0xffff;
	v58 =	vadd.f32 v49, v63  }
0x2cc: {  	v39 =	vadd.s32 v7, v39;
	v42 =	vperm.xlane v26, v13;
	[tilespmem:v22+s29+$0xFFFFFE30 ss:$0x1] =	vst.idx.msk $0xffff, v32;
	v49 =	vld.idx.msk [tilespmem:v23+s7+$0xFFFFFCE0 ss:$0x1], $0xffff  }
0x2cd: {  	v33 =	vld.idx.msk [tilespmem:v50+s3+$0x0], $0xffff;
	v32 =	vmax.f32 v58, $0.0e+00;
	v61 =	vadd.f32 v53, v51  }
0x2ce: {  	v62 =	vadd.s32 v3, v42;
	v60 =	vld.idx.msk [tilespmem:v23+s29+$0xFFFFFE40 ss:$0x1], $0xffff;
	[tilespmem:v22+s28+$0xFFFFFEF0 ss:$0x1] =	vst.idx.msk $0xffff, v32  }
0x2cf: {  	v38 =	vadd.f32 v56, v38;
	v34 =	vld.idx.msk [tilespmem:v34+s3+$0x0], $0xffff;
	v32 =	vmax.f32 v61, $0.0e+00  }
0x2d0: {  	v48 =	vadd.s32 v5, v30;
	v63 =	vld.idx.msk [tilespmem:v23+s28+$0xFFFFFF00 ss:$0x1], $0xffff;
	[tilespmem:v22+s9+$0xFFFFFFB0 ss:$0x1] =	vst.idx.msk $0xffff, v32  }
0x2d1: {  	v40 =	vperm.xlane v25, v16;
	v50 =	vadd.f32 v57, v37;
	v51 =	vmax.f32 v38, $0.0e+00;
	v39 =	vld.idx.msk [tilespmem:v39+s3+$0x0], $0xffff  }
0x2d2: {  	v57 =	vadd.s32 v6, v31;
	[tilespmem:v22+s4+$0xFFFFFD80 ss:$0x1] =	vst.idx.msk $0xffff, v51;
	v53 =	vld.idx.msk [tilespmem:v23+s9+$0xFFFFFFC0 ss:$0x1], $0xffff  }
0x2d3: {  	v52 =	vadd.s32 v3, v40;
	v32 =	vmax.f32 v50, $0.0e+00;
	v41 =	vadd.f32 v49, v41;
	v36 =	vld.idx.msk [tilespmem:v62+s3+$0x0], $0xffff  }
0x2d4: {  	v35 =	vperm.xlane v24, v2;
	v33 =	vadd.f32 v60, v33;
	[tilespmem:v22+s8+$0xFFFFFC50 ss:$0x1] =	vst.idx.msk $0xffff, v32;
	v54 =	vld.idx.msk [tilespmem:v23+s4+$0xFFFFFD90 ss:$0x1], $0xffff  }
0x2d5: {  	v29 =	vperm.xlane v29, v21;
	v44 =	vld.idx.msk [tilespmem:v48+s3+$0x0], $0xffff;
	v62 =	vmax.f32 v41, $0.0e+00  }
0x2d6: {  	v55 =	vadd.s32 v3, v35;
	v60 =	vld.idx.msk [tilespmem:v23+s8+$0xFFFFFC60 ss:$0x1], $0xffff;
	v33 =	vmax.f32 v33, $0.0e+00;
	[tilespmem:v22+s7+$0xFFFFFCE0 ss:$0x1] =	vst.idx.msk $0xffff, v62  }
0x2d7: {  	[tilespmem:v22+s29+$0xFFFFFE40 ss:$0x1] =	vst.idx.msk $0xffff, v33;
	v56 =	vadd.f32 v63, v34;
	v34 =	vld.idx.msk [tilespmem:v57+s3+$0x0], $0xffff  }
0x2d8: {  	v59 =	vadd.s32 v3, v29;
	v38 =	vld.idx.msk [tilespmem:v52+s3+$0x0], $0xffff  }
0x2d9: {  	v58 =	vld.idx.msk [tilespmem:v23+s29+$0xFFFFFE50 ss:$0x1], $0xffff;
	v33 =	vmax.f32 v56, $0.0e+00;
	v61 =	vadd.f32 v53, v39  }
0x2da: {  	v63 =	vadd.s32 v5, v42;
	v57 =	vld.idx.msk [tilespmem:v23+s7+$0xFFFFFCF0 ss:$0x1], $0xffff;
	[tilespmem:v22+s28+$0xFFFFFF00 ss:$0x1] =	vst.idx.msk $0xffff, v33  }
0x2db: {  	v32 =	vadd.f32 v54, v36;
	v48 =	vld.idx.msk [tilespmem:v55+s3+$0x0], $0xffff;
	v33 =	vmax.f32 v61, $0.0e+00  }
0x2dc: {  	v54 =	vadd.s32 v6, v30;
	v49 =	vld.idx.msk [tilespmem:v23+s28+$0xFFFFFF10 ss:$0x1], $0xffff;
	[tilespmem:v22+s9+$0xFFFFFFC0 ss:$0x1] =	vst.idx.msk $0xffff, v33  }
0x2dd: {  	v50 =	vadd.s32 v5, v40;
	v44 =	vadd.f32 v60, v44;
	v32 =	vmax.f32 v32, $0.0e+00;
	v51 =	vld.idx.msk [tilespmem:v59+s3+$0x0], $0xffff  }
0x2de: {  	[tilespmem:v22+s4+$0xFFFFFD90 ss:$0x1] =	vst.idx.msk $0xffff, v32;
	v52 =	vadd.f32 v58, v38;
	v53 =	vld.idx.msk [tilespmem:v23+s9+$0xFFFFFFD0 ss:$0x1], $0xffff  }
0x2df: {  	v59 =	vmax.f32 v44, $0.0e+00;
	v39 =	vld.idx.msk [tilespmem:v63+s3+$0x0], $0xffff  }
0x2e0: {  	v56 =	vadd.s32 v5, v35;
	v55 =	vld.idx.msk [tilespmem:v23+s4+$0xFFFFFDA0 ss:$0x1], $0xffff;
	[tilespmem:v22+s8+$0xFFFFFC60 ss:$0x1] =	vst.idx.msk $0xffff, v59;
	v32 =	vmax.f32 v52, $0.0e+00  }
0x2e1: {  	v43 =	vld.idx.msk [tilespmem:v54+s3+$0x0], $0xffff;
	[tilespmem:v22+s29+$0xFFFFFE50 ss:$0x1] =	vst.idx.msk $0xffff, v32;
	v58 =	vadd.f32 v49, v48  }
0x2e2: {  	v61 =	vadd.s32 v5, v29;
	v33 =	vld.idx.msk [tilespmem:v50+s3+$0x0], $0xffff  }
0x2e3: {  	v60 =	vld.idx.msk [tilespmem:v23+s29+$0xFFFFFE60 ss:$0x1], $0xffff;
	v32 =	vmax.f32 v58, $0.0e+00;
	v62 =	vadd.f32 v53, v51  }
0x2e4: {  	v63 =	vadd.s32 v6, v42;
	v50 =	vld.idx.msk [tilespmem:v23+s8+$0xFFFFFC70 ss:$0x1], $0xffff;
	[tilespmem:v22+s28+$0xFFFFFF10 ss:$0x1] =	vst.idx.msk $0xffff, v32  }
0x2e5: {  	v31 =	vadd.s32 v7, v31;
	v39 =	vadd.f32 v55, v39;
	v48 =	vld.idx.msk [tilespmem:v56+s3+$0x0], $0xffff;
	v32 =	vmax.f32 v62, $0.0e+00  }
0x2e6: {  	v51 =	vadd.f32 v57, v34;
	v49 =	vld.idx.msk [tilespmem:v23+s28+$0xFFFFFF20 ss:$0x1], $0xffff;
	[tilespmem:v22+s9+$0xFFFFFFD0 ss:$0x1] =	vst.idx.msk $0xffff, v32  }
0x2e7: {  	v52 =	vmax.f32 v39, $0.0e+00;
	v41 =	vld.idx.msk [tilespmem:v61+s3+$0x0], $0xffff  }
0x2e8: {  	v53 =	vadd.s32 v6, v40;
	v32 =	vmax.f32 v51, $0.0e+00;
	[tilespmem:v22+s4+$0xFFFFFDA0 ss:$0x1] =	vst.idx.msk $0xffff, v52;
	v54 =	vld.idx.msk [tilespmem:v23+s9+$0xFFFFFFE0 ss:$0x1], $0xffff  }
0x2e9: {  	v33 =	vadd.f32 v60, v33;
	[tilespmem:v22+s7+$0xFFFFFCF0 ss:$0x1] =	vst.idx.msk $0xffff, v32;
	v55 =	vld.idx.msk [tilespmem:v63+s3+$0x0], $0xffff  }
0x2ea: {  	v30 =	vadd.s32 v7, v30;
	v31 =	vld.idx.msk [tilespmem:v31+s3+$0x0], $0xffff  }
0x2eb: {  	v60 =	vadd.f32 v50, v43;
	v63 =	vld.idx.msk [tilespmem:v23+s7+$0xFFFFFD00 ss:$0x1], $0xffff;
	v33 =	vmax.f32 v33, $0.0e+00  }
0x2ec: {  	v57 =	vadd.s32 v6, v35;
	v56 =	vld.idx.msk [tilespmem:v23+s4+$0xFFFFFDB0 ss:$0x1], $0xffff;
	[tilespmem:v22+s29+$0xFFFFFE60 ss:$0x1] =	vst.idx.msk $0xffff, v33  }
0x2ed: {  	v47 =	vmax.f32 v60, $0.0e+00;
	v58 =	vadd.f32 v49, v48;
	v59 =	vld.idx.msk [tilespmem:v53+s3+$0x0], $0xffff  }
0x2ee: {  	v62 =	vadd.s32 v6, v29;
	[tilespmem:v22+s8+$0xFFFFFC70 ss:$0x1] =	vst.idx.msk $0xffff, v47;
	v61 =	vld.idx.msk [tilespmem:v23+s29+$0xFFFFFE70 ss:$0x1], $0xffff  }
0x2ef: {  	v36 =	vperm.xlane v27, v11;
	v30 =	vld.idx.msk [tilespmem:v30+s3+$0x0], $0xffff;
	v33 =	vmax.f32 v58, $0.0e+00;
	v46 =	vadd.f32 v54, v41  }
0x2f0: {  	v48 =	vadd.s32 v7, v42;
	[tilespmem:v22+s28+$0xFFFFFF20 ss:$0x1] =	vst.idx.msk $0xffff, v33;
	v54 =	vadd.f32 v63, v31;
	v31 =	vld.idx.msk [tilespmem:v23+s8+$0xFFFFFC80 ss:$0x1], $0xffff  }
0x2f1: {  	v32 =	vadd.f32 v56, v55;
	v37 =	vld.idx.msk [tilespmem:v57+s3+$0x0], $0xffff;
	v33 =	vmax.f32 v46, $0.0e+00  }
0x2f2: {  	v53 =	vadd.s32 v3, v36;
	v49 =	vld.idx.msk [tilespmem:v23+s28+$0xFFFFFF30 ss:$0x1], $0xffff;
	[tilespmem:v22+s9+$0xFFFFFFE0 ss:$0x1] =	vst.idx.msk $0xffff, v33  }
0x2f3: {  	v40 =	vadd.s32 v7, v40;
	v32 =	vmax.f32 v32, $0.0e+00;
	v50 =	vld.idx.msk [tilespmem:v62+s3+$0x0], $0xffff  }
0x2f4: {  	[tilespmem:v22+s4+$0xFFFFFDB0 ss:$0x1] =	vst.idx.msk $0xffff, v32;
	v51 =	vadd.f32 v61, v59;
	v52 =	vld.idx.msk [tilespmem:v23+s9+$0xFFFFFFF0 ss:$0x1], $0xffff  }
0x2f5: {  	v57 =	vmax.f32 v54, $0.0e+00;
	v39 =	vld.idx.msk [tilespmem:v48+s3+$0x0], $0xffff  }
0x2f6: {  	v35 =	vadd.s32 v7, v35;
	[tilespmem:v22+s7+$0xFFFFFD00 ss:$0x1] =	vst.idx.msk $0xffff, v57;
	v55 =	vld.idx.msk [tilespmem:v23+s4+$0xFFFFFDC0 ss:$0x1], $0xffff;
	v32 =	vmax.f32 v51, $0.0e+00  }
0x2f7: {  	s10 =	smul.u32 $0xCD, s23;
	v34 =	vld.idx.msk [tilespmem:v53+s3+$0x0], $0xffff;
	[tilespmem:v22+s29+$0xFFFFFE70 ss:$0x1] =	vst.idx.msk $0xffff, v32;
	v56 =	vadd.f32 v49, v37  }
0x2f8: {  	v29 =	vadd.s32 v7, v29;
	v33 =	vperm.xlane v26, v14;
	v58 =	vld.idx.msk [tilespmem:v40+s3+$0x0], $0xffff  }
0x2f9: {  	s10 =	sshrl.u32 s10, $0xA;
	v59 =	vld.idx.msk [tilespmem:v23+s29+$0xFFFFFE80 ss:$0x1], $0xffff;
	v32 =	vmax.f32 v56, $0.0e+00;
	v60 =	vadd.f32 v52, v50  }
0x2fa: {  	s10 =	sand.u32 $0x3F, s10;
	v61 =	vadd.s32 v3, v33;
	v40 =	vld.idx.msk [tilespmem:v23+s7+$0xFFFFFD10 ss:$0x1], $0xffff;
	[tilespmem:v22+s28+$0xFFFFFF30 ss:$0x1] =	vst.idx.msk $0xffff, v32  }
0x2fb: {  	s10 =	smul.u32 $0x5, s10;
	v62 =	vadd.f32 v55, v39;
	v32 =	vperm.xlane v25, v17;
	v35 =	vld.idx.msk [tilespmem:v35+s3+$0x0], $0xffff;
	v63 =	vmax.f32 v60, $0.0e+00  }
0x2fc: {  	v41 =	vld.idx.msk [tilespmem:v23+s28+$0xFFFFFF40 ss:$0x1], $0xffff;
	[tilespmem:v22+s9+$0xFFFFFFF0 ss:$0x1] =	vst.idx.msk $0xffff, v63  }
0x2fd: {  	s11 =	sshll.u32 s23, $0xD;
	s10 =	ssub.s32 s23, s10;
	v37 =	vperm.xlane v28, v9;
	v39 =	vmax.f32 v62, $0.0e+00;
	v43 =	vadd.s32 v3, v32;
	v38 =	vld.idx.msk [tilespmem:v29+s3+$0x0], $0xffff  }
0x2fe: {  	s11 =	sand.u32 $0x2000, s11;
	s10 =	sand.u32 $0xFF, s10;
	[tilespmem:v22+s4+$0xFFFFFDC0 ss:$0x1] =	vst.idx.msk $0xffff, v39;
	v39 =	vld.idx.msk [tilespmem:v23+s9+$0x0 ss:$0x1], $0xffff;
	v45 =	vadd.f32 v59, v58;
	v29 =	vperm.xlane v24, v19  }
0x2ff: {  	s11 =	sadd.s32 $0xE780, s11;
	s10 =	sshll.u32 s10, $0x8;
	s14 =	simm.s32 $0x6FC0;
	v44 =	vadd.s32 v3, v37;
	v42 =	vld.idx.msk [tilespmem:v61+s3+$0x0], $0xffff  }
.LBB2_7:
0x300: {  	p2 =	sne.s32 s14, $0x7FC0;
	v30 =	vadd.f32 v31, v30;
	s13 =	sadd.s32 $0x10, s13;
	v31 =	vld.idx.msk [tilespmem:v23+s4+$0xFFFFFDD0 ss:$0x1], $0xffff;
	v45 =	vmax.f32 v45, $0.0e+00;
	v46 =	vadd.s32 v3, v29  }
0x301: {  	v35 =	vadd.f32 v41, v35;
	v47 =	vld [tilespmem:s13+$0x0];
	[tilespmem:v22+s29+$0xFFFFFE80 ss:$0x1] =	vst.idx.msk $0xffff, v45  }
0x302: {  	v41 =	vadd.s32 v5, v36;
	v30 =	vmax.f32 v30, $0.0e+00;
	v43 =	vld.idx.msk [tilespmem:v43+s3+$0x0], $0xffff  }
0x303: {  	v35 =	vmax.f32 v35, $0.0e+00;
	[tilespmem:v22+s8+$0xFFFFFC80 ss:$0x1] =	vst.idx.msk $0xffff, v30;
	v30 =	vadd.f32 v40, v34;
	v34 =	vld.idx.msk [tilespmem:v23+s29+$0xFFFFFE90 ss:$0x1], $0xffff  }
0x304: {  	v40 =	vld.idx.msk [tilespmem:v44+s3+$0x0], $0xffff;
	[tilespmem:v22+s28+$0xFFFFFF40 ss:$0x1] =	vst.idx.msk $0xffff, v35;
	v35 =	vadd.f32 v39, v38  }
0x305: {  	v38 =	vadd.s32 v5, v33;
	v30 =	vmax.f32 v30, $0.0e+00;
	v39 =	vld.idx.msk [tilespmem:v46+s3+$0x0], $0xffff  }
0x306: {  	v42 =	vadd.f32 v31, v42;
	v44 =	vshra.s32 v47, $0xC;
	[tilespmem:v22+s7+$0xFFFFFD10 ss:$0x1] =	vst.idx.msk $0xffff, v30;
	v45 =	vld.idx.msk [tilespmem:v23+s28+$0xFFFFFF50 ss:$0x1], $0xffff;
	v31 =	vmax.f32 v35, $0.0e+00  }
0x307: {  	v30 =	vand.u32 $0xFFFFFFC0, v44;
	v35 =	vld.idx.msk [tilespmem:v41+s3+$0x0], $0xffff;
	[tilespmem:v22+s9+$0x0 ss:$0x1] =	vst.idx.msk $0xffff, v31;
	s9 =	smov.u32 s28;
	s28 =	smov.u32 s29;
	s29 =	smov.u32 s4  }
0x308: {  	v42 =	vmax.f32 v42, $0.0e+00;
	v44 =	vadd.s32 v5, v32;
	s4 =	smov.u32 s7;
	v31 =	vperm.xlane v30, v4;
	v41 =	vld.idx.msk [tilespmem:v23+s7+$0xFFFFFD20 ss:$0x1], $0xffff;
	s7 =	smov.u32 s8  }
0x309: {  	v34 =	vadd.f32 v34, v43;
	v46 =	vld.idx.msk [tilespmem:v23+s7+$0xFFFFFC90 ss:$0x1], $0xffff;
	[tilespmem:v22+s29+$0xFFFFFDD0 ss:$0x1] =	vst.idx.msk $0xffff, v42  }
0x30a: {  	v42 =	vadd.s32 v3, v31;
	v38 =	vld.idx.msk [tilespmem:v38+s3+$0x0], $0xffff  }
0x30b: {  	v47 =	vadd.s32 v5, v29;
	s8 =	sshra.s32 s14, $0x2;
	v34 =	vmax.f32 v34, $0.0e+00;
	v43 =	vld.idx.msk [tilespmem:v23+s29+$0xFFFFFDE0 ss:$0x1], $0xffff  }
0x30c: {  	v48 =	vld.idx.msk [tilespmem:v23+s8+$0xFFFFFC10 ss:$0x1], $0xffff;
	[tilespmem:v22+s28+$0xFFFFFE90 ss:$0x1] =	vst.idx.msk $0xffff, v34;
	v34 =	vadd.f32 v45, v39  }
0x30d: {  	v39 =	vadd.s32 v6, v36;
	v44 =	vld.idx.msk [tilespmem:v44+s3+$0x0], $0xffff  }
0x30e: {  	v35 =	vadd.f32 v41, v35;
	v41 =	vld.idx.msk [tilespmem:v23+s28+$0xFFFFFEA0 ss:$0x1], $0xffff;
	v34 =	vmax.f32 v34, $0.0e+00  }
0x30f: {  	v45 =	vadd.s32 v5, v37;
	v42 =	vld.idx.msk [tilespmem:v42+s3+$0x0], $0xffff;
	[tilespmem:v22+s9+$0xFFFFFF50 ss:$0x1] =	vst.idx.msk $0xffff, v34  }
0x310: {  	v34 =	vadd.f32 v46, v40;
	v35 =	vmax.f32 v35, $0.0e+00;
	v40 =	vadd.s32 v6, v33;
	v46 =	vld.idx.msk [tilespmem:v47+s3+$0x0], $0xffff  }
0x311: {  	[tilespmem:v22+s4+$0xFFFFFD20 ss:$0x1] =	vst.idx.msk $0xffff, v35;
	v35 =	vadd.f32 v43, v38;
	v38 =	vld.idx.msk [tilespmem:v23+s9+$0xFFFFFF60 ss:$0x1], $0xffff  }
0x312: {  	v34 =	vmax.f32 v34, $0.0e+00;
	v39 =	vld.idx.msk [tilespmem:v39+s3+$0x0], $0xffff  }
0x313: {  	v43 =	vadd.s32 v6, v32;
	[tilespmem:v22+s7+$0xFFFFFC90 ss:$0x1] =	vst.idx.msk $0xffff, v34;
	v34 =	vld.idx.msk [tilespmem:v23+s4+$0xFFFFFD30 ss:$0x1], $0xffff;
	v35 =	vmax.f32 v35, $0.0e+00  }
0x314: {  	v45 =	vld.idx.msk [tilespmem:v45+s3+$0x0], $0xffff;
	[tilespmem:v22+s29+$0xFFFFFDE0 ss:$0x1] =	vst.idx.msk $0xffff, v35;
	v35 =	vadd.f32 v41, v44  }
0x315: {  	v41 =	vadd.s32 v5, v31;
	v40 =	vld.idx.msk [tilespmem:v40+s3+$0x0], $0xffff  }
0x316: {  	v47 =	vadd.s32 v6, v29;
	v42 =	vadd.f32 v48, v42;
	v44 =	vld.idx.msk [tilespmem:v23+s29+$0xFFFFFDF0 ss:$0x1], $0xffff;
	v35 =	vmax.f32 v35, $0.0e+00  }
0x317: {  	v48 =	vld.idx.msk [tilespmem:v23+s7+$0xFFFFFCA0 ss:$0x1], $0xffff;
	[tilespmem:v22+s28+$0xFFFFFEA0 ss:$0x1] =	vst.idx.msk $0xffff, v35;
	v35 =	vadd.f32 v38, v46  }
0x318: {  	v36 =	vadd.s32 v7, v36;
	v38 =	vmax.f32 v42, $0.0e+00;
	v42 =	vld.idx.msk [tilespmem:v43+s3+$0x0], $0xffff  }
0x319: {  	v34 =	vadd.f32 v34, v39;
	[tilespmem:v22+s8+$0xFFFFFC10 ss:$0x1] =	vst.idx.msk $0xffff, v38;
	v38 =	vld.idx.msk [tilespmem:v23+s28+$0xFFFFFEB0 ss:$0x1], $0xffff;
	v35 =	vmax.f32 v35, $0.0e+00  }
0x31a: {  	v39 =	vld.idx.msk [tilespmem:v41+s3+$0x0], $0xffff;
	[tilespmem:v22+s9+$0xFFFFFF60 ss:$0x1] =	vst.idx.msk $0xffff, v35  }
0x31b: {  	v33 =	vadd.s32 v7, v33;
	v34 =	vmax.f32 v34, $0.0e+00;
	v35 =	vld.idx.msk [tilespmem:v47+s3+$0x0], $0xffff  }
0x31c: {  	[tilespmem:v22+s4+$0xFFFFFD30 ss:$0x1] =	vst.idx.msk $0xffff, v34;
	v34 =	vadd.f32 v44, v40;
	v40 =	vld.idx.msk [tilespmem:v23+s9+$0xFFFFFF70 ss:$0x1], $0xffff  }
0x31d: {  	v41 =	vadd.s32 v6, v37;
	v36 =	vld.idx.msk [tilespmem:v36+s3+$0x0], $0xffff  }
0x31e: {  	v43 =	vadd.f32 v48, v45;
	v45 =	vadd.s32 v7, v32;
	v44 =	vld.idx.msk [tilespmem:v23+s4+$0xFFFFFD40 ss:$0x1], $0xffff;
	v34 =	vmax.f32 v34, $0.0e+00  }
0x31f: {  	v46 =	vld.idx.msk [tilespmem:v23+s8+$0xFFFFFC20 ss:$0x1], $0xffff;
	[tilespmem:v22+s29+$0xFFFFFDF0 ss:$0x1] =	vst.idx.msk $0xffff, v34;
	v34 =	vadd.f32 v38, v42  }
0x320: {  	v32 =	vperm.xlane v27, v12;
	v38 =	vmax.f32 v43, $0.0e+00;
	v42 =	vld.idx.msk [tilespmem:v33+s3+$0x0], $0xffff  }
0x321: {  	v29 =	vadd.s32 v7, v29;
	[tilespmem:v22+s7+$0xFFFFFCA0 ss:$0x1] =	vst.idx.msk $0xffff, v38;
	v38 =	vld.idx.msk [tilespmem:v23+s29+$0xFFFFFE00 ss:$0x1], $0xffff;
	v33 =	vmax.f32 v34, $0.0e+00  }
0x322: {  	v34 =	vadd.f32 v40, v35;
	v41 =	vld.idx.msk [tilespmem:v41+s3+$0x0], $0xffff;
	[tilespmem:v22+s28+$0xFFFFFEB0 ss:$0x1] =	vst.idx.msk $0xffff, v33  }
0x323: {  	v35 =	vadd.s32 v3, v32;
	v40 =	vld.idx.msk [tilespmem:v45+s3+$0x0], $0xffff  }
0x324: {  	v33 =	vperm.xlane v26, v15;
	v36 =	vadd.f32 v44, v36;
	v34 =	vmax.f32 v34, $0.0e+00;
	v43 =	vld.idx.msk [tilespmem:v23+s28+$0xFFFFFEC0 ss:$0x1], $0xffff  }
0x325: {  	v44 =	vadd.s32 v6, v31;
	v45 =	vld.idx.msk [tilespmem:v23+s7+$0xFFFFFCB0 ss:$0x1], $0xffff;
	[tilespmem:v22+s9+$0xFFFFFF70 ss:$0x1] =	vst.idx.msk $0xffff, v34  }
0x326: {  	v39 =	vadd.f32 v46, v39;
	v34 =	vmax.f32 v36, $0.0e+00;
	v36 =	vadd.s32 v3, v33;
	v29 =	vld.idx.msk [tilespmem:v29+s3+$0x0], $0xffff  }
0x327: {  	v38 =	vadd.f32 v38, v42;
	[tilespmem:v22+s4+$0xFFFFFD40 ss:$0x1] =	vst.idx.msk $0xffff, v34;
	v34 =	vperm.xlane v25, v18;
	v42 =	vld.idx.msk [tilespmem:v23+s9+$0xFFFFFF80 ss:$0x1], $0xffff  }
0x328: {  	v39 =	vmax.f32 v39, $0.0e+00;
	v46 =	vld.idx.msk [tilespmem:v35+s3+$0x0], $0xffff  }
0x329: {  	v35 =	vmax.f32 v38, $0.0e+00;
	[tilespmem:v22+s8+$0xFFFFFC20 ss:$0x1] =	vst.idx.msk $0xffff, v39;
	v39 =	vld.idx.msk [tilespmem:v23+s4+$0xFFFFFD50 ss:$0x1], $0xffff;
	v38 =	vadd.s32 v3, v34  }
0x32a: {  	v40 =	vadd.f32 v43, v40;
	v44 =	vld.idx.msk [tilespmem:v44+s3+$0x0], $0xffff;
	[tilespmem:v22+s29+$0xFFFFFE00 ss:$0x1] =	vst.idx.msk $0xffff, v35;
	v35 =	vperm.xlane v24, v20  }
0x32b: {  	v37 =	vadd.s32 v7, v37;
	v36 =	vld.idx.msk [tilespmem:v36+s3+$0x0], $0xffff  }
0x32c: {  	v41 =	vadd.f32 v45, v41;
	v40 =	vmax.f32 v40, $0.0e+00;
	v43 =	vld.idx.msk [tilespmem:v23+s29+$0xFFFFFE10 ss:$0x1], $0xffff;
	v45 =	vadd.s32 v3, v35  }
0x32d: {  	v29 =	vadd.f32 v42, v29;
	v47 =	vld.idx.msk [tilespmem:v23+s8+$0xFFFFFC30 ss:$0x1], $0xffff;
	[tilespmem:v22+s28+$0xFFFFFEC0 ss:$0x1] =	vst.idx.msk $0xffff, v40  }
0x32e: {  	v40 =	vmax.f32 v41, $0.0e+00;
	v41 =	vadd.s32 v5, v32;
	v38 =	vld.idx.msk [tilespmem:v38+s3+$0x0], $0xffff  }
0x32f: {  	v39 =	vadd.f32 v39, v46;
	v29 =	vmax.f32 v29, $0.0e+00;
	[tilespmem:v22+s7+$0xFFFFFCB0 ss:$0x1] =	vst.idx.msk $0xffff, v40;
	v40 =	vld.idx.msk [tilespmem:v23+s28+$0xFFFFFED0 ss:$0x1], $0xffff  }
0x330: {  	v37 =	vld.idx.msk [tilespmem:v37+s3+$0x0], $0xffff;
	[tilespmem:v22+s9+$0xFFFFFF80 ss:$0x1] =	vst.idx.msk $0xffff, v29  }
0x331: {  	v29 =	vmax.f32 v39, $0.0e+00;
	v39 =	vadd.s32 v5, v33;
	v42 =	vld.idx.msk [tilespmem:v45+s3+$0x0], $0xffff  }
0x332: {  	[tilespmem:v22+s4+$0xFFFFFD50 ss:$0x1] =	vst.idx.msk $0xffff, v29;
	v29 =	vadd.f32 v43, v36;
	v36 =	vld.idx.msk [tilespmem:v23+s9+$0xFFFFFF90 ss:$0x1], $0xffff  }
0x333: {  	v31 =	vadd.s32 v7, v31;
	v41 =	vld.idx.msk [tilespmem:v41+s3+$0x0], $0xffff  }
0x334: {  	v45 =	vadd.s32 v5, v34;
	v43 =	vadd.f32 v47, v44;
	v44 =	vld.idx.msk [tilespmem:v23+s4+$0xFFFFFD60 ss:$0x1], $0xffff;
	v29 =	vmax.f32 v29, $0.0e+00  }
0x335: {  	v46 =	vld.idx.msk [tilespmem:v23+s7+$0xFFFFFCC0 ss:$0x1], $0xffff;
	[tilespmem:v22+s29+$0xFFFFFE10 ss:$0x1] =	vst.idx.msk $0xffff, v29;
	v29 =	vadd.f32 v40, v38  }
0x336: {  	v38 =	vmax.f32 v43, $0.0e+00;
	v39 =	vld.idx.msk [tilespmem:v39+s3+$0x0], $0xffff  }
0x337: {  	v40 =	vadd.s32 v5, v35;
	[tilespmem:v22+s8+$0xFFFFFC30 ss:$0x1] =	vst.idx.msk $0xffff, v38;
	v38 =	vld.idx.msk [tilespmem:v23+s29+$0xFFFFFE20 ss:$0x1], $0xffff;
	v29 =	vmax.f32 v29, $0.0e+00  }
0x338: {  	v43 =	vld.idx.msk [tilespmem:v31+s3+$0x0], $0xffff;
	[tilespmem:v22+s28+$0xFFFFFED0 ss:$0x1] =	vst.idx.msk $0xffff, v29;
	v29 =	vadd.f32 v36, v42  }
0x339: {  	v31 =	vperm.xlane v28, v10;
	v36 =	vadd.s32 v6, v32;
	v42 =	vld.idx.msk [tilespmem:v45+s3+$0x0], $0xffff  }
0x33a: {  	v41 =	vadd.f32 v44, v41;
	v44 =	vld.idx.msk [tilespmem:v23+s28+$0xFFFFFEE0 ss:$0x1], $0xffff;
	v29 =	vmax.f32 v29, $0.0e+00  }
0x33b: {  	v47 =	vadd.s32 v3, v31;
	v45 =	vld.idx.msk [tilespmem:v23+s8+$0xFFFFFC40 ss:$0x1], $0xffff;
	[tilespmem:v22+s9+$0xFFFFFF90 ss:$0x1] =	vst.idx.msk $0xffff, v29  }
0x33c: {  	v37 =	vadd.f32 v46, v37;
	v29 =	vmax.f32 v41, $0.0e+00;
	v41 =	vadd.s32 v6, v33;
	v40 =	vld.idx.msk [tilespmem:v40+s3+$0x0], $0xffff  }
0x33d: {  	v38 =	vadd.f32 v38, v39;
	[tilespmem:v22+s4+$0xFFFFFD60 ss:$0x1] =	vst.idx.msk $0xffff, v29;
	v39 =	vld.idx.msk [tilespmem:v23+s9+$0xFFFFFFA0 ss:$0x1], $0xffff  }
0x33e: {  	v37 =	vmax.f32 v37, $0.0e+00;
	v29 =	vperm.xlane v30, v8;
	v36 =	vld.idx.msk [tilespmem:v36+s3+$0x0], $0xffff  }
0x33f: {  	v46 =	vadd.s32 v6, v34;
	v38 =	vmax.f32 v38, $0.0e+00;
	[tilespmem:v22+s7+$0xFFFFFCC0 ss:$0x1] =	vst.idx.msk $0xffff, v37;
	v37 =	vld.idx.msk [tilespmem:v23+s4+$0xFFFFFD70 ss:$0x1], $0xffff  }
0x340: {  	v47 =	vld.idx.msk [tilespmem:v47+s3+$0x0], $0xffff;
	[tilespmem:v22+s29+$0xFFFFFE20 ss:$0x1] =	vst.idx.msk $0xffff, v38;
	v38 =	vadd.f32 v44, v42  }
0x341: {  	v42 =	vadd.s32 v3, v29;
	v41 =	vld.idx.msk [tilespmem:v41+s3+$0x0], $0xffff  }
0x342: {  	v43 =	vadd.f32 v45, v43;
	v45 =	vadd.s32 v6, v35;
	v44 =	vld.idx.msk [tilespmem:v23+s29+$0xFFFFFE30 ss:$0x1], $0xffff;
	v38 =	vmax.f32 v38, $0.0e+00  }
0x343: {  	v48 =	vld.idx.msk [tilespmem:v23+s7+$0xFFFFFCD0 ss:$0x1], $0xffff;
	[tilespmem:v22+s28+$0xFFFFFEE0 ss:$0x1] =	vst.idx.msk $0xffff, v38;
	v38 =	vadd.f32 v39, v40  }
0x344: {  	v32 =	vadd.s32 v7, v32;
	v39 =	vmax.f32 v43, $0.0e+00;
	v40 =	vld.idx.msk [tilespmem:v46+s3+$0x0], $0xffff  }
0x345: {  	v36 =	vadd.f32 v37, v36;
	[tilespmem:v22+s8+$0xFFFFFC40 ss:$0x1] =	vst.idx.msk $0xffff, v39;
	v37 =	vld.idx.msk [tilespmem:v23+s28+$0xFFFFFEF0 ss:$0x1], $0xffff;
	v38 =	vmax.f32 v38, $0.0e+00  }
0x346: {  	v39 =	vld.idx.msk [tilespmem:v42+s3+$0x0], $0xffff;
	[tilespmem:v22+s9+$0xFFFFFFA0 ss:$0x1] =	vst.idx.msk $0xffff, v38  }
0x347: {  	v33 =	vadd.s32 v7, v33;
	v36 =	vmax.f32 v36, $0.0e+00;
	v38 =	vld.idx.msk [tilespmem:v45+s3+$0x0], $0xffff  }
0x348: {  	[tilespmem:v22+s4+$0xFFFFFD70 ss:$0x1] =	vst.idx.msk $0xffff, v36;
	v36 =	vadd.f32 v44, v41;
	v41 =	vld.idx.msk [tilespmem:v23+s9+$0xFFFFFFB0 ss:$0x1], $0xffff  }
0x349: {  	v42 =	vadd.s32 v5, v31;
	v43 =	vld.idx.msk [tilespmem:v32+s3+$0x0], $0xffff  }
0x34a: {  	v34 =	vadd.s32 v7, v34;
	v32 =	vadd.f32 v48, v47;
	v44 =	vld.idx.msk [tilespmem:v23+s4+$0xFFFFFD80 ss:$0x1], $0xffff;
	v36 =	vmax.f32 v36, $0.0e+00  }
0x34b: {  	v45 =	vld.idx.msk [tilespmem:v23+s8+$0xFFFFFC50 ss:$0x1], $0xffff;
	[tilespmem:v22+s29+$0xFFFFFE30 ss:$0x1] =	vst.idx.msk $0xffff, v36;
	v36 =	vadd.f32 v37, v40  }
0x34c: {  	v37 =	vmax.f32 v32, $0.0e+00;
	v32 =	vperm.xlane v27, v13;
	v40 =	vld.idx.msk [tilespmem:v33+s3+$0x0], $0xffff  }
0x34d: {  	v35 =	vadd.s32 v7, v35;
	[tilespmem:v22+s7+$0xFFFFFCD0 ss:$0x1] =	vst.idx.msk $0xffff, v37;
	v37 =	vld.idx.msk [tilespmem:v23+s29+$0xFFFFFE40 ss:$0x1], $0xffff;
	v33 =	vmax.f32 v36, $0.0e+00  }
0x34e: {  	v38 =	vadd.f32 v41, v38;
	v36 =	vld.idx.msk [tilespmem:v42+s3+$0x0], $0xffff;
	[tilespmem:v22+s28+$0xFFFFFEF0 ss:$0x1] =	vst.idx.msk $0xffff, v33  }
0x34f: {  	v41 =	vadd.s32 v3, v32;
	v42 =	vld.idx.msk [tilespmem:v34+s3+$0x0], $0xffff  }
0x350: {  	v33 =	vperm.xlane v26, v16;
	v34 =	vadd.f32 v44, v43;
	v38 =	vmax.f32 v38, $0.0e+00;
	v43 =	vld.idx.msk [tilespmem:v23+s28+$0xFFFFFF00 ss:$0x1], $0xffff  }
0x351: {  	v44 =	vadd.s32 v5, v29;
	v46 =	vld.idx.msk [tilespmem:v23+s7+$0xFFFFFCE0 ss:$0x1], $0xffff;
	[tilespmem:v22+s9+$0xFFFFFFB0 ss:$0x1] =	vst.idx.msk $0xffff, v38  }
0x352: {  	v38 =	vadd.f32 v45, v39;
	v34 =	vmax.f32 v34, $0.0e+00;
	v39 =	vadd.s32 v3, v33;
	v45 =	vld.idx.msk [tilespmem:v35+s3+$0x0], $0xffff  }
0x353: {  	v35 =	vadd.f32 v37, v40;
	[tilespmem:v22+s4+$0xFFFFFD80 ss:$0x1] =	vst.idx.msk $0xffff, v34;
	v34 =	vperm.xlane v25, v2;
	v37 =	vld.idx.msk [tilespmem:v23+s9+$0xFFFFFFC0 ss:$0x1], $0xffff  }
0x354: {  	v38 =	vmax.f32 v38, $0.0e+00;
	v40 =	vld.idx.msk [tilespmem:v41+s3+$0x0], $0xffff  }
0x355: {  	v35 =	vmax.f32 v35, $0.0e+00;
	[tilespmem:v22+s8+$0xFFFFFC50 ss:$0x1] =	vst.idx.msk $0xffff, v38;
	v38 =	vld.idx.msk [tilespmem:v23+s4+$0xFFFFFD90 ss:$0x1], $0xffff;
	v41 =	vadd.s32 v3, v34  }
0x356: {  	v42 =	vadd.f32 v43, v42;
	v44 =	vld.idx.msk [tilespmem:v44+s3+$0x0], $0xffff;
	[tilespmem:v22+s29+$0xFFFFFE40 ss:$0x1] =	vst.idx.msk $0xffff, v35;
	v35 =	vperm.xlane v24, v21  }
0x357: {  	v43 =	vadd.s32 v6, v31;
	v24 =	vmovc v25;
	v25 =	vmovc v26;
	v26 =	vmov v27;
	v27 =	vmov v28;
	v39 =	vld.idx.msk [tilespmem:v39+s3+$0x0], $0xffff  }
0x358: {  	v36 =	vadd.f32 v46, v36;
	v28 =	vmovc v30;
	v42 =	vmax.f32 v42, $0.0e+00;
	v46 =	vld.idx.msk [tilespmem:v23+s29+$0xFFFFFE50 ss:$0x1], $0xffff;
	v47 =	vadd.s32 v3, v35  }
0x359: {  	v37 =	vadd.f32 v37, v45;
	v30 =	vld.idx.msk [tilespmem:v23+s8+$0xFFFFFC60 ss:$0x1], $0xffff;
	[tilespmem:v22+s28+$0xFFFFFF00 ss:$0x1] =	vst.idx.msk $0xffff, v42  }
0x35a: {  	v36 =	vmax.f32 v36, $0.0e+00;
	v42 =	vadd.s32 v5, v32;
	v41 =	vld.idx.msk [tilespmem:v41+s3+$0x0], $0xffff  }
0x35b: {  	v37 =	vmax.f32 v37, $0.0e+00;
	[tilespmem:v22+s7+$0xFFFFFCE0 ss:$0x1] =	vst.idx.msk $0xffff, v36;
	v36 =	vadd.f32 v38, v40;
	v38 =	vld.idx.msk [tilespmem:v23+s28+$0xFFFFFF10 ss:$0x1], $0xffff  }
0x35c: {  	v40 =	vld.idx.msk [tilespmem:v43+s3+$0x0], $0xffff;
	[tilespmem:v22+s9+$0xFFFFFFC0 ss:$0x1] =	vst.idx.msk $0xffff, v37  }
0x35d: {  	v37 =	vadd.s32 v5, v33;
	v36 =	vmax.f32 v36, $0.0e+00;
	v43 =	vld.idx.msk [tilespmem:v47+s3+$0x0], $0xffff  }
0x35e: {  	[tilespmem:v22+s4+$0xFFFFFD90 ss:$0x1] =	vst.idx.msk $0xffff, v36;
	v36 =	vadd.f32 v46, v39;
	v39 =	vld.idx.msk [tilespmem:v23+s9+$0xFFFFFFD0 ss:$0x1], $0xffff  }
0x35f: {  	v45 =	vadd.s32 v6, v29;
	v42 =	vld.idx.msk [tilespmem:v42+s3+$0x0], $0xffff  }
0x360: {  	v30 =	vadd.f32 v30, v44;
	v46 =	vadd.s32 v5, v34;
	v44 =	vld.idx.msk [tilespmem:v23+s4+$0xFFFFFDA0 ss:$0x1], $0xffff;
	v36 =	vmax.f32 v36, $0.0e+00  }
0x361: {  	v47 =	vld.idx.msk [tilespmem:v23+s7+$0xFFFFFCF0 ss:$0x1], $0xffff;
	[tilespmem:v22+s29+$0xFFFFFE50 ss:$0x1] =	vst.idx.msk $0xffff, v36;
	v36 =	vadd.f32 v38, v41  }
0x362: {  	v30 =	vmax.f32 v30, $0.0e+00;
	v37 =	vld.idx.msk [tilespmem:v37+s3+$0x0], $0xffff  }
0x363: {  	v38 =	vadd.s32 v5, v35;
	[tilespmem:v22+s8+$0xFFFFFC60 ss:$0x1] =	vst.idx.msk $0xffff, v30;
	v30 =	vld.idx.msk [tilespmem:v23+s29+$0xFFFFFE60 ss:$0x1], $0xffff;
	v36 =	vmax.f32 v36, $0.0e+00  }
0x364: {  	v41 =	vld.idx.msk [tilespmem:v45+s3+$0x0], $0xffff;
	[tilespmem:v22+s28+$0xFFFFFF10 ss:$0x1] =	vst.idx.msk $0xffff, v36;
	v36 =	vadd.f32 v39, v43  }
0x365: {  	v39 =	vadd.s32 v6, v32;
	v43 =	vld.idx.msk [tilespmem:v46+s3+$0x0], $0xffff  }
0x366: {  	v42 =	vadd.f32 v44, v42;
	v44 =	vld.idx.msk [tilespmem:v23+s28+$0xFFFFFF20 ss:$0x1], $0xffff;
	v36 =	vmax.f32 v36, $0.0e+00  }
0x367: {  	v31 =	vadd.s32 v7, v31;
	v45 =	vld.idx.msk [tilespmem:v23+s8+$0xFFFFFC70 ss:$0x1], $0xffff;
	[tilespmem:v22+s9+$0xFFFFFFD0 ss:$0x1] =	vst.idx.msk $0xffff, v36  }
0x368: {  	v36 =	vadd.f32 v47, v40;
	v40 =	vmax.f32 v42, $0.0e+00;
	v42 =	vadd.s32 v6, v33;
	v38 =	vld.idx.msk [tilespmem:v38+s3+$0x0], $0xffff  }
0x369: {  	v30 =	vadd.f32 v30, v37;
	[tilespmem:v22+s4+$0xFFFFFDA0 ss:$0x1] =	vst.idx.msk $0xffff, v40;
	v37 =	vld.idx.msk [tilespmem:v23+s9+$0xFFFFFFE0 ss:$0x1], $0xffff  }
0x36a: {  	v36 =	vmax.f32 v36, $0.0e+00;
	v39 =	vld.idx.msk [tilespmem:v39+s3+$0x0], $0xffff  }
0x36b: {  	v40 =	vadd.s32 v6, v34;
	v30 =	vmax.f32 v30, $0.0e+00;
	[tilespmem:v22+s7+$0xFFFFFCF0 ss:$0x1] =	vst.idx.msk $0xffff, v36;
	v36 =	vld.idx.msk [tilespmem:v23+s4+$0xFFFFFDB0 ss:$0x1], $0xffff  }
0x36c: {  	v31 =	vld.idx.msk [tilespmem:v31+s3+$0x0], $0xffff;
	[tilespmem:v22+s29+$0xFFFFFE60 ss:$0x1] =	vst.idx.msk $0xffff, v30;
	v30 =	vadd.f32 v44, v43  }
0x36d: {  	v29 =	vadd.s32 v7, v29;
	v42 =	vld.idx.msk [tilespmem:v42+s3+$0x0], $0xffff  }
0x36e: {  	v41 =	vadd.f32 v45, v41;
	v44 =	vadd.s32 v6, v35;
	v43 =	vld.idx.msk [tilespmem:v23+s29+$0xFFFFFE70 ss:$0x1], $0xffff;
	v30 =	vmax.f32 v30, $0.0e+00  }
0x36f: {  	v45 =	vld.idx.msk [tilespmem:v23+s7+$0xFFFFFD00 ss:$0x1], $0xffff;
	[tilespmem:v22+s28+$0xFFFFFF20 ss:$0x1] =	vst.idx.msk $0xffff, v30;
	v30 =	vadd.f32 v37, v38  }
0x370: {  	v32 =	vadd.s32 v7, v32;
	v37 =	vmax.f32 v41, $0.0e+00;
	v38 =	vld.idx.msk [tilespmem:v40+s3+$0x0], $0xffff  }
0x371: {  	[tilespmem:v22+s8+$0xFFFFFC70 ss:$0x1] =	vst.idx.msk $0xffff, v37;
	v37 =	vadd.f32 v36, v39;
	v39 =	vld.idx.msk [tilespmem:v23+s28+$0xFFFFFF30 ss:$0x1], $0xffff;
	v36 =	vmax.f32 v30, $0.0e+00  }
0x372: {  	v30 =	vld.idx.msk [tilespmem:v29+s3+$0x0], $0xffff;
	[tilespmem:v22+s9+$0xFFFFFFE0 ss:$0x1] =	vst.idx.msk $0xffff, v36  }
0x373: {  	v36 =	vperm.xlane v27, v11;
	v29 =	vmax.f32 v37, $0.0e+00;
	v37 =	vadd.s32 v7, v33;
	v40 =	vld.idx.msk [tilespmem:v44+s3+$0x0], $0xffff  }
0x374: {  	[tilespmem:v22+s4+$0xFFFFFDB0 ss:$0x1] =	vst.idx.msk $0xffff, v29;
	v29 =	vadd.f32 v43, v42;
	v41 =	vld.idx.msk [tilespmem:v23+s9+$0xFFFFFFF0 ss:$0x1], $0xffff  }
0x375: {  	v42 =	vadd.s32 v3, v36;
	v32 =	vld.idx.msk [tilespmem:v32+s3+$0x0], $0xffff  }
0x376: {  	v44 =	vadd.s32 v7, v34;
	v33 =	vadd.f32 v45, v31;
	v43 =	vld.idx.msk [tilespmem:v23+s4+$0xFFFFFDC0 ss:$0x1], $0xffff;
	v29 =	vmax.f32 v29, $0.0e+00  }
0x377: {  	v31 =	vld.idx.msk [tilespmem:v23+s8+$0xFFFFFC80 ss:$0x1], $0xffff;
	[tilespmem:v22+s29+$0xFFFFFE70 ss:$0x1] =	vst.idx.msk $0xffff, v29;
	v29 =	vadd.f32 v39, v38  }
0x378: {  	v34 =	vmax.f32 v33, $0.0e+00;
	v33 =	vperm.xlane v26, v14;
	v39 =	vld.idx.msk [tilespmem:v37+s3+$0x0], $0xffff  }
0x379: {  	v38 =	vadd.s32 v7, v35;
	[tilespmem:v22+s7+$0xFFFFFD00 ss:$0x1] =	vst.idx.msk $0xffff, v34;
	v45 =	vld.idx.msk [tilespmem:v23+s29+$0xFFFFFE80 ss:$0x1], $0xffff;
	v29 =	vmax.f32 v29, $0.0e+00  }
0x37a: {  	v34 =	vld.idx.msk [tilespmem:v42+s3+$0x0], $0xffff;
	[tilespmem:v22+s28+$0xFFFFFF30 ss:$0x1] =	vst.idx.msk $0xffff, v29;
	v29 =	vadd.f32 v41, v40  }
0x37b: {  	v42 =	vadd.s32 v3, v33;
	v35 =	vld.idx.msk [tilespmem:v44+s3+$0x0], $0xffff  }
.Ltmp2:
0x37c: {  	v43 =	vadd.f32 v43, v32;
	v32 =	vperm.xlane v25, v17;
	v41 =	vld.idx.msk [tilespmem:v23+s28+$0xFFFFFF40 ss:$0x1], $0xffff;
	v29 =	vmax.f32 v29, $0.0e+00;
	(pc) =	sbr.rel @p2 .LBB2_7-.Ltmp2, $4  }
0x37d: {  	v40 =	vld.idx.msk [tilespmem:v23+s7+$0xFFFFFD10 ss:$0x1], $0xffff;
	[tilespmem:v22+s9+$0xFFFFFFF0 ss:$0x1] =	vst.idx.msk $0xffff, v29  }
0x37e: {  	v37 =	vperm.xlane v28, v9;
	v29 =	vmax.f32 v43, $0.0e+00;
	v43 =	vadd.s32 v3, v32;
	v38 =	vld.idx.msk [tilespmem:v38+s3+$0x0], $0xffff  }
0x37f: {  	v45 =	vadd.f32 v45, v39;
	[tilespmem:v22+s4+$0xFFFFFDC0 ss:$0x1] =	vst.idx.msk $0xffff, v29;
	v29 =	vperm.xlane v24, v19;
	v39 =	vld.idx.msk [tilespmem:v23+s9+$0x0 ss:$0x1], $0xffff  }
0x380: {  	s14 =	sadd.s32 $0x1000, s14;
	v44 =	vadd.s32 v3, v37;
	v42 =	vld.idx.msk [tilespmem:v42+s3+$0x0], $0xffff  }
0x381: {  	_ =	sdelay $0x2  }
0x382: {  	v30 =	vadd.f32 v31, v30;
	v62 =	vmax.f32 v45, $0.0e+00  }
0x383: {  	v46 =	vld.idx.msk [tilespmem:v23+s4+$0xFFFFFDD0 ss:$0x1], $0xffff;
	v47 =	vadd.f32 v41, v35;
	[tilespmem:v22+s29+$0xFFFFFE80 ss:$0x1] =	vst.idx.msk $0xffff, v62  }
0x384: {  	v63 =	vadd.s32 v3, v29;
	v30 =	vmax.f32 v30, $0.0e+00;
	v49 =	vld.idx.msk [tilespmem:v43+s3+$0x0], $0xffff  }
0x385: {  	v48 =	vadd.s32 v5, v36;
	v51 =	vld.idx.msk [tilespmem:v23+s29+$0xFFFFFE90 ss:$0x1], $0xffff;
	v31 =	vmax.f32 v47, $0.0e+00;
	[tilespmem:v22+s8+$0xFFFFFC80 ss:$0x1] =	vst.idx.msk $0xffff, v30  }
0x386: {  	v50 =	vadd.f32 v40, v34;
	[tilespmem:v22+s28+$0xFFFFFF40 ss:$0x1] =	vst.idx.msk $0xffff, v31;
	v52 =	vld.idx.msk [tilespmem:v44+s3+$0x0], $0xffff  }
0x387: {  	v53 =	vadd.s32 v5, v33;
	v56 =	vld.idx.msk [tilespmem:v23+s28+$0xFFFFFF50 ss:$0x1], $0xffff  }
0x388: {  	v30 =	vmax.f32 v50, $0.0e+00;
	v59 =	vld.idx.msk [tilespmem:v23+s8+$0xFFFFFC90 ss:$0x1], $0xffff;
	v55 =	vadd.f32 v46, v42  }
0x389: {  	[tilespmem:v22+s7+$0xFFFFFD10 ss:$0x1] =	vst.idx.msk $0xffff, v30;
	v54 =	vld.idx.msk [tilespmem:v63+s3+$0x0], $0xffff  }
0x38a: {  	v58 =	vadd.s32 v5, v32;
	v35 =	vld.idx.msk [tilespmem:v48+s3+$0x0], $0xffff;
	v30 =	vmax.f32 v55, $0.0e+00  }
0x38b: {  	v57 =	vld.idx.msk [tilespmem:v23+s7+$0xFFFFFD20 ss:$0x1], $0xffff;
	v60 =	vadd.f32 v51, v49;
	[tilespmem:v22+s4+$0xFFFFFDD0 ss:$0x1] =	vst.idx.msk $0xffff, v30  }
0x38c: {  	v48 =	vadd.s32 v5, v37;
	v31 =	vld.idx.msk [tilespmem:v53+s3+$0x0], $0xffff  }
0x38d: {  	v61 =	vadd.s32 v5, v29;
	v47 =	vld.idx.msk [tilespmem:v23+s4+$0xFFFFFDE0 ss:$0x1], $0xffff;
	v30 =	vmax.f32 v60, $0.0e+00;
	v40 =	vadd.f32 v59, v52  }
0x38e: {  	v42 =	vadd.f32 v56, v54;
	[tilespmem:v22+s29+$0xFFFFFE90 ss:$0x1] =	vst.idx.msk $0xffff, v30  }
0x38f: {  	v62 =	vadd.s32 v6, v36;
	v34 =	vld.idx.msk [tilespmem:v58+s3+$0x0], $0xffff;
	v52 =	vmax.f32 v40, $0.0e+00  }
0x390: {  	v63 =	vadd.f32 v57, v35;
	v35 =	vld.idx.msk [tilespmem:v23+s29+$0xFFFFFEA0 ss:$0x1], $0xffff;
	v42 =	vmax.f32 v42, $0.0e+00;
	[tilespmem:v22+s8+$0xFFFFFC90 ss:$0x1] =	vst.idx.msk $0xffff, v52  }
0x391: {  	v50 =	vadd.s32 v6, v33;
	[tilespmem:v22+s28+$0xFFFFFF50 ss:$0x1] =	vst.idx.msk $0xffff, v42;
	v54 =	vld.idx.msk [tilespmem:v48+s3+$0x0], $0xffff  }
0x392: {  	v49 =	vmax.f32 v63, $0.0e+00;
	v30 =	vld.idx.msk [tilespmem:v61+s3+$0x0], $0xffff;
	v51 =	vadd.f32 v47, v31  }
0x393: {  	v38 =	vadd.f32 v39, v38;
	[tilespmem:v22+s7+$0xFFFFFD20 ss:$0x1] =	vst.idx.msk $0xffff, v49;
	v31 =	vld.idx.msk [tilespmem:v23+s28+$0xFFFFFF60 ss:$0x1], $0xffff  }
0x394: {  	v40 =	vld.idx.msk [tilespmem:v62+s3+$0x0], $0xffff;
	v53 =	vmax.f32 v51, $0.0e+00  }
0x395: {  	v38 =	vmax.f32 v38, $0.0e+00;
	v42 =	vld.idx.msk [tilespmem:v23+s7+$0xFFFFFD30 ss:$0x1], $0xffff;
	[tilespmem:v22+s4+$0xFFFFFDE0 ss:$0x1] =	vst.idx.msk $0xffff, v53  }
0x396: {  	[tilespmem:v22+s9+$0x0 ss:$0x1] =	vst.idx.msk $0xffff, v38;
	v38 =	vld.idx.msk [tilespmem:v50+s3+$0x0], $0xffff  }
0x397: {  	v39 =	vld.idx.msk [tilespmem:v23+s4+$0xFFFFFDF0 ss:$0x1], $0xffff  }
0x398: {  	v55 =	vld.idx.msk [tilespmem:v23+s8+$0xFFFFFCA0 ss:$0x1], $0xffff;
	_ =	sdelay $0x3  }
0x399: {  	v56 =	vadd.s32 v6, v37  }
0x39a: {  	v41 =	vadd.f32 v55, v54;
	_ =	sdelay $0x1  }
0x39b: {  	v41 =	vmax.f32 v41, $0.0e+00  }
0x39c: {  	[tilespmem:v22+s8+$0xFFFFFCA0 ss:$0x1] =	vst.idx.msk $0xffff, v41  }
0x39d: {  	v41 =	vld.idx.msk [tilespmem:v56+s3+$0x0], $0xffff  }
0x39e: {  	v57 =	vld.idx.msk [tilespmem:v23+s8+$0xFFFFFCB0 ss:$0x1], $0xffff;
	_ =	sdelay $0x3  }
0x39f: {  	v58 =	vadd.s32 v7, v37  }
0x3a0: {  	v41 =	vadd.f32 v57, v41;
	_ =	sdelay $0x1  }
0x3a1: {  	v41 =	vmax.f32 v41, $0.0e+00  }
0x3a2: {  	[tilespmem:v22+s8+$0xFFFFFCB0 ss:$0x1] =	vst.idx.msk $0xffff, v41  }
0x3a3: {  	v37 =	vld.idx.msk [tilespmem:v58+s3+$0x0], $0xffff  }
0x3a4: {  	v41 =	vld.idx.msk [tilespmem:v23+s8+$0xFFFFFCC0 ss:$0x1], $0xffff;
	_ =	sdelay $0x1  }
0x3a5: {  	v59 =	vperm.xlane v28, v10;
	_ =	sdelay $0x1  }
0x3a6: {  	v60 =	vadd.s32 v3, v59  }
0x3a7: {  	v37 =	vadd.f32 v41, v37;
	_ =	sdelay $0x1  }
0x3a8: {  	v37 =	vmax.f32 v37, $0.0e+00  }
0x3a9: {  	[tilespmem:v22+s8+$0xFFFFFCC0 ss:$0x1] =	vst.idx.msk $0xffff, v37  }
0x3aa: {  	v37 =	vld.idx.msk [tilespmem:v60+s3+$0x0], $0xffff  }
0x3ab: {  	v61 =	vld.idx.msk [tilespmem:v23+s8+$0xFFFFFCD0 ss:$0x1], $0xffff;
	_ =	sdelay $0x3  }
0x3ac: {  	v62 =	vadd.s32 v5, v59  }
0x3ad: {  	v37 =	vadd.f32 v61, v37;
	_ =	sdelay $0x1  }
0x3ae: {  	v37 =	vmax.f32 v37, $0.0e+00  }
0x3af: {  	[tilespmem:v22+s8+$0xFFFFFCD0 ss:$0x1] =	vst.idx.msk $0xffff, v37  }
0x3b0: {  	v37 =	vld.idx.msk [tilespmem:v62+s3+$0x0], $0xffff  }
0x3b1: {  	v63 =	vld.idx.msk [tilespmem:v23+s8+$0xFFFFFCE0 ss:$0x1], $0xffff;
	_ =	sdelay $0x3  }
0x3b2: {  	v48 =	vadd.s32 v6, v59  }
0x3b3: {  	v37 =	vadd.f32 v63, v37;
	_ =	sdelay $0x1  }
0x3b4: {  	v37 =	vmax.f32 v37, $0.0e+00  }
0x3b5: {  	[tilespmem:v22+s8+$0xFFFFFCE0 ss:$0x1] =	vst.idx.msk $0xffff, v37  }
0x3b6: {  	v37 =	vld.idx.msk [tilespmem:v48+s3+$0x0], $0xffff  }
0x3b7: {  	v49 =	vld.idx.msk [tilespmem:v23+s8+$0xFFFFFCF0 ss:$0x1], $0xffff;
	_ =	sdelay $0x3  }
0x3b8: {  	v43 =	vadd.s32 v7, v59  }
0x3b9: {  	v37 =	vadd.f32 v49, v37;
	_ =	sdelay $0x1  }
0x3ba: {  	v37 =	vmax.f32 v37, $0.0e+00  }
0x3bb: {  	[tilespmem:v22+s8+$0xFFFFFCF0 ss:$0x1] =	vst.idx.msk $0xffff, v37  }
0x3bc: {  	v37 =	vld.idx.msk [tilespmem:v43+s3+$0x0], $0xffff  }
0x3bd: {  	v50 =	vld.idx.msk [tilespmem:v23+s8+$0xFFFFFD00 ss:$0x1], $0xffff;
	_ =	sdelay $0x1  }
0x3be: {  	v51 =	vperm.xlane v28, v11;
	_ =	sdelay $0x1  }
0x3bf: {  	v52 =	vadd.s32 v3, v51  }
0x3c0: {  	v37 =	vadd.f32 v50, v37;
	_ =	sdelay $0x1  }
0x3c1: {  	v37 =	vmax.f32 v37, $0.0e+00  }
0x3c2: {  	[tilespmem:v22+s8+$0xFFFFFD00 ss:$0x1] =	vst.idx.msk $0xffff, v37  }
0x3c3: {  	v37 =	vld.idx.msk [tilespmem:v52+s3+$0x0], $0xffff  }
0x3c4: {  	v53 =	vld.idx.msk [tilespmem:v23+s8+$0xFFFFFD10 ss:$0x1], $0xffff;
	_ =	sdelay $0x3  }
0x3c5: {  	v54 =	vadd.s32 v5, v51  }
0x3c6: {  	v37 =	vadd.f32 v53, v37;
	_ =	sdelay $0x1  }
0x3c7: {  	v37 =	vmax.f32 v37, $0.0e+00  }
0x3c8: {  	[tilespmem:v22+s8+$0xFFFFFD10 ss:$0x1] =	vst.idx.msk $0xffff, v37  }
0x3c9: {  	v37 =	vld.idx.msk [tilespmem:v54+s3+$0x0], $0xffff  }
0x3ca: {  	v55 =	vld.idx.msk [tilespmem:v23+s8+$0xFFFFFD20 ss:$0x1], $0xffff;
	_ =	sdelay $0x3  }
0x3cb: {  	v56 =	vadd.s32 v6, v51  }
0x3cc: {  	v37 =	vadd.f32 v55, v37;
	_ =	sdelay $0x1  }
0x3cd: {  	v40 =	vadd.f32 v42, v40;
	v58 =	vadd.s32 v7, v36;
	v37 =	vmax.f32 v37, $0.0e+00  }
0x3ce: {  	[tilespmem:v22+s8+$0xFFFFFD20 ss:$0x1] =	vst.idx.msk $0xffff, v37  }
0x3cf: {  	v40 =	vmax.f32 v40, $0.0e+00;
	v37 =	vld.idx.msk [tilespmem:v56+s3+$0x0], $0xffff  }
0x3d0: {  	[tilespmem:v22+s7+$0xFFFFFD30 ss:$0x1] =	vst.idx.msk $0xffff, v40;
	v57 =	vld.idx.msk [tilespmem:v23+s8+$0xFFFFFD30 ss:$0x1], $0xffff  }
0x3d1: {  	v40 =	vld.idx.msk [tilespmem:v23+s7+$0xFFFFFD40 ss:$0x1], $0xffff  }
0x3d2: {  	v36 =	vld.idx.msk [tilespmem:v58+s3+$0x0], $0xffff;
	_ =	sdelay $0x1  }
0x3d3: {  	v59 =	vadd.s32 v7, v51;
	v60 =	vperm.xlane v27, v12  }
0x3d4: {  	v37 =	vadd.f32 v57, v37  }
0x3d5: {  	v62 =	vadd.s32 v3, v60  }
0x3d6: {  	v36 =	vadd.f32 v40, v36;
	v37 =	vmax.f32 v37, $0.0e+00  }
0x3d7: {  	[tilespmem:v22+s8+$0xFFFFFD30 ss:$0x1] =	vst.idx.msk $0xffff, v37  }
0x3d8: {  	v36 =	vmax.f32 v36, $0.0e+00;
	v37 =	vld.idx.msk [tilespmem:v59+s3+$0x0], $0xffff  }
0x3d9: {  	[tilespmem:v22+s7+$0xFFFFFD40 ss:$0x1] =	vst.idx.msk $0xffff, v36;
	v61 =	vld.idx.msk [tilespmem:v23+s8+$0xFFFFFD40 ss:$0x1], $0xffff  }
0x3da: {  	v36 =	vld.idx.msk [tilespmem:v62+s3+$0x0], $0xffff  }
0x3db: {  	v63 =	vperm.xlane v28, v12;
	v48 =	vld.idx.msk [tilespmem:v23+s7+$0xFFFFFD50 ss:$0x1], $0xffff;
	_ =	sdelay $0x1  }
0x3dc: {  	v47 =	vadd.s32 v3, v63  }
0x3dd: {  	v37 =	vadd.f32 v61, v37;
	_ =	sdelay $0x1  }
0x3de: {  	v36 =	vadd.f32 v48, v36;
	v50 =	vadd.s32 v5, v60;
	v37 =	vmax.f32 v37, $0.0e+00  }
0x3df: {  	[tilespmem:v22+s8+$0xFFFFFD40 ss:$0x1] =	vst.idx.msk $0xffff, v37  }
0x3e0: {  	v36 =	vmax.f32 v36, $0.0e+00;
	v37 =	vld.idx.msk [tilespmem:v47+s3+$0x0], $0xffff  }
0x3e1: {  	[tilespmem:v22+s7+$0xFFFFFD50 ss:$0x1] =	vst.idx.msk $0xffff, v36;
	v49 =	vld.idx.msk [tilespmem:v23+s8+$0xFFFFFD50 ss:$0x1], $0xffff  }
0x3e2: {  	v52 =	vld.idx.msk [tilespmem:v23+s7+$0xFFFFFD60 ss:$0x1], $0xffff  }
0x3e3: {  	v36 =	vld.idx.msk [tilespmem:v50+s3+$0x0], $0xffff;
	_ =	sdelay $0x1  }
0x3e4: {  	v51 =	vadd.s32 v5, v63  }
0x3e5: {  	v37 =	vadd.f32 v49, v37  }
0x3e6: {  	v54 =	vadd.s32 v6, v60  }
0x3e7: {  	v36 =	vadd.f32 v52, v36;
	v37 =	vmax.f32 v37, $0.0e+00  }
0x3e8: {  	[tilespmem:v22+s8+$0xFFFFFD50 ss:$0x1] =	vst.idx.msk $0xffff, v37  }
0x3e9: {  	v36 =	vmax.f32 v36, $0.0e+00;
	v37 =	vld.idx.msk [tilespmem:v51+s3+$0x0], $0xffff  }
0x3ea: {  	[tilespmem:v22+s7+$0xFFFFFD60 ss:$0x1] =	vst.idx.msk $0xffff, v36;
	v53 =	vld.idx.msk [tilespmem:v23+s8+$0xFFFFFD60 ss:$0x1], $0xffff  }
0x3eb: {  	v36 =	vld.idx.msk [tilespmem:v54+s3+$0x0], $0xffff  }
0x3ec: {  	v56 =	vld.idx.msk [tilespmem:v23+s7+$0xFFFFFD70 ss:$0x1], $0xffff;
	_ =	sdelay $0x1  }
0x3ed: {  	v55 =	vadd.s32 v6, v63  }
0x3ee: {  	v37 =	vadd.f32 v53, v37  }
0x3ef: {  	v41 =	vadd.s32 v7, v60  }
0x3f0: {  	v36 =	vadd.f32 v56, v36;
	v37 =	vmax.f32 v37, $0.0e+00  }
0x3f1: {  	[tilespmem:v22+s8+$0xFFFFFD60 ss:$0x1] =	vst.idx.msk $0xffff, v37  }
0x3f2: {  	v36 =	vmax.f32 v36, $0.0e+00;
	v37 =	vld.idx.msk [tilespmem:v55+s3+$0x0], $0xffff  }
0x3f3: {  	[tilespmem:v22+s7+$0xFFFFFD70 ss:$0x1] =	vst.idx.msk $0xffff, v36;
	v57 =	vld.idx.msk [tilespmem:v23+s8+$0xFFFFFD70 ss:$0x1], $0xffff  }
0x3f4: {  	v36 =	vld.idx.msk [tilespmem:v41+s3+$0x0], $0xffff  }
0x3f5: {  	v59 =	vld.idx.msk [tilespmem:v23+s7+$0xFFFFFD80 ss:$0x1], $0xffff;
	_ =	sdelay $0x1  }
0x3f6: {  	v58 =	vadd.s32 v7, v63;
	v60 =	vperm.xlane v27, v13  }
0x3f7: {  	v37 =	vadd.f32 v57, v37  }
0x3f8: {  	v62 =	vadd.s32 v3, v60  }
0x3f9: {  	v36 =	vadd.f32 v59, v36;
	v37 =	vmax.f32 v37, $0.0e+00  }
0x3fa: {  	[tilespmem:v22+s8+$0xFFFFFD70 ss:$0x1] =	vst.idx.msk $0xffff, v37  }
0x3fb: {  	v36 =	vmax.f32 v36, $0.0e+00;
	v37 =	vld.idx.msk [tilespmem:v58+s3+$0x0], $0xffff  }
0x3fc: {  	[tilespmem:v22+s7+$0xFFFFFD80 ss:$0x1] =	vst.idx.msk $0xffff, v36;
	v61 =	vld.idx.msk [tilespmem:v23+s8+$0xFFFFFD80 ss:$0x1], $0xffff  }
0x3fd: {  	v36 =	vld.idx.msk [tilespmem:v62+s3+$0x0], $0xffff  }
0x3fe: {  	v63 =	vperm.xlane v28, v13;
	v48 =	vld.idx.msk [tilespmem:v23+s7+$0xFFFFFD90 ss:$0x1], $0xffff;
	_ =	sdelay $0x1  }
0x3ff: {  	v47 =	vadd.s32 v3, v63  }
0x400: {  	v37 =	vadd.f32 v61, v37  }
0x401: {  	v50 =	vadd.s32 v5, v60  }
0x402: {  	v36 =	vadd.f32 v48, v36;
	v37 =	vmax.f32 v37, $0.0e+00  }
0x403: {  	[tilespmem:v22+s8+$0xFFFFFD80 ss:$0x1] =	vst.idx.msk $0xffff, v37  }
0x404: {  	v36 =	vmax.f32 v36, $0.0e+00;
	v37 =	vld.idx.msk [tilespmem:v47+s3+$0x0], $0xffff  }
0x405: {  	[tilespmem:v22+s7+$0xFFFFFD90 ss:$0x1] =	vst.idx.msk $0xffff, v36;
	v49 =	vld.idx.msk [tilespmem:v23+s8+$0xFFFFFD90 ss:$0x1], $0xffff  }
0x406: {  	v36 =	vld.idx.msk [tilespmem:v50+s3+$0x0], $0xffff  }
0x407: {  	v52 =	vld.idx.msk [tilespmem:v23+s7+$0xFFFFFDA0 ss:$0x1], $0xffff;
	_ =	sdelay $0x1  }
0x408: {  	v51 =	vadd.s32 v5, v63  }
0x409: {  	v37 =	vadd.f32 v49, v37  }
0x40a: {  	v54 =	vadd.s32 v6, v60  }
0x40b: {  	v36 =	vadd.f32 v52, v36;
	v37 =	vmax.f32 v37, $0.0e+00  }
0x40c: {  	[tilespmem:v22+s8+$0xFFFFFD90 ss:$0x1] =	vst.idx.msk $0xffff, v37  }
0x40d: {  	v36 =	vmax.f32 v36, $0.0e+00;
	v37 =	vld.idx.msk [tilespmem:v51+s3+$0x0], $0xffff  }
0x40e: {  	[tilespmem:v22+s7+$0xFFFFFDA0 ss:$0x1] =	vst.idx.msk $0xffff, v36;
	v53 =	vld.idx.msk [tilespmem:v23+s8+$0xFFFFFDA0 ss:$0x1], $0xffff  }
0x40f: {  	v36 =	vld.idx.msk [tilespmem:v54+s3+$0x0], $0xffff  }
0x410: {  	v56 =	vld.idx.msk [tilespmem:v23+s7+$0xFFFFFDB0 ss:$0x1], $0xffff;
	_ =	sdelay $0x1  }
0x411: {  	v55 =	vadd.s32 v6, v63  }
0x412: {  	v37 =	vadd.f32 v53, v37  }
0x413: {  	v41 =	vadd.s32 v7, v60  }
0x414: {  	v36 =	vadd.f32 v56, v36;
	v37 =	vmax.f32 v37, $0.0e+00  }
0x415: {  	[tilespmem:v22+s8+$0xFFFFFDA0 ss:$0x1] =	vst.idx.msk $0xffff, v37  }
0x416: {  	v36 =	vmax.f32 v36, $0.0e+00;
	v37 =	vld.idx.msk [tilespmem:v55+s3+$0x0], $0xffff  }
0x417: {  	[tilespmem:v22+s7+$0xFFFFFDB0 ss:$0x1] =	vst.idx.msk $0xffff, v36;
	v57 =	vld.idx.msk [tilespmem:v23+s8+$0xFFFFFDB0 ss:$0x1], $0xffff  }
0x418: {  	v36 =	vld.idx.msk [tilespmem:v41+s3+$0x0], $0xffff  }
0x419: {  	v59 =	vld.idx.msk [tilespmem:v23+s7+$0xFFFFFDC0 ss:$0x1], $0xffff;
	_ =	sdelay $0x1  }
0x41a: {  	v60 =	vperm.xlane v27, v14;
	v58 =	vadd.s32 v7, v63  }
0x41b: {  	v37 =	vadd.f32 v57, v37  }
0x41c: {  	v62 =	vadd.s32 v3, v60  }
0x41d: {  	v36 =	vadd.f32 v59, v36;
	v37 =	vmax.f32 v37, $0.0e+00  }
0x41e: {  	[tilespmem:v22+s8+$0xFFFFFDB0 ss:$0x1] =	vst.idx.msk $0xffff, v37  }
0x41f: {  	v36 =	vmax.f32 v36, $0.0e+00;
	v37 =	vld.idx.msk [tilespmem:v58+s3+$0x0], $0xffff  }
0x420: {  	[tilespmem:v22+s7+$0xFFFFFDC0 ss:$0x1] =	vst.idx.msk $0xffff, v36;
	v61 =	vld.idx.msk [tilespmem:v23+s8+$0xFFFFFDC0 ss:$0x1], $0xffff  }
0x421: {  	v36 =	vld.idx.msk [tilespmem:v62+s3+$0x0], $0xffff  }
0x422: {  	v63 =	vperm.xlane v28, v14;
	v46 =	vld.idx.msk [tilespmem:v23+s7+$0xFFFFFDD0 ss:$0x1], $0xffff;
	_ =	sdelay $0x1  }
0x423: {  	v45 =	vadd.s32 v3, v63  }
0x424: {  	v37 =	vadd.f32 v61, v37  }
0x425: {  	v48 =	vadd.s32 v5, v60  }
0x426: {  	v36 =	vadd.f32 v46, v36;
	v37 =	vmax.f32 v37, $0.0e+00  }
0x427: {  	[tilespmem:v22+s8+$0xFFFFFDC0 ss:$0x1] =	vst.idx.msk $0xffff, v37  }
0x428: {  	v36 =	vmax.f32 v36, $0.0e+00;
	v37 =	vld.idx.msk [tilespmem:v45+s3+$0x0], $0xffff  }
0x429: {  	[tilespmem:v22+s7+$0xFFFFFDD0 ss:$0x1] =	vst.idx.msk $0xffff, v36;
	v47 =	vld.idx.msk [tilespmem:v23+s8+$0xFFFFFDD0 ss:$0x1], $0xffff  }
0x42a: {  	v36 =	vld.idx.msk [tilespmem:v48+s3+$0x0], $0xffff  }
0x42b: {  	v50 =	vld.idx.msk [tilespmem:v23+s7+$0xFFFFFDE0 ss:$0x1], $0xffff;
	_ =	sdelay $0x1  }
0x42c: {  	v49 =	vadd.s32 v5, v63  }
0x42d: {  	v37 =	vadd.f32 v47, v37  }
0x42e: {  	v52 =	vadd.s32 v6, v60  }
0x42f: {  	v36 =	vadd.f32 v50, v36;
	v37 =	vmax.f32 v37, $0.0e+00  }
0x430: {  	[tilespmem:v22+s8+$0xFFFFFDD0 ss:$0x1] =	vst.idx.msk $0xffff, v37  }
0x431: {  	v36 =	vmax.f32 v36, $0.0e+00;
	v37 =	vld.idx.msk [tilespmem:v49+s3+$0x0], $0xffff  }
0x432: {  	[tilespmem:v22+s7+$0xFFFFFDE0 ss:$0x1] =	vst.idx.msk $0xffff, v36;
	v51 =	vld.idx.msk [tilespmem:v23+s8+$0xFFFFFDE0 ss:$0x1], $0xffff  }
0x433: {  	v36 =	vld.idx.msk [tilespmem:v52+s3+$0x0], $0xffff  }
0x434: {  	v54 =	vld.idx.msk [tilespmem:v23+s7+$0xFFFFFDF0 ss:$0x1], $0xffff  }
0x435: {  	v38 =	vadd.f32 v39, v38;
	v55 =	vadd.s32 v7, v33  }
0x436: {  	v53 =	vadd.s32 v6, v63  }
0x437: {  	v38 =	vmax.f32 v38, $0.0e+00;
	v37 =	vadd.f32 v51, v37  }
0x438: {  	[tilespmem:v22+s4+$0xFFFFFDF0 ss:$0x1] =	vst.idx.msk $0xffff, v38  }
0x439: {  	v59 =	vld.idx.msk [tilespmem:v23+s4+$0xFFFFFE00 ss:$0x1], $0xffff;
	v57 =	vadd.s32 v7, v60;
	v36 =	vadd.f32 v54, v36;
	v37 =	vmax.f32 v37, $0.0e+00  }
0x43a: {  	v33 =	vld.idx.msk [tilespmem:v55+s3+$0x0], $0xffff;
	[tilespmem:v22+s8+$0xFFFFFDE0 ss:$0x1] =	vst.idx.msk $0xffff, v37  }
0x43b: {  	v36 =	vmax.f32 v36, $0.0e+00;
	v37 =	vld.idx.msk [tilespmem:v53+s3+$0x0], $0xffff  }
0x43c: {  	[tilespmem:v22+s7+$0xFFFFFDF0 ss:$0x1] =	vst.idx.msk $0xffff, v36;
	v56 =	vld.idx.msk [tilespmem:v23+s8+$0xFFFFFDF0 ss:$0x1], $0xffff  }
0x43d: {  	v39 =	vperm.xlane v26, v15;
	v60 =	vld.idx.msk [tilespmem:v23+s7+$0xFFFFFE00 ss:$0x1], $0xffff  }
0x43e: {  	v36 =	vld.idx.msk [tilespmem:v57+s3+$0x0], $0xffff  }
0x43f: {  	v33 =	vadd.f32 v59, v33;
	v61 =	vadd.s32 v3, v39  }
0x440: {  	v42 =	vperm.xlane v27, v15;
	v58 =	vadd.s32 v7, v63  }
0x441: {  	v33 =	vmax.f32 v33, $0.0e+00;
	v37 =	vadd.f32 v56, v37  }
0x442: {  	v63 =	vadd.s32 v3, v42;
	[tilespmem:v22+s4+$0xFFFFFE00 ss:$0x1] =	vst.idx.msk $0xffff, v33  }
0x443: {  	v50 =	vld.idx.msk [tilespmem:v23+s4+$0xFFFFFE10 ss:$0x1], $0xffff;
	v36 =	vadd.f32 v60, v36;
	v37 =	vmax.f32 v37, $0.0e+00  }
0x444: {  	v38 =	vld.idx.msk [tilespmem:v61+s3+$0x0], $0xffff;
	[tilespmem:v22+s8+$0xFFFFFDF0 ss:$0x1] =	vst.idx.msk $0xffff, v37  }
0x445: {  	v36 =	vmax.f32 v36, $0.0e+00;
	v37 =	vld.idx.msk [tilespmem:v58+s3+$0x0], $0xffff  }
0x446: {  	[tilespmem:v22+s7+$0xFFFFFE00 ss:$0x1] =	vst.idx.msk $0xffff, v36;
	v62 =	vld.idx.msk [tilespmem:v23+s8+$0xFFFFFE00 ss:$0x1], $0xffff  }
0x447: {  	v36 =	vld.idx.msk [tilespmem:v63+s3+$0x0], $0xffff  }
0x448: {  	v48 =	vperm.xlane v28, v15;
	v51 =	vld.idx.msk [tilespmem:v23+s7+$0xFFFFFE10 ss:$0x1], $0xffff  }
0x449: {  	v52 =	vadd.s32 v5, v39;
	v38 =	vadd.f32 v50, v38  }
0x44a: {  	v49 =	vadd.s32 v3, v48  }
0x44b: {  	v38 =	vmax.f32 v38, $0.0e+00;
	v37 =	vadd.f32 v62, v37  }
0x44c: {  	v54 =	vadd.s32 v5, v42;
	[tilespmem:v22+s4+$0xFFFFFE10 ss:$0x1] =	vst.idx.msk $0xffff, v38  }
0x44d: {  	v36 =	vadd.f32 v51, v36;
	v56 =	vld.idx.msk [tilespmem:v23+s4+$0xFFFFFE20 ss:$0x1], $0xffff;
	v37 =	vmax.f32 v37, $0.0e+00  }
0x44e: {  	[tilespmem:v22+s8+$0xFFFFFE00 ss:$0x1] =	vst.idx.msk $0xffff, v37;
	v37 =	vld.idx.msk [tilespmem:v52+s3+$0x0], $0xffff  }
0x44f: {  	v36 =	vmax.f32 v36, $0.0e+00;
	v33 =	vld.idx.msk [tilespmem:v49+s3+$0x0], $0xffff  }
0x450: {  	[tilespmem:v22+s7+$0xFFFFFE10 ss:$0x1] =	vst.idx.msk $0xffff, v36;
	v53 =	vld.idx.msk [tilespmem:v23+s8+$0xFFFFFE10 ss:$0x1], $0xffff  }
0x451: {  	v36 =	vld.idx.msk [tilespmem:v54+s3+$0x0], $0xffff  }
0x452: {  	v57 =	vld.idx.msk [tilespmem:v23+s7+$0xFFFFFE20 ss:$0x1], $0xffff;
	v58 =	vadd.s32 v6, v39  }
0x453: {  	v37 =	vadd.f32 v56, v37  }
0x454: {  	v55 =	vadd.s32 v5, v48  }
0x455: {  	v33 =	vadd.f32 v53, v33;
	v37 =	vmax.f32 v37, $0.0e+00  }
0x456: {  	v60 =	vadd.s32 v6, v42;
	[tilespmem:v22+s4+$0xFFFFFE20 ss:$0x1] =	vst.idx.msk $0xffff, v37  }
0x457: {  	v36 =	vadd.f32 v57, v36;
	v33 =	vmax.f32 v33, $0.0e+00;
	v38 =	vld.idx.msk [tilespmem:v58+s3+$0x0], $0xffff  }
0x458: {  	[tilespmem:v22+s8+$0xFFFFFE10 ss:$0x1] =	vst.idx.msk $0xffff, v33;
	v62 =	vld.idx.msk [tilespmem:v23+s4+$0xFFFFFE30 ss:$0x1], $0xffff  }
0x459: {  	v36 =	vmax.f32 v36, $0.0e+00;
	v33 =	vld.idx.msk [tilespmem:v55+s3+$0x0], $0xffff  }
0x45a: {  	[tilespmem:v22+s7+$0xFFFFFE20 ss:$0x1] =	vst.idx.msk $0xffff, v36;
	v59 =	vld.idx.msk [tilespmem:v23+s8+$0xFFFFFE20 ss:$0x1], $0xffff  }
0x45b: {  	v36 =	vld.idx.msk [tilespmem:v60+s3+$0x0], $0xffff  }
0x45c: {  	v45 =	vadd.s32 v7, v39;
	v63 =	vld.idx.msk [tilespmem:v23+s7+$0xFFFFFE30 ss:$0x1], $0xffff  }
0x45d: {  	v38 =	vadd.f32 v62, v38  }
0x45e: {  	v61 =	vadd.s32 v6, v48  }
0x45f: {  	v33 =	vadd.f32 v59, v33;
	v38 =	vmax.f32 v38, $0.0e+00  }
0x460: {  	v47 =	vadd.s32 v7, v42;
	[tilespmem:v22+s4+$0xFFFFFE30 ss:$0x1] =	vst.idx.msk $0xffff, v38  }
0x461: {  	v36 =	vadd.f32 v63, v36;
	v33 =	vmax.f32 v33, $0.0e+00;
	v37 =	vld.idx.msk [tilespmem:v45+s3+$0x0], $0xffff  }
0x462: {  	[tilespmem:v22+s8+$0xFFFFFE20 ss:$0x1] =	vst.idx.msk $0xffff, v33;
	v49 =	vld.idx.msk [tilespmem:v23+s4+$0xFFFFFE40 ss:$0x1], $0xffff  }
0x463: {  	v36 =	vmax.f32 v36, $0.0e+00;
	v33 =	vld.idx.msk [tilespmem:v61+s3+$0x0], $0xffff  }
0x464: {  	v40 =	vperm.xlane v26, v16;
	[tilespmem:v22+s7+$0xFFFFFE30 ss:$0x1] =	vst.idx.msk $0xffff, v36;
	v46 =	vld.idx.msk [tilespmem:v23+s8+$0xFFFFFE30 ss:$0x1], $0xffff  }
0x465: {  	v36 =	vld.idx.msk [tilespmem:v47+s3+$0x0], $0xffff  }
0x466: {  	v51 =	vadd.s32 v3, v40;
	v50 =	vld.idx.msk [tilespmem:v23+s7+$0xFFFFFE40 ss:$0x1], $0xffff  }
0x467: {  	v37 =	vadd.f32 v49, v37  }
0x468: {  	v42 =	vperm.xlane v27, v16;
	v48 =	vadd.s32 v7, v48  }
0x469: {  	v33 =	vadd.f32 v46, v33;
	v37 =	vmax.f32 v37, $0.0e+00  }
0x46a: {  	v53 =	vadd.s32 v3, v42;
	[tilespmem:v22+s4+$0xFFFFFE40 ss:$0x1] =	vst.idx.msk $0xffff, v37  }
0x46b: {  	v36 =	vadd.f32 v50, v36;
	v33 =	vmax.f32 v33, $0.0e+00;
	v38 =	vld.idx.msk [tilespmem:v51+s3+$0x0], $0xffff  }
0x46c: {  	[tilespmem:v22+s8+$0xFFFFFE30 ss:$0x1] =	vst.idx.msk $0xffff, v33;
	v56 =	vld.idx.msk [tilespmem:v23+s4+$0xFFFFFE50 ss:$0x1], $0xffff  }
0x46d: {  	v36 =	vmax.f32 v36, $0.0e+00;
	v33 =	vld.idx.msk [tilespmem:v48+s3+$0x0], $0xffff  }
0x46e: {  	[tilespmem:v22+s7+$0xFFFFFE40 ss:$0x1] =	vst.idx.msk $0xffff, v36;
	v52 =	vld.idx.msk [tilespmem:v23+s8+$0xFFFFFE40 ss:$0x1], $0xffff  }
0x46f: {  	v36 =	vld.idx.msk [tilespmem:v53+s3+$0x0], $0xffff  }
0x470: {  	v54 =	vperm.xlane v28, v16;
	v58 =	vadd.s32 v5, v40;
	v57 =	vld.idx.msk [tilespmem:v23+s7+$0xFFFFFE50 ss:$0x1], $0xffff  }
0x471: {  	v38 =	vadd.f32 v56, v38  }
0x472: {  	v55 =	vadd.s32 v3, v54  }
0x473: {  	v33 =	vadd.f32 v52, v33;
	v38 =	vmax.f32 v38, $0.0e+00  }
0x474: {  	v60 =	vadd.s32 v5, v42;
	[tilespmem:v22+s4+$0xFFFFFE50 ss:$0x1] =	vst.idx.msk $0xffff, v38  }
0x475: {  	v36 =	vadd.f32 v57, v36;
	v33 =	vmax.f32 v33, $0.0e+00;
	v37 =	vld.idx.msk [tilespmem:v58+s3+$0x0], $0xffff  }
0x476: {  	[tilespmem:v22+s8+$0xFFFFFE40 ss:$0x1] =	vst.idx.msk $0xffff, v33;
	v62 =	vld.idx.msk [tilespmem:v23+s4+$0xFFFFFE60 ss:$0x1], $0xffff  }
0x477: {  	v36 =	vmax.f32 v36, $0.0e+00;
	v33 =	vld.idx.msk [tilespmem:v55+s3+$0x0], $0xffff  }
0x478: {  	[tilespmem:v22+s7+$0xFFFFFE50 ss:$0x1] =	vst.idx.msk $0xffff, v36;
	v59 =	vld.idx.msk [tilespmem:v23+s8+$0xFFFFFE50 ss:$0x1], $0xffff  }
0x479: {  	v36 =	vld.idx.msk [tilespmem:v60+s3+$0x0], $0xffff  }
0x47a: {  	v45 =	vadd.s32 v6, v40;
	v63 =	vld.idx.msk [tilespmem:v23+s7+$0xFFFFFE60 ss:$0x1], $0xffff  }
0x47b: {  	v37 =	vadd.f32 v62, v37  }
0x47c: {  	v61 =	vadd.s32 v5, v54  }
0x47d: {  	v33 =	vadd.f32 v59, v33;
	v37 =	vmax.f32 v37, $0.0e+00  }
0x47e: {  	v47 =	vadd.s32 v6, v42;
	[tilespmem:v22+s4+$0xFFFFFE60 ss:$0x1] =	vst.idx.msk $0xffff, v37  }
0x47f: {  	v36 =	vadd.f32 v63, v36;
	v33 =	vmax.f32 v33, $0.0e+00;
	v38 =	vld.idx.msk [tilespmem:v45+s3+$0x0], $0xffff  }
0x480: {  	[tilespmem:v22+s8+$0xFFFFFE50 ss:$0x1] =	vst.idx.msk $0xffff, v33;
	v49 =	vld.idx.msk [tilespmem:v23+s4+$0xFFFFFE70 ss:$0x1], $0xffff  }
0x481: {  	v36 =	vmax.f32 v36, $0.0e+00;
	v33 =	vld.idx.msk [tilespmem:v61+s3+$0x0], $0xffff  }
0x482: {  	[tilespmem:v22+s7+$0xFFFFFE60 ss:$0x1] =	vst.idx.msk $0xffff, v36;
	v46 =	vld.idx.msk [tilespmem:v23+s8+$0xFFFFFE60 ss:$0x1], $0xffff  }
0x483: {  	v36 =	vld.idx.msk [tilespmem:v47+s3+$0x0], $0xffff  }
0x484: {  	v51 =	vadd.s32 v7, v40;
	v50 =	vld.idx.msk [tilespmem:v23+s7+$0xFFFFFE70 ss:$0x1], $0xffff  }
0x485: {  	v38 =	vadd.f32 v49, v38  }
0x486: {  	v48 =	vadd.s32 v6, v54  }
0x487: {  	v33 =	vadd.f32 v46, v33;
	v38 =	vmax.f32 v38, $0.0e+00  }
0x488: {  	v53 =	vadd.s32 v7, v42;
	[tilespmem:v22+s4+$0xFFFFFE70 ss:$0x1] =	vst.idx.msk $0xffff, v38  }
0x489: {  	v36 =	vadd.f32 v50, v36;
	v33 =	vmax.f32 v33, $0.0e+00;
	v37 =	vld.idx.msk [tilespmem:v51+s3+$0x0], $0xffff  }
0x48a: {  	[tilespmem:v22+s8+$0xFFFFFE60 ss:$0x1] =	vst.idx.msk $0xffff, v33;
	v55 =	vld.idx.msk [tilespmem:v23+s4+$0xFFFFFE80 ss:$0x1], $0xffff  }
0x48b: {  	v36 =	vmax.f32 v36, $0.0e+00;
	v33 =	vld.idx.msk [tilespmem:v48+s3+$0x0], $0xffff  }
0x48c: {  	v40 =	vperm.xlane v26, v17;
	[tilespmem:v22+s7+$0xFFFFFE70 ss:$0x1] =	vst.idx.msk $0xffff, v36;
	v52 =	vld.idx.msk [tilespmem:v23+s8+$0xFFFFFE70 ss:$0x1], $0xffff  }
0x48d: {  	v36 =	vld.idx.msk [tilespmem:v53+s3+$0x0], $0xffff  }
0x48e: {  	v57 =	vadd.s32 v3, v40;
	v56 =	vld.idx.msk [tilespmem:v23+s7+$0xFFFFFE80 ss:$0x1], $0xffff  }
0x48f: {  	v37 =	vadd.f32 v55, v37  }
0x490: {  	v42 =	vperm.xlane v27, v17;
	v54 =	vadd.s32 v7, v54  }
0x491: {  	v33 =	vadd.f32 v52, v33;
	v37 =	vmax.f32 v37, $0.0e+00  }
0x492: {  	v59 =	vadd.s32 v3, v42;
	[tilespmem:v22+s4+$0xFFFFFE80 ss:$0x1] =	vst.idx.msk $0xffff, v37  }
0x493: {  	v36 =	vadd.f32 v56, v36;
	v33 =	vmax.f32 v33, $0.0e+00;
	v38 =	vld.idx.msk [tilespmem:v57+s3+$0x0], $0xffff  }
0x494: {  	[tilespmem:v22+s8+$0xFFFFFE70 ss:$0x1] =	vst.idx.msk $0xffff, v33;
	v61 =	vld.idx.msk [tilespmem:v23+s4+$0xFFFFFE90 ss:$0x1], $0xffff  }
0x495: {  	v36 =	vmax.f32 v36, $0.0e+00;
	v33 =	vld.idx.msk [tilespmem:v54+s3+$0x0], $0xffff  }
0x496: {  	[tilespmem:v22+s7+$0xFFFFFE80 ss:$0x1] =	vst.idx.msk $0xffff, v36;
	v58 =	vld.idx.msk [tilespmem:v23+s8+$0xFFFFFE80 ss:$0x1], $0xffff  }
0x497: {  	v36 =	vld.idx.msk [tilespmem:v59+s3+$0x0], $0xffff  }
0x498: {  	v44 =	vperm.xlane v28, v17;
	v63 =	vadd.s32 v5, v40;
	v62 =	vld.idx.msk [tilespmem:v23+s7+$0xFFFFFE90 ss:$0x1], $0xffff  }
0x499: {  	v38 =	vadd.f32 v61, v38  }
0x49a: {  	v60 =	vadd.s32 v3, v44  }
0x49b: {  	v33 =	vadd.f32 v58, v33;
	v38 =	vmax.f32 v38, $0.0e+00  }
0x49c: {  	v46 =	vadd.s32 v5, v42;
	[tilespmem:v22+s4+$0xFFFFFE90 ss:$0x1] =	vst.idx.msk $0xffff, v38  }
0x49d: {  	v36 =	vadd.f32 v62, v36;
	v33 =	vmax.f32 v33, $0.0e+00;
	v37 =	vld.idx.msk [tilespmem:v63+s3+$0x0], $0xffff  }
0x49e: {  	[tilespmem:v22+s8+$0xFFFFFE80 ss:$0x1] =	vst.idx.msk $0xffff, v33;
	v48 =	vld.idx.msk [tilespmem:v23+s4+$0xFFFFFEA0 ss:$0x1], $0xffff  }
0x49f: {  	v36 =	vmax.f32 v36, $0.0e+00;
	v33 =	vld.idx.msk [tilespmem:v60+s3+$0x0], $0xffff  }
0x4a0: {  	[tilespmem:v22+s7+$0xFFFFFE90 ss:$0x1] =	vst.idx.msk $0xffff, v36;
	v45 =	vld.idx.msk [tilespmem:v23+s8+$0xFFFFFE90 ss:$0x1], $0xffff  }
0x4a1: {  	v36 =	vld.idx.msk [tilespmem:v46+s3+$0x0], $0xffff  }
0x4a2: {  	v53 =	vadd.s32 v6, v40;
	v50 =	vld.idx.msk [tilespmem:v23+s7+$0xFFFFFEA0 ss:$0x1], $0xffff  }
0x4a3: {  	v37 =	vadd.f32 v48, v37  }
0x4a4: {  	v47 =	vadd.s32 v5, v44  }
0x4a5: {  	v33 =	vadd.f32 v45, v33;
	v37 =	vmax.f32 v37, $0.0e+00  }
0x4a6: {  	v51 =	vadd.f32 v35, v34;
	[tilespmem:v22+s4+$0xFFFFFEA0 ss:$0x1] =	vst.idx.msk $0xffff, v37  }
0x4a7: {  	v55 =	vadd.s32 v6, v42;
	v36 =	vadd.f32 v50, v36;
	v33 =	vmax.f32 v33, $0.0e+00;
	v35 =	vld.idx.msk [tilespmem:v53+s3+$0x0], $0xffff  }
0x4a8: {  	v49 =	vadd.s32 v6, v32;
	[tilespmem:v22+s8+$0xFFFFFE90 ss:$0x1] =	vst.idx.msk $0xffff, v33;
	v59 =	vld.idx.msk [tilespmem:v23+s4+$0xFFFFFEB0 ss:$0x1], $0xffff  }
0x4a9: {  	v36 =	vmax.f32 v36, $0.0e+00;
	v52 =	vld.idx.msk [tilespmem:v47+s3+$0x0], $0xffff  }
0x4aa: {  	[tilespmem:v22+s7+$0xFFFFFEA0 ss:$0x1] =	vst.idx.msk $0xffff, v36;
	v54 =	vld.idx.msk [tilespmem:v23+s8+$0xFFFFFEA0 ss:$0x1], $0xffff  }
0x4ab: {  	v36 =	vld.idx.msk [tilespmem:v23+s7+$0xFFFFFEB0 ss:$0x1], $0xffff;
	v33 =	vmax.f32 v51, $0.0e+00  }
0x4ac: {  	v62 =	vadd.s32 v7, v40;
	[tilespmem:v22+s29+$0xFFFFFEA0 ss:$0x1] =	vst.idx.msk $0xffff, v33;
	v33 =	vld.idx.msk [tilespmem:v55+s3+$0x0], $0xffff  }
0x4ad: {  	v56 =	vld.idx.msk [tilespmem:v49+s3+$0x0], $0xffff;
	v35 =	vadd.f32 v59, v35  }
0x4ae: {  	v58 =	vadd.s32 v6, v44;
	v57 =	vld.idx.msk [tilespmem:v23+s29+$0xFFFFFEB0 ss:$0x1], $0xffff  }
0x4af: {  	v34 =	vadd.f32 v54, v52;
	v35 =	vmax.f32 v35, $0.0e+00  }
0x4b0: {  	v45 =	vadd.s32 v7, v42;
	[tilespmem:v22+s4+$0xFFFFFEB0 ss:$0x1] =	vst.idx.msk $0xffff, v35  }
0x4b1: {  	v33 =	vadd.f32 v36, v33;
	v34 =	vmax.f32 v34, $0.0e+00;
	v48 =	vld.idx.msk [tilespmem:v62+s3+$0x0], $0xffff  }
0x4b2: {  	v60 =	vadd.s32 v7, v32;
	[tilespmem:v22+s8+$0xFFFFFEA0 ss:$0x1] =	vst.idx.msk $0xffff, v34;
	v49 =	vld.idx.msk [tilespmem:v23+s4+$0xFFFFFEC0 ss:$0x1], $0xffff  }
0x4b3: {  	v61 =	vadd.f32 v57, v56;
	v33 =	vmax.f32 v33, $0.0e+00;
	v37 =	vld.idx.msk [tilespmem:v58+s3+$0x0], $0xffff  }
0x4b4: {  	v41 =	vperm.xlane v26, v18;
	[tilespmem:v22+s7+$0xFFFFFEB0 ss:$0x1] =	vst.idx.msk $0xffff, v33;
	v63 =	vld.idx.msk [tilespmem:v23+s8+$0xFFFFFEB0 ss:$0x1], $0xffff  }
0x4b5: {  	v34 =	vmax.f32 v61, $0.0e+00;
	v33 =	vld.idx.msk [tilespmem:v45+s3+$0x0], $0xffff  }
0x4b6: {  	v53 =	vadd.s32 v3, v41;
	[tilespmem:v22+s29+$0xFFFFFEB0 ss:$0x1] =	vst.idx.msk $0xffff, v34;
	v52 =	vld.idx.msk [tilespmem:v23+s7+$0xFFFFFEC0 ss:$0x1], $0xffff  }
0x4b7: {  	v32 =	vld.idx.msk [tilespmem:v60+s3+$0x0], $0xffff;
	v38 =	vadd.f32 v49, v48  }
0x4b8: {  	v47 =	vadd.s32 v7, v44;
	v46 =	vld.idx.msk [tilespmem:v23+s29+$0xFFFFFEC0 ss:$0x1], $0xffff  }
0x4b9: {  	v36 =	vperm.xlane v27, v18;
	v37 =	vadd.f32 v63, v37;
	v38 =	vmax.f32 v38, $0.0e+00  }
0x4ba: {  	[tilespmem:v22+s4+$0xFFFFFEC0 ss:$0x1] =	vst.idx.msk $0xffff, v38  }
0x4bb: {  	v39 =	vperm.xlane v25, v18;
	v55 =	vadd.s32 v3, v36;
	v50 =	vmax.f32 v37, $0.0e+00;
	v35 =	vld.idx.msk [tilespmem:v53+s3+$0x0], $0xffff  }
0x4bc: {  	v33 =	vadd.f32 v52, v33;
	[tilespmem:v22+s8+$0xFFFFFEB0 ss:$0x1] =	vst.idx.msk $0xffff, v50;
	v58 =	vld.idx.msk [tilespmem:v23+s4+$0xFFFFFED0 ss:$0x1], $0xffff  }
0x4bd: {  	v51 =	vadd.s32 v3, v39;
	v32 =	vadd.f32 v46, v32;
	v34 =	vld.idx.msk [tilespmem:v47+s3+$0x0], $0xffff  }
0x4be: {  	v33 =	vmax.f32 v33, $0.0e+00;
	v54 =	vld.idx.msk [tilespmem:v23+s8+$0xFFFFFEC0 ss:$0x1], $0xffff  }
0x4bf: {  	v32 =	vmax.f32 v32, $0.0e+00;
	[tilespmem:v22+s7+$0xFFFFFEC0 ss:$0x1] =	vst.idx.msk $0xffff, v33  }
0x4c0: {  	v40 =	vperm.xlane v28, v18;
	v45 =	vadd.s32 v5, v41;
	[tilespmem:v22+s29+$0xFFFFFEC0 ss:$0x1] =	vst.idx.msk $0xffff, v32;
	v32 =	vld.idx.msk [tilespmem:v55+s3+$0x0], $0xffff  }
0x4c1: {  	v61 =	vld.idx.msk [tilespmem:v23+s7+$0xFFFFFED0 ss:$0x1], $0xffff;
	v35 =	vadd.f32 v58, v35  }
0x4c2: {  	v57 =	vadd.s32 v3, v40;
	v37 =	vld.idx.msk [tilespmem:v51+s3+$0x0], $0xffff  }
0x4c3: {  	v56 =	vld.idx.msk [tilespmem:v23+s29+$0xFFFFFED0 ss:$0x1], $0xffff;
	v34 =	vadd.f32 v54, v34;
	v35 =	vmax.f32 v35, $0.0e+00  }
0x4c4: {  	[tilespmem:v22+s4+$0xFFFFFED0 ss:$0x1] =	vst.idx.msk $0xffff, v35  }
0x4c5: {  	v47 =	vadd.s32 v5, v36;
	v59 =	vmax.f32 v34, $0.0e+00;
	v38 =	vld.idx.msk [tilespmem:v45+s3+$0x0], $0xffff  }
0x4c6: {  	v32 =	vadd.f32 v61, v32;
	[tilespmem:v22+s8+$0xFFFFFEC0 ss:$0x1] =	vst.idx.msk $0xffff, v59;
	v50 =	vld.idx.msk [tilespmem:v23+s4+$0xFFFFFEE0 ss:$0x1], $0xffff  }
0x4c7: {  	v60 =	vadd.s32 v5, v39;
	v63 =	vld.idx.msk [tilespmem:v57+s3+$0x0], $0xffff  }
0x4c8: {  	v62 =	vadd.f32 v56, v37;
	v32 =	vmax.f32 v32, $0.0e+00;
	v46 =	vld.idx.msk [tilespmem:v23+s8+$0xFFFFFED0 ss:$0x1], $0xffff  }
0x4c9: {  	[tilespmem:v22+s7+$0xFFFFFED0 ss:$0x1] =	vst.idx.msk $0xffff, v32  }
0x4ca: {  	v56 =	vadd.s32 v6, v41;
	v33 =	vmax.f32 v62, $0.0e+00;
	v32 =	vld.idx.msk [tilespmem:v47+s3+$0x0], $0xffff  }
0x4cb: {  	[tilespmem:v22+s29+$0xFFFFFED0 ss:$0x1] =	vst.idx.msk $0xffff, v33;
	v53 =	vld.idx.msk [tilespmem:v23+s7+$0xFFFFFEE0 ss:$0x1], $0xffff;
	v38 =	vadd.f32 v50, v38  }
0x4cc: {  	v49 =	vadd.s32 v5, v40;
	v34 =	vld.idx.msk [tilespmem:v60+s3+$0x0], $0xffff  }
0x4cd: {  	v48 =	vld.idx.msk [tilespmem:v23+s29+$0xFFFFFEE0 ss:$0x1], $0xffff;
	v37 =	vadd.f32 v46, v63;
	v38 =	vmax.f32 v38, $0.0e+00  }
0x4ce: {  	[tilespmem:v22+s4+$0xFFFFFEE0 ss:$0x1] =	vst.idx.msk $0xffff, v38  }
0x4cf: {  	v58 =	vadd.s32 v6, v36;
	v51 =	vmax.f32 v37, $0.0e+00;
	v35 =	vld.idx.msk [tilespmem:v56+s3+$0x0], $0xffff  }
0x4d0: {  	v32 =	vadd.f32 v53, v32;
	[tilespmem:v22+s8+$0xFFFFFED0 ss:$0x1] =	vst.idx.msk $0xffff, v51;
	v61 =	vld.idx.msk [tilespmem:v23+s4+$0xFFFFFEF0 ss:$0x1], $0xffff  }
0x4d1: {  	v52 =	vadd.s32 v6, v39;
	v55 =	vld.idx.msk [tilespmem:v49+s3+$0x0], $0xffff  }
0x4d2: {  	v54 =	vadd.f32 v48, v34;
	v32 =	vmax.f32 v32, $0.0e+00;
	v57 =	vld.idx.msk [tilespmem:v23+s8+$0xFFFFFEE0 ss:$0x1], $0xffff  }
0x4d3: {  	[tilespmem:v22+s7+$0xFFFFFEE0 ss:$0x1] =	vst.idx.msk $0xffff, v32  }
0x4d4: {  	v47 =	vadd.s32 v7, v41;
	v33 =	vmax.f32 v54, $0.0e+00;
	v32 =	vld.idx.msk [tilespmem:v58+s3+$0x0], $0xffff  }
0x4d5: {  	[tilespmem:v22+s29+$0xFFFFFEE0 ss:$0x1] =	vst.idx.msk $0xffff, v33;
	v44 =	vld.idx.msk [tilespmem:v23+s7+$0xFFFFFEF0 ss:$0x1], $0xffff;
	v35 =	vadd.f32 v61, v35  }
0x4d6: {  	v60 =	vadd.s32 v6, v40;
	v37 =	vld.idx.msk [tilespmem:v52+s3+$0x0], $0xffff  }
0x4d7: {  	v59 =	vld.idx.msk [tilespmem:v23+s29+$0xFFFFFEF0 ss:$0x1], $0xffff;
	v34 =	vadd.f32 v57, v55;
	v35 =	vmax.f32 v35, $0.0e+00  }
0x4d8: {  	[tilespmem:v22+s4+$0xFFFFFEF0 ss:$0x1] =	vst.idx.msk $0xffff, v35  }
0x4d9: {  	v49 =	vadd.s32 v7, v36;
	v62 =	vmax.f32 v34, $0.0e+00;
	v38 =	vld.idx.msk [tilespmem:v47+s3+$0x0], $0xffff  }
0x4da: {  	v32 =	vadd.f32 v44, v32;
	[tilespmem:v22+s8+$0xFFFFFEE0 ss:$0x1] =	vst.idx.msk $0xffff, v62;
	v52 =	vld.idx.msk [tilespmem:v23+s4+$0xFFFFFF00 ss:$0x1], $0xffff  }
0x4db: {  	v63 =	vadd.s32 v7, v39;
	v46 =	vld.idx.msk [tilespmem:v60+s3+$0x0], $0xffff  }
0x4dc: {  	v41 =	vperm.xlane v26, v2;
	v45 =	vadd.f32 v59, v37;
	v32 =	vmax.f32 v32, $0.0e+00;
	v48 =	vld.idx.msk [tilespmem:v23+s8+$0xFFFFFEF0 ss:$0x1], $0xffff  }
0x4dd: {  	[tilespmem:v22+s7+$0xFFFFFEF0 ss:$0x1] =	vst.idx.msk $0xffff, v32  }
0x4de: {  	v58 =	vadd.s32 v3, v41;
	v33 =	vmax.f32 v45, $0.0e+00;
	v32 =	vld.idx.msk [tilespmem:v49+s3+$0x0], $0xffff  }
0x4df: {  	[tilespmem:v22+s29+$0xFFFFFEF0 ss:$0x1] =	vst.idx.msk $0xffff, v33;
	v55 =	vld.idx.msk [tilespmem:v23+s7+$0xFFFFFF00 ss:$0x1], $0xffff;
	v38 =	vadd.f32 v52, v38  }
0x4e0: {  	v51 =	vadd.s32 v7, v40;
	v34 =	vld.idx.msk [tilespmem:v63+s3+$0x0], $0xffff  }
0x4e1: {  	v36 =	vperm.xlane v27, v2;
	v50 =	vld.idx.msk [tilespmem:v23+s29+$0xFFFFFF00 ss:$0x1], $0xffff;
	v37 =	vadd.f32 v48, v46;
	v38 =	vmax.f32 v38, $0.0e+00  }
0x4e2: {  	[tilespmem:v22+s4+$0xFFFFFF00 ss:$0x1] =	vst.idx.msk $0xffff, v38  }
0x4e3: {  	v39 =	vperm.xlane v25, v2;
	v60 =	vadd.s32 v3, v36;
	v53 =	vmax.f32 v37, $0.0e+00;
	v35 =	vld.idx.msk [tilespmem:v58+s3+$0x0], $0xffff  }
0x4e4: {  	v32 =	vadd.f32 v55, v32;
	[tilespmem:v22+s8+$0xFFFFFEF0 ss:$0x1] =	vst.idx.msk $0xffff, v53;
	v63 =	vld.idx.msk [tilespmem:v23+s4+$0xFFFFFF10 ss:$0x1], $0xffff  }
0x4e5: {  	v54 =	vadd.s32 v3, v39;
	v57 =	vld.idx.msk [tilespmem:v51+s3+$0x0], $0xffff  }
0x4e6: {  	v56 =	vadd.f32 v50, v34;
	v32 =	vmax.f32 v32, $0.0e+00;
	v59 =	vld.idx.msk [tilespmem:v23+s8+$0xFFFFFF00 ss:$0x1], $0xffff  }
0x4e7: {  	[tilespmem:v22+s7+$0xFFFFFF00 ss:$0x1] =	vst.idx.msk $0xffff, v32  }
0x4e8: {  	v40 =	vperm.xlane v28, v2;
	v33 =	vmax.f32 v56, $0.0e+00;
	v53 =	vadd.s32 v5, v41;
	v32 =	vld.idx.msk [tilespmem:v60+s3+$0x0], $0xffff  }
0x4e9: {  	[tilespmem:v22+s29+$0xFFFFFF00 ss:$0x1] =	vst.idx.msk $0xffff, v33;
	v50 =	vld.idx.msk [tilespmem:v23+s7+$0xFFFFFF10 ss:$0x1], $0xffff;
	v35 =	vadd.f32 v63, v35  }
0x4ea: {  	v62 =	vadd.s32 v3, v40;
	v37 =	vld.idx.msk [tilespmem:v54+s3+$0x0], $0xffff  }
0x4eb: {  	v61 =	vld.idx.msk [tilespmem:v23+s29+$0xFFFFFF10 ss:$0x1], $0xffff;
	v34 =	vadd.f32 v59, v57;
	v35 =	vmax.f32 v35, $0.0e+00  }
0x4ec: {  	[tilespmem:v22+s4+$0xFFFFFF10 ss:$0x1] =	vst.idx.msk $0xffff, v35  }
0x4ed: {  	v55 =	vadd.s32 v5, v36;
	v48 =	vmax.f32 v34, $0.0e+00;
	v38 =	vld.idx.msk [tilespmem:v53+s3+$0x0], $0xffff  }
0x4ee: {  	v32 =	vadd.f32 v50, v32;
	[tilespmem:v22+s8+$0xFFFFFF00 ss:$0x1] =	vst.idx.msk $0xffff, v48;
	v58 =	vld.idx.msk [tilespmem:v23+s4+$0xFFFFFF20 ss:$0x1], $0xffff  }
0x4ef: {  	v49 =	vadd.s32 v5, v39;
	v52 =	vld.idx.msk [tilespmem:v62+s3+$0x0], $0xffff  }
0x4f0: {  	v51 =	vadd.f32 v61, v37;
	v32 =	vmax.f32 v32, $0.0e+00;
	v54 =	vld.idx.msk [tilespmem:v23+s8+$0xFFFFFF10 ss:$0x1], $0xffff  }
0x4f1: {  	[tilespmem:v22+s7+$0xFFFFFF10 ss:$0x1] =	vst.idx.msk $0xffff, v32  }
0x4f2: {  	v45 =	vadd.s32 v6, v41;
	v33 =	vmax.f32 v51, $0.0e+00;
	v32 =	vld.idx.msk [tilespmem:v55+s3+$0x0], $0xffff  }
0x4f3: {  	[tilespmem:v22+s29+$0xFFFFFF10 ss:$0x1] =	vst.idx.msk $0xffff, v33;
	v61 =	vld.idx.msk [tilespmem:v23+s7+$0xFFFFFF20 ss:$0x1], $0xffff;
	v38 =	vadd.f32 v58, v38  }
0x4f4: {  	v57 =	vadd.s32 v5, v40;
	v34 =	vld.idx.msk [tilespmem:v49+s3+$0x0], $0xffff  }
0x4f5: {  	v56 =	vld.idx.msk [tilespmem:v23+s29+$0xFFFFFF20 ss:$0x1], $0xffff;
	v37 =	vadd.f32 v54, v52;
	v38 =	vmax.f32 v38, $0.0e+00  }
0x4f6: {  	[tilespmem:v22+s4+$0xFFFFFF20 ss:$0x1] =	vst.idx.msk $0xffff, v38  }
0x4f7: {  	v47 =	vadd.s32 v6, v36;
	v59 =	vmax.f32 v37, $0.0e+00;
	v35 =	vld.idx.msk [tilespmem:v45+s3+$0x0], $0xffff  }
0x4f8: {  	v32 =	vadd.f32 v61, v32;
	[tilespmem:v22+s8+$0xFFFFFF10 ss:$0x1] =	vst.idx.msk $0xffff, v59;
	v50 =	vld.idx.msk [tilespmem:v23+s4+$0xFFFFFF30 ss:$0x1], $0xffff  }
0x4f9: {  	v60 =	vadd.s32 v6, v39;
	v63 =	vld.idx.msk [tilespmem:v57+s3+$0x0], $0xffff  }
0x4fa: {  	v62 =	vadd.f32 v56, v34;
	v32 =	vmax.f32 v32, $0.0e+00;
	v46 =	vld.idx.msk [tilespmem:v23+s8+$0xFFFFFF20 ss:$0x1], $0xffff  }
0x4fb: {  	[tilespmem:v22+s7+$0xFFFFFF20 ss:$0x1] =	vst.idx.msk $0xffff, v32  }
0x4fc: {  	v56 =	vadd.s32 v7, v41;
	v33 =	vmax.f32 v62, $0.0e+00;
	v32 =	vld.idx.msk [tilespmem:v47+s3+$0x0], $0xffff  }
0x4fd: {  	[tilespmem:v22+s29+$0xFFFFFF20 ss:$0x1] =	vst.idx.msk $0xffff, v33;
	v53 =	vld.idx.msk [tilespmem:v23+s7+$0xFFFFFF30 ss:$0x1], $0xffff;
	v35 =	vadd.f32 v50, v35  }
0x4fe: {  	v49 =	vadd.s32 v6, v40;
	v37 =	vld.idx.msk [tilespmem:v60+s3+$0x0], $0xffff  }
0x4ff: {  	v48 =	vld.idx.msk [tilespmem:v23+s29+$0xFFFFFF30 ss:$0x1], $0xffff;
	v34 =	vadd.f32 v46, v63;
	v35 =	vmax.f32 v35, $0.0e+00  }
0x500: {  	[tilespmem:v22+s4+$0xFFFFFF30 ss:$0x1] =	vst.idx.msk $0xffff, v35  }
0x501: {  	v58 =	vadd.s32 v7, v36;
	v51 =	vmax.f32 v34, $0.0e+00;
	v38 =	vld.idx.msk [tilespmem:v56+s3+$0x0], $0xffff  }
0x502: {  	v32 =	vadd.f32 v53, v32;
	[tilespmem:v22+s8+$0xFFFFFF20 ss:$0x1] =	vst.idx.msk $0xffff, v51;
	v61 =	vld.idx.msk [tilespmem:v23+s4+$0xFFFFFF40 ss:$0x1], $0xffff  }
0x503: {  	v52 =	vadd.s32 v7, v39;
	v55 =	vld.idx.msk [tilespmem:v49+s3+$0x0], $0xffff  }
0x504: {  	v41 =	vperm.xlane v26, v19;
	v54 =	vadd.f32 v48, v37;
	v32 =	vmax.f32 v32, $0.0e+00;
	v57 =	vld.idx.msk [tilespmem:v23+s8+$0xFFFFFF30 ss:$0x1], $0xffff  }
0x505: {  	[tilespmem:v22+s7+$0xFFFFFF30 ss:$0x1] =	vst.idx.msk $0xffff, v32  }
0x506: {  	v48 =	vadd.s32 v3, v41;
	v33 =	vmax.f32 v54, $0.0e+00;
	v32 =	vld.idx.msk [tilespmem:v58+s3+$0x0], $0xffff  }
0x507: {  	[tilespmem:v22+s29+$0xFFFFFF30 ss:$0x1] =	vst.idx.msk $0xffff, v33;
	v45 =	vld.idx.msk [tilespmem:v23+s7+$0xFFFFFF40 ss:$0x1], $0xffff;
	v38 =	vadd.f32 v61, v38  }
0x508: {  	v60 =	vadd.s32 v7, v40;
	v34 =	vld.idx.msk [tilespmem:v52+s3+$0x0], $0xffff  }
0x509: {  	v36 =	vperm.xlane v27, v19;
	v59 =	vld.idx.msk [tilespmem:v23+s29+$0xFFFFFF40 ss:$0x1], $0xffff;
	v37 =	vadd.f32 v57, v55;
	v38 =	vmax.f32 v38, $0.0e+00  }
0x50a: {  	[tilespmem:v22+s4+$0xFFFFFF40 ss:$0x1] =	vst.idx.msk $0xffff, v38  }
0x50b: {  	v39 =	vperm.xlane v25, v19;
	v50 =	vadd.s32 v3, v36;
	v62 =	vmax.f32 v37, $0.0e+00;
	v35 =	vld.idx.msk [tilespmem:v48+s3+$0x0], $0xffff  }
0x50c: {  	v32 =	vadd.f32 v45, v32;
	[tilespmem:v22+s8+$0xFFFFFF30 ss:$0x1] =	vst.idx.msk $0xffff, v62;
	v53 =	vld.idx.msk [tilespmem:v23+s4+$0xFFFFFF50 ss:$0x1], $0xffff  }
0x50d: {  	v63 =	vadd.s32 v3, v39;
	v47 =	vld.idx.msk [tilespmem:v60+s3+$0x0], $0xffff  }
0x50e: {  	v46 =	vadd.f32 v59, v34;
	v32 =	vmax.f32 v32, $0.0e+00;
	v49 =	vld.idx.msk [tilespmem:v23+s8+$0xFFFFFF40 ss:$0x1], $0xffff  }
0x50f: {  	[tilespmem:v22+s7+$0xFFFFFF40 ss:$0x1] =	vst.idx.msk $0xffff, v32  }
0x510: {  	v40 =	vperm.xlane v28, v19;
	v33 =	vmax.f32 v46, $0.0e+00;
	v32 =	vld.idx.msk [tilespmem:v50+s3+$0x0], $0xffff  }
0x511: {  	v59 =	vadd.s32 v5, v41;
	[tilespmem:v22+s29+$0xFFFFFF40 ss:$0x1] =	vst.idx.msk $0xffff, v33;
	v56 =	vld.idx.msk [tilespmem:v23+s7+$0xFFFFFF50 ss:$0x1], $0xffff  }
0x512: {  	v52 =	vadd.s32 v3, v40;
	v37 =	vld.idx.msk [tilespmem:v63+s3+$0x0], $0xffff;
	v35 =	vadd.f32 v53, v35  }
0x513: {  	v51 =	vld.idx.msk [tilespmem:v23+s29+$0xFFFFFF50 ss:$0x1], $0xffff;
	v34 =	vadd.f32 v49, v47  }
0x514: {  	v35 =	vmax.f32 v35, $0.0e+00  }
0x515: {  	v61 =	vadd.s32 v5, v36;
	v54 =	vmax.f32 v34, $0.0e+00;
	[tilespmem:v22+s4+$0xFFFFFF50 ss:$0x1] =	vst.idx.msk $0xffff, v35  }
0x516: {  	v32 =	vadd.f32 v56, v32;
	[tilespmem:v22+s8+$0xFFFFFF40 ss:$0x1] =	vst.idx.msk $0xffff, v54;
	v38 =	vld.idx.msk [tilespmem:v59+s3+$0x0], $0xffff  }
0x517: {  	v55 =	vadd.s32 v5, v39;
	v58 =	vld.idx.msk [tilespmem:v52+s3+$0x0], $0xffff  }
0x518: {  	v57 =	vadd.f32 v51, v37;
	v32 =	vmax.f32 v32, $0.0e+00;
	v60 =	vld.idx.msk [tilespmem:v23+s8+$0xFFFFFF50 ss:$0x1], $0xffff  }
0x519: {  	v49 =	vld.idx.msk [tilespmem:v23+s4+$0xFFFFFF60 ss:$0x1], $0xffff;
	[tilespmem:v22+s7+$0xFFFFFF50 ss:$0x1] =	vst.idx.msk $0xffff, v32  }
0x51a: {  	v48 =	vadd.s32 v6, v29;
	v33 =	vmax.f32 v57, $0.0e+00;
	v50 =	vld.idx.msk [tilespmem:v61+s3+$0x0], $0xffff  }
0x51b: {  	v30 =	vadd.f32 v31, v30;
	[tilespmem:v22+s29+$0xFFFFFF50 ss:$0x1] =	vst.idx.msk $0xffff, v33;
	v53 =	vld.idx.msk [tilespmem:v23+s7+$0xFFFFFF60 ss:$0x1], $0xffff  }
0x51c: {  	v63 =	vadd.s32 v5, v40;
	v34 =	vld.idx.msk [tilespmem:v55+s3+$0x0], $0xffff  }
0x51d: {  	v30 =	vmax.f32 v30, $0.0e+00;
	v62 =	vld.idx.msk [tilespmem:v23+s29+$0xFFFFFF60 ss:$0x1], $0xffff;
	v37 =	vadd.f32 v60, v58  }
0x51e: {  	[tilespmem:v22+s28+$0xFFFFFF60 ss:$0x1] =	vst.idx.msk $0xffff, v30;
	v56 =	vadd.s32 v6, v41  }
0x51f: {  	v42 =	vld.idx.msk [tilespmem:v48+s3+$0x0], $0xffff;
	v38 =	vadd.f32 v49, v38;
	v51 =	vmax.f32 v37, $0.0e+00  }
0x520: {  	v59 =	vadd.s32 v6, v36;
	v58 =	vld.idx.msk [tilespmem:v23+s28+$0xFFFFFF70 ss:$0x1], $0xffff;
	[tilespmem:v22+s8+$0xFFFFFF50 ss:$0x1] =	vst.idx.msk $0xffff, v51  }
0x521: {  	v31 =	vadd.f32 v53, v50;
	v38 =	vmax.f32 v38, $0.0e+00;
	v55 =	vld.idx.msk [tilespmem:v63+s3+$0x0], $0xffff  }
0x522: {  	v52 =	vadd.s32 v6, v39;
	v54 =	vadd.f32 v62, v34;
	[tilespmem:v22+s4+$0xFFFFFF60 ss:$0x1] =	vst.idx.msk $0xffff, v38;
	v57 =	vld.idx.msk [tilespmem:v23+s8+$0xFFFFFF60 ss:$0x1], $0xffff  }
0x523: {  	v31 =	vmax.f32 v31, $0.0e+00;
	v30 =	vld.idx.msk [tilespmem:v56+s3+$0x0], $0xffff  }
0x524: {  	v62 =	vadd.s32 v7, v29;
	v32 =	vmax.f32 v54, $0.0e+00;
	[tilespmem:v22+s7+$0xFFFFFF60 ss:$0x1] =	vst.idx.msk $0xffff, v31;
	v63 =	vld.idx.msk [tilespmem:v23+s4+$0xFFFFFF70 ss:$0x1], $0xffff  }
0x525: {  	[tilespmem:v22+s29+$0xFFFFFF60 ss:$0x1] =	vst.idx.msk $0xffff, v32;
	v32 =	vld.idx.msk [tilespmem:v59+s3+$0x0], $0xffff;
	v45 =	vadd.f32 v58, v42  }
0x526: {  	v61 =	vadd.s32 v6, v40;
	v46 =	vld.idx.msk [tilespmem:v23+s7+$0xFFFFFF70 ss:$0x1], $0xffff  }
0x527: {  	v33 =	vld.idx.msk [tilespmem:v52+s3+$0x0], $0xffff;
	v31 =	vmax.f32 v45, $0.0e+00;
	v34 =	vadd.f32 v57, v55  }
0x528: {  	v47 =	vadd.s32 v7, v41;
	v60 =	vld.idx.msk [tilespmem:v23+s29+$0xFFFFFF70 ss:$0x1], $0xffff;
	[tilespmem:v22+s28+$0xFFFFFF70 ss:$0x1] =	vst.idx.msk $0xffff, v31  }
0x529: {  	v29 =	vld.idx.msk [tilespmem:v62+s3+$0x0], $0xffff;
	v30 =	vadd.f32 v63, v30;
	v34 =	vmax.f32 v34, $0.0e+00  }
0x52a: {  	v50 =	vadd.s32 v7, v36;
	v49 =	vld.idx.msk [tilespmem:v23+s28+$0xFFFFFF80 ss:$0x1], $0xffff;
	[tilespmem:v22+s8+$0xFFFFFF60 ss:$0x1] =	vst.idx.msk $0xffff, v34  }
0x52b: {  	v32 =	vadd.f32 v46, v32;
	v30 =	vmax.f32 v30, $0.0e+00;
	v34 =	vld.idx.msk [tilespmem:v61+s3+$0x0], $0xffff  }
0x52c: {  	v39 =	vadd.s32 v7, v39;
	[tilespmem:v22+s4+$0xFFFFFF70 ss:$0x1] =	vst.idx.msk $0xffff, v30;
	v48 =	vld.idx.msk [tilespmem:v23+s8+$0xFFFFFF70 ss:$0x1], $0xffff  }
0x52d: {  	v38 =	vperm.xlane v24, v20;
	v33 =	vadd.f32 v60, v33;
	v32 =	vmax.f32 v32, $0.0e+00;
	v31 =	vld.idx.msk [tilespmem:v47+s3+$0x0], $0xffff  }
0x52e: {  	[tilespmem:v22+s7+$0xFFFFFF70 ss:$0x1] =	vst.idx.msk $0xffff, v32;
	v55 =	vld.idx.msk [tilespmem:v23+s4+$0xFFFFFF80 ss:$0x1], $0xffff  }
0x52f: {  	v54 =	vadd.s32 v3, v38;
	v33 =	vmax.f32 v33, $0.0e+00;
	v32 =	vld.idx.msk [tilespmem:v50+s3+$0x0], $0xffff  }
0x530: {  	[tilespmem:v22+s29+$0xFFFFFF70 ss:$0x1] =	vst.idx.msk $0xffff, v33;
	v58 =	vld.idx.msk [tilespmem:v23+s7+$0xFFFFFF80 ss:$0x1], $0xffff;
	v29 =	vadd.f32 v49, v29  }
0x531: {  	v35 =	vperm.xlane v26, v20;
	v53 =	vadd.s32 v7, v40;
	v51 =	vld.idx.msk [tilespmem:v39+s3+$0x0], $0xffff  }
0x532: {  	v52 =	vld.idx.msk [tilespmem:v23+s29+$0xFFFFFF80 ss:$0x1], $0xffff;
	v29 =	vmax.f32 v29, $0.0e+00;
	v34 =	vadd.f32 v48, v34  }
0x533: {  	v36 =	vperm.xlane v27, v20;
	v60 =	vadd.s32 v3, v35;
	[tilespmem:v22+s28+$0xFFFFFF80 ss:$0x1] =	vst.idx.msk $0xffff, v29  }
0x534: {  	v37 =	vld.idx.msk [tilespmem:v54+s3+$0x0], $0xffff;
	v31 =	vadd.f32 v55, v31;
	v56 =	vmax.f32 v34, $0.0e+00  }
0x535: {  	v40 =	vperm.xlane v25, v20;
	v63 =	vadd.s32 v3, v36;
	v62 =	vld.idx.msk [tilespmem:v23+s28+$0xFFFFFF90 ss:$0x1], $0xffff;
	[tilespmem:v22+s8+$0xFFFFFF70 ss:$0x1] =	vst.idx.msk $0xffff, v56  }
0x536: {  	v32 =	vadd.f32 v58, v32;
	v31 =	vmax.f32 v31, $0.0e+00;
	v30 =	vld.idx.msk [tilespmem:v53+s3+$0x0], $0xffff  }
0x537: {  	v57 =	vadd.s32 v3, v40;
	v59 =	vadd.f32 v52, v51;
	[tilespmem:v22+s4+$0xFFFFFF80 ss:$0x1] =	vst.idx.msk $0xffff, v31;
	v61 =	vld.idx.msk [tilespmem:v23+s8+$0xFFFFFF80 ss:$0x1], $0xffff  }
0x538: {  	v32 =	vmax.f32 v32, $0.0e+00;
	v29 =	vld.idx.msk [tilespmem:v60+s3+$0x0], $0xffff  }
0x539: {  	v33 =	vmax.f32 v59, $0.0e+00;
	[tilespmem:v22+s7+$0xFFFFFF80 ss:$0x1] =	vst.idx.msk $0xffff, v32;
	v51 =	vld.idx.msk [tilespmem:v23+s4+$0xFFFFFF90 ss:$0x1], $0xffff  }
0x53a: {  	v43 =	vperm.xlane v28, v20;
	v50 =	vadd.s32 v5, v38;
	[tilespmem:v22+s29+$0xFFFFFF80 ss:$0x1] =	vst.idx.msk $0xffff, v33;
	v33 =	vld.idx.msk [tilespmem:v63+s3+$0x0], $0xffff  }
0x53b: {  	v54 =	vld.idx.msk [tilespmem:v23+s7+$0xFFFFFF90 ss:$0x1], $0xffff;
	v52 =	vadd.f32 v62, v37  }
0x53c: {  	v49 =	vadd.s32 v3, v43;
	v34 =	vld.idx.msk [tilespmem:v57+s3+$0x0], $0xffff  }
0x53d: {  	v48 =	vld.idx.msk [tilespmem:v23+s29+$0xFFFFFF90 ss:$0x1], $0xffff;
	v55 =	vmax.f32 v52, $0.0e+00;
	v30 =	vadd.f32 v61, v30  }
0x53e: {  	v57 =	vadd.s32 v5, v35;
	[tilespmem:v22+s28+$0xFFFFFF90 ss:$0x1] =	vst.idx.msk $0xffff, v55  }
0x53f: {  	v39 =	vld.idx.msk [tilespmem:v50+s3+$0x0], $0xffff;
	v29 =	vadd.f32 v51, v29;
	v30 =	vmax.f32 v30, $0.0e+00  }
0x540: {  	v60 =	vadd.s32 v5, v36;
	v59 =	vld.idx.msk [tilespmem:v23+s28+$0xFFFFFFA0 ss:$0x1], $0xffff;
	[tilespmem:v22+s8+$0xFFFFFF80 ss:$0x1] =	vst.idx.msk $0xffff, v30  }
0x541: {  	v33 =	vadd.f32 v54, v33;
	v29 =	vmax.f32 v29, $0.0e+00;
	v31 =	vld.idx.msk [tilespmem:v49+s3+$0x0], $0xffff  }
0x542: {  	v53 =	vadd.s32 v5, v40;
	v56 =	vadd.f32 v48, v34;
	[tilespmem:v22+s4+$0xFFFFFF90 ss:$0x1] =	vst.idx.msk $0xffff, v29;
	v58 =	vld.idx.msk [tilespmem:v23+s8+$0xFFFFFF90 ss:$0x1], $0xffff  }
0x543: {  	v33 =	vmax.f32 v33, $0.0e+00;
	v30 =	vld.idx.msk [tilespmem:v57+s3+$0x0], $0xffff  }
0x544: {  	v32 =	vmax.f32 v56, $0.0e+00;
	[tilespmem:v22+s7+$0xFFFFFF90 ss:$0x1] =	vst.idx.msk $0xffff, v33;
	v48 =	vld.idx.msk [tilespmem:v23+s4+$0xFFFFFFA0 ss:$0x1], $0xffff  }
0x545: {  	v63 =	vadd.s32 v6, v38;
	[tilespmem:v22+s29+$0xFFFFFF90 ss:$0x1] =	vst.idx.msk $0xffff, v32;
	v32 =	vld.idx.msk [tilespmem:v60+s3+$0x0], $0xffff  }
0x546: {  	v51 =	vld.idx.msk [tilespmem:v23+s7+$0xFFFFFFA0 ss:$0x1], $0xffff;
	v49 =	vadd.f32 v59, v39  }
0x547: {  	v62 =	vadd.s32 v5, v43;
	v37 =	vld.idx.msk [tilespmem:v53+s3+$0x0], $0xffff  }
0x548: {  	v61 =	vld.idx.msk [tilespmem:v23+s29+$0xFFFFFFA0 ss:$0x1], $0xffff;
	v52 =	vmax.f32 v49, $0.0e+00;
	v31 =	vadd.f32 v58, v31  }
0x549: {  	v54 =	vadd.s32 v6, v35;
	[tilespmem:v22+s28+$0xFFFFFFA0 ss:$0x1] =	vst.idx.msk $0xffff, v52  }
0x54a: {  	v34 =	vld.idx.msk [tilespmem:v63+s3+$0x0], $0xffff;
	v30 =	vadd.f32 v48, v30;
	v31 =	vmax.f32 v31, $0.0e+00  }
0x54b: {  	v57 =	vadd.s32 v6, v36;
	v56 =	vld.idx.msk [tilespmem:v23+s28+$0xFFFFFFB0 ss:$0x1], $0xffff;
	[tilespmem:v22+s8+$0xFFFFFF90 ss:$0x1] =	vst.idx.msk $0xffff, v31  }
0x54c: {  	v32 =	vadd.f32 v51, v32;
	v30 =	vmax.f32 v30, $0.0e+00;
	v29 =	vld.idx.msk [tilespmem:v62+s3+$0x0], $0xffff  }
0x54d: {  	v50 =	vadd.s32 v6, v40;
	v53 =	vadd.f32 v61, v37;
	[tilespmem:v22+s4+$0xFFFFFFA0 ss:$0x1] =	vst.idx.msk $0xffff, v30;
	v55 =	vld.idx.msk [tilespmem:v23+s8+$0xFFFFFFA0 ss:$0x1], $0xffff  }
0x54e: {  	v32 =	vmax.f32 v32, $0.0e+00;
	v31 =	vld.idx.msk [tilespmem:v54+s3+$0x0], $0xffff  }
0x54f: {  	v33 =	vmax.f32 v53, $0.0e+00;
	[tilespmem:v22+s7+$0xFFFFFFA0 ss:$0x1] =	vst.idx.msk $0xffff, v32;
	v61 =	vld.idx.msk [tilespmem:v23+s4+$0xFFFFFFB0 ss:$0x1], $0xffff  }
0x550: {  	v60 =	vadd.s32 v7, v38;
	[tilespmem:v22+s29+$0xFFFFFFA0 ss:$0x1] =	vst.idx.msk $0xffff, v33;
	v33 =	vld.idx.msk [tilespmem:v57+s3+$0x0], $0xffff  }
0x551: {  	v44 =	vld.idx.msk [tilespmem:v23+s7+$0xFFFFFFB0 ss:$0x1], $0xffff;
	v62 =	vadd.f32 v56, v34  }
0x552: {  	v59 =	vadd.s32 v6, v43;
	v39 =	vld.idx.msk [tilespmem:v50+s3+$0x0], $0xffff  }
0x553: {  	v58 =	vld.idx.msk [tilespmem:v23+s29+$0xFFFFFFB0 ss:$0x1], $0xffff;
	v45 =	vmax.f32 v62, $0.0e+00;
	v29 =	vadd.f32 v55, v29  }
0x554: {  	v47 =	vadd.s32 v7, v35;
	[tilespmem:v22+s28+$0xFFFFFFB0 ss:$0x1] =	vst.idx.msk $0xffff, v45  }
0x555: {  	v37 =	vld.idx.msk [tilespmem:v60+s3+$0x0], $0xffff;
	v31 =	vadd.f32 v61, v31;
	v29 =	vmax.f32 v29, $0.0e+00  }
0x556: {  	v50 =	vadd.s32 v7, v36;
	v49 =	vld.idx.msk [tilespmem:v23+s28+$0xFFFFFFC0 ss:$0x1], $0xffff;
	[tilespmem:v22+s8+$0xFFFFFFA0 ss:$0x1] =	vst.idx.msk $0xffff, v29  }
0x557: {  	v33 =	vadd.f32 v44, v33;
	v31 =	vmax.f32 v31, $0.0e+00;
	v30 =	vld.idx.msk [tilespmem:v59+s3+$0x0], $0xffff  }
0x558: {  	v63 =	vadd.s32 v7, v40;
	v46 =	vadd.f32 v58, v39;
	[tilespmem:v22+s4+$0xFFFFFFB0 ss:$0x1] =	vst.idx.msk $0xffff, v31;
	v48 =	vld.idx.msk [tilespmem:v23+s8+$0xFFFFFFB0 ss:$0x1], $0xffff  }
0x559: {  	v24 =	vperm.xlane v24, v21;
	v33 =	vmax.f32 v33, $0.0e+00;
	v29 =	vld.idx.msk [tilespmem:v47+s3+$0x0], $0xffff  }
0x55a: {  	v32 =	vmax.f32 v46, $0.0e+00;
	[tilespmem:v22+s7+$0xFFFFFFB0 ss:$0x1] =	vst.idx.msk $0xffff, v33;
	v54 =	vld.idx.msk [tilespmem:v23+s4+$0xFFFFFFC0 ss:$0x1], $0xffff  }
0x55b: {  	v53 =	vadd.s32 v3, v24;
	[tilespmem:v22+s29+$0xFFFFFFB0 ss:$0x1] =	vst.idx.msk $0xffff, v32;
	v32 =	vld.idx.msk [tilespmem:v50+s3+$0x0], $0xffff  }
0x55c: {  	v57 =	vld.idx.msk [tilespmem:v23+s7+$0xFFFFFFC0 ss:$0x1], $0xffff;
	v55 =	vadd.f32 v49, v37  }
0x55d: {  	v26 =	vperm.xlane v26, v21;
	v52 =	vadd.s32 v7, v43;
	v34 =	vld.idx.msk [tilespmem:v63+s3+$0x0], $0xffff  }
0x55e: {  	v51 =	vld.idx.msk [tilespmem:v23+s29+$0xFFFFFFC0 ss:$0x1], $0xffff;
	v58 =	vmax.f32 v55, $0.0e+00;
	v30 =	vadd.f32 v48, v30  }
0x55f: {  	v27 =	vperm.xlane v27, v21;
	v60 =	vadd.s32 v3, v26;
	[tilespmem:v22+s28+$0xFFFFFFC0 ss:$0x1] =	vst.idx.msk $0xffff, v58  }
0x560: {  	v35 =	vld.idx.msk [tilespmem:v53+s3+$0x0], $0xffff;
	v29 =	vadd.f32 v54, v29;
	v30 =	vmax.f32 v30, $0.0e+00  }
0x561: {  	v25 =	vperm.xlane v25, v21;
	v63 =	vadd.s32 v3, v27;
	v62 =	vld.idx.msk [tilespmem:v23+s28+$0xFFFFFFD0 ss:$0x1], $0xffff;
	[tilespmem:v22+s8+$0xFFFFFFB0 ss:$0x1] =	vst.idx.msk $0xffff, v30  }
0x562: {  	v32 =	vadd.f32 v57, v32;
	v29 =	vmax.f32 v29, $0.0e+00;
	v31 =	vld.idx.msk [tilespmem:v52+s3+$0x0], $0xffff  }
0x563: {  	v56 =	vadd.s32 v3, v25;
	v59 =	vadd.f32 v51, v34;
	[tilespmem:v22+s4+$0xFFFFFFC0 ss:$0x1] =	vst.idx.msk $0xffff, v29;
	v61 =	vld.idx.msk [tilespmem:v23+s8+$0xFFFFFFC0 ss:$0x1], $0xffff  }
0x564: {  	v32 =	vmax.f32 v32, $0.0e+00;
	v30 =	vld.idx.msk [tilespmem:v60+s3+$0x0], $0xffff  }
0x565: {  	v28 =	vperm.xlane v28, v21;
	v33 =	vmax.f32 v59, $0.0e+00;
	[tilespmem:v22+s7+$0xFFFFFFC0 ss:$0x1] =	vst.idx.msk $0xffff, v32;
	v45 =	vld.idx.msk [tilespmem:v23+s4+$0xFFFFFFD0 ss:$0x1], $0xffff  }
0x566: {  	v44 =	vadd.s32 v5, v24;
	[tilespmem:v22+s29+$0xFFFFFFC0 ss:$0x1] =	vst.idx.msk $0xffff, v33;
	v33 =	vld.idx.msk [tilespmem:v63+s3+$0x0], $0xffff  }
0x567: {  	v43 =	vadd.s32 v3, v28;
	v48 =	vld.idx.msk [tilespmem:v23+s7+$0xFFFFFFD0 ss:$0x1], $0xffff;
	v46 =	vadd.f32 v62, v35  }
0x568: {  	v37 =	vld.idx.msk [tilespmem:v56+s3+$0x0], $0xffff;
	v31 =	vadd.f32 v61, v31  }
0x569: {  	v42 =	vld.idx.msk [tilespmem:v23+s29+$0xFFFFFFD0 ss:$0x1], $0xffff;
	v49 =	vmax.f32 v46, $0.0e+00  }
0x56a: {  	v51 =	vadd.s32 v5, v26;
	[tilespmem:v22+s28+$0xFFFFFFD0 ss:$0x1] =	vst.idx.msk $0xffff, v49;
	v31 =	vmax.f32 v31, $0.0e+00  }
0x56b: {  	v34 =	vld.idx.msk [tilespmem:v44+s3+$0x0], $0xffff;
	v30 =	vadd.f32 v45, v30;
	[tilespmem:v22+s8+$0xFFFFFFC0 ss:$0x1] =	vst.idx.msk $0xffff, v31  }
0x56c: {  	v54 =	vadd.s32 v5, v27;
	v29 =	vld.idx.msk [tilespmem:v43+s3+$0x0], $0xffff  }
0x56d: {  	v33 =	vadd.f32 v48, v33;
	v30 =	vmax.f32 v30, $0.0e+00;
	v52 =	vld.idx.msk [tilespmem:v23+s8+$0xFFFFFFD0 ss:$0x1], $0xffff  }
0x56e: {  	v47 =	vadd.s32 v5, v25;
	v53 =	vld.idx.msk [tilespmem:v23+s28+$0xFFFFFFE0 ss:$0x1], $0xffff;
	v50 =	vadd.f32 v42, v37;
	[tilespmem:v22+s4+$0xFFFFFFD0 ss:$0x1] =	vst.idx.msk $0xffff, v30  }
0x56f: {  	v33 =	vmax.f32 v33, $0.0e+00;
	v31 =	vld.idx.msk [tilespmem:v51+s3+$0x0], $0xffff  }
0x570: {  	v32 =	vmax.f32 v50, $0.0e+00;
	[tilespmem:v22+s7+$0xFFFFFFD0 ss:$0x1] =	vst.idx.msk $0xffff, v33;
	v58 =	vld.idx.msk [tilespmem:v23+s4+$0xFFFFFFE0 ss:$0x1], $0xffff  }
0x571: {  	v56 =	vadd.s32 v5, v28;
	[tilespmem:v22+s29+$0xFFFFFFD0 ss:$0x1] =	vst.idx.msk $0xffff, v32;
	v32 =	vld.idx.msk [tilespmem:v54+s3+$0x0], $0xffff  }
0x572: {  	v61 =	vld.idx.msk [tilespmem:v23+s7+$0xFFFFFFE0 ss:$0x1], $0xffff;
	v29 =	vadd.f32 v52, v29  }
0x573: {  	v57 =	vadd.s32 v6, v24;
	v35 =	vld.idx.msk [tilespmem:v47+s3+$0x0], $0xffff  }
0x574: {  	v55 =	vld.idx.msk [tilespmem:v23+s29+$0xFFFFFFE0 ss:$0x1], $0xffff;
	v59 =	vadd.f32 v53, v34;
	v29 =	vmax.f32 v29, $0.0e+00  }
0x575: {  	v40 =	vadd.s32 v6, v26;
	[tilespmem:v22+s8+$0xFFFFFFD0 ss:$0x1] =	vst.idx.msk $0xffff, v29  }
0x576: {  	v62 =	vmax.f32 v59, $0.0e+00;
	v31 =	vadd.f32 v58, v31;
	v30 =	vld.idx.msk [tilespmem:v56+s3+$0x0], $0xffff  }
0x577: {  	v44 =	vadd.s32 v6, v27;
	[tilespmem:v22+s28+$0xFFFFFFE0 ss:$0x1] =	vst.idx.msk $0xffff, v62;
	v41 =	vld.idx.msk [tilespmem:v23+s8+$0xFFFFFFE0 ss:$0x1], $0xffff  }
0x578: {  	v42 =	vld.idx.msk [tilespmem:v57+s3+$0x0], $0xffff;
	v32 =	vadd.f32 v61, v32;
	v31 =	vmax.f32 v31, $0.0e+00  }
0x579: {  	v60 =	vadd.s32 v6, v25;
	v43 =	vld.idx.msk [tilespmem:v23+s28+$0xFFFFFFF0 ss:$0x1], $0xffff;
	v63 =	vadd.f32 v55, v35;
	[tilespmem:v22+s4+$0xFFFFFFE0 ss:$0x1] =	vst.idx.msk $0xffff, v31  }
0x57a: {  	v32 =	vmax.f32 v32, $0.0e+00;
	v29 =	vld.idx.msk [tilespmem:v40+s3+$0x0], $0xffff  }
0x57b: {  	v46 =	vadd.s32 v6, v28;
	v33 =	vmax.f32 v63, $0.0e+00;
	[tilespmem:v22+s7+$0xFFFFFFE0 ss:$0x1] =	vst.idx.msk $0xffff, v32;
	v47 =	vld.idx.msk [tilespmem:v23+s4+$0xFFFFFFF0 ss:$0x1], $0xffff  }
0x57c: {  	[tilespmem:v22+s29+$0xFFFFFFE0 ss:$0x1] =	vst.idx.msk $0xffff, v33;
	v33 =	vld.idx.msk [tilespmem:v44+s3+$0x0], $0xffff;
	v30 =	vadd.f32 v41, v30  }
0x57d: {  	v24 =	vadd.s32 v7, v24;
	v49 =	vld.idx.msk [tilespmem:v23+s7+$0xFFFFFFF0 ss:$0x1], $0xffff  }
0x57e: {  	v34 =	vld.idx.msk [tilespmem:v60+s3+$0x0], $0xffff;
	v48 =	vadd.f32 v43, v42;
	v30 =	vmax.f32 v30, $0.0e+00  }
0x57f: {  	v26 =	vadd.s32 v7, v26;
	v45 =	vld.idx.msk [tilespmem:v23+s29+$0xFFFFFFF0 ss:$0x1], $0xffff;
	[tilespmem:v22+s8+$0xFFFFFFE0 ss:$0x1] =	vst.idx.msk $0xffff, v30  }
0x580: {  	v50 =	vmax.f32 v48, $0.0e+00;
	v29 =	vadd.f32 v47, v29;
	v31 =	vld.idx.msk [tilespmem:v46+s3+$0x0], $0xffff  }
0x581: {  	v27 =	vadd.s32 v7, v27;
	[tilespmem:v22+s28+$0xFFFFFFF0 ss:$0x1] =	vst.idx.msk $0xffff, v50;
	v52 =	vld.idx.msk [tilespmem:v23+s8+$0xFFFFFFF0 ss:$0x1], $0xffff  }
0x582: {  	v24 =	vld.idx.msk [tilespmem:v24+s3+$0x0], $0xffff;
	v54 =	vadd.f32 v49, v33;
	v29 =	vmax.f32 v29, $0.0e+00  }
0x583: {  	v25 =	vadd.s32 v7, v25;
	v53 =	vld.idx.msk [tilespmem:v23+s28+$0x0 ss:$0x1], $0xffff;
	[tilespmem:v22+s4+$0xFFFFFFF0 ss:$0x1] =	vst.idx.msk $0xffff, v29  }
0x584: {  	v51 =	vadd.f32 v45, v34;
	v56 =	vmax.f32 v54, $0.0e+00;
	v26 =	vld.idx.msk [tilespmem:v26+s3+$0x0], $0xffff  }
0x585: {  	v28 =	vadd.s32 v7, v28;
	[tilespmem:v22+s7+$0xFFFFFFF0 ss:$0x1] =	vst.idx.msk $0xffff, v56;
	v57 =	vld.idx.msk [tilespmem:v23+s4+$0x0 ss:$0x1], $0xffff  }
0x586: {  	v32 =	vmax.f32 v51, $0.0e+00;
	v27 =	vld.idx.msk [tilespmem:v27+s3+$0x0], $0xffff;
	v30 =	vadd.f32 v52, v31  }
0x587: {  	[tilespmem:v22+s29+$0xFFFFFFF0 ss:$0x1] =	vst.idx.msk $0xffff, v32;
	v59 =	vld.idx.msk [tilespmem:v23+s7+$0x0 ss:$0x1], $0xffff  }
0x588: {  	v25 =	vld.idx.msk [tilespmem:v25+s3+$0x0], $0xffff;
	v58 =	vmax.f32 v30, $0.0e+00  }
0x589: {  	v55 =	vld.idx.msk [tilespmem:v23+s29+$0x0 ss:$0x1], $0xffff;
	[tilespmem:v22+s8+$0xFFFFFFF0 ss:$0x1] =	vst.idx.msk $0xffff, v58  }
0x58a: {  	v28 =	vld.idx.msk [tilespmem:v28+s3+$0x0], $0xffff  }
0x58b: {  	v23 =	vld.idx.msk [tilespmem:v23+s8+$0x0 ss:$0x1], $0xffff  }
0x58c: {  	v24 =	vadd.f32 v53, v24  }
0x58d: {  	v26 =	vadd.f32 v57, v26  }
0x58e: {  	s23 =	sadd.s32 $0x1, s23;
	v24 =	vmax.f32 v24, $0.0e+00;
	v61 =	vadd.f32 v59, v27  }
0x58f: {  	p2 =	sne.s32 s23, $0x9D;
	[tilespmem:v22+s28+$0x0 ss:$0x1] =	vst.idx.msk $0xffff, v24;
	v25 =	vadd.f32 v55, v25;
	v62 =	vmax.f32 v26, $0.0e+00  }
.Ltmp3:
0x590: {  	v63 =	vmax.f32 v61, $0.0e+00;
	[tilespmem:v22+s4+$0x0 ss:$0x1] =	vst.idx.msk $0xffff, v62;
	v23 =	vadd.f32 v23, v28;
	(pc) =	sbr.rel @p2 .LBB2_4-.Ltmp3, $4  }
0x591: {  	v60 =	vmax.f32 v25, $0.0e+00;
	[tilespmem:v22+s7+$0x0 ss:$0x1] =	vst.idx.msk $0xffff, v63  }
0x592: {  	s24 =	sadd.s32 $0x100, s24;
	[tilespmem:v22+s29+$0x0 ss:$0x1] =	vst.idx.msk $0xffff, v60;
	v23 =	vmax.f32 v23, $0.0e+00  }
0x593: {  	p1 =	por !p1, !p1;
	s26 =	sadd.s32 $0x2000, s26;
	s29 =	sadd.s32 $0x8080, s10;
	[tilespmem:v22+s8+$0x0 ss:$0x1] =	vst.idx.msk $0xffff, v23  }
0x594: {  	[spmem:s2] =	stream.indirect.scatter.add.f32 [tilespmem:s11], [sflag:$0x3], $0x40, s29, s22, $0xb8;
	[tilespmem:$0x1C580] =	vst v63  }
0x595: {  	_ =	swait.ge [sflag:s31], $0x2000  }
0x596: {  	[sflag:s31] =	ssyncset.done $0x0  }
0x597: {  	[sflag:s31] =	ssyncadd.s32 $0xFFFFE000  }
0x598: {  	_ =	swait.ge [sflag:s31], $0x2000  }
0x599: {  	[sflag:s31] =	ssyncset.done $0x0  }
0x59a: {  	[sflag:s31] =	ssyncadd.s32 $0xFFFFE000  }
0x59b: {  	s4 =	simm.s32 @p0 $0x1FC4;
	[bflag:$0x0] =	sbarrier.arrive $0xFFFF  }
0x59c: {  	[hbm:s17], [sflag:s4] =	dma.local @p0 [spmem:s25], $0x1040  }
0x59d: {  	s4 =	simm.s32 @p0 $0x4  }
0x59e: {  	s7 =	stileid.u32;
	s0 =	sadd.s32 $0x1, s0;
	_ =	swait.ge @p0 [sflag:s4], $0x1040  }
0x59f: {  	s7 =	sshll.u32 @!p0 s7, $0x6;
	p1 =	sne.s32 s0, s18;
	[sflag:s4] =	ssyncset.done @p0 $0x0  }
0x5a0: {  	[sflag:s4] =	ssyncadd.s32 @p0 $0xFFFFEFC0;
	s4 =	sor.u32 @!p0 $0x1C04, s7;
	s7 =	sshrl.u32 @!p0 s6, $0x3  }
0x5a1: {  	[hbm:s16], [sflag:s4] =	dma.local @!p0 [spmem:s7], $0x13C0  }
.Ltmp4:
0x5a2: {  	_ = 	snop;
	(pc) =	sbr.rel @p1 .LBB2_1-.Ltmp4, $4  }
0x5a3: {  	s4 =	simm.s32 @!p0 $0x4  }
0x5a4: {  	_ =	swait.ge @!p0 [sflag:s4], $0x13C0  }
0x5a5: {  	[sflag:s4] =	ssyncset.done @!p0 $0x0  }
0x5a6: {  	[sflag:s4] =	ssyncadd.s32 @!p0 $0xFFFFEC40  }
0x5a7: {  	_ =	sfence.sel $0x180000  }
0x5a8: {  	[bflag:$0x0] =	sbarrier.arrive $0xFFFF  }
0x5a9: {  	_ =	strace $0x90000047  }
0x5aa: {  	s0 =	stileid.u32;
	[bflag:$0x2] =	sbarrier.arrive $0xFFFF  }
0x5ab: {  	p0 =	sne.s32 s0, $0x0;
	s0 =	rddreg [dreg:$0x3]  }
0x5ac: {  	s0 =	sadd.s32 @!p0 $0x100000, s0  }
0x5ad: {  	[sflag:s0] =	ssyncadd.tile.s32 @!p0 $0x1;
	_ =	shalt  }
.Lfunc_end2:
_tile_overlayer_lowered:
.L_overlay_start_2:
0x5ae: {  	(tag) =	ssettag $0x2  }
0x5af: {  	s0 =	rddreg [dreg:$0x0];
	s2 =	stileid.u32  }
0x5b0: {  	s1 =	rddreg [dreg:$0x1];
	p0 =	sne.s32 s2, $0x0  }
0x5b1: {  	s3 =	rddreg [dreg:$0x2];
	[bflag:$0x3] =	sbarrier.arrive $0xFFFF;
	s2 =	simm.s32 @!p0 $0x1C04  }
0x5b2: {  	[timem:s3], [sflag:s2] =	dma.local @!p0 [hbm:s0], s1  }
0x5b3: {  	s0 =	simm.s32 @!p0 $0x4  }
0x5b4: {  	_ =	swait.ge @!p0 [sflag:s0], s1  }
0x5b5: {  	s1 =	ssub.s32 @!p0 $0x0, s1;
	[sflag:s0] =	ssyncset.done @!p0 $0x0  }
0x5b6: {  	[sflag:s0] =	ssyncadd.s32 @!p0 s1  }
0x5b7: {  	[bflag:$0x3] =	sbarrier.arrive $0xFFFF  }
0x5b8: {  	_ =	shalt  }

</sc_bundles>
